<compile_context>
chip_gen: v7x
topology: tpu7x:2x2x1
jax: 0.10.2.dev20260603
libtpu: 0.0.44.dev20260713+nightly
codegen_flags: <defaults>
</compile_context>

<pallas_src>
import functools

import jax
import jax.numpy as jnp
from jax import lax
from jax.experimental import pallas as pl
from jax.experimental.pallas import tpu as pltpu
from jax.experimental.pallas import tpu_sc as plsc

N = 10000
E = 320000
D = 128
PE = 16
K = 4
PE_ALPHA = 0.5
PE_BETA = 0.5

NC = 2
NS = 16
NW = NC * NS
EW = E // NW
C = 112
G = 90
EPW = G * C
NA = N + 16
SLAB = 624
TAIL_OFF = (NS - 1) * SLAB

BLK = 1000
NBLK = N // BLK

_f32 = jnp.float32


def _make_prop(with_h: bool):

  def body(*refs):
    if with_h:
      (tab128, tab16, rc3, z128, z16, hp_out, pp_out,
       acc128, acc16, ia, ib, ca, cb, r128a, r128b, r16a, r16b,
       sia, sib, sha, shb, spa, spb, ssa, ssb, sta, stb) = refs
      r128 = (r128a, r128b)
      r16 = (r16a, r16b)
      colb = (ca, cb)
      semh = (sha, shb)
      semp = (spa, spb)
      sems_h = (ssa, ssb)
      sems_p = (sta, stb)
    else:
      (rc3, z16, pp_out, acc16, ia, ib, ones16v, sia, sib) = refs
    idx = (ia, ib)
    semi = (sia, sib)
    c = lax.axis_index("c")
    s = lax.axis_index("s")
    wid = c * NS + s

    def per_slab(fn, rows_total):
      @pl.when(s < NS - 1)
      def _():
        fn(pl.multiple_of(s * SLAB, 8), SLAB)

      @pl.when(s == NS - 1)
      def _():
        fn(TAIL_OFF, rows_total - TAIL_OFF)

    def zero(off, rows):
      if with_h:
        pltpu.sync_copy(z128.at[pl.ds(off, rows)], acc128.at[pl.ds(off, rows)])
      pltpu.sync_copy(z16.at[pl.ds(off, rows)], acc16.at[pl.ds(off, rows)])

    per_slab(zero, NA)
    if not with_h:
      def fill(r, carry):
        ones16v[r, :] = jnp.full((PE,), 1.0, _f32)
        return carry
      lax.fori_loop(0, C, fill, 0)
    plsc.subcore_barrier()

    def issue_idx(b, g):
      pltpu.async_copy(rc3.at[wid, g], idx[b], semi[b])

    def wait_idx(b):
      pltpu.make_async_copy(rc3.at[0, 0], idx[b], semi[b]).wait()

    pltpu.sync_copy(rc3.at[wid, 0], idx[0])
    if with_h:
      def issue_gather(b):
        pltpu.async_copy(tab128.at[idx[b].at[0]], r128[b], semh[b])
        pltpu.async_copy(tab16.at[idx[b].at[0]], r16[b], semp[b])

      def wait_gather(b):
        pltpu.make_async_copy(tab128.at[pl.ds(0, C)], r128[b], semh[b]).wait()
        pltpu.make_async_copy(tab16.at[pl.ds(0, C)], r16[b], semp[b]).wait()

      def issue_scatter(b):
        for i in range(C // 16):
          colb[b][pl.ds(i * 16, 16)] = idx[b][1, pl.ds(i * 16, 16)]
        pltpu.async_copy(r128[b], acc128.at[colb[b]], sems_h[b], add=True)
        pltpu.async_copy(r16[b], acc16.at[colb[b]], sems_p[b], add=True)

      def wait_scatter(b):
        pltpu.make_async_copy(r128[b], acc128.at[pl.ds(0, C)],
                              sems_h[b]).wait()
        pltpu.make_async_copy(r16[b], acc16.at[pl.ds(0, C)],
                              sems_p[b]).wait()

      issue_gather(0)
    issue_idx(1, 1)

    def pair(gp, carry):
      for b in range(2):
        g = 2 * gp + b
        wait_idx(1 - b)
        if with_h:
          if b == 0:
            @pl.when(gp > 0)
            def _():
              wait_scatter(1)
          else:
            wait_scatter(0)
          issue_gather(1 - b)
          wait_gather(b)
          issue_scatter(b)
        else:
          pltpu.sync_copy(ones16v, acc16.at[idx[b].at[1]], add=True)
        issue_idx(b, jnp.minimum(g + 2, G - 1))
      return carry

    lax.fori_loop(0, G // 2, pair, 0)
    wait_idx(1)
    if with_h:
      wait_gather(0)
      wait_scatter(1)

    plsc.subcore_barrier()

    def flush(off, rows):
      ob = pl.multiple_of(c * N + off, 8)
      if with_h:
        pltpu.sync_copy(acc128.at[pl.ds(off, rows)], hp_out.at[pl.ds(ob, rows)])
      pltpu.sync_copy(acc16.at[pl.ds(off, rows)], pp_out.at[pl.ds(ob, rows)])

    per_slab(flush, N)

  if with_h:
    out_type = [jax.ShapeDtypeStruct((NC * N, D), _f32),
                jax.ShapeDtypeStruct((NC * N, PE), _f32)]
    scratch = [pltpu.VMEM_SHARED((NA, D), _f32),
               pltpu.VMEM_SHARED((NA, PE), _f32),
               pltpu.VMEM((2, C), jnp.int32),
               pltpu.VMEM((2, C), jnp.int32),
               pltpu.VMEM((C,), jnp.int32),
               pltpu.VMEM((C,), jnp.int32),
               pltpu.VMEM((C, D), _f32),
               pltpu.VMEM((C, D), _f32),
               pltpu.VMEM((C, PE), _f32),
               pltpu.VMEM((C, PE), _f32)] + [pltpu.SemaphoreType.DMA] * 10
  else:
    out_type = jax.ShapeDtypeStruct((NC * N, PE), _f32)
    scratch = [pltpu.VMEM_SHARED((NA, PE), _f32),
               pltpu.VMEM((2, C), jnp.int32),
               pltpu.VMEM((2, C), jnp.int32),
               pltpu.VMEM((C, PE), _f32),
               pltpu.SemaphoreType.DMA,
               pltpu.SemaphoreType.DMA]

  mesh = plsc.VectorSubcoreMesh(core_axis_name="c", subcore_axis_name="s",
                                num_cores=NC, num_subcores=NS)
  return pl.kernel(
      body, out_type=out_type, mesh=mesh, scratch_types=scratch,
      compiler_params=pltpu.CompilerParams(use_tc_tiling_on_sc=False))


_make_prop_cached = functools.cache(_make_prop)


def _prop_both(*args):
  return _make_prop_cached(True)(*args)


def _prop_pe(*args):
  return _make_prop_cached(False)(*args)


def _pro_body(x, w1, b1, w2, b2, pos, wpe, bpe, dp, w0, bc0, t0,
              h0_o, pe0_o, hs_o, pes_o, dinv_o, hid_o):
  deg = 1.0 + dp[0][:, 0:1] + dp[1][:, 0:1]
  dinv = lax.rsqrt(deg)
  h = jnp.maximum(
      jnp.dot(x[...], w1[...], preferred_element_type=_f32) + b1[...], 0.0)
  h = jnp.dot(h, w2[...], preferred_element_type=_f32) + b2[...]
  pe = jnp.tanh(jnp.dot(pos[...], wpe[...], preferred_element_type=_f32)
                + bpe[...])
  gamma0 = t0[0, 0] * jnp.tanh(
      jnp.dot(pe, w0[...], preferred_element_type=_f32) + bc0[0, 0])
  h0_o[...] = h
  pe0_o[...] = pe
  hs_o[...] = dinv * h
  pes_o[...] = dinv * pe
  dinv_o[...] = dinv
  hid_o[...] = gamma0 * h


def _prologue(x, w1, b1, w2, b2, pos, wpe, bpe, dp, w0, bc0, t0):
  full = lambda *shape: pl.BlockSpec(shape, lambda i: (0,) * len(shape))
  rowblk = lambda d: pl.BlockSpec((BLK, d), lambda i: (i, 0))
  return pl.pallas_call(
      _pro_body,
      grid=(NBLK,),
      in_specs=[rowblk(D), full(D, D), full(1, D), full(D, D), full(1, D),
                rowblk(32), full(32, PE), full(1, PE),
                pl.BlockSpec((NC, BLK, PE), lambda i: (0, i, 0)),
                full(PE, 1), full(1, 1), full(1, 1)],
      out_specs=[rowblk(D), rowblk(PE), rowblk(D), rowblk(PE), rowblk(1),
                 rowblk(D)],
      out_shape=[jax.ShapeDtypeStruct((N, D), _f32),
                 jax.ShapeDtypeStruct((N, PE), _f32),
                 jax.ShapeDtypeStruct((N, D), _f32),
                 jax.ShapeDtypeStruct((N, PE), _f32),
                 jax.ShapeDtypeStruct((N, 1), _f32),
                 jax.ShapeDtypeStruct((N, D), _f32)],
  )(x, w1, b1, w2, b2, pos, wpe, bpe, dp, w0, bc0, t0)


def _flash_body(pef, pe_b, wcor, bcor, corr_o):
  pe_full = pef[...]
  cl_full = jnp.dot(pe_full, wcor[...], preferred_element_type=_f32) + bcor[...]
  cl_b = jnp.dot(pe_b[...], wcor[...], preferred_element_type=_f32) + bcor[...]
  acc = jnp.zeros((BLK, PE), _f32)
  for j in range(NBLK):
    cl_j = cl_full[j * BLK:(j + 1) * BLK, :]
    pe_j = pe_full[j * BLK:(j + 1) * BLK, :]
    s = lax.dot_general(cl_b, cl_j, (((1,), (1,)), ((), ())),
                        preferred_element_type=_f32)
    p = 0.5 + 0.5 * jnp.tanh(0.5 * s)
    acc = acc + jnp.dot(p, pe_j, preferred_element_type=_f32)
  corr_o[...] = acc


def _flash_tc(pe, wcor, bcor):
  full = lambda *shape: pl.BlockSpec(shape, lambda i: (0,) * len(shape))
  rowblk = lambda d: pl.BlockSpec((BLK, d), lambda i: (i, 0))
  return pl.pallas_call(
      _flash_body,
      grid=(NBLK,),
      in_specs=[full(N, PE), rowblk(PE), full(PE, PE), full(1, PE)],
      out_specs=rowblk(PE),
      out_shape=jax.ShapeDtypeStruct((N, PE), _f32),
  )(pe, pe, wcor, bcor)


def _iter_body(pe_b, raw, h, hp, pp, dinv, corr, wck, bck, tk, hid,
               h_new_o, pe_new_o, hs_o, pes_o, hid_o):
  dv = dinv[...]
  dv2 = dv * dv
  h_new = dv * (hp[0] + hp[1]) + dv2 * h[...]
  pe_tpo = dv * (pp[0] + pp[1]) + dv2 * pe_b[...]
  pe_mix = (1.0 + PE_BETA) * pe_tpo - PE_BETA * corr[...]
  pe_new = jnp.tanh(PE_ALPHA * raw[...] + (1.0 - PE_ALPHA) * pe_mix)
  gamma = tk[0, 0] * jnp.tanh(
      jnp.dot(pe_new, wck[...], preferred_element_type=_f32) + bck[0, 0])
  h_new_o[...] = h_new
  pe_new_o[...] = pe_new
  hs_o[...] = dv * h_new
  pes_o[...] = dv * pe_new
  hid_o[...] = hid[...] + gamma * h_new


def _iter_tc(pe, raw, h, hp, pp, dinv, corr, wck, bck, tk, hid):
  full = lambda *shape: pl.BlockSpec(shape, lambda i: (0,) * len(shape))
  rowblk = lambda d: pl.BlockSpec((BLK, d), lambda i: (i, 0))
  return pl.pallas_call(
      _iter_body,
      grid=(NBLK,),
      in_specs=[rowblk(PE), rowblk(PE), rowblk(D),
                pl.BlockSpec((NC, BLK, D), lambda i: (0, i, 0)),
                pl.BlockSpec((NC, BLK, PE), lambda i: (0, i, 0)),
                rowblk(1), rowblk(PE), full(PE, 1),
                full(1, 1), full(1, 1), rowblk(D)],
      out_specs=[rowblk(D), rowblk(PE), rowblk(D), rowblk(PE), rowblk(D)],
      out_shape=[jax.ShapeDtypeStruct((N, D), _f32),
                 jax.ShapeDtypeStruct((N, PE), _f32),
                 jax.ShapeDtypeStruct((N, D), _f32),
                 jax.ShapeDtypeStruct((N, PE), _f32),
                 jax.ShapeDtypeStruct((N, D), _f32)],
  )(pe, raw, h, hp, pp, dinv, corr, wck, bck, tk, hid)


def kernel(node_feat, pos_enc, edge_index, W1, b1, W2, b2, Wpe, bpe, temp,
           Wcoef, bcoef, Wcor, bcor):
  row = edge_index[0]
  col = edge_index[1]
  padw = EPW - EW
  rowp = jnp.concatenate(
      [row.reshape(NW, EW), jnp.zeros((NW, padw), jnp.int32)], axis=1)
  dump_cols = jnp.broadcast_to(
      N + (jnp.arange(padw, dtype=jnp.int32) % (NA - N)), (NW, padw))
  colp = jnp.concatenate([col.reshape(NW, EW), dump_cols], axis=1)
  rc3 = jnp.stack(
      [rowp.reshape(NW, G, C), colp.reshape(NW, G, C)], axis=2)
  z128 = jnp.zeros((NA, D), _f32)
  z16 = jnp.zeros((NA, PE), _f32)

  dp = _prop_pe(rc3, z16).reshape(NC, N, PE)

  h, pe, hs, pes, dinv, hidden = _prologue(
      node_feat, W1, b1.reshape(1, D), W2, b2.reshape(1, D),
      pos_enc, Wpe, bpe.reshape(1, PE), dp,
      Wcoef[0].reshape(PE, 1), bcoef[0].reshape(1, 1), temp[0].reshape(1, 1))
  raw_pe = pe

  for k in range(K):
    hp, pp = _prop_both(hs, pes, rc3, z128, z16)
    corr = _flash_tc(pe, Wcor, bcor.reshape(1, PE))
    hp = hp.reshape(NC, N, D)
    pp = pp.reshape(NC, N, PE)
    h, pe, hs, pes, hidden = _iter_tc(
        pe, raw_pe, h, hp, pp, dinv, corr,
        Wcoef[k + 1].reshape(PE, 1), bcoef[k + 1].reshape(1, 1),
        temp[k + 1].reshape(1, 1), hidden)
  return hidden, pe

# --- scband reference (transcript-rebuilt; emitter-appended) ---
"""Pipeline reference for scband-dsf-gpr-i-61357902790938 (READ-ONLY COPY).

The authoritative reference and input builder live on the scoring server;
editing this copy changes nothing except your own understanding.
"""

import jax, jax.numpy as jnp
import numpy as np

N = 10000
E = 320000
IN_DIM = 128
HID_DIM = 128
OUT_DIM = 128
PE_IN = 32
PE_HID = 16
K = 4
ALPHA = 0.1
PE_ALPHA = 0.5
PE_BETA = 0.5


def setup_inputs(seed: int = 0) -> dict:
    key = jax.random.key(seed)
    ks = jax.random.split(key, 10)
    node_feat = jax.random.normal(ks[0], (N, IN_DIM), dtype=jnp.float32)
    pos_enc = jax.random.normal(ks[1], (N, PE_IN), dtype=jnp.float32)
    edge_index = jax.random.randint(ks[2], (2, E), 0, N, dtype=jnp.int32)
    s1 = 1.0 / np.sqrt(IN_DIM)
    W1 = jax.random.uniform(ks[3], (IN_DIM, HID_DIM), jnp.float32, -s1, s1)
    b1 = jnp.zeros((HID_DIM,), jnp.float32)
    s2 = 1.0 / np.sqrt(HID_DIM)
    W2 = jax.random.uniform(ks[4], (HID_DIM, OUT_DIM), jnp.float32, -s2, s2)
    b2 = jnp.zeros((OUT_DIM,), jnp.float32)
    sp = 1.0 / np.sqrt(PE_IN)
    Wpe = jax.random.uniform(ks[5], (PE_IN, PE_HID), jnp.float32, -sp, sp)
    bpe = jnp.zeros((PE_HID,), jnp.float32)
    TEMP = ALPHA * (1 - ALPHA) ** np.arange(K + 1)
    TEMP[-1] = (1 - ALPHA) ** K
    temp = jnp.asarray(TEMP, dtype=jnp.float32)
    sh = 1.0 / np.sqrt(PE_HID)
    Wcoef = jax.random.uniform(ks[6], (K + 1, PE_HID), jnp.float32, -sh, sh)
    bcoef = jnp.zeros((K + 1,), jnp.float32)
    Wcor = jax.random.uniform(ks[7], (PE_HID, PE_HID), jnp.float32, -sh, sh)
    bcor = jnp.zeros((PE_HID,), jnp.float32)
    return {"node_feat": node_feat, "pos_enc": pos_enc, "edge_index": edge_index,
            "W1": W1, "b1": b1, "W2": W2, "b2": b2, "Wpe": Wpe, "bpe": bpe,
            "temp": temp, "Wcoef": Wcoef, "bcoef": bcoef, "Wcor": Wcor, "bcor": bcor}


def gcn_norm(edge_index, num_nodes):
    # PyG gcn_norm with add_self_loops=True, edge_weight=None
    loop = jnp.arange(num_nodes, dtype=edge_index.dtype)
    row = jnp.concatenate([edge_index[0], loop])
    col = jnp.concatenate([edge_index[1], loop])
    w = jnp.ones(row.shape[0], dtype=jnp.float32)
    deg = jnp.zeros(num_nodes, dtype=jnp.float32).at[col].add(w)
    dinv = jnp.where(deg > 0, deg ** -0.5, 0.0)
    norm = dinv[row] * w * dinv[col]
    return row, col, norm


def propagate(row, col, norm, h, num_nodes):
    # message: norm.view(-1,1) * x_j ; aggr='add' at dst nodes
    msg = norm[:, None] * jnp.take(h, row, axis=0)
    return jnp.zeros((num_nodes, h.shape[1]), h.dtype).at[col].add(msg)


def reference(node_feat, pos_enc, edge_index, W1, b1, W2, b2, Wpe, bpe, temp, Wcoef, bcoef, Wcor, bcor):
    n = node_feat.shape[0]
    # DSF_GPR_I.forward (eval mode, all dropout p=0.0)
    pe = jnp.tanh(pos_enc @ Wpe + bpe)
    h = jax.nn.relu(node_feat @ W1 + b1)
    h = h @ W2 + b2
    # _prop.forward
    row, col, norm = gcn_norm(edge_index, n)
    gamma = temp[0] * jnp.tanh(pe @ Wcoef[0][:, None] + bcoef[0])
    hidden = h * gamma
    raw_pe = pe
    for k in range(K):
        h = propagate(row, col, norm, h, n)
        pe_tpo = propagate(row, col, norm, pe, n)
        cl = pe @ Wcor + bcor
        pe_adj = jax.nn.sigmoid(cl @ cl.T)
        pe_corr = pe_adj @ pe
        pe = (1 + PE_BETA) * pe_tpo - PE_BETA * pe_corr
        pe = PE_ALPHA * raw_pe + (1 - PE_ALPHA) * pe
        pe = jnp.tanh(pe)
        gamma = temp[k + 1] * jnp.tanh(pe @ Wcoef[k + 1][:, None] + bcoef[k + 1])
        hidden = hidden + gamma * h
    return hidden, pe

if __name__ == "__main__":
    import jax
    _d = setup_inputs()
    print(jax.jit(kernel)(*tuple(_d.values())))

</pallas_src>

<mosaic_0001>
#map = affine_map<(d0, d1) -> (0, 0)>
#map1 = affine_map<(d0, d1) -> (0, 0, 0, 0)>
module attributes {stable_mosaic.version = 14 : i64} {
  func.func @body(%arg0: i32, %arg1: i32, %arg2: memref<10000x128xf32, #tpu.memory_space<hbm>>, %arg3: memref<10000x16xf32, #tpu.memory_space<hbm>>, %arg4: memref<32x90x2x112xi32, #tpu.memory_space<hbm>>, %arg5: memref<10016x128xf32, #tpu.memory_space<hbm>>, %arg6: memref<10016x16xf32, #tpu.memory_space<hbm>>, %arg7: memref<20000x128xf32, #tpu.memory_space<hbm>>, %arg8: memref<20000x16xf32, #tpu.memory_space<hbm>>, %arg9: memref<10016x128xf32, #tpu.memory_space<vmem_shared>>, %arg10: memref<10016x16xf32, #tpu.memory_space<vmem_shared>>, %arg11: memref<2x112xi32, #tpu.memory_space<vmem>>, %arg12: memref<2x112xi32, #tpu.memory_space<vmem>>, %arg13: memref<112xi32, #tpu.memory_space<vmem>>, %arg14: memref<112xi32, #tpu.memory_space<vmem>>, %arg15: memref<112x128xf32, #tpu.memory_space<vmem>>, %arg16: memref<112x128xf32, #tpu.memory_space<vmem>>, %arg17: memref<112x16xf32, #tpu.memory_space<vmem>>, %arg18: memref<112x16xf32, #tpu.memory_space<vmem>>, %arg19: memref<!tpu.dma_semaphore, #tpu.memory_space<semaphore_mem>>, %arg20: memref<!tpu.dma_semaphore, #tpu.memory_space<semaphore_mem>>, %arg21: memref<!tpu.dma_semaphore, #tpu.memory_space<semaphore_mem>>, %arg22: memref<!tpu.dma_semaphore, #tpu.memory_space<semaphore_mem>>, %arg23: memref<!tpu.dma_semaphore, #tpu.memory_space<semaphore_mem>>, %arg24: memref<!tpu.dma_semaphore, #tpu.memory_space<semaphore_mem>>, %arg25: memref<!tpu.dma_semaphore, #tpu.memory_space<semaphore_mem>>, %arg26: memref<!tpu.dma_semaphore, #tpu.memory_space<semaphore_mem>>, %arg27: memref<!tpu.dma_semaphore, #tpu.memory_space<semaphore_mem>>, %arg28: memref<!tpu.dma_semaphore, #tpu.memory_space<semaphore_mem>>) attributes {dimension_semantics = [#tpu.dimension_semantics<core_parallel>, #tpu.dimension_semantics<subcore_parallel>], iteration_bounds = array<i64: 2, 16>, scalar_prefetch = 0 : i64, scratch_operands = 20 : i64, tpu.core_type = #tpu.core_type<sc_vector_subcore>, window_params = [{transform_indices = #map}, {transform_indices = #map}, {transform_indices = #map1}, {transform_indices = #map}, {transform_indices = #map}, {transform_indices = #map}, {transform_indices = #map}]} {
    %mul3A = arith.constant 16 : i32
    %mul3A_0 = arith.muli %arg0, %mul3A : i32
    %add3A = arith.addi %mul3A_0, %arg1 : i32
    %lt3A = arith.constant 15 : i32
    %lt3A_1 = arith.cmpi slt, %arg1, %lt3A : i32
    %convert_element_type3A = arith.extui %lt3A_1 : i1 to i32
    %cond3A = arith.constant 0 : i32
    %cond3A_2 = arith.cmpi ne, %convert_element_type3A, %cond3A : i32
    scf.if %cond3A_2 {
      %mul3A_78 = arith.constant 624 : i32
      %mul3A_79 = arith.muli %arg1, %mul3A_78 : i32
      %multiple_of3A = tpu.assume_multiple %mul3A_79, 8 : i32
      "tpu.region"() ({
        %run_scoped3A_80 = tpu.sem_alloc : memref<!tpu.dma_semaphore, #tpu.memory_space<semaphore_mem>>
        %dma_start3A_81 = arith.constant 0 : i32
        %dma_start3A_82 = tpu.memref_slice %arg9[%multiple_of3A, %dma_start3A_81] : memref<10016x128xf32, #tpu.memory_space<vmem_shared>> -> memref<624x128xf32, #tpu.memory_space<vmem_shared>>
        %dma_start3A_83 = arith.constant 0 : i32
        %dma_start3A_84 = tpu.memref_slice %arg5[%multiple_of3A, %dma_start3A_83] : memref<10016x128xf32, #tpu.memory_space<hbm>> -> memref<624x128xf32, #tpu.memory_space<hbm>>
        tpu.enqueue_dma source(%dma_start3A_84 : memref<624x128xf32, #tpu.memory_space<hbm>>) target(%dma_start3A_82 : memref<624x128xf32, #tpu.memory_space<vmem_shared>>) target_semaphore(%run_scoped3A_80 : memref<!tpu.dma_semaphore, #tpu.memory_space<semaphore_mem>>)
        %dma_wait3A_85 = arith.constant 0 : i32
        %dma_wait3A_86 = tpu.memref_slice %arg9[%multiple_of3A, %dma_wait3A_85] : memref<10016x128xf32, #tpu.memory_space<vmem_shared>> -> memref<624x128xf32, #tpu.memory_space<vmem_shared>>
        %dma_wait3A_87 = arith.constant 0 : i32
        %dma_wait3A_88 = tpu.memref_slice %arg5[%multiple_of3A, %dma_wait3A_87] : memref<10016x128xf32, #tpu.memory_space<hbm>> -> memref<624x128xf32, #tpu.memory_space<hbm>>
        tpu.wait_dma2 semaphore(%run_scoped3A_80 : memref<!tpu.dma_semaphore, #tpu.memory_space<semaphore_mem>>) src(%dma_wait3A_88 : memref<624x128xf32, #tpu.memory_space<hbm>>) dst(%dma_wait3A_86 : memref<624x128xf32, #tpu.memory_space<vmem_shared>>)
        tpu.yield
      }) : () -> ()
      "tpu.region"() ({
        %run_scoped3A_80 = tpu.sem_alloc : memref<!tpu.dma_semaphore, #tpu.memory_space<semaphore_mem>>
        %dma_start3A_81 = arith.constant 0 : i32
        %dma_start3A_82 = tpu.memref_slice %arg10[%multiple_of3A, %dma_start3A_81] : memref<10016x16xf32, #tpu.memory_space<vmem_shared>> -> memref<624x16xf32, #tpu.memory_space<vmem_shared>>
        %dma_start3A_83 = arith.constant 0 : i32
        %dma_start3A_84 = tpu.memref_slice %arg6[%multiple_of3A, %dma_start3A_83] : memref<10016x16xf32, #tpu.memory_space<hbm>> -> memref<624x16xf32, #tpu.memory_space<hbm>>
        tpu.enqueue_dma source(%dma_start3A_84 : memref<624x16xf32, #tpu.memory_space<hbm>>) target(%dma_start3A_82 : memref<624x16xf32, #tpu.memory_space<vmem_shared>>) target_semaphore(%run_scoped3A_80 : memref<!tpu.dma_semaphore, #tpu.memory_space<semaphore_mem>>)
        %dma_wait3A_85 = arith.constant 0 : i32
        %dma_wait3A_86 = tpu.memref_slice %arg10[%multiple_of3A, %dma_wait3A_85] : memref<10016x16xf32, #tpu.memory_space<vmem_shared>> -> memref<624x16xf32, #tpu.memory_space<vmem_shared>>
        %dma_wait3A_87 = arith.constant 0 : i32
        %dma_wait3A_88 = tpu.memref_slice %arg6[%multiple_of3A, %dma_wait3A_87] : memref<10016x16xf32, #tpu.memory_space<hbm>> -> memref<624x16xf32, #tpu.memory_space<hbm>>
        tpu.wait_dma2 semaphore(%run_scoped3A_80 : memref<!tpu.dma_semaphore, #tpu.memory_space<semaphore_mem>>) src(%dma_wait3A_88 : memref<624x16xf32, #tpu.memory_space<hbm>>) dst(%dma_wait3A_86 : memref<624x16xf32, #tpu.memory_space<vmem_shared>>)
        tpu.yield
      }) : () -> ()
    } else {
    }
    %eq3A = arith.constant 15 : i32
    %eq3A_3 = arith.cmpi eq, %arg1, %eq3A : i32
    %convert_element_type3A_4 = arith.extui %eq3A_3 : i1 to i32
    %cond3A_5 = arith.constant 0 : i32
    %cond3A_6 = arith.cmpi ne, %convert_element_type3A_4, %cond3A_5 : i32
    scf.if %cond3A_6 {
      "tpu.region"() ({
        %run_scoped3A_78 = tpu.sem_alloc : memref<!tpu.dma_semaphore, #tpu.memory_space<semaphore_mem>>
        %dma_start3A_79 = arith.constant 9360 : i32
        %dma_start3A_80 = arith.constant 0 : i32
        %dma_start3A_81 = tpu.memref_slice %arg9[%dma_start3A_79, %dma_start3A_80] : memref<10016x128xf32, #tpu.memory_space<vmem_shared>> -> memref<656x128xf32, #tpu.memory_space<vmem_shared>>
        %dma_start3A_82 = arith.constant 9360 : i32
        %dma_start3A_83 = arith.constant 0 : i32
        %dma_start3A_84 = tpu.memref_slice %arg5[%dma_start3A_82, %dma_start3A_83] : memref<10016x128xf32, #tpu.memory_space<hbm>> -> memref<656x128xf32, #tpu.memory_space<hbm>>
        tpu.enqueue_dma source(%dma_start3A_84 : memref<656x128xf32, #tpu.memory_space<hbm>>) target(%dma_start3A_81 : memref<656x128xf32, #tpu.memory_space<vmem_shared>>) target_semaphore(%run_scoped3A_78 : memref<!tpu.dma_semaphore, #tpu.memory_space<semaphore_mem>>)
        %dma_wait3A_85 = arith.constant 9360 : i32
        %dma_wait3A_86 = arith.constant 0 : i32
        %dma_wait3A_87 = tpu.memref_slice %arg9[%dma_wait3A_85, %dma_wait3A_86] : memref<10016x128xf32, #tpu.memory_space<vmem_shared>> -> memref<656x128xf32, #tpu.memory_space<vmem_shared>>
        %dma_wait3A_88 = arith.constant 9360 : i32
        %dma_wait3A_89 = arith.constant 0 : i32
        %dma_wait3A_90 = tpu.memref_slice %arg5[%dma_wait3A_88, %dma_wait3A_89] : memref<10016x128xf32, #tpu.memory_space<hbm>> -> memref<656x128xf32, #tpu.memory_space<hbm>>
        tpu.wait_dma2 semaphore(%run_scoped3A_78 : memref<!tpu.dma_semaphore, #tpu.memory_space<semaphore_mem>>) src(%dma_wait3A_90 : memref<656x128xf32, #tpu.memory_space<hbm>>) dst(%dma_wait3A_87 : memref<656x128xf32, #tpu.memory_space<vmem_shared>>)
        tpu.yield
      }) : () -> ()
      "tpu.region"() ({
        %run_scoped3A_78 = tpu.sem_alloc : memref<!tpu.dma_semaphore, #tpu.memory_space<semaphore_mem>>
        %dma_start3A_79 = arith.constant 9360 : i32
        %dma_start3A_80 = arith.constant 0 : i32
        %dma_start3A_81 = tpu.memref_slice %arg10[%dma_start3A_79, %dma_start3A_80] : memref<10016x16xf32, #tpu.memory_space<vmem_shared>> -> memref<656x16xf32, #tpu.memory_space<vmem_shared>>
        %dma_start3A_82 = arith.constant 9360 : i32
        %dma_start3A_83 = arith.constant 0 : i32
        %dma_start3A_84 = tpu.memref_slice %arg6[%dma_start3A_82, %dma_start3A_83] : memref<10016x16xf32, #tpu.memory_space<hbm>> -> memref<656x16xf32, #tpu.memory_space<hbm>>
        tpu.enqueue_dma source(%dma_start3A_84 : memref<656x16xf32, #tpu.memory_space<hbm>>) target(%dma_start3A_81 : memref<656x16xf32, #tpu.memory_space<vmem_shared>>) target_semaphore(%run_scoped3A_78 : memref<!tpu.dma_semaphore, #tpu.memory_space<semaphore_mem>>)
        %dma_wait3A_85 = arith.constant 9360 : i32
        %dma_wait3A_86 = arith.constant 0 : i32
        %dma_wait3A_87 = tpu.memref_slice %arg10[%dma_wait3A_85, %dma_wait3A_86] : memref<10016x16xf32, #tpu.memory_space<vmem_shared>> -> memref<656x16xf32, #tpu.memory_space<vmem_shared>>
        %dma_wait3A_88 = arith.constant 9360 : i32
        %dma_wait3A_89 = arith.constant 0 : i32
        %dma_wait3A_90 = tpu.memref_slice %arg6[%dma_wait3A_88, %dma_wait3A_89] : memref<10016x16xf32, #tpu.memory_space<hbm>> -> memref<656x16xf32, #tpu.memory_space<hbm>>
        tpu.wait_dma2 semaphore(%run_scoped3A_78 : memref<!tpu.dma_semaphore, #tpu.memory_space<semaphore_mem>>) src(%dma_wait3A_90 : memref<656x16xf32, #tpu.memory_space<hbm>>) dst(%dma_wait3A_87 : memref<656x16xf32, #tpu.memory_space<vmem_shared>>)
        tpu.yield
      }) : () -> ()
    } else {
    }
    %barrier3A = arith.constant 0 : index
    tpu.barrier barrier_id(%barrier3A)
    %run_scoped3A = arith.constant 0 : i32
    "tpu.region"() ({
      %run_scoped3A_78 = tpu.sem_alloc : memref<!tpu.dma_semaphore, #tpu.memory_space<semaphore_mem>>
      %dma_start3A_79 = arith.constant 0 : i32
      %dma_start3A_80 = arith.constant 0 : i32
      %dma_start3A_81 = tpu.memref_slice %arg4[%add3A, %run_scoped3A, %dma_start3A_79, %dma_start3A_80] : memref<32x90x2x112xi32, #tpu.memory_space<hbm>> -> memref<1x1x2x112xi32, #tpu.memory_space<hbm>>
      %dma_start3A_82 = tpu.memref_squeeze %dma_start3A_81 : memref<1x1x2x112xi32, #tpu.memory_space<hbm>> -> memref<2x112xi32, #tpu.memory_space<hbm>>
      %dma_start3A_83 = arith.constant 0 : i32
      %dma_start3A_84 = arith.constant 0 : i32
      %dma_start3A_85 = tpu.memref_slice %arg4[%add3A, %run_scoped3A, %dma_start3A_83, %dma_start3A_84] : memref<32x90x2x112xi32, #tpu.memory_space<hbm>> -> memref<1x1x2x112xi32, #tpu.memory_space<hbm>>
      %dma_start3A_86 = tpu.memref_squeeze %dma_start3A_85 : memref<1x1x2x112xi32, #tpu.memory_space<hbm>> -> memref<2x112xi32, #tpu.memory_space<hbm>>
      tpu.enqueue_dma source(%dma_start3A_86 : memref<2x112xi32, #tpu.memory_space<hbm>>) target(%arg11 : memref<2x112xi32, #tpu.memory_space<vmem>>) target_semaphore(%run_scoped3A_78 : memref<!tpu.dma_semaphore, #tpu.memory_space<semaphore_mem>>)
      %dma_wait3A_87 = arith.constant 0 : i32
      %dma_wait3A_88 = arith.constant 0 : i32
      %dma_wait3A_89 = tpu.memref_slice %arg4[%add3A, %run_scoped3A, %dma_wait3A_87, %dma_wait3A_88] : memref<32x90x2x112xi32, #tpu.memory_space<hbm>> -> memref<1x1x2x112xi32, #tpu.memory_space<hbm>>
      %dma_wait3A_90 = tpu.memref_squeeze %dma_wait3A_89 : memref<1x1x2x112xi32, #tpu.memory_space<hbm>> -> memref<2x112xi32, #tpu.memory_space<hbm>>
      %dma_wait3A_91 = arith.constant 0 : i32
      %dma_wait3A_92 = arith.constant 0 : i32
      %dma_wait3A_93 = tpu.memref_slice %arg4[%add3A, %run_scoped3A, %dma_wait3A_91, %dma_wait3A_92] : memref<32x90x2x112xi32, #tpu.memory_space<hbm>> -> memref<1x1x2x112xi32, #tpu.memory_space<hbm>>
      %dma_wait3A_94 = tpu.memref_squeeze %dma_wait3A_93 : memref<1x1x2x112xi32, #tpu.memory_space<hbm>> -> memref<2x112xi32, #tpu.memory_space<hbm>>
      tpu.wait_dma2 semaphore(%run_scoped3A_78 : memref<!tpu.dma_semaphore, #tpu.memory_space<semaphore_mem>>) src(%dma_wait3A_94 : memref<2x112xi32, #tpu.memory_space<hbm>>) dst(%arg11 : memref<2x112xi32, #tpu.memory_space<vmem>>)
      tpu.yield
    }) : () -> ()
    %dma_start3A = arith.constant 0 : i32
    %dma_start3A_7 = arith.constant 0 : i32
    %dma_start3A_8 = tpu.memref_slice %arg11[%dma_start3A, %dma_start3A_7] : memref<2x112xi32, #tpu.memory_space<vmem>> -> memref<1x112xi32, #tpu.memory_space<vmem>>
    %dma_start3A_9 = tpu.memref_squeeze %dma_start3A_8 : memref<1x112xi32, #tpu.memory_space<vmem>> -> memref<112xi32, #tpu.memory_space<vmem>>
    %dma_start3A_10 = arith.constant 0 : i32
    %dma_start3A_11 = arith.constant 0 : i32
    %dma_start3A_12 = tpu.memref_slice %arg2[%dma_start3A_10, %dma_start3A_11] : memref<10000x128xf32, #tpu.memory_space<hbm>> -> memref<10000x128xf32, #tpu.memory_space<hbm>>
    tpu.enqueue_indirect_dma source(%dma_start3A_12 : memref<10000x128xf32, #tpu.memory_space<hbm>>) target(%arg15 : memref<112x128xf32, #tpu.memory_space<vmem>>) offsets(%dma_start3A_9 : memref<112xi32, #tpu.memory_space<vmem>>) semaphore(%arg21 : memref<!tpu.dma_semaphore, #tpu.memory_space<semaphore_mem>>)
    %dma_start3A_13 = arith.constant 0 : i32
    %dma_start3A_14 = arith.constant 0 : i32
    %dma_start3A_15 = tpu.memref_slice %arg11[%dma_start3A_13, %dma_start3A_14] : memref<2x112xi32, #tpu.memory_space<vmem>> -> memref<1x112xi32, #tpu.memory_space<vmem>>
    %dma_start3A_16 = tpu.memref_squeeze %dma_start3A_15 : memref<1x112xi32, #tpu.memory_space<vmem>> -> memref<112xi32, #tpu.memory_space<vmem>>
    %dma_start3A_17 = arith.constant 0 : i32
    %dma_start3A_18 = arith.constant 0 : i32
    %dma_start3A_19 = tpu.memref_slice %arg3[%dma_start3A_17, %dma_start3A_18] : memref<10000x16xf32, #tpu.memory_space<hbm>> -> memref<10000x16xf32, #tpu.memory_space<hbm>>
    tpu.enqueue_indirect_dma source(%dma_start3A_19 : memref<10000x16xf32, #tpu.memory_space<hbm>>) target(%arg17 : memref<112x16xf32, #tpu.memory_space<vmem>>) offsets(%dma_start3A_16 : memref<112xi32, #tpu.memory_space<vmem>>) semaphore(%arg23 : memref<!tpu.dma_semaphore, #tpu.memory_space<semaphore_mem>>)
    %dma_start3A_20 = arith.constant 1 : i32
    %dma_start3A_21 = arith.constant 0 : i32
    %dma_start3A_22 = arith.constant 0 : i32
    %dma_start3A_23 = tpu.memref_slice %arg4[%add3A, %dma_start3A_20, %dma_start3A_21, %dma_start3A_22] : memref<32x90x2x112xi32, #tpu.memory_space<hbm>> -> memref<1x1x2x112xi32, #tpu.memory_space<hbm>>
    %dma_start3A_24 = tpu.memref_squeeze %dma_start3A_23 : memref<1x1x2x112xi32, #tpu.memory_space<hbm>> -> memref<2x112xi32, #tpu.memory_space<hbm>>
    %dma_start3A_25 = arith.constant 0 : i32
    %dma_start3A_26 = arith.constant 0 : i32
    %dma_start3A_27 = tpu.memref_slice %arg4[%add3A, %dma_start3A_20, %dma_start3A_25, %dma_start3A_26] : memref<32x90x2x112xi32, #tpu.memory_space<hbm>> -> memref<1x1x2x112xi32, #tpu.memory_space<hbm>>
    %dma_start3A_28 = tpu.memref_squeeze %dma_start3A_27 : memref<1x1x2x112xi32, #tpu.memory_space<hbm>> -> memref<2x112xi32, #tpu.memory_space<hbm>>
    tpu.enqueue_dma source(%dma_start3A_28 : memref<2x112xi32, #tpu.memory_space<hbm>>) target(%arg12 : memref<2x112xi32, #tpu.memory_space<vmem>>) target_semaphore(%arg20 : memref<!tpu.dma_semaphore, #tpu.memory_space<semaphore_mem>>)
    %scan3A = arith.constant 0 : i32
    %scan3A_29 = arith.constant 0 : i32
    %scan3A_30 = arith.constant 45 : i32
    %scan3A_31 = arith.addi %scan3A_29, %scan3A_30 : i32
    %scan3A_32 = arith.constant 1 : i32
    scf.for %scan3A_78 = %scan3A_29 to %scan3A_31 step %scan3A_32  : i32 {
      %mul3A_79 = arith.constant 2 : i32
      %mul3A_80 = arith.muli %mul3A_79, %scan3A_78 : i32
      %add3A_81 = arith.constant 0 : i32
      %add3A_82 = arith.addi %mul3A_80, %add3A_81 : i32
      %dma_wait3A_83 = arith.constant 0 : i32
      %dma_wait3A_84 = arith.constant 0 : i32
      %dma_wait3A_85 = arith.constant 0 : i32
      %dma_wait3A_86 = arith.constant 0 : i32
      %dma_wait3A_87 = tpu.memref_slice %arg4[%dma_wait3A_83, %dma_wait3A_84, %dma_wait3A_85, %dma_wait3A_86] : memref<32x90x2x112xi32, #tpu.memory_space<hbm>> -> memref<1x1x2x112xi32, #tpu.memory_space<hbm>>
      %dma_wait3A_88 = tpu.memref_squeeze %dma_wait3A_87 : memref<1x1x2x112xi32, #tpu.memory_space<hbm>> -> memref<2x112xi32, #tpu.memory_space<hbm>>
      %dma_wait3A_89 = arith.constant 0 : i32
      %dma_wait3A_90 = arith.constant 0 : i32
      %dma_wait3A_91 = tpu.memref_slice %arg4[%dma_wait3A_83, %dma_wait3A_84, %dma_wait3A_89, %dma_wait3A_90] : memref<32x90x2x112xi32, #tpu.memory_space<hbm>> -> memref<1x1x2x112xi32, #tpu.memory_space<hbm>>
      %dma_wait3A_92 = tpu.memref_squeeze %dma_wait3A_91 : memref<1x1x2x112xi32, #tpu.memory_space<hbm>> -> memref<2x112xi32, #tpu.memory_space<hbm>>
      tpu.wait_dma2 semaphore(%arg20 : memref<!tpu.dma_semaphore, #tpu.memory_space<semaphore_mem>>) src(%dma_wait3A_92 : memref<2x112xi32, #tpu.memory_space<hbm>>) dst(%arg12 : memref<2x112xi32, #tpu.memory_space<vmem>>)
      %gt3A = arith.constant 0 : i32
      %gt3A_93 = arith.cmpi sgt, %scan3A_78, %gt3A : i32
      %convert_element_type3A_94 = arith.extui %gt3A_93 : i1 to i32
      %cond3A_95 = arith.constant 0 : i32
      %cond3A_96 = arith.cmpi ne, %convert_element_type3A_94, %cond3A_95 : i32
      scf.if %cond3A_96 {
        %dma_wait3A_334 = arith.constant 0 : i32
        %dma_wait3A_335 = arith.constant 0 : i32
        %dma_wait3A_336 = tpu.memref_slice %arg9[%dma_wait3A_334, %dma_wait3A_335] : memref<10016x128xf32, #tpu.memory_space<vmem_shared>> -> memref<112x128xf32, #tpu.memory_space<vmem_shared>>
        %dma_wait3A_337 = arith.constant 0 : i32
        %dma_wait3A_338 = arith.constant 0 : i32
        %dma_wait3A_339 = tpu.memref_slice %arg9[%dma_wait3A_337, %dma_wait3A_338] : memref<10016x128xf32, #tpu.memory_space<vmem_shared>> -> memref<112x128xf32, #tpu.memory_space<vmem_shared>>
        tpu.wait_dma2 semaphore(%arg26 : memref<!tpu.dma_semaphore, #tpu.memory_space<semaphore_mem>>) src(%arg16 : memref<112x128xf32, #tpu.memory_space<vmem>>) dst(%dma_wait3A_339 : memref<112x128xf32, #tpu.memory_space<vmem_shared>>)
        %dma_wait3A_340 = arith.constant 0 : i32
        %dma_wait3A_341 = arith.constant 0 : i32
        %dma_wait3A_342 = tpu.memref_slice %arg10[%dma_wait3A_340, %dma_wait3A_341] : memref<10016x16xf32, #tpu.memory_space<vmem_shared>> -> memref<112x16xf32, #tpu.memory_space<vmem_shared>>
        %dma_wait3A_343 = arith.constant 0 : i32
        %dma_wait3A_344 = arith.constant 0 : i32
        %dma_wait3A_345 = tpu.memref_slice %arg10[%dma_wait3A_343, %dma_wait3A_344] : memref<10016x16xf32, #tpu.memory_space<vmem_shared>> -> memref<112x16xf32, #tpu.memory_space<vmem_shared>>
        tpu.wait_dma2 semaphore(%arg28 : memref<!tpu.dma_semaphore, #tpu.memory_space<semaphore_mem>>) src(%arg18 : memref<112x16xf32, #tpu.memory_space<vmem>>) dst(%dma_wait3A_345 : memref<112x16xf32, #tpu.memory_space<vmem_shared>>)
      } else {
      }
      %dma_start3A_97 = arith.constant 0 : i32
      %dma_start3A_98 = arith.constant 0 : i32
      %dma_start3A_99 = tpu.memref_slice %arg12[%dma_start3A_97, %dma_start3A_98] : memref<2x112xi32, #tpu.memory_space<vmem>> -> memref<1x112xi32, #tpu.memory_space<vmem>>
      %dma_start3A_100 = tpu.memref_squeeze %dma_start3A_99 : memref<1x112xi32, #tpu.memory_space<vmem>> -> memref<112xi32, #tpu.memory_space<vmem>>
      %dma_start3A_101 = arith.constant 0 : i32
      %dma_start3A_102 = arith.constant 0 : i32
      %dma_start3A_103 = tpu.memref_slice %arg2[%dma_start3A_101, %dma_start3A_102] : memref<10000x128xf32, #tpu.memory_space<hbm>> -> memref<10000x128xf32, #tpu.memory_space<hbm>>
      tpu.enqueue_indirect_dma source(%dma_start3A_103 : memref<10000x128xf32, #tpu.memory_space<hbm>>) target(%arg16 : memref<112x128xf32, #tpu.memory_space<vmem>>) offsets(%dma_start3A_100 : memref<112xi32, #tpu.memory_space<vmem>>) semaphore(%arg22 : memref<!tpu.dma_semaphore, #tpu.memory_space<semaphore_mem>>)
      %dma_start3A_104 = arith.constant 0 : i32
      %dma_start3A_105 = arith.constant 0 : i32
      %dma_start3A_106 = tpu.memref_slice %arg12[%dma_start3A_104, %dma_start3A_105] : memref<2x112xi32, #tpu.memory_space<vmem>> -> memref<1x112xi32, #tpu.memory_space<vmem>>
      %dma_start3A_107 = tpu.memref_squeeze %dma_start3A_106 : memref<1x112xi32, #tpu.memory_space<vmem>> -> memref<112xi32, #tpu.memory_space<vmem>>
      %dma_start3A_108 = arith.constant 0 : i32
      %dma_start3A_109 = arith.constant 0 : i32
      %dma_start3A_110 = tpu.memref_slice %arg3[%dma_start3A_108, %dma_start3A_109] : memref<10000x16xf32, #tpu.memory_space<hbm>> -> memref<10000x16xf32, #tpu.memory_space<hbm>>
      tpu.enqueue_indirect_dma source(%dma_start3A_110 : memref<10000x16xf32, #tpu.memory_space<hbm>>) target(%arg18 : memref<112x16xf32, #tpu.memory_space<vmem>>) offsets(%dma_start3A_107 : memref<112xi32, #tpu.memory_space<vmem>>) semaphore(%arg24 : memref<!tpu.dma_semaphore, #tpu.memory_space<semaphore_mem>>)
      %dma_wait3A_111 = arith.constant 0 : i32
      %dma_wait3A_112 = arith.constant 0 : i32
      %dma_wait3A_113 = tpu.memref_slice %arg2[%dma_wait3A_111, %dma_wait3A_112] : memref<10000x128xf32, #tpu.memory_space<hbm>> -> memref<112x128xf32, #tpu.memory_space<hbm>>
      %dma_wait3A_114 = arith.constant 0 : i32
      %dma_wait3A_115 = arith.constant 0 : i32
      %dma_wait3A_116 = tpu.memref_slice %arg2[%dma_wait3A_114, %dma_wait3A_115] : memref<10000x128xf32, #tpu.memory_space<hbm>> -> memref<112x128xf32, #tpu.memory_space<hbm>>
      tpu.wait_dma2 semaphore(%arg21 : memref<!tpu.dma_semaphore, #tpu.memory_space<semaphore_mem>>) src(%dma_wait3A_116 : memref<112x128xf32, #tpu.memory_space<hbm>>) dst(%arg15 : memref<112x128xf32, #tpu.memory_space<vmem>>)
      %dma_wait3A_117 = arith.constant 0 : i32
      %dma_wait3A_118 = arith.constant 0 : i32
      %dma_wait3A_119 = tpu.memref_slice %arg3[%dma_wait3A_117, %dma_wait3A_118] : memref<10000x16xf32, #tpu.memory_space<hbm>> -> memref<112x16xf32, #tpu.memory_space<hbm>>
      %dma_wait3A_120 = arith.constant 0 : i32
      %dma_wait3A_121 = arith.constant 0 : i32
      %dma_wait3A_122 = tpu.memref_slice %arg3[%dma_wait3A_120, %dma_wait3A_121] : memref<10000x16xf32, #tpu.memory_space<hbm>> -> memref<112x16xf32, #tpu.memory_space<hbm>>
      tpu.wait_dma2 semaphore(%arg23 : memref<!tpu.dma_semaphore, #tpu.memory_space<semaphore_mem>>) src(%dma_wait3A_122 : memref<112x16xf32, #tpu.memory_space<hbm>>) dst(%arg17 : memref<112x16xf32, #tpu.memory_space<vmem>>)
      %get3A = arith.constant 1 : i32
      %get3A_123 = arith.index_cast %get3A : i32 to index
      %get3A_124 = arith.constant 0 : index
      %get3A_125 = tpu.vector_load %arg11[%get3A_123, %get3A_124] {strides = array<i32>} : memref<2x112xi32, #tpu.memory_space<vmem>>, vector<1x16xi32>,
      %get3A_126 = vector.shape_cast %get3A_125 : vector<1x16xi32> to vector<16xi32>
      %swap3A = arith.constant 0 : index
      %swap3A_127 = tpu.vector_load %arg13[%swap3A] {strides = array<i32>} : memref<112xi32, #tpu.memory_space<vmem>>, vector<16xi32>,
      %swap3A_128 = vector.shape_cast %swap3A_127 : vector<16xi32> to vector<16xi32>
      %swap3A_129 = vector.shape_cast %get3A_126 : vector<16xi32> to vector<16xi32>
      tpu.vector_store %arg13[%swap3A], %swap3A_129 {strides = array<i32>} : memref<112xi32, #tpu.memory_space<vmem>>, vector<16xi32>,
      %get3A_130 = arith.constant 1 : i32
      %get3A_131 = arith.index_cast %get3A_130 : i32 to index
      %get3A_132 = arith.constant 16 : index
      %get3A_133 = tpu.vector_load %arg11[%get3A_131, %get3A_132] {strides = array<i32>} : memref<2x112xi32, #tpu.memory_space<vmem>>, vector<1x16xi32>,
      %get3A_134 = vector.shape_cast %get3A_133 : vector<1x16xi32> to vector<16xi32>
      %swap3A_135 = arith.constant 16 : index
      %swap3A_136 = tpu.vector_load %arg13[%swap3A_135] {strides = array<i32>} : memref<112xi32, #tpu.memory_space<vmem>>, vector<16xi32>,
      %swap3A_137 = vector.shape_cast %swap3A_136 : vector<16xi32> to vector<16xi32>
      %swap3A_138 = vector.shape_cast %get3A_134 : vector<16xi32> to vector<16xi32>
      tpu.vector_store %arg13[%swap3A_135], %swap3A_138 {strides = array<i32>} : memref<112xi32, #tpu.memory_space<vmem>>, vector<16xi32>,
      %get3A_139 = arith.constant 1 : i32
      %get3A_140 = arith.index_cast %get3A_139 : i32 to index
      %get3A_141 = arith.constant 32 : index
      %get3A_142 = tpu.vector_load %arg11[%get3A_140, %get3A_141] {strides = array<i32>} : memref<2x112xi32, #tpu.memory_space<vmem>>, vector<1x16xi32>,
      %get3A_143 = vector.shape_cast %get3A_142 : vector<1x16xi32> to vector<16xi32>
      %swap3A_144 = arith.constant 32 : index
      %swap3A_145 = tpu.vector_load %arg13[%swap3A_144] {strides = array<i32>} : memref<112xi32, #tpu.memory_space<vmem>>, vector<16xi32>,
      %swap3A_146 = vector.shape_cast %swap3A_145 : vector<16xi32> to vector<16xi32>
      %swap3A_147 = vector.shape_cast %get3A_143 : vector<16xi32> to vector<16xi32>
      tpu.vector_store %arg13[%swap3A_144], %swap3A_147 {strides = array<i32>} : memref<112xi32, #tpu.memory_space<vmem>>, vector<16xi32>,
      %get3A_148 = arith.constant 1 : i32
      %get3A_149 = arith.index_cast %get3A_148 : i32 to index
      %get3A_150 = arith.constant 48 : index
      %get3A_151 = tpu.vector_load %arg11[%get3A_149, %get3A_150] {strides = array<i32>} : memref<2x112xi32, #tpu.memory_space<vmem>>, vector<1x16xi32>,
      %get3A_152 = vector.shape_cast %get3A_151 : vector<1x16xi32> to vector<16xi32>
      %swap3A_153 = arith.constant 48 : index
      %swap3A_154 = tpu.vector_load %arg13[%swap3A_153] {strides = array<i32>} : memref<112xi32, #tpu.memory_space<vmem>>, vector<16xi32>,
      %swap3A_155 = vector.shape_cast %swap3A_154 : vector<16xi32> to vector<16xi32>
      %swap3A_156 = vector.shape_cast %get3A_152 : vector<16xi32> to vector<16xi32>
      tpu.vector_store %arg13[%swap3A_153], %swap3A_156 {strides = array<i32>} : memref<112xi32, #tpu.memory_space<vmem>>, vector<16xi32>,
      %get3A_157 = arith.constant 1 : i32
      %get3A_158 = arith.index_cast %get3A_157 : i32 to index
      %get3A_159 = arith.constant 64 : index
      %get3A_160 = tpu.vector_load %arg11[%get3A_158, %get3A_159] {strides = array<i32>} : memref<2x112xi32, #tpu.memory_space<vmem>>, vector<1x16xi32>,
      %get3A_161 = vector.shape_cast %get3A_160 : vector<1x16xi32> to vector<16xi32>
      %swap3A_162 = arith.constant 64 : index
      %swap3A_163 = tpu.vector_load %arg13[%swap3A_162] {strides = array<i32>} : memref<112xi32, #tpu.memory_space<vmem>>, vector<16xi32>,
      %swap3A_164 = vector.shape_cast %swap3A_163 : vector<16xi32> to vector<16xi32>
      %swap3A_165 = vector.shape_cast %get3A_161 : vector<16xi32> to vector<16xi32>
      tpu.vector_store %arg13[%swap3A_162], %swap3A_165 {strides = array<i32>} : memref<112xi32, #tpu.memory_space<vmem>>, vector<16xi32>,
      %get3A_166 = arith.constant 1 : i32
      %get3A_167 = arith.index_cast %get3A_166 : i32 to index
      %get3A_168 = arith.constant 80 : index
      %get3A_169 = tpu.vector_load %arg11[%get3A_167, %get3A_168] {strides = array<i32>} : memref<2x112xi32, #tpu.memory_space<vmem>>, vector<1x16xi32>,
      %get3A_170 = vector.shape_cast %get3A_169 : vector<1x16xi32> to vector<16xi32>
      %swap3A_171 = arith.constant 80 : index
      %swap3A_172 = tpu.vector_load %arg13[%swap3A_171] {strides = array<i32>} : memref<112xi32, #tpu.memory_space<vmem>>, vector<16xi32>,
      %swap3A_173 = vector.shape_cast %swap3A_172 : vector<16xi32> to vector<16xi32>
      %swap3A_174 = vector.shape_cast %get3A_170 : vector<16xi32> to vector<16xi32>
      tpu.vector_store %arg13[%swap3A_171], %swap3A_174 {strides = array<i32>} : memref<112xi32, #tpu.memory_space<vmem>>, vector<16xi32>,
      %get3A_175 = arith.constant 1 : i32
      %get3A_176 = arith.index_cast %get3A_175 : i32 to index
      %get3A_177 = arith.constant 96 : index
      %get3A_178 = tpu.vector_load %arg11[%get3A_176, %get3A_177] {strides = array<i32>} : memref<2x112xi32, #tpu.memory_space<vmem>>, vector<1x16xi32>,
      %get3A_179 = vector.shape_cast %get3A_178 : vector<1x16xi32> to vector<16xi32>
      %swap3A_180 = arith.constant 96 : index
      %swap3A_181 = tpu.vector_load %arg13[%swap3A_180] {strides = array<i32>} : memref<112xi32, #tpu.memory_space<vmem>>, vector<16xi32>,
      %swap3A_182 = vector.shape_cast %swap3A_181 : vector<16xi32> to vector<16xi32>
      %swap3A_183 = vector.shape_cast %get3A_179 : vector<16xi32> to vector<16xi32>
      tpu.vector_store %arg13[%swap3A_180], %swap3A_183 {strides = array<i32>} : memref<112xi32, #tpu.memory_space<vmem>>, vector<16xi32>,
      %dma_start3A_184 = arith.constant 0 : i32
      %dma_start3A_185 = arith.constant 0 : i32
      %dma_start3A_186 = tpu.memref_slice %arg9[%dma_start3A_184, %dma_start3A_185] : memref<10016x128xf32, #tpu.memory_space<vmem_shared>> -> memref<10016x128xf32, #tpu.memory_space<vmem_shared>>
      tpu.enqueue_indirect_dma source(%arg15 : memref<112x128xf32, #tpu.memory_space<vmem>>) target(%dma_start3A_186 : memref<10016x128xf32, #tpu.memory_space<vmem_shared>>) offsets(%arg13 : memref<112xi32, #tpu.memory_space<vmem>>) semaphore(%arg25 : memref<!tpu.dma_semaphore, #tpu.memory_space<semaphore_mem>>) {add = true}
      %dma_start3A_187 = arith.constant 0 : i32
      %dma_start3A_188 = arith.constant 0 : i32
      %dma_start3A_189 = tpu.memref_slice %arg10[%dma_start3A_187, %dma_start3A_188] : memref<10016x16xf32, #tpu.memory_space<vmem_shared>> -> memref<10016x16xf32, #tpu.memory_space<vmem_shared>>
      tpu.enqueue_indirect_dma source(%arg17 : memref<112x16xf32, #tpu.memory_space<vmem>>) target(%dma_start3A_189 : memref<10016x16xf32, #tpu.memory_space<vmem_shared>>) offsets(%arg13 : memref<112xi32, #tpu.memory_space<vmem>>) semaphore(%arg27 : memref<!tpu.dma_semaphore, #tpu.memory_space<semaphore_mem>>) {add = true}
      %add3A_190 = arith.constant 2 : i32
      %add3A_191 = arith.addi %add3A_82, %add3A_190 : i32
      %min3A = arith.constant 89 : i32
      %min3A_192 = arith.minsi %add3A_191, %min3A : i32
      %dma_start3A_193 = arith.constant 0 : i32
      %dma_start3A_194 = arith.constant 0 : i32
      %dma_start3A_195 = tpu.memref_slice %arg4[%add3A, %min3A_192, %dma_start3A_193, %dma_start3A_194] : memref<32x90x2x112xi32, #tpu.memory_space<hbm>> -> memref<1x1x2x112xi32, #tpu.memory_space<hbm>>
      %dma_start3A_196 = tpu.memref_squeeze %dma_start3A_195 : memref<1x1x2x112xi32, #tpu.memory_space<hbm>> -> memref<2x112xi32, #tpu.memory_space<hbm>>
      %dma_start3A_197 = arith.constant 0 : i32
      %dma_start3A_198 = arith.constant 0 : i32
      %dma_start3A_199 = tpu.memref_slice %arg4[%add3A, %min3A_192, %dma_start3A_197, %dma_start3A_198] : memref<32x90x2x112xi32, #tpu.memory_space<hbm>> -> memref<1x1x2x112xi32, #tpu.memory_space<hbm>>
      %dma_start3A_200 = tpu.memref_squeeze %dma_start3A_199 : memref<1x1x2x112xi32, #tpu.memory_space<hbm>> -> memref<2x112xi32, #tpu.memory_space<hbm>>
      tpu.enqueue_dma source(%dma_start3A_200 : memref<2x112xi32, #tpu.memory_space<hbm>>) target(%arg11 : memref<2x112xi32, #tpu.memory_space<vmem>>) target_semaphore(%arg19 : memref<!tpu.dma_semaphore, #tpu.memory_space<semaphore_mem>>)
      %mul3A_201 = arith.constant 2 : i32
      %mul3A_202 = arith.muli %mul3A_201, %scan3A_78 : i32
      %add3A_203 = arith.constant 1 : i32
      %add3A_204 = arith.addi %mul3A_202, %add3A_203 : i32
      %dma_wait3A_205 = arith.constant 0 : i32
      %dma_wait3A_206 = arith.constant 0 : i32
      %dma_wait3A_207 = arith.constant 0 : i32
      %dma_wait3A_208 = arith.constant 0 : i32
      %dma_wait3A_209 = tpu.memref_slice %arg4[%dma_wait3A_205, %dma_wait3A_206, %dma_wait3A_207, %dma_wait3A_208] : memref<32x90x2x112xi32, #tpu.memory_space<hbm>> -> memref<1x1x2x112xi32, #tpu.memory_space<hbm>>
      %dma_wait3A_210 = tpu.memref_squeeze %dma_wait3A_209 : memref<1x1x2x112xi32, #tpu.memory_space<hbm>> -> memref<2x112xi32, #tpu.memory_space<hbm>>
      %dma_wait3A_211 = arith.constant 0 : i32
      %dma_wait3A_212 = arith.constant 0 : i32
      %dma_wait3A_213 = tpu.memref_slice %arg4[%dma_wait3A_205, %dma_wait3A_206, %dma_wait3A_211, %dma_wait3A_212] : memref<32x90x2x112xi32, #tpu.memory_space<hbm>> -> memref<1x1x2x112xi32, #tpu.memory_space<hbm>>
      %dma_wait3A_214 = tpu.memref_squeeze %dma_wait3A_213 : memref<1x1x2x112xi32, #tpu.memory_space<hbm>> -> memref<2x112xi32, #tpu.memory_space<hbm>>
      tpu.wait_dma2 semaphore(%arg19 : memref<!tpu.dma_semaphore, #tpu.memory_space<semaphore_mem>>) src(%dma_wait3A_214 : memref<2x112xi32, #tpu.memory_space<hbm>>) dst(%arg11 : memref<2x112xi32, #tpu.memory_space<vmem>>)
      %dma_wait3A_215 = arith.constant 0 : i32
      %dma_wait3A_216 = arith.constant 0 : i32
      %dma_wait3A_217 = tpu.memref_slice %arg9[%dma_wait3A_215, %dma_wait3A_216] : memref<10016x128xf32, #tpu.memory_space<vmem_shared>> -> memref<112x128xf32, #tpu.memory_space<vmem_shared>>
      %dma_wait3A_218 = arith.constant 0 : i32
      %dma_wait3A_219 = arith.constant 0 : i32
      %dma_wait3A_220 = tpu.memref_slice %arg9[%dma_wait3A_218, %dma_wait3A_219] : memref<10016x128xf32, #tpu.memory_space<vmem_shared>> -> memref<112x128xf32, #tpu.memory_space<vmem_shared>>
      tpu.wait_dma2 semaphore(%arg25 : memref<!tpu.dma_semaphore, #tpu.memory_space<semaphore_mem>>) src(%arg15 : memref<112x128xf32, #tpu.memory_space<vmem>>) dst(%dma_wait3A_220 : memref<112x128xf32, #tpu.memory_space<vmem_shared>>)
      %dma_wait3A_221 = arith.constant 0 : i32
      %dma_wait3A_222 = arith.constant 0 : i32
      %dma_wait3A_223 = tpu.memref_slice %arg10[%dma_wait3A_221, %dma_wait3A_222] : memref<10016x16xf32, #tpu.memory_space<vmem_shared>> -> memref<112x16xf32, #tpu.memory_space<vmem_shared>>
      %dma_wait3A_224 = arith.constant 0 : i32
      %dma_wait3A_225 = arith.constant 0 : i32
      %dma_wait3A_226 = tpu.memref_slice %arg10[%dma_wait3A_224, %dma_wait3A_225] : memref<10016x16xf32, #tpu.memory_space<vmem_shared>> -> memref<112x16xf32, #tpu.memory_space<vmem_shared>>
      tpu.wait_dma2 semaphore(%arg27 : memref<!tpu.dma_semaphore, #tpu.memory_space<semaphore_mem>>) src(%arg17 : memref<112x16xf32, #tpu.memory_space<vmem>>) dst(%dma_wait3A_226 : memref<112x16xf32, #tpu.memory_space<vmem_shared>>)
      %dma_start3A_227 = arith.constant 0 : i32
      %dma_start3A_228 = arith.constant 0 : i32
      %dma_start3A_229 = tpu.memref_slice %arg11[%dma_start3A_227, %dma_start3A_228] : memref<2x112xi32, #tpu.memory_space<vmem>> -> memref<1x112xi32, #tpu.memory_space<vmem>>
      %dma_start3A_230 = tpu.memref_squeeze %dma_start3A_229 : memref<1x112xi32, #tpu.memory_space<vmem>> -> memref<112xi32, #tpu.memory_space<vmem>>
      %dma_start3A_231 = arith.constant 0 : i32
      %dma_start3A_232 = arith.constant 0 : i32
      %dma_start3A_233 = tpu.memref_slice %arg2[%dma_start3A_231, %dma_start3A_232] : memref<10000x128xf32, #tpu.memory_space<hbm>> -> memref<10000x128xf32, #tpu.memory_space<hbm>>
      tpu.enqueue_indirect_dma source(%dma_start3A_233 : memref<10000x128xf32, #tpu.memory_space<hbm>>) target(%arg15 : memref<112x128xf32, #tpu.memory_space<vmem>>) offsets(%dma_start3A_230 : memref<112xi32, #tpu.memory_space<vmem>>) semaphore(%arg21 : memref<!tpu.dma_semaphore, #tpu.memory_space<semaphore_mem>>)
      %dma_start3A_234 = arith.constant 0 : i32
      %dma_start3A_235 = arith.constant 0 : i32
      %dma_start3A_236 = tpu.memref_slice %arg11[%dma_start3A_234, %dma_start3A_235] : memref<2x112xi32, #tpu.memory_space<vmem>> -> memref<1x112xi32, #tpu.memory_space<vmem>>
      %dma_start3A_237 = tpu.memref_squeeze %dma_start3A_236 : memref<1x112xi32, #tpu.memory_space<vmem>> -> memref<112xi32, #tpu.memory_space<vmem>>
      %dma_start3A_238 = arith.constant 0 : i32
      %dma_start3A_239 = arith.constant 0 : i32
      %dma_start3A_240 = tpu.memref_slice %arg3[%dma_start3A_238, %dma_start3A_239] : memref<10000x16xf32, #tpu.memory_space<hbm>> -> memref<10000x16xf32, #tpu.memory_space<hbm>>
      tpu.enqueue_indirect_dma source(%dma_start3A_240 : memref<10000x16xf32, #tpu.memory_space<hbm>>) target(%arg17 : memref<112x16xf32, #tpu.memory_space<vmem>>) offsets(%dma_start3A_237 : memref<112xi32, #tpu.memory_space<vmem>>) semaphore(%arg23 : memref<!tpu.dma_semaphore, #tpu.memory_space<semaphore_mem>>)
      %dma_wait3A_241 = arith.constant 0 : i32
      %dma_wait3A_242 = arith.constant 0 : i32
      %dma_wait3A_243 = tpu.memref_slice %arg2[%dma_wait3A_241, %dma_wait3A_242] : memref<10000x128xf32, #tpu.memory_space<hbm>> -> memref<112x128xf32, #tpu.memory_space<hbm>>
      %dma_wait3A_244 = arith.constant 0 : i32
      %dma_wait3A_245 = arith.constant 0 : i32
      %dma_wait3A_246 = tpu.memref_slice %arg2[%dma_wait3A_244, %dma_wait3A_245] : memref<10000x128xf32, #tpu.memory_space<hbm>> -> memref<112x128xf32, #tpu.memory_space<hbm>>
      tpu.wait_dma2 semaphore(%arg22 : memref<!tpu.dma_semaphore, #tpu.memory_space<semaphore_mem>>) src(%dma_wait3A_246 : memref<112x128xf32, #tpu.memory_space<hbm>>) dst(%arg16 : memref<112x128xf32, #tpu.memory_space<vmem>>)
      %dma_wait3A_247 = arith.constant 0 : i32
      %dma_wait3A_248 = arith.constant 0 : i32
      %dma_wait3A_249 = tpu.memref_slice %arg3[%dma_wait3A_247, %dma_wait3A_248] : memref<10000x16xf32, #tpu.memory_space<hbm>> -> memref<112x16xf32, #tpu.memory_space<hbm>>
      %dma_wait3A_250 = arith.constant 0 : i32
      %dma_wait3A_251 = arith.constant 0 : i32
      %dma_wait3A_252 = tpu.memref_slice %arg3[%dma_wait3A_250, %dma_wait3A_251] : memref<10000x16xf32, #tpu.memory_space<hbm>> -> memref<112x16xf32, #tpu.memory_space<hbm>>
      tpu.wait_dma2 semaphore(%arg24 : memref<!tpu.dma_semaphore, #tpu.memory_space<semaphore_mem>>) src(%dma_wait3A_252 : memref<112x16xf32, #tpu.memory_space<hbm>>) dst(%arg18 : memref<112x16xf32, #tpu.memory_space<vmem>>)
      %get3A_253 = arith.constant 1 : i32
      %get3A_254 = arith.index_cast %get3A_253 : i32 to index
      %get3A_255 = arith.constant 0 : index
      %get3A_256 = tpu.vector_load %arg12[%get3A_254, %get3A_255] {strides = array<i32>} : memref<2x112xi32, #tpu.memory_space<vmem>>, vector<1x16xi32>,
      %get3A_257 = vector.shape_cast %get3A_256 : vector<1x16xi32> to vector<16xi32>
      %swap3A_258 = arith.constant 0 : index
      %swap3A_259 = tpu.vector_load %arg14[%swap3A_258] {strides = array<i32>} : memref<112xi32, #tpu.memory_space<vmem>>, vector<16xi32>,
      %swap3A_260 = vector.shape_cast %swap3A_259 : vector<16xi32> to vector<16xi32>
      %swap3A_261 = vector.shape_cast %get3A_257 : vector<16xi32> to vector<16xi32>
      tpu.vector_store %arg14[%swap3A_258], %swap3A_261 {strides = array<i32>} : memref<112xi32, #tpu.memory_space<vmem>>, vector<16xi32>,
      %get3A_262 = arith.constant 1 : i32
      %get3A_263 = arith.index_cast %get3A_262 : i32 to index
      %get3A_264 = arith.constant 16 : index
      %get3A_265 = tpu.vector_load %arg12[%get3A_263, %get3A_264] {strides = array<i32>} : memref<2x112xi32, #tpu.memory_space<vmem>>, vector<1x16xi32>,
      %get3A_266 = vector.shape_cast %get3A_265 : vector<1x16xi32> to vector<16xi32>
      %swap3A_267 = arith.constant 16 : index
      %swap3A_268 = tpu.vector_load %arg14[%swap3A_267] {strides = array<i32>} : memref<112xi32, #tpu.memory_space<vmem>>, vector<16xi32>,
      %swap3A_269 = vector.shape_cast %swap3A_268 : vector<16xi32> to vector<16xi32>
      %swap3A_270 = vector.shape_cast %get3A_266 : vector<16xi32> to vector<16xi32>
      tpu.vector_store %arg14[%swap3A_267], %swap3A_270 {strides = array<i32>} : memref<112xi32, #tpu.memory_space<vmem>>, vector<16xi32>,
      %get3A_271 = arith.constant 1 : i32
      %get3A_272 = arith.index_cast %get3A_271 : i32 to index
      %get3A_273 = arith.constant 32 : index
      %get3A_274 = tpu.vector_load %arg12[%get3A_272, %get3A_273] {strides = array<i32>} : memref<2x112xi32, #tpu.memory_space<vmem>>, vector<1x16xi32>,
      %get3A_275 = vector.shape_cast %get3A_274 : vector<1x16xi32> to vector<16xi32>
      %swap3A_276 = arith.constant 32 : index
      %swap3A_277 = tpu.vector_load %arg14[%swap3A_276] {strides = array<i32>} : memref<112xi32, #tpu.memory_space<vmem>>, vector<16xi32>,
      %swap3A_278 = vector.shape_cast %swap3A_277 : vector<16xi32> to vector<16xi32>
      %swap3A_279 = vector.shape_cast %get3A_275 : vector<16xi32> to vector<16xi32>
      tpu.vector_store %arg14[%swap3A_276], %swap3A_279 {strides = array<i32>} : memref<112xi32, #tpu.memory_space<vmem>>, vector<16xi32>,
      %get3A_280 = arith.constant 1 : i32
      %get3A_281 = arith.index_cast %get3A_280 : i32 to index
      %get3A_282 = arith.constant 48 : index
      %get3A_283 = tpu.vector_load %arg12[%get3A_281, %get3A_282] {strides = array<i32>} : memref<2x112xi32, #tpu.memory_space<vmem>>, vector<1x16xi32>,
      %get3A_284 = vector.shape_cast %get3A_283 : vector<1x16xi32> to vector<16xi32>
      %swap3A_285 = arith.constant 48 : index
      %swap3A_286 = tpu.vector_load %arg14[%swap3A_285] {strides = array<i32>} : memref<112xi32, #tpu.memory_space<vmem>>, vector<16xi32>,
      %swap3A_287 = vector.shape_cast %swap3A_286 : vector<16xi32> to vector<16xi32>
      %swap3A_288 = vector.shape_cast %get3A_284 : vector<16xi32> to vector<16xi32>
      tpu.vector_store %arg14[%swap3A_285], %swap3A_288 {strides = array<i32>} : memref<112xi32, #tpu.memory_space<vmem>>, vector<16xi32>,
      %get3A_289 = arith.constant 1 : i32
      %get3A_290 = arith.index_cast %get3A_289 : i32 to index
      %get3A_291 = arith.constant 64 : index
      %get3A_292 = tpu.vector_load %arg12[%get3A_290, %get3A_291] {strides = array<i32>} : memref<2x112xi32, #tpu.memory_space<vmem>>, vector<1x16xi32>,
      %get3A_293 = vector.shape_cast %get3A_292 : vector<1x16xi32> to vector<16xi32>
      %swap3A_294 = arith.constant 64 : index
      %swap3A_295 = tpu.vector_load %arg14[%swap3A_294] {strides = array<i32>} : memref<112xi32, #tpu.memory_space<vmem>>, vector<16xi32>,
      %swap3A_296 = vector.shape_cast %swap3A_295 : vector<16xi32> to vector<16xi32>
      %swap3A_297 = vector.shape_cast %get3A_293 : vector<16xi32> to vector<16xi32>
      tpu.vector_store %arg14[%swap3A_294], %swap3A_297 {strides = array<i32>} : memref<112xi32, #tpu.memory_space<vmem>>, vector<16xi32>,
      %get3A_298 = arith.constant 1 : i32
      %get3A_299 = arith.index_cast %get3A_298 : i32 to index
      %get3A_300 = arith.constant 80 : index
      %get3A_301 = tpu.vector_load %arg12[%get3A_299, %get3A_300] {strides = array<i32>} : memref<2x112xi32, #tpu.memory_space<vmem>>, vector<1x16xi32>,
      %get3A_302 = vector.shape_cast %get3A_301 : vector<1x16xi32> to vector<16xi32>
      %swap3A_303 = arith.constant 80 : index
      %swap3A_304 = tpu.vector_load %arg14[%swap3A_303] {strides = array<i32>} : memref<112xi32, #tpu.memory_space<vmem>>, vector<16xi32>,
      %swap3A_305 = vector.shape_cast %swap3A_304 : vector<16xi32> to vector<16xi32>
      %swap3A_306 = vector.shape_cast %get3A_302 : vector<16xi32> to vector<16xi32>
      tpu.vector_store %arg14[%swap3A_303], %swap3A_306 {strides = array<i32>} : memref<112xi32, #tpu.memory_space<vmem>>, vector<16xi32>,
      %get3A_307 = arith.constant 1 : i32
      %get3A_308 = arith.index_cast %get3A_307 : i32 to index
      %get3A_309 = arith.constant 96 : index
      %get3A_310 = tpu.vector_load %arg12[%get3A_308, %get3A_309] {strides = array<i32>} : memref<2x112xi32, #tpu.memory_space<vmem>>, vector<1x16xi32>,
      %get3A_311 = vector.shape_cast %get3A_310 : vector<1x16xi32> to vector<16xi32>
      %swap3A_312 = arith.constant 96 : index
      %swap3A_313 = tpu.vector_load %arg14[%swap3A_312] {strides = array<i32>} : memref<112xi32, #tpu.memory_space<vmem>>, vector<16xi32>,
      %swap3A_314 = vector.shape_cast %swap3A_313 : vector<16xi32> to vector<16xi32>
      %swap3A_315 = vector.shape_cast %get3A_311 : vector<16xi32> to vector<16xi32>
      tpu.vector_store %arg14[%swap3A_312], %swap3A_315 {strides = array<i32>} : memref<112xi32, #tpu.memory_space<vmem>>, vector<16xi32>,
      %dma_start3A_316 = arith.constant 0 : i32
      %dma_start3A_317 = arith.constant 0 : i32
      %dma_start3A_318 = tpu.memref_slice %arg9[%dma_start3A_316, %dma_start3A_317] : memref<10016x128xf32, #tpu.memory_space<vmem_shared>> -> memref<10016x128xf32, #tpu.memory_space<vmem_shared>>
      tpu.enqueue_indirect_dma source(%arg16 : memref<112x128xf32, #tpu.memory_space<vmem>>) target(%dma_start3A_318 : memref<10016x128xf32, #tpu.memory_space<vmem_shared>>) offsets(%arg14 : memref<112xi32, #tpu.memory_space<vmem>>) semaphore(%arg26 : memref<!tpu.dma_semaphore, #tpu.memory_space<semaphore_mem>>) {add = true}
      %dma_start3A_319 = arith.constant 0 : i32
      %dma_start3A_320 = arith.constant 0 : i32
      %dma_start3A_321 = tpu.memref_slice %arg10[%dma_start3A_319, %dma_start3A_320] : memref<10016x16xf32, #tpu.memory_space<vmem_shared>> -> memref<10016x16xf32, #tpu.memory_space<vmem_shared>>
      tpu.enqueue_indirect_dma source(%arg18 : memref<112x16xf32, #tpu.memory_space<vmem>>) target(%dma_start3A_321 : memref<10016x16xf32, #tpu.memory_space<vmem_shared>>) offsets(%arg14 : memref<112xi32, #tpu.memory_space<vmem>>) semaphore(%arg28 : memref<!tpu.dma_semaphore, #tpu.memory_space<semaphore_mem>>) {add = true}
      %add3A_322 = arith.constant 2 : i32
      %add3A_323 = arith.addi %add3A_204, %add3A_322 : i32
      %min3A_324 = arith.constant 89 : i32
      %min3A_325 = arith.minsi %add3A_323, %min3A_324 : i32
      %dma_start3A_326 = arith.constant 0 : i32
      %dma_start3A_327 = arith.constant 0 : i32
      %dma_start3A_328 = tpu.memref_slice %arg4[%add3A, %min3A_325, %dma_start3A_326, %dma_start3A_327] : memref<32x90x2x112xi32, #tpu.memory_space<hbm>> -> memref<1x1x2x112xi32, #tpu.memory_space<hbm>>
      %dma_start3A_329 = tpu.memref_squeeze %dma_start3A_328 : memref<1x1x2x112xi32, #tpu.memory_space<hbm>> -> memref<2x112xi32, #tpu.memory_space<hbm>>
      %dma_start3A_330 = arith.constant 0 : i32
      %dma_start3A_331 = arith.constant 0 : i32
      %dma_start3A_332 = tpu.memref_slice %arg4[%add3A, %min3A_325, %dma_start3A_330, %dma_start3A_331] : memref<32x90x2x112xi32, #tpu.memory_space<hbm>> -> memref<1x1x2x112xi32, #tpu.memory_space<hbm>>
      %dma_start3A_333 = tpu.memref_squeeze %dma_start3A_332 : memref<1x1x2x112xi32, #tpu.memory_space<hbm>> -> memref<2x112xi32, #tpu.memory_space<hbm>>
      tpu.enqueue_dma source(%dma_start3A_333 : memref<2x112xi32, #tpu.memory_space<hbm>>) target(%arg12 : memref<2x112xi32, #tpu.memory_space<vmem>>) target_semaphore(%arg20 : memref<!tpu.dma_semaphore, #tpu.memory_space<semaphore_mem>>)
    }
    %scan3A_33 = arith.constant 45 : i32
    %dma_wait3A = arith.constant 0 : i32
    %dma_wait3A_34 = arith.constant 0 : i32
    %dma_wait3A_35 = arith.constant 0 : i32
    %dma_wait3A_36 = arith.constant 0 : i32
    %dma_wait3A_37 = tpu.memref_slice %arg4[%dma_wait3A, %dma_wait3A_34, %dma_wait3A_35, %dma_wait3A_36] : memref<32x90x2x112xi32, #tpu.memory_space<hbm>> -> memref<1x1x2x112xi32, #tpu.memory_space<hbm>>
    %dma_wait3A_38 = tpu.memref_squeeze %dma_wait3A_37 : memref<1x1x2x112xi32, #tpu.memory_space<hbm>> -> memref<2x112xi32, #tpu.memory_space<hbm>>
    %dma_wait3A_39 = arith.constant 0 : i32
    %dma_wait3A_40 = arith.constant 0 : i32
    %dma_wait3A_41 = tpu.memref_slice %arg4[%dma_wait3A, %dma_wait3A_34, %dma_wait3A_39, %dma_wait3A_40] : memref<32x90x2x112xi32, #tpu.memory_space<hbm>> -> memref<1x1x2x112xi32, #tpu.memory_space<hbm>>
    %dma_wait3A_42 = tpu.memref_squeeze %dma_wait3A_41 : memref<1x1x2x112xi32, #tpu.memory_space<hbm>> -> memref<2x112xi32, #tpu.memory_space<hbm>>
    tpu.wait_dma2 semaphore(%arg20 : memref<!tpu.dma_semaphore, #tpu.memory_space<semaphore_mem>>) src(%dma_wait3A_42 : memref<2x112xi32, #tpu.memory_space<hbm>>) dst(%arg12 : memref<2x112xi32, #tpu.memory_space<vmem>>)
    %dma_wait3A_43 = arith.constant 0 : i32
    %dma_wait3A_44 = arith.constant 0 : i32
    %dma_wait3A_45 = tpu.memref_slice %arg2[%dma_wait3A_43, %dma_wait3A_44] : memref<10000x128xf32, #tpu.memory_space<hbm>> -> memref<112x128xf32, #tpu.memory_space<hbm>>
    %dma_wait3A_46 = arith.constant 0 : i32
    %dma_wait3A_47 = arith.constant 0 : i32
    %dma_wait3A_48 = tpu.memref_slice %arg2[%dma_wait3A_46, %dma_wait3A_47] : memref<10000x128xf32, #tpu.memory_space<hbm>> -> memref<112x128xf32, #tpu.memory_space<hbm>>
    tpu.wait_dma2 semaphore(%arg21 : memref<!tpu.dma_semaphore, #tpu.memory_space<semaphore_mem>>) src(%dma_wait3A_48 : memref<112x128xf32, #tpu.memory_space<hbm>>) dst(%arg15 : memref<112x128xf32, #tpu.memory_space<vmem>>)
    %dma_wait3A_49 = arith.constant 0 : i32
    %dma_wait3A_50 = arith.constant 0 : i32
    %dma_wait3A_51 = tpu.memref_slice %arg3[%dma_wait3A_49, %dma_wait3A_50] : memref<10000x16xf32, #tpu.memory_space<hbm>> -> memref<112x16xf32, #tpu.memory_space<hbm>>
    %dma_wait3A_52 = arith.constant 0 : i32
    %dma_wait3A_53 = arith.constant 0 : i32
    %dma_wait3A_54 = tpu.memref_slice %arg3[%dma_wait3A_52, %dma_wait3A_53] : memref<10000x16xf32, #tpu.memory_space<hbm>> -> memref<112x16xf32, #tpu.memory_space<hbm>>
    tpu.wait_dma2 semaphore(%arg23 : memref<!tpu.dma_semaphore, #tpu.memory_space<semaphore_mem>>) src(%dma_wait3A_54 : memref<112x16xf32, #tpu.memory_space<hbm>>) dst(%arg17 : memref<112x16xf32, #tpu.memory_space<vmem>>)
    %dma_wait3A_55 = arith.constant 0 : i32
    %dma_wait3A_56 = arith.constant 0 : i32
    %dma_wait3A_57 = tpu.memref_slice %arg9[%dma_wait3A_55, %dma_wait3A_56] : memref<10016x128xf32, #tpu.memory_space<vmem_shared>> -> memref<112x128xf32, #tpu.memory_space<vmem_shared>>
    %dma_wait3A_58 = arith.constant 0 : i32
    %dma_wait3A_59 = arith.constant 0 : i32
    %dma_wait3A_60 = tpu.memref_slice %arg9[%dma_wait3A_58, %dma_wait3A_59] : memref<10016x128xf32, #tpu.memory_space<vmem_shared>> -> memref<112x128xf32, #tpu.memory_space<vmem_shared>>
    tpu.wait_dma2 semaphore(%arg26 : memref<!tpu.dma_semaphore, #tpu.memory_space<semaphore_mem>>) src(%arg16 : memref<112x128xf32, #tpu.memory_space<vmem>>) dst(%dma_wait3A_60 : memref<112x128xf32, #tpu.memory_space<vmem_shared>>)
    %dma_wait3A_61 = arith.constant 0 : i32
    %dma_wait3A_62 = arith.constant 0 : i32
    %dma_wait3A_63 = tpu.memref_slice %arg10[%dma_wait3A_61, %dma_wait3A_62] : memref<10016x16xf32, #tpu.memory_space<vmem_shared>> -> memref<112x16xf32, #tpu.memory_space<vmem_shared>>
    %dma_wait3A_64 = arith.constant 0 : i32
    %dma_wait3A_65 = arith.constant 0 : i32
    %dma_wait3A_66 = tpu.memref_slice %arg10[%dma_wait3A_64, %dma_wait3A_65] : memref<10016x16xf32, #tpu.memory_space<vmem_shared>> -> memref<112x16xf32, #tpu.memory_space<vmem_shared>>
    tpu.wait_dma2 semaphore(%arg28 : memref<!tpu.dma_semaphore, #tpu.memory_space<semaphore_mem>>) src(%arg18 : memref<112x16xf32, #tpu.memory_space<vmem>>) dst(%dma_wait3A_66 : memref<112x16xf32, #tpu.memory_space<vmem_shared>>)
    %barrier3A_67 = arith.constant 0 : index
    tpu.barrier barrier_id(%barrier3A_67)
    %lt3A_68 = arith.constant 15 : i32
    %lt3A_69 = arith.cmpi slt, %arg1, %lt3A_68 : i32
    %convert_element_type3A_70 = arith.extui %lt3A_69 : i1 to i32
    %cond3A_71 = arith.constant 0 : i32
    %cond3A_72 = arith.cmpi ne, %convert_element_type3A_70, %cond3A_71 : i32
    scf.if %cond3A_72 {
      %mul3A_78 = arith.constant 624 : i32
      %mul3A_79 = arith.muli %arg1, %mul3A_78 : i32
      %multiple_of3A = tpu.assume_multiple %mul3A_79, 8 : i32
      %mul3A_80 = arith.constant 10000 : i32
      %mul3A_81 = arith.muli %arg0, %mul3A_80 : i32
      %add3A_82 = arith.addi %mul3A_81, %multiple_of3A : i32
      %multiple_of3A_83 = tpu.assume_multiple %add3A_82, 8 : i32
      "tpu.region"() ({
        %run_scoped3A_84 = tpu.sem_alloc : memref<!tpu.dma_semaphore, #tpu.memory_space<semaphore_mem>>
        %dma_start3A_85 = arith.constant 0 : i32
        %dma_start3A_86 = tpu.memref_slice %arg7[%multiple_of3A_83, %dma_start3A_85] : memref<20000x128xf32, #tpu.memory_space<hbm>> -> memref<624x128xf32, #tpu.memory_space<hbm>>
        %dma_start3A_87 = arith.constant 0 : i32
        %dma_start3A_88 = tpu.memref_slice %arg9[%multiple_of3A, %dma_start3A_87] : memref<10016x128xf32, #tpu.memory_space<vmem_shared>> -> memref<624x128xf32, #tpu.memory_space<vmem_shared>>
        tpu.enqueue_dma source(%dma_start3A_88 : memref<624x128xf32, #tpu.memory_space<vmem_shared>>) target(%dma_start3A_86 : memref<624x128xf32, #tpu.memory_space<hbm>>) target_semaphore(%run_scoped3A_84 : memref<!tpu.dma_semaphore, #tpu.memory_space<semaphore_mem>>)
        %dma_wait3A_89 = arith.constant 0 : i32
        %dma_wait3A_90 = tpu.memref_slice %arg7[%multiple_of3A_83, %dma_wait3A_89] : memref<20000x128xf32, #tpu.memory_space<hbm>> -> memref<624x128xf32, #tpu.memory_space<hbm>>
        %dma_wait3A_91 = arith.constant 0 : i32
        %dma_wait3A_92 = tpu.memref_slice %arg9[%multiple_of3A, %dma_wait3A_91] : memref<10016x128xf32, #tpu.memory_space<vmem_shared>> -> memref<624x128xf32, #tpu.memory_space<vmem_shared>>
        tpu.wait_dma2 semaphore(%run_scoped3A_84 : memref<!tpu.dma_semaphore, #tpu.memory_space<semaphore_mem>>) src(%dma_wait3A_92 : memref<624x128xf32, #tpu.memory_space<vmem_shared>>) dst(%dma_wait3A_90 : memref<624x128xf32, #tpu.memory_space<hbm>>)
        tpu.yield
      }) : () -> ()
      "tpu.region"() ({
        %run_scoped3A_84 = tpu.sem_alloc : memref<!tpu.dma_semaphore, #tpu.memory_space<semaphore_mem>>
        %dma_start3A_85 = arith.constant 0 : i32
        %dma_start3A_86 = tpu.memref_slice %arg8[%multiple_of3A_83, %dma_start3A_85] : memref<20000x16xf32, #tpu.memory_space<hbm>> -> memref<624x16xf32, #tpu.memory_space<hbm>>
        %dma_start3A_87 = arith.constant 0 : i32
        %dma_start3A_88 = tpu.memref_slice %arg10[%multiple_of3A, %dma_start3A_87] : memref<10016x16xf32, #tpu.memory_space<vmem_shared>> -> memref<624x16xf32, #tpu.memory_space<vmem_shared>>
        tpu.enqueue_dma source(%dma_start3A_88 : memref<624x16xf32, #tpu.memory_space<vmem_shared>>) target(%dma_start3A_86 : memref<624x16xf32, #tpu.memory_space<hbm>>) target_semaphore(%run_scoped3A_84 : memref<!tpu.dma_semaphore, #tpu.memory_space<semaphore_mem>>)
        %dma_wait3A_89 = arith.constant 0 : i32
        %dma_wait3A_90 = tpu.memref_slice %arg8[%multiple_of3A_83, %dma_wait3A_89] : memref<20000x16xf32, #tpu.memory_space<hbm>> -> memref<624x16xf32, #tpu.memory_space<hbm>>
        %dma_wait3A_91 = arith.constant 0 : i32
        %dma_wait3A_92 = tpu.memref_slice %arg10[%multiple_of3A, %dma_wait3A_91] : memref<10016x16xf32, #tpu.memory_space<vmem_shared>> -> memref<624x16xf32, #tpu.memory_space<vmem_shared>>
        tpu.wait_dma2 semaphore(%run_scoped3A_84 : memref<!tpu.dma_semaphore, #tpu.memory_space<semaphore_mem>>) src(%dma_wait3A_92 : memref<624x16xf32, #tpu.memory_space<vmem_shared>>) dst(%dma_wait3A_90 : memref<624x16xf32, #tpu.memory_space<hbm>>)
        tpu.yield
      }) : () -> ()
    } else {
    }
    %eq3A_73 = arith.constant 15 : i32
    %eq3A_74 = arith.cmpi eq, %arg1, %eq3A_73 : i32
    %convert_element_type3A_75 = arith.extui %eq3A_74 : i1 to i32
    %cond3A_76 = arith.constant 0 : i32
    %cond3A_77 = arith.cmpi ne, %convert_element_type3A_75, %cond3A_76 : i32
    scf.if %cond3A_77 {
      %mul3A_78 = arith.constant 10000 : i32
      %mul3A_79 = arith.muli %arg0, %mul3A_78 : i32
      %add3A_80 = arith.constant 9360 : i32
      %add3A_81 = arith.addi %mul3A_79, %add3A_80 : i32
      %multiple_of3A = tpu.assume_multiple %add3A_81, 8 : i32
      "tpu.region"() ({
        %run_scoped3A_82 = tpu.sem_alloc : memref<!tpu.dma_semaphore, #tpu.memory_space<semaphore_mem>>
        %dma_start3A_83 = arith.constant 0 : i32
        %dma_start3A_84 = tpu.memref_slice %arg7[%multiple_of3A, %dma_start3A_83] : memref<20000x128xf32, #tpu.memory_space<hbm>> -> memref<640x128xf32, #tpu.memory_space<hbm>>
        %dma_start3A_85 = arith.constant 9360 : i32
        %dma_start3A_86 = arith.constant 0 : i32
        %dma_start3A_87 = tpu.memref_slice %arg9[%dma_start3A_85, %dma_start3A_86] : memref<10016x128xf32, #tpu.memory_space<vmem_shared>> -> memref<640x128xf32, #tpu.memory_space<vmem_shared>>
        tpu.enqueue_dma source(%dma_start3A_87 : memref<640x128xf32, #tpu.memory_space<vmem_shared>>) target(%dma_start3A_84 : memref<640x128xf32, #tpu.memory_space<hbm>>) target_semaphore(%run_scoped3A_82 : memref<!tpu.dma_semaphore, #tpu.memory_space<semaphore_mem>>)
        %dma_wait3A_88 = arith.constant 0 : i32
        %dma_wait3A_89 = tpu.memref_slice %arg7[%multiple_of3A, %dma_wait3A_88] : memref<20000x128xf32, #tpu.memory_space<hbm>> -> memref<640x128xf32, #tpu.memory_space<hbm>>
        %dma_wait3A_90 = arith.constant 9360 : i32
        %dma_wait3A_91 = arith.constant 0 : i32
        %dma_wait3A_92 = tpu.memref_slice %arg9[%dma_wait3A_90, %dma_wait3A_91] : memref<10016x128xf32, #tpu.memory_space<vmem_shared>> -> memref<640x128xf32, #tpu.memory_space<vmem_shared>>
        tpu.wait_dma2 semaphore(%run_scoped3A_82 : memref<!tpu.dma_semaphore, #tpu.memory_space<semaphore_mem>>) src(%dma_wait3A_92 : memref<640x128xf32, #tpu.memory_space<vmem_shared>>) dst(%dma_wait3A_89 : memref<640x128xf32, #tpu.memory_space<hbm>>)
        tpu.yield
      }) : () -> ()
      "tpu.region"() ({
        %run_scoped3A_82 = tpu.sem_alloc : memref<!tpu.dma_semaphore, #tpu.memory_space<semaphore_mem>>
        %dma_start3A_83 = arith.constant 0 : i32
        %dma_start3A_84 = tpu.memref_slice %arg8[%multiple_of3A, %dma_start3A_83] : memref<20000x16xf32, #tpu.memory_space<hbm>> -> memref<640x16xf32, #tpu.memory_space<hbm>>
        %dma_start3A_85 = arith.constant 9360 : i32
        %dma_start3A_86 = arith.constant 0 : i32
        %dma_start3A_87 = tpu.memref_slice %arg10[%dma_start3A_85, %dma_start3A_86] : memref<10016x16xf32, #tpu.memory_space<vmem_shared>> -> memref<640x16xf32, #tpu.memory_space<vmem_shared>>
        tpu.enqueue_dma source(%dma_start3A_87 : memref<640x16xf32, #tpu.memory_space<vmem_shared>>) target(%dma_start3A_84 : memref<640x16xf32, #tpu.memory_space<hbm>>) target_semaphore(%run_scoped3A_82 : memref<!tpu.dma_semaphore, #tpu.memory_space<semaphore_mem>>)
        %dma_wait3A_88 = arith.constant 0 : i32
        %dma_wait3A_89 = tpu.memref_slice %arg8[%multiple_of3A, %dma_wait3A_88] : memref<20000x16xf32, #tpu.memory_space<hbm>> -> memref<640x16xf32, #tpu.memory_space<hbm>>
        %dma_wait3A_90 = arith.constant 9360 : i32
        %dma_wait3A_91 = arith.constant 0 : i32
        %dma_wait3A_92 = tpu.memref_slice %arg10[%dma_wait3A_90, %dma_wait3A_91] : memref<10016x16xf32, #tpu.memory_space<vmem_shared>> -> memref<640x16xf32, #tpu.memory_space<vmem_shared>>
        tpu.wait_dma2 semaphore(%run_scoped3A_82 : memref<!tpu.dma_semaphore, #tpu.memory_space<semaphore_mem>>) src(%dma_wait3A_92 : memref<640x16xf32, #tpu.memory_space<vmem_shared>>) dst(%dma_wait3A_89 : memref<640x16xf32, #tpu.memory_space<hbm>>)
        tpu.yield
      }) : () -> ()
    } else {
    }
    return
  }
}

#map = affine_map<(d0, d1) -> (0, 0, 0, 0)>
#map1 = affine_map<(d0, d1) -> (0, 0)>
module attributes {stable_mosaic.version = 14 : i64} {
  func.func @body(%arg0: i32, %arg1: i32, %arg2: memref<32x90x2x112xi32, #tpu.memory_space<hbm>>, %arg3: memref<10016x16xf32, #tpu.memory_space<hbm>>, %arg4: memref<20000x16xf32, #tpu.memory_space<hbm>>, %arg5: memref<10016x16xf32, #tpu.memory_space<vmem_shared>>, %arg6: memref<2x112xi32, #tpu.memory_space<vmem>>, %arg7: memref<2x112xi32, #tpu.memory_space<vmem>>, %arg8: memref<112x16xf32, #tpu.memory_space<vmem>>, %arg9: memref<!tpu.dma_semaphore, #tpu.memory_space<semaphore_mem>>, %arg10: memref<!tpu.dma_semaphore, #tpu.memory_space<semaphore_mem>>) attributes {dimension_semantics = [#tpu.dimension_semantics<core_parallel>, #tpu.dimension_semantics<subcore_parallel>], iteration_bounds = array<i64: 2, 16>, scalar_prefetch = 0 : i64, scratch_operands = 6 : i64, tpu.core_type = #tpu.core_type<sc_vector_subcore>, window_params = [{transform_indices = #map}, {transform_indices = #map1}, {transform_indices = #map1}]} {
    %mul3A = arith.constant 16 : i32
    %mul3A_0 = arith.muli %arg0, %mul3A : i32
    %add3A = arith.addi %mul3A_0, %arg1 : i32
    %lt3A = arith.constant 15 : i32
    %lt3A_1 = arith.cmpi slt, %arg1, %lt3A : i32
    %convert_element_type3A = arith.extui %lt3A_1 : i1 to i32
    %cond3A = arith.constant 0 : i32
    %cond3A_2 = arith.cmpi ne, %convert_element_type3A, %cond3A : i32
    scf.if %cond3A_2 {
      %mul3A_46 = arith.constant 624 : i32
      %mul3A_47 = arith.muli %arg1, %mul3A_46 : i32
      %multiple_of3A = tpu.assume_multiple %mul3A_47, 8 : i32
      "tpu.region"() ({
        %run_scoped3A_48 = tpu.sem_alloc : memref<!tpu.dma_semaphore, #tpu.memory_space<semaphore_mem>>
        %dma_start3A_49 = arith.constant 0 : i32
        %dma_start3A_50 = tpu.memref_slice %arg5[%multiple_of3A, %dma_start3A_49] : memref<10016x16xf32, #tpu.memory_space<vmem_shared>> -> memref<624x16xf32, #tpu.memory_space<vmem_shared>>
        %dma_start3A_51 = arith.constant 0 : i32
        %dma_start3A_52 = tpu.memref_slice %arg3[%multiple_of3A, %dma_start3A_51] : memref<10016x16xf32, #tpu.memory_space<hbm>> -> memref<624x16xf32, #tpu.memory_space<hbm>>
        tpu.enqueue_dma source(%dma_start3A_52 : memref<624x16xf32, #tpu.memory_space<hbm>>) target(%dma_start3A_50 : memref<624x16xf32, #tpu.memory_space<vmem_shared>>) target_semaphore(%run_scoped3A_48 : memref<!tpu.dma_semaphore, #tpu.memory_space<semaphore_mem>>)
        %dma_wait3A_53 = arith.constant 0 : i32
        %dma_wait3A_54 = tpu.memref_slice %arg5[%multiple_of3A, %dma_wait3A_53] : memref<10016x16xf32, #tpu.memory_space<vmem_shared>> -> memref<624x16xf32, #tpu.memory_space<vmem_shared>>
        %dma_wait3A_55 = arith.constant 0 : i32
        %dma_wait3A_56 = tpu.memref_slice %arg3[%multiple_of3A, %dma_wait3A_55] : memref<10016x16xf32, #tpu.memory_space<hbm>> -> memref<624x16xf32, #tpu.memory_space<hbm>>
        tpu.wait_dma2 semaphore(%run_scoped3A_48 : memref<!tpu.dma_semaphore, #tpu.memory_space<semaphore_mem>>) src(%dma_wait3A_56 : memref<624x16xf32, #tpu.memory_space<hbm>>) dst(%dma_wait3A_54 : memref<624x16xf32, #tpu.memory_space<vmem_shared>>)
        tpu.yield
      }) : () -> ()
    } else {
    }
    %eq3A = arith.constant 15 : i32
    %eq3A_3 = arith.cmpi eq, %arg1, %eq3A : i32
    %convert_element_type3A_4 = arith.extui %eq3A_3 : i1 to i32
    %cond3A_5 = arith.constant 0 : i32
    %cond3A_6 = arith.cmpi ne, %convert_element_type3A_4, %cond3A_5 : i32
    scf.if %cond3A_6 {
      "tpu.region"() ({
        %run_scoped3A_46 = tpu.sem_alloc : memref<!tpu.dma_semaphore, #tpu.memory_space<semaphore_mem>>
        %dma_start3A_47 = arith.constant 9360 : i32
        %dma_start3A_48 = arith.constant 0 : i32
        %dma_start3A_49 = tpu.memref_slice %arg5[%dma_start3A_47, %dma_start3A_48] : memref<10016x16xf32, #tpu.memory_space<vmem_shared>> -> memref<656x16xf32, #tpu.memory_space<vmem_shared>>
        %dma_start3A_50 = arith.constant 9360 : i32
        %dma_start3A_51 = arith.constant 0 : i32
        %dma_start3A_52 = tpu.memref_slice %arg3[%dma_start3A_50, %dma_start3A_51] : memref<10016x16xf32, #tpu.memory_space<hbm>> -> memref<656x16xf32, #tpu.memory_space<hbm>>
        tpu.enqueue_dma source(%dma_start3A_52 : memref<656x16xf32, #tpu.memory_space<hbm>>) target(%dma_start3A_49 : memref<656x16xf32, #tpu.memory_space<vmem_shared>>) target_semaphore(%run_scoped3A_46 : memref<!tpu.dma_semaphore, #tpu.memory_space<semaphore_mem>>)
        %dma_wait3A_53 = arith.constant 9360 : i32
        %dma_wait3A_54 = arith.constant 0 : i32
        %dma_wait3A_55 = tpu.memref_slice %arg5[%dma_wait3A_53, %dma_wait3A_54] : memref<10016x16xf32, #tpu.memory_space<vmem_shared>> -> memref<656x16xf32, #tpu.memory_space<vmem_shared>>
        %dma_wait3A_56 = arith.constant 9360 : i32
        %dma_wait3A_57 = arith.constant 0 : i32
        %dma_wait3A_58 = tpu.memref_slice %arg3[%dma_wait3A_56, %dma_wait3A_57] : memref<10016x16xf32, #tpu.memory_space<hbm>> -> memref<656x16xf32, #tpu.memory_space<hbm>>
        tpu.wait_dma2 semaphore(%run_scoped3A_46 : memref<!tpu.dma_semaphore, #tpu.memory_space<semaphore_mem>>) src(%dma_wait3A_58 : memref<656x16xf32, #tpu.memory_space<hbm>>) dst(%dma_wait3A_55 : memref<656x16xf32, #tpu.memory_space<vmem_shared>>)
        tpu.yield
      }) : () -> ()
    } else {
    }
    %scan3A = arith.constant 0 : i32
    %scan3A_7 = arith.constant 0 : i32
    %scan3A_8 = arith.constant 112 : i32
    %scan3A_9 = arith.addi %scan3A_7, %scan3A_8 : i32
    %scan3A_10 = arith.constant 1 : i32
    scf.for %scan3A_46 = %scan3A_7 to %scan3A_9 step %scan3A_10  : i32 {
      %broadcast_in_dim3A = arith.constant 1.000000e+00 : f32
      %broadcast_in_dim3A_47 = vector.broadcast %broadcast_in_dim3A : f32 to vector<16xf32>
      %swap3A = arith.index_cast %scan3A_46 : i32 to index
      %swap3A_48 = arith.constant 0 : index
      %swap3A_49 = tpu.vector_load %arg8[%swap3A, %swap3A_48] {strides = array<i32>} : memref<112x16xf32, #tpu.memory_space<vmem>>, vector<1x16xf32>,
      %swap3A_50 = vector.shape_cast %swap3A_49 : vector<1x16xf32> to vector<16xf32>
      %swap3A_51 = vector.shape_cast %broadcast_in_dim3A_47 : vector<16xf32> to vector<1x16xf32>
      tpu.vector_store %arg8[%swap3A, %swap3A_48], %swap3A_51 {strides = array<i32>} : memref<112x16xf32, #tpu.memory_space<vmem>>, vector<1x16xf32>,
    }
    %scan3A_11 = arith.constant 112 : i32
    %barrier3A = arith.constant 0 : index
    tpu.barrier barrier_id(%barrier3A)
    %run_scoped3A = arith.constant 0 : i32
    "tpu.region"() ({
      %run_scoped3A_46 = tpu.sem_alloc : memref<!tpu.dma_semaphore, #tpu.memory_space<semaphore_mem>>
      %dma_start3A_47 = arith.constant 0 : i32
      %dma_start3A_48 = arith.constant 0 : i32
      %dma_start3A_49 = tpu.memref_slice %arg2[%add3A, %run_scoped3A, %dma_start3A_47, %dma_start3A_48] : memref<32x90x2x112xi32, #tpu.memory_space<hbm>> -> memref<1x1x2x112xi32, #tpu.memory_space<hbm>>
      %dma_start3A_50 = tpu.memref_squeeze %dma_start3A_49 : memref<1x1x2x112xi32, #tpu.memory_space<hbm>> -> memref<2x112xi32, #tpu.memory_space<hbm>>
      %dma_start3A_51 = arith.constant 0 : i32
      %dma_start3A_52 = arith.constant 0 : i32
      %dma_start3A_53 = tpu.memref_slice %arg2[%add3A, %run_scoped3A, %dma_start3A_51, %dma_start3A_52] : memref<32x90x2x112xi32, #tpu.memory_space<hbm>> -> memref<1x1x2x112xi32, #tpu.memory_space<hbm>>
      %dma_start3A_54 = tpu.memref_squeeze %dma_start3A_53 : memref<1x1x2x112xi32, #tpu.memory_space<hbm>> -> memref<2x112xi32, #tpu.memory_space<hbm>>
      tpu.enqueue_dma source(%dma_start3A_54 : memref<2x112xi32, #tpu.memory_space<hbm>>) target(%arg6 : memref<2x112xi32, #tpu.memory_space<vmem>>) target_semaphore(%run_scoped3A_46 : memref<!tpu.dma_semaphore, #tpu.memory_space<semaphore_mem>>)
      %dma_wait3A_55 = arith.constant 0 : i32
      %dma_wait3A_56 = arith.constant 0 : i32
      %dma_wait3A_57 = tpu.memref_slice %arg2[%add3A, %run_scoped3A, %dma_wait3A_55, %dma_wait3A_56] : memref<32x90x2x112xi32, #tpu.memory_space<hbm>> -> memref<1x1x2x112xi32, #tpu.memory_space<hbm>>
      %dma_wait3A_58 = tpu.memref_squeeze %dma_wait3A_57 : memref<1x1x2x112xi32, #tpu.memory_space<hbm>> -> memref<2x112xi32, #tpu.memory_space<hbm>>
      %dma_wait3A_59 = arith.constant 0 : i32
      %dma_wait3A_60 = arith.constant 0 : i32
      %dma_wait3A_61 = tpu.memref_slice %arg2[%add3A, %run_scoped3A, %dma_wait3A_59, %dma_wait3A_60] : memref<32x90x2x112xi32, #tpu.memory_space<hbm>> -> memref<1x1x2x112xi32, #tpu.memory_space<hbm>>
      %dma_wait3A_62 = tpu.memref_squeeze %dma_wait3A_61 : memref<1x1x2x112xi32, #tpu.memory_space<hbm>> -> memref<2x112xi32, #tpu.memory_space<hbm>>
      tpu.wait_dma2 semaphore(%run_scoped3A_46 : memref<!tpu.dma_semaphore, #tpu.memory_space<semaphore_mem>>) src(%dma_wait3A_62 : memref<2x112xi32, #tpu.memory_space<hbm>>) dst(%arg6 : memref<2x112xi32, #tpu.memory_space<vmem>>)
      tpu.yield
    }) : () -> ()
    %dma_start3A = arith.constant 1 : i32
    %dma_start3A_12 = arith.constant 0 : i32
    %dma_start3A_13 = arith.constant 0 : i32
    %dma_start3A_14 = tpu.memref_slice %arg2[%add3A, %dma_start3A, %dma_start3A_12, %dma_start3A_13] : memref<32x90x2x112xi32, #tpu.memory_space<hbm>> -> memref<1x1x2x112xi32, #tpu.memory_space<hbm>>
    %dma_start3A_15 = tpu.memref_squeeze %dma_start3A_14 : memref<1x1x2x112xi32, #tpu.memory_space<hbm>> -> memref<2x112xi32, #tpu.memory_space<hbm>>
    %dma_start3A_16 = arith.constant 0 : i32
    %dma_start3A_17 = arith.constant 0 : i32
    %dma_start3A_18 = tpu.memref_slice %arg2[%add3A, %dma_start3A, %dma_start3A_16, %dma_start3A_17] : memref<32x90x2x112xi32, #tpu.memory_space<hbm>> -> memref<1x1x2x112xi32, #tpu.memory_space<hbm>>
    %dma_start3A_19 = tpu.memref_squeeze %dma_start3A_18 : memref<1x1x2x112xi32, #tpu.memory_space<hbm>> -> memref<2x112xi32, #tpu.memory_space<hbm>>
    tpu.enqueue_dma source(%dma_start3A_19 : memref<2x112xi32, #tpu.memory_space<hbm>>) target(%arg7 : memref<2x112xi32, #tpu.memory_space<vmem>>) target_semaphore(%arg10 : memref<!tpu.dma_semaphore, #tpu.memory_space<semaphore_mem>>)
    %scan3A_20 = arith.constant 0 : i32
    %scan3A_21 = arith.constant 0 : i32
    %scan3A_22 = arith.constant 45 : i32
    %scan3A_23 = arith.addi %scan3A_21, %scan3A_22 : i32
    %scan3A_24 = arith.constant 1 : i32
    scf.for %scan3A_46 = %scan3A_21 to %scan3A_23 step %scan3A_24  : i32 {
      %mul3A_47 = arith.constant 2 : i32
      %mul3A_48 = arith.muli %mul3A_47, %scan3A_46 : i32
      %add3A_49 = arith.constant 0 : i32
      %add3A_50 = arith.addi %mul3A_48, %add3A_49 : i32
      %dma_wait3A_51 = arith.constant 0 : i32
      %dma_wait3A_52 = arith.constant 0 : i32
      %dma_wait3A_53 = arith.constant 0 : i32
      %dma_wait3A_54 = arith.constant 0 : i32
      %dma_wait3A_55 = tpu.memref_slice %arg2[%dma_wait3A_51, %dma_wait3A_52, %dma_wait3A_53, %dma_wait3A_54] : memref<32x90x2x112xi32, #tpu.memory_space<hbm>> -> memref<1x1x2x112xi32, #tpu.memory_space<hbm>>
      %dma_wait3A_56 = tpu.memref_squeeze %dma_wait3A_55 : memref<1x1x2x112xi32, #tpu.memory_space<hbm>> -> memref<2x112xi32, #tpu.memory_space<hbm>>
      %dma_wait3A_57 = arith.constant 0 : i32
      %dma_wait3A_58 = arith.constant 0 : i32
      %dma_wait3A_59 = tpu.memref_slice %arg2[%dma_wait3A_51, %dma_wait3A_52, %dma_wait3A_57, %dma_wait3A_58] : memref<32x90x2x112xi32, #tpu.memory_space<hbm>> -> memref<1x1x2x112xi32, #tpu.memory_space<hbm>>
      %dma_wait3A_60 = tpu.memref_squeeze %dma_wait3A_59 : memref<1x1x2x112xi32, #tpu.memory_space<hbm>> -> memref<2x112xi32, #tpu.memory_space<hbm>>
      tpu.wait_dma2 semaphore(%arg10 : memref<!tpu.dma_semaphore, #tpu.memory_space<semaphore_mem>>) src(%dma_wait3A_60 : memref<2x112xi32, #tpu.memory_space<hbm>>) dst(%arg7 : memref<2x112xi32, #tpu.memory_space<vmem>>)
      %run_scoped3A_61 = arith.constant 1 : i32
      "tpu.region"() ({
        %run_scoped3A_100 = tpu.sem_alloc : memref<!tpu.dma_semaphore, #tpu.memory_space<semaphore_mem>>
        %dma_start3A_101 = arith.constant 0 : i32
        %dma_start3A_102 = tpu.memref_slice %arg6[%run_scoped3A_61, %dma_start3A_101] : memref<2x112xi32, #tpu.memory_space<vmem>> -> memref<1x112xi32, #tpu.memory_space<vmem>>
        %dma_start3A_103 = tpu.memref_squeeze %dma_start3A_102 : memref<1x112xi32, #tpu.memory_space<vmem>> -> memref<112xi32, #tpu.memory_space<vmem>>
        %dma_start3A_104 = arith.constant 0 : i32
        %dma_start3A_105 = arith.constant 0 : i32
        %dma_start3A_106 = tpu.memref_slice %arg5[%dma_start3A_104, %dma_start3A_105] : memref<10016x16xf32, #tpu.memory_space<vmem_shared>> -> memref<10016x16xf32, #tpu.memory_space<vmem_shared>>
        tpu.enqueue_indirect_dma source(%arg8 : memref<112x16xf32, #tpu.memory_space<vmem>>) target(%dma_start3A_106 : memref<10016x16xf32, #tpu.memory_space<vmem_shared>>) offsets(%dma_start3A_103 : memref<112xi32, #tpu.memory_space<vmem>>) semaphore(%run_scoped3A_100 : memref<!tpu.dma_semaphore, #tpu.memory_space<semaphore_mem>>) {add = true}
        %dma_wait3A_107 = arith.constant 0 : i32
        %dma_wait3A_108 = tpu.memref_slice %arg6[%run_scoped3A_61, %dma_wait3A_107] : memref<2x112xi32, #tpu.memory_space<vmem>> -> memref<1x112xi32, #tpu.memory_space<vmem>>
        %dma_wait3A_109 = tpu.memref_squeeze %dma_wait3A_108 : memref<1x112xi32, #tpu.memory_space<vmem>> -> memref<112xi32, #tpu.memory_space<vmem>>
        %dma_wait3A_110 = arith.constant 0 : i32
        %dma_wait3A_111 = arith.constant 0 : i32
        %dma_wait3A_112 = tpu.memref_slice %arg5[%dma_wait3A_110, %dma_wait3A_111] : memref<10016x16xf32, #tpu.memory_space<vmem_shared>> -> memref<10016x16xf32, #tpu.memory_space<vmem_shared>>
        tpu.wait_indirect_dma semaphore(%run_scoped3A_100 : memref<!tpu.dma_semaphore, #tpu.memory_space<semaphore_mem>>) src(%arg8 : memref<112x16xf32, #tpu.memory_space<vmem>>) dst(%dma_wait3A_112 : memref<10016x16xf32, #tpu.memory_space<vmem_shared>>)
        tpu.yield
      }) : () -> ()
      %add3A_62 = arith.constant 2 : i32
      %add3A_63 = arith.addi %add3A_50, %add3A_62 : i32
      %min3A = arith.constant 89 : i32
      %min3A_64 = arith.minsi %add3A_63, %min3A : i32
      %dma_start3A_65 = arith.constant 0 : i32
      %dma_start3A_66 = arith.constant 0 : i32
      %dma_start3A_67 = tpu.memref_slice %arg2[%add3A, %min3A_64, %dma_start3A_65, %dma_start3A_66] : memref<32x90x2x112xi32, #tpu.memory_space<hbm>> -> memref<1x1x2x112xi32, #tpu.memory_space<hbm>>
      %dma_start3A_68 = tpu.memref_squeeze %dma_start3A_67 : memref<1x1x2x112xi32, #tpu.memory_space<hbm>> -> memref<2x112xi32, #tpu.memory_space<hbm>>
      %dma_start3A_69 = arith.constant 0 : i32
      %dma_start3A_70 = arith.constant 0 : i32
      %dma_start3A_71 = tpu.memref_slice %arg2[%add3A, %min3A_64, %dma_start3A_69, %dma_start3A_70] : memref<32x90x2x112xi32, #tpu.memory_space<hbm>> -> memref<1x1x2x112xi32, #tpu.memory_space<hbm>>
      %dma_start3A_72 = tpu.memref_squeeze %dma_start3A_71 : memref<1x1x2x112xi32, #tpu.memory_space<hbm>> -> memref<2x112xi32, #tpu.memory_space<hbm>>
      tpu.enqueue_dma source(%dma_start3A_72 : memref<2x112xi32, #tpu.memory_space<hbm>>) target(%arg6 : memref<2x112xi32, #tpu.memory_space<vmem>>) target_semaphore(%arg9 : memref<!tpu.dma_semaphore, #tpu.memory_space<semaphore_mem>>)
      %mul3A_73 = arith.constant 2 : i32
      %mul3A_74 = arith.muli %mul3A_73, %scan3A_46 : i32
      %add3A_75 = arith.constant 1 : i32
      %add3A_76 = arith.addi %mul3A_74, %add3A_75 : i32
      %dma_wait3A_77 = arith.constant 0 : i32
      %dma_wait3A_78 = arith.constant 0 : i32
      %dma_wait3A_79 = arith.constant 0 : i32
      %dma_wait3A_80 = arith.constant 0 : i32
      %dma_wait3A_81 = tpu.memref_slice %arg2[%dma_wait3A_77, %dma_wait3A_78, %dma_wait3A_79, %dma_wait3A_80] : memref<32x90x2x112xi32, #tpu.memory_space<hbm>> -> memref<1x1x2x112xi32, #tpu.memory_space<hbm>>
      %dma_wait3A_82 = tpu.memref_squeeze %dma_wait3A_81 : memref<1x1x2x112xi32, #tpu.memory_space<hbm>> -> memref<2x112xi32, #tpu.memory_space<hbm>>
      %dma_wait3A_83 = arith.constant 0 : i32
      %dma_wait3A_84 = arith.constant 0 : i32
      %dma_wait3A_85 = tpu.memref_slice %arg2[%dma_wait3A_77, %dma_wait3A_78, %dma_wait3A_83, %dma_wait3A_84] : memref<32x90x2x112xi32, #tpu.memory_space<hbm>> -> memref<1x1x2x112xi32, #tpu.memory_space<hbm>>
      %dma_wait3A_86 = tpu.memref_squeeze %dma_wait3A_85 : memref<1x1x2x112xi32, #tpu.memory_space<hbm>> -> memref<2x112xi32, #tpu.memory_space<hbm>>
      tpu.wait_dma2 semaphore(%arg9 : memref<!tpu.dma_semaphore, #tpu.memory_space<semaphore_mem>>) src(%dma_wait3A_86 : memref<2x112xi32, #tpu.memory_space<hbm>>) dst(%arg6 : memref<2x112xi32, #tpu.memory_space<vmem>>)
      %run_scoped3A_87 = arith.constant 1 : i32
      "tpu.region"() ({
        %run_scoped3A_100 = tpu.sem_alloc : memref<!tpu.dma_semaphore, #tpu.memory_space<semaphore_mem>>
        %dma_start3A_101 = arith.constant 0 : i32
        %dma_start3A_102 = tpu.memref_slice %arg7[%run_scoped3A_87, %dma_start3A_101] : memref<2x112xi32, #tpu.memory_space<vmem>> -> memref<1x112xi32, #tpu.memory_space<vmem>>
        %dma_start3A_103 = tpu.memref_squeeze %dma_start3A_102 : memref<1x112xi32, #tpu.memory_space<vmem>> -> memref<112xi32, #tpu.memory_space<vmem>>
        %dma_start3A_104 = arith.constant 0 : i32
        %dma_start3A_105 = arith.constant 0 : i32
        %dma_start3A_106 = tpu.memref_slice %arg5[%dma_start3A_104, %dma_start3A_105] : memref<10016x16xf32, #tpu.memory_space<vmem_shared>> -> memref<10016x16xf32, #tpu.memory_space<vmem_shared>>
        tpu.enqueue_indirect_dma source(%arg8 : memref<112x16xf32, #tpu.memory_space<vmem>>) target(%dma_start3A_106 : memref<10016x16xf32, #tpu.memory_space<vmem_shared>>) offsets(%dma_start3A_103 : memref<112xi32, #tpu.memory_space<vmem>>) semaphore(%run_scoped3A_100 : memref<!tpu.dma_semaphore, #tpu.memory_space<semaphore_mem>>) {add = true}
        %dma_wait3A_107 = arith.constant 0 : i32
        %dma_wait3A_108 = tpu.memref_slice %arg7[%run_scoped3A_87, %dma_wait3A_107] : memref<2x112xi32, #tpu.memory_space<vmem>> -> memref<1x112xi32, #tpu.memory_space<vmem>>
        %dma_wait3A_109 = tpu.memref_squeeze %dma_wait3A_108 : memref<1x112xi32, #tpu.memory_space<vmem>> -> memref<112xi32, #tpu.memory_space<vmem>>
        %dma_wait3A_110 = arith.constant 0 : i32
        %dma_wait3A_111 = arith.constant 0 : i32
        %dma_wait3A_112 = tpu.memref_slice %arg5[%dma_wait3A_110, %dma_wait3A_111] : memref<10016x16xf32, #tpu.memory_space<vmem_shared>> -> memref<10016x16xf32, #tpu.memory_space<vmem_shared>>
        tpu.wait_indirect_dma semaphore(%run_scoped3A_100 : memref<!tpu.dma_semaphore, #tpu.memory_space<semaphore_mem>>) src(%arg8 : memref<112x16xf32, #tpu.memory_space<vmem>>) dst(%dma_wait3A_112 : memref<10016x16xf32, #tpu.memory_space<vmem_shared>>)
        tpu.yield
      }) : () -> ()
      %add3A_88 = arith.constant 2 : i32
      %add3A_89 = arith.addi %add3A_76, %add3A_88 : i32
      %min3A_90 = arith.constant 89 : i32
      %min3A_91 = arith.minsi %add3A_89, %min3A_90 : i32
      %dma_start3A_92 = arith.constant 0 : i32
      %dma_start3A_93 = arith.constant 0 : i32
      %dma_start3A_94 = tpu.memref_slice %arg2[%add3A, %min3A_91, %dma_start3A_92, %dma_start3A_93] : memref<32x90x2x112xi32, #tpu.memory_space<hbm>> -> memref<1x1x2x112xi32, #tpu.memory_space<hbm>>
      %dma_start3A_95 = tpu.memref_squeeze %dma_start3A_94 : memref<1x1x2x112xi32, #tpu.memory_space<hbm>> -> memref<2x112xi32, #tpu.memory_space<hbm>>
      %dma_start3A_96 = arith.constant 0 : i32
      %dma_start3A_97 = arith.constant 0 : i32
      %dma_start3A_98 = tpu.memref_slice %arg2[%add3A, %min3A_91, %dma_start3A_96, %dma_start3A_97] : memref<32x90x2x112xi32, #tpu.memory_space<hbm>> -> memref<1x1x2x112xi32, #tpu.memory_space<hbm>>
      %dma_start3A_99 = tpu.memref_squeeze %dma_start3A_98 : memref<1x1x2x112xi32, #tpu.memory_space<hbm>> -> memref<2x112xi32, #tpu.memory_space<hbm>>
      tpu.enqueue_dma source(%dma_start3A_99 : memref<2x112xi32, #tpu.memory_space<hbm>>) target(%arg7 : memref<2x112xi32, #tpu.memory_space<vmem>>) target_semaphore(%arg10 : memref<!tpu.dma_semaphore, #tpu.memory_space<semaphore_mem>>)
    }
    %scan3A_25 = arith.constant 45 : i32
    %dma_wait3A = arith.constant 0 : i32
    %dma_wait3A_26 = arith.constant 0 : i32
    %dma_wait3A_27 = arith.constant 0 : i32
    %dma_wait3A_28 = arith.constant 0 : i32
    %dma_wait3A_29 = tpu.memref_slice %arg2[%dma_wait3A, %dma_wait3A_26, %dma_wait3A_27, %dma_wait3A_28] : memref<32x90x2x112xi32, #tpu.memory_space<hbm>> -> memref<1x1x2x112xi32, #tpu.memory_space<hbm>>
    %dma_wait3A_30 = tpu.memref_squeeze %dma_wait3A_29 : memref<1x1x2x112xi32, #tpu.memory_space<hbm>> -> memref<2x112xi32, #tpu.memory_space<hbm>>
    %dma_wait3A_31 = arith.constant 0 : i32
    %dma_wait3A_32 = arith.constant 0 : i32
    %dma_wait3A_33 = tpu.memref_slice %arg2[%dma_wait3A, %dma_wait3A_26, %dma_wait3A_31, %dma_wait3A_32] : memref<32x90x2x112xi32, #tpu.memory_space<hbm>> -> memref<1x1x2x112xi32, #tpu.memory_space<hbm>>
    %dma_wait3A_34 = tpu.memref_squeeze %dma_wait3A_33 : memref<1x1x2x112xi32, #tpu.memory_space<hbm>> -> memref<2x112xi32, #tpu.memory_space<hbm>>
    tpu.wait_dma2 semaphore(%arg10 : memref<!tpu.dma_semaphore, #tpu.memory_space<semaphore_mem>>) src(%dma_wait3A_34 : memref<2x112xi32, #tpu.memory_space<hbm>>) dst(%arg7 : memref<2x112xi32, #tpu.memory_space<vmem>>)
    %barrier3A_35 = arith.constant 0 : index
    tpu.barrier barrier_id(%barrier3A_35)
    %lt3A_36 = arith.constant 15 : i32
    %lt3A_37 = arith.cmpi slt, %arg1, %lt3A_36 : i32
    %convert_element_type3A_38 = arith.extui %lt3A_37 : i1 to i32
    %cond3A_39 = arith.constant 0 : i32
    %cond3A_40 = arith.cmpi ne, %convert_element_type3A_38, %cond3A_39 : i32
    scf.if %cond3A_40 {
      %mul3A_46 = arith.constant 624 : i32
      %mul3A_47 = arith.muli %arg1, %mul3A_46 : i32
      %multiple_of3A = tpu.assume_multiple %mul3A_47, 8 : i32
      %mul3A_48 = arith.constant 10000 : i32
      %mul3A_49 = arith.muli %arg0, %mul3A_48 : i32
      %add3A_50 = arith.addi %mul3A_49, %multiple_of3A : i32
      %multiple_of3A_51 = tpu.assume_multiple %add3A_50, 8 : i32
      "tpu.region"() ({
        %run_scoped3A_52 = tpu.sem_alloc : memref<!tpu.dma_semaphore, #tpu.memory_space<semaphore_mem>>
        %dma_start3A_53 = arith.constant 0 : i32
        %dma_start3A_54 = tpu.memref_slice %arg4[%multiple_of3A_51, %dma_start3A_53] : memref<20000x16xf32, #tpu.memory_space<hbm>> -> memref<624x16xf32, #tpu.memory_space<hbm>>
        %dma_start3A_55 = arith.constant 0 : i32
        %dma_start3A_56 = tpu.memref_slice %arg5[%multiple_of3A, %dma_start3A_55] : memref<10016x16xf32, #tpu.memory_space<vmem_shared>> -> memref<624x16xf32, #tpu.memory_space<vmem_shared>>
        tpu.enqueue_dma source(%dma_start3A_56 : memref<624x16xf32, #tpu.memory_space<vmem_shared>>) target(%dma_start3A_54 : memref<624x16xf32, #tpu.memory_space<hbm>>) target_semaphore(%run_scoped3A_52 : memref<!tpu.dma_semaphore, #tpu.memory_space<semaphore_mem>>)
        %dma_wait3A_57 = arith.constant 0 : i32
        %dma_wait3A_58 = tpu.memref_slice %arg4[%multiple_of3A_51, %dma_wait3A_57] : memref<20000x16xf32, #tpu.memory_space<hbm>> -> memref<624x16xf32, #tpu.memory_space<hbm>>
        %dma_wait3A_59 = arith.constant 0 : i32
        %dma_wait3A_60 = tpu.memref_slice %arg5[%multiple_of3A, %dma_wait3A_59] : memref<10016x16xf32, #tpu.memory_space<vmem_shared>> -> memref<624x16xf32, #tpu.memory_space<vmem_shared>>
        tpu.wait_dma2 semaphore(%run_scoped3A_52 : memref<!tpu.dma_semaphore, #tpu.memory_space<semaphore_mem>>) src(%dma_wait3A_60 : memref<624x16xf32, #tpu.memory_space<vmem_shared>>) dst(%dma_wait3A_58 : memref<624x16xf32, #tpu.memory_space<hbm>>)
        tpu.yield
      }) : () -> ()
    } else {
    }
    %eq3A_41 = arith.constant 15 : i32
    %eq3A_42 = arith.cmpi eq, %arg1, %eq3A_41 : i32
    %convert_element_type3A_43 = arith.extui %eq3A_42 : i1 to i32
    %cond3A_44 = arith.constant 0 : i32
    %cond3A_45 = arith.cmpi ne, %convert_element_type3A_43, %cond3A_44 : i32
    scf.if %cond3A_45 {
      %mul3A_46 = arith.constant 10000 : i32
      %mul3A_47 = arith.muli %arg0, %mul3A_46 : i32
      %add3A_48 = arith.constant 9360 : i32
      %add3A_49 = arith.addi %mul3A_47, %add3A_48 : i32
      %multiple_of3A = tpu.assume_multiple %add3A_49, 8 : i32
      "tpu.region"() ({
        %run_scoped3A_50 = tpu.sem_alloc : memref<!tpu.dma_semaphore, #tpu.memory_space<semaphore_mem>>
        %dma_start3A_51 = arith.constant 0 : i32
        %dma_start3A_52 = tpu.memref_slice %arg4[%multiple_of3A, %dma_start3A_51] : memref<20000x16xf32, #tpu.memory_space<hbm>> -> memref<640x16xf32, #tpu.memory_space<hbm>>
        %dma_start3A_53 = arith.constant 9360 : i32
        %dma_start3A_54 = arith.constant 0 : i32
        %dma_start3A_55 = tpu.memref_slice %arg5[%dma_start3A_53, %dma_start3A_54] : memref<10016x16xf32, #tpu.memory_space<vmem_shared>> -> memref<640x16xf32, #tpu.memory_space<vmem_shared>>
        tpu.enqueue_dma source(%dma_start3A_55 : memref<640x16xf32, #tpu.memory_space<vmem_shared>>) target(%dma_start3A_52 : memref<640x16xf32, #tpu.memory_space<hbm>>) target_semaphore(%run_scoped3A_50 : memref<!tpu.dma_semaphore, #tpu.memory_space<semaphore_mem>>)
        %dma_wait3A_56 = arith.constant 0 : i32
        %dma_wait3A_57 = tpu.memref_slice %arg4[%multiple_of3A, %dma_wait3A_56] : memref<20000x16xf32, #tpu.memory_space<hbm>> -> memref<640x16xf32, #tpu.memory_space<hbm>>
        %dma_wait3A_58 = arith.constant 9360 : i32
        %dma_wait3A_59 = arith.constant 0 : i32
        %dma_wait3A_60 = tpu.memref_slice %arg5[%dma_wait3A_58, %dma_wait3A_59] : memref<10016x16xf32, #tpu.memory_space<vmem_shared>> -> memref<640x16xf32, #tpu.memory_space<vmem_shared>>
        tpu.wait_dma2 semaphore(%run_scoped3A_50 : memref<!tpu.dma_semaphore, #tpu.memory_space<semaphore_mem>>) src(%dma_wait3A_60 : memref<640x16xf32, #tpu.memory_space<vmem_shared>>) dst(%dma_wait3A_57 : memref<640x16xf32, #tpu.memory_space<hbm>>)
        tpu.yield
      }) : () -> ()
    } else {
    }
    return
  }
}

#map = affine_map<(d0, d1) -> (0, 0)>
#map1 = affine_map<(d0, d1) -> (0, 0, 0, 0)>
module attributes {stable_mosaic.version = 14 : i64} {
  func.func @body(%arg0: i32, %arg1: i32, %arg2: memref<10000x128xf32, #tpu.memory_space<hbm>>, %arg3: memref<10000x16xf32, #tpu.memory_space<hbm>>, %arg4: memref<32x90x2x112xi32, #tpu.memory_space<hbm>>, %arg5: memref<10016x128xf32, #tpu.memory_space<hbm>>, %arg6: memref<10016x16xf32, #tpu.memory_space<hbm>>, %arg7: memref<20000x128xf32, #tpu.memory_space<hbm>>, %arg8: memref<20000x16xf32, #tpu.memory_space<hbm>>, %arg9: memref<10016x128xf32, #tpu.memory_space<vmem_shared>>, %arg10: memref<10016x16xf32, #tpu.memory_space<vmem_shared>>, %arg11: memref<2x112xi32, #tpu.memory_space<vmem>>, %arg12: memref<2x112xi32, #tpu.memory_space<vmem>>, %arg13: memref<112xi32, #tpu.memory_space<vmem>>, %arg14: memref<112xi32, #tpu.memory_space<vmem>>, %arg15: memref<112x128xf32, #tpu.memory_space<vmem>>, %arg16: memref<112x128xf32, #tpu.memory_space<vmem>>, %arg17: memref<112x16xf32, #tpu.memory_space<vmem>>, %arg18: memref<112x16xf32, #tpu.memory_space<vmem>>, %arg19: memref<!tpu.dma_semaphore, #tpu.memory_space<semaphore_mem>>, %arg20: memref<!tpu.dma_semaphore, #tpu.memory_space<semaphore_mem>>, %arg21: memref<!tpu.dma_semaphore, #tpu.memory_space<semaphore_mem>>, %arg22: memref<!tpu.dma_semaphore, #tpu.memory_space<semaphore_mem>>, %arg23: memref<!tpu.dma_semaphore, #tpu.memory_space<semaphore_mem>>, %arg24: memref<!tpu.dma_semaphore, #tpu.memory_space<semaphore_mem>>, %arg25: memref<!tpu.dma_semaphore, #tpu.memory_space<semaphore_mem>>, %arg26: memref<!tpu.dma_semaphore, #tpu.memory_space<semaphore_mem>>, %arg27: memref<!tpu.dma_semaphore, #tpu.memory_space<semaphore_mem>>, %arg28: memref<!tpu.dma_semaphore, #tpu.memory_space<semaphore_mem>>) attributes {dimension_semantics = [#tpu.dimension_semantics<core_parallel>, #tpu.dimension_semantics<subcore_parallel>], iteration_bounds = array<i64: 2, 16>, scalar_prefetch = 0 : i64, scratch_operands = 20 : i64, tpu.core_type = #tpu.core_type<sc_vector_subcore>, window_params = [{transform_indices = #map}, {transform_indices = #map}, {transform_indices = #map1}, {transform_indices = #map}, {transform_indices = #map}, {transform_indices = #map}, {transform_indices = #map}]} {
    %mul3A = arith.constant 16 : i32
    %mul3A_0 = arith.muli %arg0, %mul3A : i32
    %add3A = arith.addi %mul3A_0, %arg1 : i32
    %lt3A = arith.constant 15 : i32
    %lt3A_1 = arith.cmpi slt, %arg1, %lt3A : i32
    %convert_element_type3A = arith.extui %lt3A_1 : i1 to i32
    %cond3A = arith.constant 0 : i32
    %cond3A_2 = arith.cmpi ne, %convert_element_type3A, %cond3A : i32
    scf.if %cond3A_2 {
      %mul3A_78 = arith.constant 624 : i32
      %mul3A_79 = arith.muli %arg1, %mul3A_78 : i32
      %multiple_of3A = tpu.assume_multiple %mul3A_79, 8 : i32
      "tpu.region"() ({
        %run_scoped3A_80 = tpu.sem_alloc : memref<!tpu.dma_semaphore, #tpu.memory_space<semaphore_mem>>
        %dma_start3A_81 = arith.constant 0 : i32
        %dma_start3A_82 = tpu.memref_slice %arg9[%multiple_of3A, %dma_start3A_81] : memref<10016x128xf32, #tpu.memory_space<vmem_shared>> -> memref<624x128xf32, #tpu.memory_space<vmem_shared>>
        %dma_start3A_83 = arith.constant 0 : i32
        %dma_start3A_84 = tpu.memref_slice %arg5[%multiple_of3A, %dma_start3A_83] : memref<10016x128xf32, #tpu.memory_space<hbm>> -> memref<624x128xf32, #tpu.memory_space<hbm>>
        tpu.enqueue_dma source(%dma_start3A_84 : memref<624x128xf32, #tpu.memory_space<hbm>>) target(%dma_start3A_82 : memref<624x128xf32, #tpu.memory_space<vmem_shared>>) target_semaphore(%run_scoped3A_80 : memref<!tpu.dma_semaphore, #tpu.memory_space<semaphore_mem>>)
        %dma_wait3A_85 = arith.constant 0 : i32
        %dma_wait3A_86 = tpu.memref_slice %arg9[%multiple_of3A, %dma_wait3A_85] : memref<10016x128xf32, #tpu.memory_space<vmem_shared>> -> memref<624x128xf32, #tpu.memory_space<vmem_shared>>
        %dma_wait3A_87 = arith.constant 0 : i32
        %dma_wait3A_88 = tpu.memref_slice %arg5[%multiple_of3A, %dma_wait3A_87] : memref<10016x128xf32, #tpu.memory_space<hbm>> -> memref<624x128xf32, #tpu.memory_space<hbm>>
        tpu.wait_dma2 semaphore(%run_scoped3A_80 : memref<!tpu.dma_semaphore, #tpu.memory_space<semaphore_mem>>) src(%dma_wait3A_88 : memref<624x128xf32, #tpu.memory_space<hbm>>) dst(%dma_wait3A_86 : memref<624x128xf32, #tpu.memory_space<vmem_shared>>)
        tpu.yield
      }) : () -> ()
      "tpu.region"() ({
        %run_scoped3A_80 = tpu.sem_alloc : memref<!tpu.dma_semaphore, #tpu.memory_space<semaphore_mem>>
        %dma_start3A_81 = arith.constant 0 : i32
        %dma_start3A_82 = tpu.memref_slice %arg10[%multiple_of3A, %dma_start3A_81] : memref<10016x16xf32, #tpu.memory_space<vmem_shared>> -> memref<624x16xf32, #tpu.memory_space<vmem_shared>>
        %dma_start3A_83 = arith.constant 0 : i32
        %dma_start3A_84 = tpu.memref_slice %arg6[%multiple_of3A, %dma_start3A_83] : memref<10016x16xf32, #tpu.memory_space<hbm>> -> memref<624x16xf32, #tpu.memory_space<hbm>>
        tpu.enqueue_dma source(%dma_start3A_84 : memref<624x16xf32, #tpu.memory_space<hbm>>) target(%dma_start3A_82 : memref<624x16xf32, #tpu.memory_space<vmem_shared>>) target_semaphore(%run_scoped3A_80 : memref<!tpu.dma_semaphore, #tpu.memory_space<semaphore_mem>>)
        %dma_wait3A_85 = arith.constant 0 : i32
        %dma_wait3A_86 = tpu.memref_slice %arg10[%multiple_of3A, %dma_wait3A_85] : memref<10016x16xf32, #tpu.memory_space<vmem_shared>> -> memref<624x16xf32, #tpu.memory_space<vmem_shared>>
        %dma_wait3A_87 = arith.constant 0 : i32
        %dma_wait3A_88 = tpu.memref_slice %arg6[%multiple_of3A, %dma_wait3A_87] : memref<10016x16xf32, #tpu.memory_space<hbm>> -> memref<624x16xf32, #tpu.memory_space<hbm>>
        tpu.wait_dma2 semaphore(%run_scoped3A_80 : memref<!tpu.dma_semaphore, #tpu.memory_space<semaphore_mem>>) src(%dma_wait3A_88 : memref<624x16xf32, #tpu.memory_space<hbm>>) dst(%dma_wait3A_86 : memref<624x16xf32, #tpu.memory_space<vmem_shared>>)
        tpu.yield
      }) : () -> ()
    } else {
    }
    %eq3A = arith.constant 15 : i32
    %eq3A_3 = arith.cmpi eq, %arg1, %eq3A : i32
    %convert_element_type3A_4 = arith.extui %eq3A_3 : i1 to i32
    %cond3A_5 = arith.constant 0 : i32
    %cond3A_6 = arith.cmpi ne, %convert_element_type3A_4, %cond3A_5 : i32
    scf.if %cond3A_6 {
      "tpu.region"() ({
        %run_scoped3A_78 = tpu.sem_alloc : memref<!tpu.dma_semaphore, #tpu.memory_space<semaphore_mem>>
        %dma_start3A_79 = arith.constant 9360 : i32
        %dma_start3A_80 = arith.constant 0 : i32
        %dma_start3A_81 = tpu.memref_slice %arg9[%dma_start3A_79, %dma_start3A_80] : memref<10016x128xf32, #tpu.memory_space<vmem_shared>> -> memref<656x128xf32, #tpu.memory_space<vmem_shared>>
        %dma_start3A_82 = arith.constant 9360 : i32
        %dma_start3A_83 = arith.constant 0 : i32
        %dma_start3A_84 = tpu.memref_slice %arg5[%dma_start3A_82, %dma_start3A_83] : memref<10016x128xf32, #tpu.memory_space<hbm>> -> memref<656x128xf32, #tpu.memory_space<hbm>>
        tpu.enqueue_dma source(%dma_start3A_84 : memref<656x128xf32, #tpu.memory_space<hbm>>) target(%dma_start3A_81 : memref<656x128xf32, #tpu.memory_space<vmem_shared>>) target_semaphore(%run_scoped3A_78 : memref<!tpu.dma_semaphore, #tpu.memory_space<semaphore_mem>>)
        %dma_wait3A_85 = arith.constant 9360 : i32
        %dma_wait3A_86 = arith.constant 0 : i32
        %dma_wait3A_87 = tpu.memref_slice %arg9[%dma_wait3A_85, %dma_wait3A_86] : memref<10016x128xf32, #tpu.memory_space<vmem_shared>> -> memref<656x128xf32, #tpu.memory_space<vmem_shared>>
        %dma_wait3A_88 = arith.constant 9360 : i32
        %dma_wait3A_89 = arith.constant 0 : i32
        %dma_wait3A_90 = tpu.memref_slice %arg5[%dma_wait3A_88, %dma_wait3A_89] : memref<10016x128xf32, #tpu.memory_space<hbm>> -> memref<656x128xf32, #tpu.memory_space<hbm>>
        tpu.wait_dma2 semaphore(%run_scoped3A_78 : memref<!tpu.dma_semaphore, #tpu.memory_space<semaphore_mem>>) src(%dma_wait3A_90 : memref<656x128xf32, #tpu.memory_space<hbm>>) dst(%dma_wait3A_87 : memref<656x128xf32, #tpu.memory_space<vmem_shared>>)
        tpu.yield
      }) : () -> ()
      "tpu.region"() ({
        %run_scoped3A_78 = tpu.sem_alloc : memref<!tpu.dma_semaphore, #tpu.memory_space<semaphore_mem>>
        %dma_start3A_79 = arith.constant 9360 : i32
        %dma_start3A_80 = arith.constant 0 : i32
        %dma_start3A_81 = tpu.memref_slice %arg10[%dma_start3A_79, %dma_start3A_80] : memref<10016x16xf32, #tpu.memory_space<vmem_shared>> -> memref<656x16xf32, #tpu.memory_space<vmem_shared>>
        %dma_start3A_82 = arith.constant 9360 : i32
        %dma_start3A_83 = arith.constant 0 : i32
        %dma_start3A_84 = tpu.memref_slice %arg6[%dma_start3A_82, %dma_start3A_83] : memref<10016x16xf32, #tpu.memory_space<hbm>> -> memref<656x16xf32, #tpu.memory_space<hbm>>
        tpu.enqueue_dma source(%dma_start3A_84 : memref<656x16xf32, #tpu.memory_space<hbm>>) target(%dma_start3A_81 : memref<656x16xf32, #tpu.memory_space<vmem_shared>>) target_semaphore(%run_scoped3A_78 : memref<!tpu.dma_semaphore, #tpu.memory_space<semaphore_mem>>)
        %dma_wait3A_85 = arith.constant 9360 : i32
        %dma_wait3A_86 = arith.constant 0 : i32
        %dma_wait3A_87 = tpu.memref_slice %arg10[%dma_wait3A_85, %dma_wait3A_86] : memref<10016x16xf32, #tpu.memory_space<vmem_shared>> -> memref<656x16xf32, #tpu.memory_space<vmem_shared>>
        %dma_wait3A_88 = arith.constant 9360 : i32
        %dma_wait3A_89 = arith.constant 0 : i32
        %dma_wait3A_90 = tpu.memref_slice %arg6[%dma_wait3A_88, %dma_wait3A_89] : memref<10016x16xf32, #tpu.memory_space<hbm>> -> memref<656x16xf32, #tpu.memory_space<hbm>>
        tpu.wait_dma2 semaphore(%run_scoped3A_78 : memref<!tpu.dma_semaphore, #tpu.memory_space<semaphore_mem>>) src(%dma_wait3A_90 : memref<656x16xf32, #tpu.memory_space<hbm>>) dst(%dma_wait3A_87 : memref<656x16xf32, #tpu.memory_space<vmem_shared>>)
        tpu.yield
      }) : () -> ()
    } else {
    }
    %barrier3A = arith.constant 0 : index
    tpu.barrier barrier_id(%barrier3A)
    %run_scoped3A = arith.constant 0 : i32
    "tpu.region"() ({
      %run_scoped3A_78 = tpu.sem_alloc : memref<!tpu.dma_semaphore, #tpu.memory_space<semaphore_mem>>
      %dma_start3A_79 = arith.constant 0 : i32
      %dma_start3A_80 = arith.constant 0 : i32
      %dma_start3A_81 = tpu.memref_slice %arg4[%add3A, %run_scoped3A, %dma_start3A_79, %dma_start3A_80] : memref<32x90x2x112xi32, #tpu.memory_space<hbm>> -> memref<1x1x2x112xi32, #tpu.memory_space<hbm>>
      %dma_start3A_82 = tpu.memref_squeeze %dma_start3A_81 : memref<1x1x2x112xi32, #tpu.memory_space<hbm>> -> memref<2x112xi32, #tpu.memory_space<hbm>>
      %dma_start3A_83 = arith.constant 0 : i32
      %dma_start3A_84 = arith.constant 0 : i32
      %dma_start3A_85 = tpu.memref_slice %arg4[%add3A, %run_scoped3A, %dma_start3A_83, %dma_start3A_84] : memref<32x90x2x112xi32, #tpu.memory_space<hbm>> -> memref<1x1x2x112xi32, #tpu.memory_space<hbm>>
      %dma_start3A_86 = tpu.memref_squeeze %dma_start3A_85 : memref<1x1x2x112xi32, #tpu.memory_space<hbm>> -> memref<2x112xi32, #tpu.memory_space<hbm>>
      tpu.enqueue_dma source(%dma_start3A_86 : memref<2x112xi32, #tpu.memory_space<hbm>>) target(%arg11 : memref<2x112xi32, #tpu.memory_space<vmem>>) target_semaphore(%run_scoped3A_78 : memref<!tpu.dma_semaphore, #tpu.memory_space<semaphore_mem>>)
      %dma_wait3A_87 = arith.constant 0 : i32
      %dma_wait3A_88 = arith.constant 0 : i32
      %dma_wait3A_89 = tpu.memref_slice %arg4[%add3A, %run_scoped3A, %dma_wait3A_87, %dma_wait3A_88] : memref<32x90x2x112xi32, #tpu.memory_space<hbm>> -> memref<1x1x2x112xi32, #tpu.memory_space<hbm>>
      %dma_wait3A_90 = tpu.memref_squeeze %dma_wait3A_89 : memref<1x1x2x112xi32, #tpu.memory_space<hbm>> -> memref<2x112xi32, #tpu.memory_space<hbm>>
      %dma_wait3A_91 = arith.constant 0 : i32
      %dma_wait3A_92 = arith.constant 0 : i32
      %dma_wait3A_93 = tpu.memref_slice %arg4[%add3A, %run_scoped3A, %dma_wait3A_91, %dma_wait3A_92] : memref<32x90x2x112xi32, #tpu.memory_space<hbm>> -> memref<1x1x2x112xi32, #tpu.memory_space<hbm>>
      %dma_wait3A_94 = tpu.memref_squeeze %dma_wait3A_93 : memref<1x1x2x112xi32, #tpu.memory_space<hbm>> -> memref<2x112xi32, #tpu.memory_space<hbm>>
      tpu.wait_dma2 semaphore(%run_scoped3A_78 : memref<!tpu.dma_semaphore, #tpu.memory_space<semaphore_mem>>) src(%dma_wait3A_94 : memref<2x112xi32, #tpu.memory_space<hbm>>) dst(%arg11 : memref<2x112xi32, #tpu.memory_space<vmem>>)
      tpu.yield
    }) : () -> ()
    %dma_start3A = arith.constant 0 : i32
    %dma_start3A_7 = arith.constant 0 : i32
    %dma_start3A_8 = tpu.memref_slice %arg11[%dma_start3A, %dma_start3A_7] : memref<2x112xi32, #tpu.memory_space<vmem>> -> memref<1x112xi32, #tpu.memory_space<vmem>>
    %dma_start3A_9 = tpu.memref_squeeze %dma_start3A_8 : memref<1x112xi32, #tpu.memory_space<vmem>> -> memref<112xi32, #tpu.memory_space<vmem>>
    %dma_start3A_10 = arith.constant 0 : i32
    %dma_start3A_11 = arith.constant 0 : i32
    %dma_start3A_12 = tpu.memref_slice %arg2[%dma_start3A_10, %dma_start3A_11] : memref<10000x128xf32, #tpu.memory_space<hbm>> -> memref<10000x128xf32, #tpu.memory_space<hbm>>
    tpu.enqueue_indirect_dma source(%dma_start3A_12 : memref<10000x128xf32, #tpu.memory_space<hbm>>) target(%arg15 : memref<112x128xf32, #tpu.memory_space<vmem>>) offsets(%dma_start3A_9 : memref<112xi32, #tpu.memory_space<vmem>>) semaphore(%arg21 : memref<!tpu.dma_semaphore, #tpu.memory_space<semaphore_mem>>)
    %dma_start3A_13 = arith.constant 0 : i32
    %dma_start3A_14 = arith.constant 0 : i32
    %dma_start3A_15 = tpu.memref_slice %arg11[%dma_start3A_13, %dma_start3A_14] : memref<2x112xi32, #tpu.memory_space<vmem>> -> memref<1x112xi32, #tpu.memory_space<vmem>>
    %dma_start3A_16 = tpu.memref_squeeze %dma_start3A_15 : memref<1x112xi32, #tpu.memory_space<vmem>> -> memref<112xi32, #tpu.memory_space<vmem>>
    %dma_start3A_17 = arith.constant 0 : i32
    %dma_start3A_18 = arith.constant 0 : i32
    %dma_start3A_19 = tpu.memref_slice %arg3[%dma_start3A_17, %dma_start3A_18] : memref<10000x16xf32, #tpu.memory_space<hbm>> -> memref<10000x16xf32, #tpu.memory_space<hbm>>
    tpu.enqueue_indirect_dma source(%dma_start3A_19 : memref<10000x16xf32, #tpu.memory_space<hbm>>) target(%arg17 : memref<112x16xf32, #tpu.memory_space<vmem>>) offsets(%dma_start3A_16 : memref<112xi32, #tpu.memory_space<vmem>>) semaphore(%arg23 : memref<!tpu.dma_semaphore, #tpu.memory_space<semaphore_mem>>)
    %dma_start3A_20 = arith.constant 1 : i32
    %dma_start3A_21 = arith.constant 0 : i32
    %dma_start3A_22 = arith.constant 0 : i32
    %dma_start3A_23 = tpu.memref_slice %arg4[%add3A, %dma_start3A_20, %dma_start3A_21, %dma_start3A_22] : memref<32x90x2x112xi32, #tpu.memory_space<hbm>> -> memref<1x1x2x112xi32, #tpu.memory_space<hbm>>
    %dma_start3A_24 = tpu.memref_squeeze %dma_start3A_23 : memref<1x1x2x112xi32, #tpu.memory_space<hbm>> -> memref<2x112xi32, #tpu.memory_space<hbm>>
    %dma_start3A_25 = arith.constant 0 : i32
    %dma_start3A_26 = arith.constant 0 : i32
    %dma_start3A_27 = tpu.memref_slice %arg4[%add3A, %dma_start3A_20, %dma_start3A_25, %dma_start3A_26] : memref<32x90x2x112xi32, #tpu.memory_space<hbm>> -> memref<1x1x2x112xi32, #tpu.memory_space<hbm>>
    %dma_start3A_28 = tpu.memref_squeeze %dma_start3A_27 : memref<1x1x2x112xi32, #tpu.memory_space<hbm>> -> memref<2x112xi32, #tpu.memory_space<hbm>>
    tpu.enqueue_dma source(%dma_start3A_28 : memref<2x112xi32, #tpu.memory_space<hbm>>) target(%arg12 : memref<2x112xi32, #tpu.memory_space<vmem>>) target_semaphore(%arg20 : memref<!tpu.dma_semaphore, #tpu.memory_space<semaphore_mem>>)
    %scan3A = arith.constant 0 : i32
    %scan3A_29 = arith.constant 0 : i32
    %scan3A_30 = arith.constant 45 : i32
    %scan3A_31 = arith.addi %scan3A_29, %scan3A_30 : i32
    %scan3A_32 = arith.constant 1 : i32
    scf.for %scan3A_78 = %scan3A_29 to %scan3A_31 step %scan3A_32  : i32 {
      %mul3A_79 = arith.constant 2 : i32
      %mul3A_80 = arith.muli %mul3A_79, %scan3A_78 : i32
      %add3A_81 = arith.constant 0 : i32
      %add3A_82 = arith.addi %mul3A_80, %add3A_81 : i32
      %dma_wait3A_83 = arith.constant 0 : i32
      %dma_wait3A_84 = arith.constant 0 : i32
      %dma_wait3A_85 = arith.constant 0 : i32
      %dma_wait3A_86 = arith.constant 0 : i32
      %dma_wait3A_87 = tpu.memref_slice %arg4[%dma_wait3A_83, %dma_wait3A_84, %dma_wait3A_85, %dma_wait3A_86] : memref<32x90x2x112xi32, #tpu.memory_space<hbm>> -> memref<1x1x2x112xi32, #tpu.memory_space<hbm>>
      %dma_wait3A_88 = tpu.memref_squeeze %dma_wait3A_87 : memref<1x1x2x112xi32, #tpu.memory_space<hbm>> -> memref<2x112xi32, #tpu.memory_space<hbm>>
      %dma_wait3A_89 = arith.constant 0 : i32
      %dma_wait3A_90 = arith.constant 0 : i32
      %dma_wait3A_91 = tpu.memref_slice %arg4[%dma_wait3A_83, %dma_wait3A_84, %dma_wait3A_89, %dma_wait3A_90] : memref<32x90x2x112xi32, #tpu.memory_space<hbm>> -> memref<1x1x2x112xi32, #tpu.memory_space<hbm>>
      %dma_wait3A_92 = tpu.memref_squeeze %dma_wait3A_91 : memref<1x1x2x112xi32, #tpu.memory_space<hbm>> -> memref<2x112xi32, #tpu.memory_space<hbm>>
      tpu.wait_dma2 semaphore(%arg20 : memref<!tpu.dma_semaphore, #tpu.memory_space<semaphore_mem>>) src(%dma_wait3A_92 : memref<2x112xi32, #tpu.memory_space<hbm>>) dst(%arg12 : memref<2x112xi32, #tpu.memory_space<vmem>>)
      %gt3A = arith.constant 0 : i32
      %gt3A_93 = arith.cmpi sgt, %scan3A_78, %gt3A : i32
      %convert_element_type3A_94 = arith.extui %gt3A_93 : i1 to i32
      %cond3A_95 = arith.constant 0 : i32
      %cond3A_96 = arith.cmpi ne, %convert_element_type3A_94, %cond3A_95 : i32
      scf.if %cond3A_96 {
        %dma_wait3A_334 = arith.constant 0 : i32
        %dma_wait3A_335 = arith.constant 0 : i32
        %dma_wait3A_336 = tpu.memref_slice %arg9[%dma_wait3A_334, %dma_wait3A_335] : memref<10016x128xf32, #tpu.memory_space<vmem_shared>> -> memref<112x128xf32, #tpu.memory_space<vmem_shared>>
        %dma_wait3A_337 = arith.constant 0 : i32
        %dma_wait3A_338 = arith.constant 0 : i32
        %dma_wait3A_339 = tpu.memref_slice %arg9[%dma_wait3A_337, %dma_wait3A_338] : memref<10016x128xf32, #tpu.memory_space<vmem_shared>> -> memref<112x128xf32, #tpu.memory_space<vmem_shared>>
        tpu.wait_dma2 semaphore(%arg26 : memref<!tpu.dma_semaphore, #tpu.memory_space<semaphore_mem>>) src(%arg16 : memref<112x128xf32, #tpu.memory_space<vmem>>) dst(%dma_wait3A_339 : memref<112x128xf32, #tpu.memory_space<vmem_shared>>)
        %dma_wait3A_340 = arith.constant 0 : i32
        %dma_wait3A_341 = arith.constant 0 : i32
        %dma_wait3A_342 = tpu.memref_slice %arg10[%dma_wait3A_340, %dma_wait3A_341] : memref<10016x16xf32, #tpu.memory_space<vmem_shared>> -> memref<112x16xf32, #tpu.memory_space<vmem_shared>>
        %dma_wait3A_343 = arith.constant 0 : i32
        %dma_wait3A_344 = arith.constant 0 : i32
        %dma_wait3A_345 = tpu.memref_slice %arg10[%dma_wait3A_343, %dma_wait3A_344] : memref<10016x16xf32, #tpu.memory_space<vmem_shared>> -> memref<112x16xf32, #tpu.memory_space<vmem_shared>>
        tpu.wait_dma2 semaphore(%arg28 : memref<!tpu.dma_semaphore, #tpu.memory_space<semaphore_mem>>) src(%arg18 : memref<112x16xf32, #tpu.memory_space<vmem>>) dst(%dma_wait3A_345 : memref<112x16xf32, #tpu.memory_space<vmem_shared>>)
      } else {
      }
      %dma_start3A_97 = arith.constant 0 : i32
      %dma_start3A_98 = arith.constant 0 : i32
      %dma_start3A_99 = tpu.memref_slice %arg12[%dma_start3A_97, %dma_start3A_98] : memref<2x112xi32, #tpu.memory_space<vmem>> -> memref<1x112xi32, #tpu.memory_space<vmem>>
      %dma_start3A_100 = tpu.memref_squeeze %dma_start3A_99 : memref<1x112xi32, #tpu.memory_space<vmem>> -> memref<112xi32, #tpu.memory_space<vmem>>
      %dma_start3A_101 = arith.constant 0 : i32
      %dma_start3A_102 = arith.constant 0 : i32
      %dma_start3A_103 = tpu.memref_slice %arg2[%dma_start3A_101, %dma_start3A_102] : memref<10000x128xf32, #tpu.memory_space<hbm>> -> memref<10000x128xf32, #tpu.memory_space<hbm>>
      tpu.enqueue_indirect_dma source(%dma_start3A_103 : memref<10000x128xf32, #tpu.memory_space<hbm>>) target(%arg16 : memref<112x128xf32, #tpu.memory_space<vmem>>) offsets(%dma_start3A_100 : memref<112xi32, #tpu.memory_space<vmem>>) semaphore(%arg22 : memref<!tpu.dma_semaphore, #tpu.memory_space<semaphore_mem>>)
      %dma_start3A_104 = arith.constant 0 : i32
      %dma_start3A_105 = arith.constant 0 : i32
      %dma_start3A_106 = tpu.memref_slice %arg12[%dma_start3A_104, %dma_start3A_105] : memref<2x112xi32, #tpu.memory_space<vmem>> -> memref<1x112xi32, #tpu.memory_space<vmem>>
      %dma_start3A_107 = tpu.memref_squeeze %dma_start3A_106 : memref<1x112xi32, #tpu.memory_space<vmem>> -> memref<112xi32, #tpu.memory_space<vmem>>
      %dma_start3A_108 = arith.constant 0 : i32
      %dma_start3A_109 = arith.constant 0 : i32
      %dma_start3A_110 = tpu.memref_slice %arg3[%dma_start3A_108, %dma_start3A_109] : memref<10000x16xf32, #tpu.memory_space<hbm>> -> memref<10000x16xf32, #tpu.memory_space<hbm>>
      tpu.enqueue_indirect_dma source(%dma_start3A_110 : memref<10000x16xf32, #tpu.memory_space<hbm>>) target(%arg18 : memref<112x16xf32, #tpu.memory_space<vmem>>) offsets(%dma_start3A_107 : memref<112xi32, #tpu.memory_space<vmem>>) semaphore(%arg24 : memref<!tpu.dma_semaphore, #tpu.memory_space<semaphore_mem>>)
      %dma_wait3A_111 = arith.constant 0 : i32
      %dma_wait3A_112 = arith.constant 0 : i32
      %dma_wait3A_113 = tpu.memref_slice %arg2[%dma_wait3A_111, %dma_wait3A_112] : memref<10000x128xf32, #tpu.memory_space<hbm>> -> memref<112x128xf32, #tpu.memory_space<hbm>>
      %dma_wait3A_114 = arith.constant 0 : i32
      %dma_wait3A_115 = arith.constant 0 : i32
      %dma_wait3A_116 = tpu.memref_slice %arg2[%dma_wait3A_114, %dma_wait3A_115] : memref<10000x128xf32, #tpu.memory_space<hbm>> -> memref<112x128xf32, #tpu.memory_space<hbm>>
      tpu.wait_dma2 semaphore(%arg21 : memref<!tpu.dma_semaphore, #tpu.memory_space<semaphore_mem>>) src(%dma_wait3A_116 : memref<112x128xf32, #tpu.memory_space<hbm>>) dst(%arg15 : memref<112x128xf32, #tpu.memory_space<vmem>>)
      %dma_wait3A_117 = arith.constant 0 : i32
      %dma_wait3A_118 = arith.constant 0 : i32
      %dma_wait3A_119 = tpu.memref_slice %arg3[%dma_wait3A_117, %dma_wait3A_118] : memref<10000x16xf32, #tpu.memory_space<hbm>> -> memref<112x16xf32, #tpu.memory_space<hbm>>
      %dma_wait3A_120 = arith.constant 0 : i32
      %dma_wait3A_121 = arith.constant 0 : i32
      %dma_wait3A_122 = tpu.memref_slice %arg3[%dma_wait3A_120, %dma_wait3A_121] : memref<10000x16xf32, #tpu.memory_space<hbm>> -> memref<112x16xf32, #tpu.memory_space<hbm>>
      tpu.wait_dma2 semaphore(%arg23 : memref<!tpu.dma_semaphore, #tpu.memory_space<semaphore_mem>>) src(%dma_wait3A_122 : memref<112x16xf32, #tpu.memory_space<hbm>>) dst(%arg17 : memref<112x16xf32, #tpu.memory_space<vmem>>)
      %get3A = arith.constant 1 : i32
      %get3A_123 = arith.index_cast %get3A : i32 to index
      %get3A_124 = arith.constant 0 : index
      %get3A_125 = tpu.vector_load %arg11[%get3A_123, %get3A_124] {strides = array<i32>} : memref<2x112xi32, #tpu.memory_space<vmem>>, vector<1x16xi32>,
      %get3A_126 = vector.shape_cast %get3A_125 : vector<1x16xi32> to vector<16xi32>
      %swap3A = arith.constant 0 : index
      %swap3A_127 = tpu.vector_load %arg13[%swap3A] {strides = array<i32>} : memref<112xi32, #tpu.memory_space<vmem>>, vector<16xi32>,
      %swap3A_128 = vector.shape_cast %swap3A_127 : vector<16xi32> to vector<16xi32>
      %swap3A_129 = vector.shape_cast %get3A_126 : vector<16xi32> to vector<16xi32>
      tpu.vector_store %arg13[%swap3A], %swap3A_129 {strides = array<i32>} : memref<112xi32, #tpu.memory_space<vmem>>, vector<16xi32>,
      %get3A_130 = arith.constant 1 : i32
      %get3A_131 = arith.index_cast %get3A_130 : i32 to index
      %get3A_132 = arith.constant 16 : index
      %get3A_133 = tpu.vector_load %arg11[%get3A_131, %get3A_132] {strides = array<i32>} : memref<2x112xi32, #tpu.memory_space<vmem>>, vector<1x16xi32>,
      %get3A_134 = vector.shape_cast %get3A_133 : vector<1x16xi32> to vector<16xi32>
      %swap3A_135 = arith.constant 16 : index
      %swap3A_136 = tpu.vector_load %arg13[%swap3A_135] {strides = array<i32>} : memref<112xi32, #tpu.memory_space<vmem>>, vector<16xi32>,
      %swap3A_137 = vector.shape_cast %swap3A_136 : vector<16xi32> to vector<16xi32>
      %swap3A_138 = vector.shape_cast %get3A_134 : vector<16xi32> to vector<16xi32>
      tpu.vector_store %arg13[%swap3A_135], %swap3A_138 {strides = array<i32>} : memref<112xi32, #tpu.memory_space<vmem>>, vector<16xi32>,
      %get3A_139 = arith.constant 1 : i32
      %get3A_140 = arith.index_cast %get3A_139 : i32 to index
      %get3A_141 = arith.constant 32 : index
      %get3A_142 = tpu.vector_load %arg11[%get3A_140, %get3A_141] {strides = array<i32>} : memref<2x112xi32, #tpu.memory_space<vmem>>, vector<1x16xi32>,
      %get3A_143 = vector.shape_cast %get3A_142 : vector<1x16xi32> to vector<16xi32>
      %swap3A_144 = arith.constant 32 : index
      %swap3A_145 = tpu.vector_load %arg13[%swap3A_144] {strides = array<i32>} : memref<112xi32, #tpu.memory_space<vmem>>, vector<16xi32>,
      %swap3A_146 = vector.shape_cast %swap3A_145 : vector<16xi32> to vector<16xi32>
      %swap3A_147 = vector.shape_cast %get3A_143 : vector<16xi32> to vector<16xi32>
      tpu.vector_store %arg13[%swap3A_144], %swap3A_147 {strides = array<i32>} : memref<112xi32, #tpu.memory_space<vmem>>, vector<16xi32>,
      %get3A_148 = arith.constant 1 : i32
      %get3A_149 = arith.index_cast %get3A_148 : i32 to index
      %get3A_150 = arith.constant 48 : index
      %get3A_151 = tpu.vector_load %arg11[%get3A_149, %get3A_150] {strides = array<i32>} : memref<2x112xi32, #tpu.memory_space<vmem>>, vector<1x16xi32>,
      %get3A_152 = vector.shape_cast %get3A_151 : vector<1x16xi32> to vector<16xi32>
      %swap3A_153 = arith.constant 48 : index
      %swap3A_154 = tpu.vector_load %arg13[%swap3A_153] {strides = array<i32>} : memref<112xi32, #tpu.memory_space<vmem>>, vector<16xi32>,
      %swap3A_155 = vector.shape_cast %swap3A_154 : vector<16xi32> to vector<16xi32>
      %swap3A_156 = vector.shape_cast %get3A_152 : vector<16xi32> to vector<16xi32>
      tpu.vector_store %arg13[%swap3A_153], %swap3A_156 {strides = array<i32>} : memref<112xi32, #tpu.memory_space<vmem>>, vector<16xi32>,
      %get3A_157 = arith.constant 1 : i32
      %get3A_158 = arith.index_cast %get3A_157 : i32 to index
      %get3A_159 = arith.constant 64 : index
      %get3A_160 = tpu.vector_load %arg11[%get3A_158, %get3A_159] {strides = array<i32>} : memref<2x112xi32, #tpu.memory_space<vmem>>, vector<1x16xi32>,
      %get3A_161 = vector.shape_cast %get3A_160 : vector<1x16xi32> to vector<16xi32>
      %swap3A_162 = arith.constant 64 : index
      %swap3A_163 = tpu.vector_load %arg13[%swap3A_162] {strides = array<i32>} : memref<112xi32, #tpu.memory_space<vmem>>, vector<16xi32>,
      %swap3A_164 = vector.shape_cast %swap3A_163 : vector<16xi32> to vector<16xi32>
      %swap3A_165 = vector.shape_cast %get3A_161 : vector<16xi32> to vector<16xi32>
      tpu.vector_store %arg13[%swap3A_162], %swap3A_165 {strides = array<i32>} : memref<112xi32, #tpu.memory_space<vmem>>, vector<16xi32>,
      %get3A_166 = arith.constant 1 : i32
      %get3A_167 = arith.index_cast %get3A_166 : i32 to index
      %get3A_168 = arith.constant 80 : index
      %get3A_169 = tpu.vector_load %arg11[%get3A_167, %get3A_168] {strides = array<i32>} : memref<2x112xi32, #tpu.memory_space<vmem>>, vector<1x16xi32>,
      %get3A_170 = vector.shape_cast %get3A_169 : vector<1x16xi32> to vector<16xi32>
      %swap3A_171 = arith.constant 80 : index
      %swap3A_172 = tpu.vector_load %arg13[%swap3A_171] {strides = array<i32>} : memref<112xi32, #tpu.memory_space<vmem>>, vector<16xi32>,
      %swap3A_173 = vector.shape_cast %swap3A_172 : vector<16xi32> to vector<16xi32>
      %swap3A_174 = vector.shape_cast %get3A_170 : vector<16xi32> to vector<16xi32>
      tpu.vector_store %arg13[%swap3A_171], %swap3A_174 {strides = array<i32>} : memref<112xi32, #tpu.memory_space<vmem>>, vector<16xi32>,
      %get3A_175 = arith.constant 1 : i32
      %get3A_176 = arith.index_cast %get3A_175 : i32 to index
      %get3A_177 = arith.constant 96 : index
      %get3A_178 = tpu.vector_load %arg11[%get3A_176, %get3A_177] {strides = array<i32>} : memref<2x112xi32, #tpu.memory_space<vmem>>, vector<1x16xi32>,
      %get3A_179 = vector.shape_cast %get3A_178 : vector<1x16xi32> to vector<16xi32>
      %swap3A_180 = arith.constant 96 : index
      %swap3A_181 = tpu.vector_load %arg13[%swap3A_180] {strides = array<i32>} : memref<112xi32, #tpu.memory_space<vmem>>, vector<16xi32>,
      %swap3A_182 = vector.shape_cast %swap3A_181 : vector<16xi32> to vector<16xi32>
      %swap3A_183 = vector.shape_cast %get3A_179 : vector<16xi32> to vector<16xi32>
      tpu.vector_store %arg13[%swap3A_180], %swap3A_183 {strides = array<i32>} : memref<112xi32, #tpu.memory_space<vmem>>, vector<16xi32>,
      %dma_start3A_184 = arith.constant 0 : i32
      %dma_start3A_185 = arith.constant 0 : i32
      %dma_start3A_186 = tpu.memref_slice %arg9[%dma_start3A_184, %dma_start3A_185] : memref<10016x128xf32, #tpu.memory_space<vmem_shared>> -> memref<10016x128xf32, #tpu.memory_space<vmem_shared>>
      tpu.enqueue_indirect_dma source(%arg15 : memref<112x128xf32, #tpu.memory_space<vmem>>) target(%dma_start3A_186 : memref<10016x128xf32, #tpu.memory_space<vmem_shared>>) offsets(%arg13 : memref<112xi32, #tpu.memory_space<vmem>>) semaphore(%arg25 : memref<!tpu.dma_semaphore, #tpu.memory_space<semaphore_mem>>) {add = true}
      %dma_start3A_187 = arith.constant 0 : i32
      %dma_start3A_188 = arith.constant 0 : i32
      %dma_start3A_189 = tpu.memref_slice %arg10[%dma_start3A_187, %dma_start3A_188] : memref<10016x16xf32, #tpu.memory_space<vmem_shared>> -> memref<10016x16xf32, #tpu.memory_space<vmem_shared>>
      tpu.enqueue_indirect_dma source(%arg17 : memref<112x16xf32, #tpu.memory_space<vmem>>) target(%dma_start3A_189 : memref<10016x16xf32, #tpu.memory_space<vmem_shared>>) offsets(%arg13 : memref<112xi32, #tpu.memory_space<vmem>>) semaphore(%arg27 : memref<!tpu.dma_semaphore, #tpu.memory_space<semaphore_mem>>) {add = true}
      %add3A_190 = arith.constant 2 : i32
      %add3A_191 = arith.addi %add3A_82, %add3A_190 : i32
      %min3A = arith.constant 89 : i32
      %min3A_192 = arith.minsi %add3A_191, %min3A : i32
      %dma_start3A_193 = arith.constant 0 : i32
      %dma_start3A_194 = arith.constant 0 : i32
      %dma_start3A_195 = tpu.memref_slice %arg4[%add3A, %min3A_192, %dma_start3A_193, %dma_start3A_194] : memref<32x90x2x112xi32, #tpu.memory_space<hbm>> -> memref<1x1x2x112xi32, #tpu.memory_space<hbm>>
      %dma_start3A_196 = tpu.memref_squeeze %dma_start3A_195 : memref<1x1x2x112xi32, #tpu.memory_space<hbm>> -> memref<2x112xi32, #tpu.memory_space<hbm>>
      %dma_start3A_197 = arith.constant 0 : i32
      %dma_start3A_198 = arith.constant 0 : i32
      %dma_start3A_199 = tpu.memref_slice %arg4[%add3A, %min3A_192, %dma_start3A_197, %dma_start3A_198] : memref<32x90x2x112xi32, #tpu.memory_space<hbm>> -> memref<1x1x2x112xi32, #tpu.memory_space<hbm>>
      %dma_start3A_200 = tpu.memref_squeeze %dma_start3A_199 : memref<1x1x2x112xi32, #tpu.memory_space<hbm>> -> memref<2x112xi32, #tpu.memory_space<hbm>>
      tpu.enqueue_dma source(%dma_start3A_200 : memref<2x112xi32, #tpu.memory_space<hbm>>) target(%arg11 : memref<2x112xi32, #tpu.memory_space<vmem>>) target_semaphore(%arg19 : memref<!tpu.dma_semaphore, #tpu.memory_space<semaphore_mem>>)
      %mul3A_201 = arith.constant 2 : i32
      %mul3A_202 = arith.muli %mul3A_201, %scan3A_78 : i32
      %add3A_203 = arith.constant 1 : i32
      %add3A_204 = arith.addi %mul3A_202, %add3A_203 : i32
      %dma_wait3A_205 = arith.constant 0 : i32
      %dma_wait3A_206 = arith.constant 0 : i32
      %dma_wait3A_207 = arith.constant 0 : i32
      %dma_wait3A_208 = arith.constant 0 : i32
      %dma_wait3A_209 = tpu.memref_slice %arg4[%dma_wait3A_205, %dma_wait3A_206, %dma_wait3A_207, %dma_wait3A_208] : memref<32x90x2x112xi32, #tpu.memory_space<hbm>> -> memref<1x1x2x112xi32, #tpu.memory_space<hbm>>
      %dma_wait3A_210 = tpu.memref_squeeze %dma_wait3A_209 : memref<1x1x2x112xi32, #tpu.memory_space<hbm>> -> memref<2x112xi32, #tpu.memory_space<hbm>>
      %dma_wait3A_211 = arith.constant 0 : i32
      %dma_wait3A_212 = arith.constant 0 : i32
      %dma_wait3A_213 = tpu.memref_slice %arg4[%dma_wait3A_205, %dma_wait3A_206, %dma_wait3A_211, %dma_wait3A_212] : memref<32x90x2x112xi32, #tpu.memory_space<hbm>> -> memref<1x1x2x112xi32, #tpu.memory_space<hbm>>
      %dma_wait3A_214 = tpu.memref_squeeze %dma_wait3A_213 : memref<1x1x2x112xi32, #tpu.memory_space<hbm>> -> memref<2x112xi32, #tpu.memory_space<hbm>>
      tpu.wait_dma2 semaphore(%arg19 : memref<!tpu.dma_semaphore, #tpu.memory_space<semaphore_mem>>) src(%dma_wait3A_214 : memref<2x112xi32, #tpu.memory_space<hbm>>) dst(%arg11 : memref<2x112xi32, #tpu.memory_space<vmem>>)
      %dma_wait3A_215 = arith.constant 0 : i32
      %dma_wait3A_216 = arith.constant 0 : i32
      %dma_wait3A_217 = tpu.memref_slice %arg9[%dma_wait3A_215, %dma_wait3A_216] : memref<10016x128xf32, #tpu.memory_space<vmem_shared>> -> memref<112x128xf32, #tpu.memory_space<vmem_shared>>
      %dma_wait3A_218 = arith.constant 0 : i32
      %dma_wait3A_219 = arith.constant 0 : i32
      %dma_wait3A_220 = tpu.memref_slice %arg9[%dma_wait3A_218, %dma_wait3A_219] : memref<10016x128xf32, #tpu.memory_space<vmem_shared>> -> memref<112x128xf32, #tpu.memory_space<vmem_shared>>
      tpu.wait_dma2 semaphore(%arg25 : memref<!tpu.dma_semaphore, #tpu.memory_space<semaphore_mem>>) src(%arg15 : memref<112x128xf32, #tpu.memory_space<vmem>>) dst(%dma_wait3A_220 : memref<112x128xf32, #tpu.memory_space<vmem_shared>>)
      %dma_wait3A_221 = arith.constant 0 : i32
      %dma_wait3A_222 = arith.constant 0 : i32
      %dma_wait3A_223 = tpu.memref_slice %arg10[%dma_wait3A_221, %dma_wait3A_222] : memref<10016x16xf32, #tpu.memory_space<vmem_shared>> -> memref<112x16xf32, #tpu.memory_space<vmem_shared>>
      %dma_wait3A_224 = arith.constant 0 : i32
      %dma_wait3A_225 = arith.constant 0 : i32
      %dma_wait3A_226 = tpu.memref_slice %arg10[%dma_wait3A_224, %dma_wait3A_225] : memref<10016x16xf32, #tpu.memory_space<vmem_shared>> -> memref<112x16xf32, #tpu.memory_space<vmem_shared>>
      tpu.wait_dma2 semaphore(%arg27 : memref<!tpu.dma_semaphore, #tpu.memory_space<semaphore_mem>>) src(%arg17 : memref<112x16xf32, #tpu.memory_space<vmem>>) dst(%dma_wait3A_226 : memref<112x16xf32, #tpu.memory_space<vmem_shared>>)
      %dma_start3A_227 = arith.constant 0 : i32
      %dma_start3A_228 = arith.constant 0 : i32
      %dma_start3A_229 = tpu.memref_slice %arg11[%dma_start3A_227, %dma_start3A_228] : memref<2x112xi32, #tpu.memory_space<vmem>> -> memref<1x112xi32, #tpu.memory_space<vmem>>
      %dma_start3A_230 = tpu.memref_squeeze %dma_start3A_229 : memref<1x112xi32, #tpu.memory_space<vmem>> -> memref<112xi32, #tpu.memory_space<vmem>>
      %dma_start3A_231 = arith.constant 0 : i32
      %dma_start3A_232 = arith.constant 0 : i32
      %dma_start3A_233 = tpu.memref_slice %arg2[%dma_start3A_231, %dma_start3A_232] : memref<10000x128xf32, #tpu.memory_space<hbm>> -> memref<10000x128xf32, #tpu.memory_space<hbm>>
      tpu.enqueue_indirect_dma source(%dma_start3A_233 : memref<10000x128xf32, #tpu.memory_space<hbm>>) target(%arg15 : memref<112x128xf32, #tpu.memory_space<vmem>>) offsets(%dma_start3A_230 : memref<112xi32, #tpu.memory_space<vmem>>) semaphore(%arg21 : memref<!tpu.dma_semaphore, #tpu.memory_space<semaphore_mem>>)
      %dma_start3A_234 = arith.constant 0 : i32
      %dma_start3A_235 = arith.constant 0 : i32
      %dma_start3A_236 = tpu.memref_slice %arg11[%dma_start3A_234, %dma_start3A_235] : memref<2x112xi32, #tpu.memory_space<vmem>> -> memref<1x112xi32, #tpu.memory_space<vmem>>
      %dma_start3A_237 = tpu.memref_squeeze %dma_start3A_236 : memref<1x112xi32, #tpu.memory_space<vmem>> -> memref<112xi32, #tpu.memory_space<vmem>>
      %dma_start3A_238 = arith.constant 0 : i32
      %dma_start3A_239 = arith.constant 0 : i32
      %dma_start3A_240 = tpu.memref_slice %arg3[%dma_start3A_238, %dma_start3A_239] : memref<10000x16xf32, #tpu.memory_space<hbm>> -> memref<10000x16xf32, #tpu.memory_space<hbm>>
      tpu.enqueue_indirect_dma source(%dma_start3A_240 : memref<10000x16xf32, #tpu.memory_space<hbm>>) target(%arg17 : memref<112x16xf32, #tpu.memory_space<vmem>>) offsets(%dma_start3A_237 : memref<112xi32, #tpu.memory_space<vmem>>) semaphore(%arg23 : memref<!tpu.dma_semaphore, #tpu.memory_space<semaphore_mem>>)
      %dma_wait3A_241 = arith.constant 0 : i32
      %dma_wait3A_242 = arith.constant 0 : i32
      %dma_wait3A_243 = tpu.memref_slice %arg2[%dma_wait3A_241, %dma_wait3A_242] : memref<10000x128xf32, #tpu.memory_space<hbm>> -> memref<112x128xf32, #tpu.memory_space<hbm>>
      %dma_wait3A_244 = arith.constant 0 : i32
      %dma_wait3A_245 = arith.constant 0 : i32
      %dma_wait3A_246 = tpu.memref_slice %arg2[%dma_wait3A_244, %dma_wait3A_245] : memref<10000x128xf32, #tpu.memory_space<hbm>> -> memref<112x128xf32, #tpu.memory_space<hbm>>
      tpu.wait_dma2 semaphore(%arg22 : memref<!tpu.dma_semaphore, #tpu.memory_space<semaphore_mem>>) src(%dma_wait3A_246 : memref<112x128xf32, #tpu.memory_space<hbm>>) dst(%arg16 : memref<112x128xf32, #tpu.memory_space<vmem>>)
      %dma_wait3A_247 = arith.constant 0 : i32
      %dma_wait3A_248 = arith.constant 0 : i32
      %dma_wait3A_249 = tpu.memref_slice %arg3[%dma_wait3A_247, %dma_wait3A_248] : memref<10000x16xf32, #tpu.memory_space<hbm>> -> memref<112x16xf32, #tpu.memory_space<hbm>>
      %dma_wait3A_250 = arith.constant 0 : i32
      %dma_wait3A_251 = arith.constant 0 : i32
      %dma_wait3A_252 = tpu.memref_slice %arg3[%dma_wait3A_250, %dma_wait3A_251] : memref<10000x16xf32, #tpu.memory_space<hbm>> -> memref<112x16xf32, #tpu.memory_space<hbm>>
      tpu.wait_dma2 semaphore(%arg24 : memref<!tpu.dma_semaphore, #tpu.memory_space<semaphore_mem>>) src(%dma_wait3A_252 : memref<112x16xf32, #tpu.memory_space<hbm>>) dst(%arg18 : memref<112x16xf32, #tpu.memory_space<vmem>>)
      %get3A_253 = arith.constant 1 : i32
      %get3A_254 = arith.index_cast %get3A_253 : i32 to index
      %get3A_255 = arith.constant 0 : index
      %get3A_256 = tpu.vector_load %arg12[%get3A_254, %get3A_255] {strides = array<i32>} : memref<2x112xi32, #tpu.memory_space<vmem>>, vector<1x16xi32>,
      %get3A_257 = vector.shape_cast %get3A_256 : vector<1x16xi32> to vector<16xi32>
      %swap3A_258 = arith.constant 0 : index
      %swap3A_259 = tpu.vector_load %arg14[%swap3A_258] {strides = array<i32>} : memref<112xi32, #tpu.memory_space<vmem>>, vector<16xi32>,
      %swap3A_260 = vector.shape_cast %swap3A_259 : vector<16xi32> to vector<16xi32>
      %swap3A_261 = vector.shape_cast %get3A_257 : vector<16xi32> to vector<16xi32>
      tpu.vector_store %arg14[%swap3A_258], %swap3A_261 {strides = array<i32>} : memref<112xi32, #tpu.memory_space<vmem>>, vector<16xi32>,
      %get3A_262 = arith.constant 1 : i32
      %get3A_263 = arith.index_cast %get3A_262 : i32 to index
      %get3A_264 = arith.constant 16 : index
      %get3A_265 = tpu.vector_load %arg12[%get3A_263, %get3A_264] {strides = array<i32>} : memref<2x112xi32, #tpu.memory_space<vmem>>, vector<1x16xi32>,
      %get3A_266 = vector.shape_cast %get3A_265 : vector<1x16xi32> to vector<16xi32>
      %swap3A_267 = arith.constant 16 : index
      %swap3A_268 = tpu.vector_load %arg14[%swap3A_267] {strides = array<i32>} : memref<112xi32, #tpu.memory_space<vmem>>, vector<16xi32>,
      %swap3A_269 = vector.shape_cast %swap3A_268 : vector<16xi32> to vector<16xi32>
      %swap3A_270 = vector.shape_cast %get3A_266 : vector<16xi32> to vector<16xi32>
      tpu.vector_store %arg14[%swap3A_267], %swap3A_270 {strides = array<i32>} : memref<112xi32, #tpu.memory_space<vmem>>, vector<16xi32>,
      %get3A_271 = arith.constant 1 : i32
      %get3A_272 = arith.index_cast %get3A_271 : i32 to index
      %get3A_273 = arith.constant 32 : index
      %get3A_274 = tpu.vector_load %arg12[%get3A_272, %get3A_273] {strides = array<i32>} : memref<2x112xi32, #tpu.memory_space<vmem>>, vector<1x16xi32>,
      %get3A_275 = vector.shape_cast %get3A_274 : vector<1x16xi32> to vector<16xi32>
      %swap3A_276 = arith.constant 32 : index
      %swap3A_277 = tpu.vector_load %arg14[%swap3A_276] {strides = array<i32>} : memref<112xi32, #tpu.memory_space<vmem>>, vector<16xi32>,
      %swap3A_278 = vector.shape_cast %swap3A_277 : vector<16xi32> to vector<16xi32>
      %swap3A_279 = vector.shape_cast %get3A_275 : vector<16xi32> to vector<16xi32>
      tpu.vector_store %arg14[%swap3A_276], %swap3A_279 {strides = array<i32>} : memref<112xi32, #tpu.memory_space<vmem>>, vector<16xi32>,
      %get3A_280 = arith.constant 1 : i32
      %get3A_281 = arith.index_cast %get3A_280 : i32 to index
      %get3A_282 = arith.constant 48 : index
      %get3A_283 = tpu.vector_load %arg12[%get3A_281, %get3A_282] {strides = array<i32>} : memref<2x112xi32, #tpu.memory_space<vmem>>, vector<1x16xi32>,
      %get3A_284 = vector.shape_cast %get3A_283 : vector<1x16xi32> to vector<16xi32>
      %swap3A_285 = arith.constant 48 : index
      %swap3A_286 = tpu.vector_load %arg14[%swap3A_285] {strides = array<i32>} : memref<112xi32, #tpu.memory_space<vmem>>, vector<16xi32>,
      %swap3A_287 = vector.shape_cast %swap3A_286 : vector<16xi32> to vector<16xi32>
      %swap3A_288 = vector.shape_cast %get3A_284 : vector<16xi32> to vector<16xi32>
      tpu.vector_store %arg14[%swap3A_285], %swap3A_288 {strides = array<i32>} : memref<112xi32, #tpu.memory_space<vmem>>, vector<16xi32>,
      %get3A_289 = arith.constant 1 : i32
      %get3A_290 = arith.index_cast %get3A_289 : i32 to index
      %get3A_291 = arith.constant 64 : index
      %get3A_292 = tpu.vector_load %arg12[%get3A_290, %get3A_291] {strides = array<i32>} : memref<2x112xi32, #tpu.memory_space<vmem>>, vector<1x16xi32>,
      %get3A_293 = vector.shape_cast %get3A_292 : vector<1x16xi32> to vector<16xi32>
      %swap3A_294 = arith.constant 64 : index
      %swap3A_295 = tpu.vector_load %arg14[%swap3A_294] {strides = array<i32>} : memref<112xi32, #tpu.memory_space<vmem>>, vector<16xi32>,
      %swap3A_296 = vector.shape_cast %swap3A_295 : vector<16xi32> to vector<16xi32>
      %swap3A_297 = vector.shape_cast %get3A_293 : vector<16xi32> to vector<16xi32>
      tpu.vector_store %arg14[%swap3A_294], %swap3A_297 {strides = array<i32>} : memref<112xi32, #tpu.memory_space<vmem>>, vector<16xi32>,
      %get3A_298 = arith.constant 1 : i32
      %get3A_299 = arith.index_cast %get3A_298 : i32 to index
      %get3A_300 = arith.constant 80 : index
      %get3A_301 = tpu.vector_load %arg12[%get3A_299, %get3A_300] {strides = array<i32>} : memref<2x112xi32, #tpu.memory_space<vmem>>, vector<1x16xi32>,
      %get3A_302 = vector.shape_cast %get3A_301 : vector<1x16xi32> to vector<16xi32>
      %swap3A_303 = arith.constant 80 : index
      %swap3A_304 = tpu.vector_load %arg14[%swap3A_303] {strides = array<i32>} : memref<112xi32, #tpu.memory_space<vmem>>, vector<16xi32>,
      %swap3A_305 = vector.shape_cast %swap3A_304 : vector<16xi32> to vector<16xi32>
      %swap3A_306 = vector.shape_cast %get3A_302 : vector<16xi32> to vector<16xi32>
      tpu.vector_store %arg14[%swap3A_303], %swap3A_306 {strides = array<i32>} : memref<112xi32, #tpu.memory_space<vmem>>, vector<16xi32>,
      %get3A_307 = arith.constant 1 : i32
      %get3A_308 = arith.index_cast %get3A_307 : i32 to index
      %get3A_309 = arith.constant 96 : index
      %get3A_310 = tpu.vector_load %arg12[%get3A_308, %get3A_309] {strides = array<i32>} : memref<2x112xi32, #tpu.memory_space<vmem>>, vector<1x16xi32>,
      %get3A_311 = vector.shape_cast %get3A_310 : vector<1x16xi32> to vector<16xi32>
      %swap3A_312 = arith.constant 96 : index
      %swap3A_313 = tpu.vector_load %arg14[%swap3A_312] {strides = array<i32>} : memref<112xi32, #tpu.memory_space<vmem>>, vector<16xi32>,
      %swap3A_314 = vector.shape_cast %swap3A_313 : vector<16xi32> to vector<16xi32>
      %swap3A_315 = vector.shape_cast %get3A_311 : vector<16xi32> to vector<16xi32>
      tpu.vector_store %arg14[%swap3A_312], %swap3A_315 {strides = array<i32>} : memref<112xi32, #tpu.memory_space<vmem>>, vector<16xi32>,
      %dma_start3A_316 = arith.constant 0 : i32
      %dma_start3A_317 = arith.constant 0 : i32
      %dma_start3A_318 = tpu.memref_slice %arg9[%dma_start3A_316, %dma_start3A_317] : memref<10016x128xf32, #tpu.memory_space<vmem_shared>> -> memref<10016x128xf32, #tpu.memory_space<vmem_shared>>
      tpu.enqueue_indirect_dma source(%arg16 : memref<112x128xf32, #tpu.memory_space<vmem>>) target(%dma_start3A_318 : memref<10016x128xf32, #tpu.memory_space<vmem_shared>>) offsets(%arg14 : memref<112xi32, #tpu.memory_space<vmem>>) semaphore(%arg26 : memref<!tpu.dma_semaphore, #tpu.memory_space<semaphore_mem>>) {add = true}
      %dma_start3A_319 = arith.constant 0 : i32
      %dma_start3A_320 = arith.constant 0 : i32
      %dma_start3A_321 = tpu.memref_slice %arg10[%dma_start3A_319, %dma_start3A_320] : memref<10016x16xf32, #tpu.memory_space<vmem_shared>> -> memref<10016x16xf32, #tpu.memory_space<vmem_shared>>
      tpu.enqueue_indirect_dma source(%arg18 : memref<112x16xf32, #tpu.memory_space<vmem>>) target(%dma_start3A_321 : memref<10016x16xf32, #tpu.memory_space<vmem_shared>>) offsets(%arg14 : memref<112xi32, #tpu.memory_space<vmem>>) semaphore(%arg28 : memref<!tpu.dma_semaphore, #tpu.memory_space<semaphore_mem>>) {add = true}
      %add3A_322 = arith.constant 2 : i32
      %add3A_323 = arith.addi %add3A_204, %add3A_322 : i32
      %min3A_324 = arith.constant 89 : i32
      %min3A_325 = arith.minsi %add3A_323, %min3A_324 : i32
      %dma_start3A_326 = arith.constant 0 : i32
      %dma_start3A_327 = arith.constant 0 : i32
      %dma_start3A_328 = tpu.memref_slice %arg4[%add3A, %min3A_325, %dma_start3A_326, %dma_start3A_327] : memref<32x90x2x112xi32, #tpu.memory_space<hbm>> -> memref<1x1x2x112xi32, #tpu.memory_space<hbm>>
      %dma_start3A_329 = tpu.memref_squeeze %dma_start3A_328 : memref<1x1x2x112xi32, #tpu.memory_space<hbm>> -> memref<2x112xi32, #tpu.memory_space<hbm>>
      %dma_start3A_330 = arith.constant 0 : i32
      %dma_start3A_331 = arith.constant 0 : i32
      %dma_start3A_332 = tpu.memref_slice %arg4[%add3A, %min3A_325, %dma_start3A_330, %dma_start3A_331] : memref<32x90x2x112xi32, #tpu.memory_space<hbm>> -> memref<1x1x2x112xi32, #tpu.memory_space<hbm>>
      %dma_start3A_333 = tpu.memref_squeeze %dma_start3A_332 : memref<1x1x2x112xi32, #tpu.memory_space<hbm>> -> memref<2x112xi32, #tpu.memory_space<hbm>>
      tpu.enqueue_dma source(%dma_start3A_333 : memref<2x112xi32, #tpu.memory_space<hbm>>) target(%arg12 : memref<2x112xi32, #tpu.memory_space<vmem>>) target_semaphore(%arg20 : memref<!tpu.dma_semaphore, #tpu.memory_space<semaphore_mem>>)
    }
    %scan3A_33 = arith.constant 45 : i32
    %dma_wait3A = arith.constant 0 : i32
    %dma_wait3A_34 = arith.constant 0 : i32
    %dma_wait3A_35 = arith.constant 0 : i32
    %dma_wait3A_36 = arith.constant 0 : i32
    %dma_wait3A_37 = tpu.memref_slice %arg4[%dma_wait3A, %dma_wait3A_34, %dma_wait3A_35, %dma_wait3A_36] : memref<32x90x2x112xi32, #tpu.memory_space<hbm>> -> memref<1x1x2x112xi32, #tpu.memory_space<hbm>>
    %dma_wait3A_38 = tpu.memref_squeeze %dma_wait3A_37 : memref<1x1x2x112xi32, #tpu.memory_space<hbm>> -> memref<2x112xi32, #tpu.memory_space<hbm>>
    %dma_wait3A_39 = arith.constant 0 : i32
    %dma_wait3A_40 = arith.constant 0 : i32
    %dma_wait3A_41 = tpu.memref_slice %arg4[%dma_wait3A, %dma_wait3A_34, %dma_wait3A_39, %dma_wait3A_40] : memref<32x90x2x112xi32, #tpu.memory_space<hbm>> -> memref<1x1x2x112xi32, #tpu.memory_space<hbm>>
    %dma_wait3A_42 = tpu.memref_squeeze %dma_wait3A_41 : memref<1x1x2x112xi32, #tpu.memory_space<hbm>> -> memref<2x112xi32, #tpu.memory_space<hbm>>
    tpu.wait_dma2 semaphore(%arg20 : memref<!tpu.dma_semaphore, #tpu.memory_space<semaphore_mem>>) src(%dma_wait3A_42 : memref<2x112xi32, #tpu.memory_space<hbm>>) dst(%arg12 : memref<2x112xi32, #tpu.memory_space<vmem>>)
    %dma_wait3A_43 = arith.constant 0 : i32
    %dma_wait3A_44 = arith.constant 0 : i32
    %dma_wait3A_45 = tpu.memref_slice %arg2[%dma_wait3A_43, %dma_wait3A_44] : memref<10000x128xf32, #tpu.memory_space<hbm>> -> memref<112x128xf32, #tpu.memory_space<hbm>>
    %dma_wait3A_46 = arith.constant 0 : i32
    %dma_wait3A_47 = arith.constant 0 : i32
    %dma_wait3A_48 = tpu.memref_slice %arg2[%dma_wait3A_46, %dma_wait3A_47] : memref<10000x128xf32, #tpu.memory_space<hbm>> -> memref<112x128xf32, #tpu.memory_space<hbm>>
    tpu.wait_dma2 semaphore(%arg21 : memref<!tpu.dma_semaphore, #tpu.memory_space<semaphore_mem>>) src(%dma_wait3A_48 : memref<112x128xf32, #tpu.memory_space<hbm>>) dst(%arg15 : memref<112x128xf32, #tpu.memory_space<vmem>>)
    %dma_wait3A_49 = arith.constant 0 : i32
    %dma_wait3A_50 = arith.constant 0 : i32
    %dma_wait3A_51 = tpu.memref_slice %arg3[%dma_wait3A_49, %dma_wait3A_50] : memref<10000x16xf32, #tpu.memory_space<hbm>> -> memref<112x16xf32, #tpu.memory_space<hbm>>
    %dma_wait3A_52 = arith.constant 0 : i32
    %dma_wait3A_53 = arith.constant 0 : i32
    %dma_wait3A_54 = tpu.memref_slice %arg3[%dma_wait3A_52, %dma_wait3A_53] : memref<10000x16xf32, #tpu.memory_space<hbm>> -> memref<112x16xf32, #tpu.memory_space<hbm>>
    tpu.wait_dma2 semaphore(%arg23 : memref<!tpu.dma_semaphore, #tpu.memory_space<semaphore_mem>>) src(%dma_wait3A_54 : memref<112x16xf32, #tpu.memory_space<hbm>>) dst(%arg17 : memref<112x16xf32, #tpu.memory_space<vmem>>)
    %dma_wait3A_55 = arith.constant 0 : i32
    %dma_wait3A_56 = arith.constant 0 : i32
    %dma_wait3A_57 = tpu.memref_slice %arg9[%dma_wait3A_55, %dma_wait3A_56] : memref<10016x128xf32, #tpu.memory_space<vmem_shared>> -> memref<112x128xf32, #tpu.memory_space<vmem_shared>>
    %dma_wait3A_58 = arith.constant 0 : i32
    %dma_wait3A_59 = arith.constant 0 : i32
    %dma_wait3A_60 = tpu.memref_slice %arg9[%dma_wait3A_58, %dma_wait3A_59] : memref<10016x128xf32, #tpu.memory_space<vmem_shared>> -> memref<112x128xf32, #tpu.memory_space<vmem_shared>>
    tpu.wait_dma2 semaphore(%arg26 : memref<!tpu.dma_semaphore, #tpu.memory_space<semaphore_mem>>) src(%arg16 : memref<112x128xf32, #tpu.memory_space<vmem>>) dst(%dma_wait3A_60 : memref<112x128xf32, #tpu.memory_space<vmem_shared>>)
    %dma_wait3A_61 = arith.constant 0 : i32
    %dma_wait3A_62 = arith.constant 0 : i32
    %dma_wait3A_63 = tpu.memref_slice %arg10[%dma_wait3A_61, %dma_wait3A_62] : memref<10016x16xf32, #tpu.memory_space<vmem_shared>> -> memref<112x16xf32, #tpu.memory_space<vmem_shared>>
    %dma_wait3A_64 = arith.constant 0 : i32
    %dma_wait3A_65 = arith.constant 0 : i32
    %dma_wait3A_66 = tpu.memref_slice %arg10[%dma_wait3A_64, %dma_wait3A_65] : memref<10016x16xf32, #tpu.memory_space<vmem_shared>> -> memref<112x16xf32, #tpu.memory_space<vmem_shared>>
    tpu.wait_dma2 semaphore(%arg28 : memref<!tpu.dma_semaphore, #tpu.memory_space<semaphore_mem>>) src(%arg18 : memref<112x16xf32, #tpu.memory_space<vmem>>) dst(%dma_wait3A_66 : memref<112x16xf32, #tpu.memory_space<vmem_shared>>)
    %barrier3A_67 = arith.constant 0 : index
    tpu.barrier barrier_id(%barrier3A_67)
    %lt3A_68 = arith.constant 15 : i32
    %lt3A_69 = arith.cmpi slt, %arg1, %lt3A_68 : i32
    %convert_element_type3A_70 = arith.extui %lt3A_69 : i1 to i32
    %cond3A_71 = arith.constant 0 : i32
    %cond3A_72 = arith.cmpi ne, %convert_element_type3A_70, %cond3A_71 : i32
    scf.if %cond3A_72 {
      %mul3A_78 = arith.constant 624 : i32
      %mul3A_79 = arith.muli %arg1, %mul3A_78 : i32
      %multiple_of3A = tpu.assume_multiple %mul3A_79, 8 : i32
      %mul3A_80 = arith.constant 10000 : i32
      %mul3A_81 = arith.muli %arg0, %mul3A_80 : i32
      %add3A_82 = arith.addi %mul3A_81, %multiple_of3A : i32
      %multiple_of3A_83 = tpu.assume_multiple %add3A_82, 8 : i32
      "tpu.region"() ({
        %run_scoped3A_84 = tpu.sem_alloc : memref<!tpu.dma_semaphore, #tpu.memory_space<semaphore_mem>>
        %dma_start3A_85 = arith.constant 0 : i32
        %dma_start3A_86 = tpu.memref_slice %arg7[%multiple_of3A_83, %dma_start3A_85] : memref<20000x128xf32, #tpu.memory_space<hbm>> -> memref<624x128xf32, #tpu.memory_space<hbm>>
        %dma_start3A_87 = arith.constant 0 : i32
        %dma_start3A_88 = tpu.memref_slice %arg9[%multiple_of3A, %dma_start3A_87] : memref<10016x128xf32, #tpu.memory_space<vmem_shared>> -> memref<624x128xf32, #tpu.memory_space<vmem_shared>>
        tpu.enqueue_dma source(%dma_start3A_88 : memref<624x128xf32, #tpu.memory_space<vmem_shared>>) target(%dma_start3A_86 : memref<624x128xf32, #tpu.memory_space<hbm>>) target_semaphore(%run_scoped3A_84 : memref<!tpu.dma_semaphore, #tpu.memory_space<semaphore_mem>>)
        %dma_wait3A_89 = arith.constant 0 : i32
        %dma_wait3A_90 = tpu.memref_slice %arg7[%multiple_of3A_83, %dma_wait3A_89] : memref<20000x128xf32, #tpu.memory_space<hbm>> -> memref<624x128xf32, #tpu.memory_space<hbm>>
        %dma_wait3A_91 = arith.constant 0 : i32
        %dma_wait3A_92 = tpu.memref_slice %arg9[%multiple_of3A, %dma_wait3A_91] : memref<10016x128xf32, #tpu.memory_space<vmem_shared>> -> memref<624x128xf32, #tpu.memory_space<vmem_shared>>
        tpu.wait_dma2 semaphore(%run_scoped3A_84 : memref<!tpu.dma_semaphore, #tpu.memory_space<semaphore_mem>>) src(%dma_wait3A_92 : memref<624x128xf32, #tpu.memory_space<vmem_shared>>) dst(%dma_wait3A_90 : memref<624x128xf32, #tpu.memory_space<hbm>>)
        tpu.yield
      }) : () -> ()
      "tpu.region"() ({
        %run_scoped3A_84 = tpu.sem_alloc : memref<!tpu.dma_semaphore, #tpu.memory_space<semaphore_mem>>
        %dma_start3A_85 = arith.constant 0 : i32
        %dma_start3A_86 = tpu.memref_slice %arg8[%multiple_of3A_83, %dma_start3A_85] : memref<20000x16xf32, #tpu.memory_space<hbm>> -> memref<624x16xf32, #tpu.memory_space<hbm>>
        %dma_start3A_87 = arith.constant 0 : i32
        %dma_start3A_88 = tpu.memref_slice %arg10[%multiple_of3A, %dma_start3A_87] : memref<10016x16xf32, #tpu.memory_space<vmem_shared>> -> memref<624x16xf32, #tpu.memory_space<vmem_shared>>
        tpu.enqueue_dma source(%dma_start3A_88 : memref<624x16xf32, #tpu.memory_space<vmem_shared>>) target(%dma_start3A_86 : memref<624x16xf32, #tpu.memory_space<hbm>>) target_semaphore(%run_scoped3A_84 : memref<!tpu.dma_semaphore, #tpu.memory_space<semaphore_mem>>)
        %dma_wait3A_89 = arith.constant 0 : i32
        %dma_wait3A_90 = tpu.memref_slice %arg8[%multiple_of3A_83, %dma_wait3A_89] : memref<20000x16xf32, #tpu.memory_space<hbm>> -> memref<624x16xf32, #tpu.memory_space<hbm>>
        %dma_wait3A_91 = arith.constant 0 : i32
        %dma_wait3A_92 = tpu.memref_slice %arg10[%multiple_of3A, %dma_wait3A_91] : memref<10016x16xf32, #tpu.memory_space<vmem_shared>> -> memref<624x16xf32, #tpu.memory_space<vmem_shared>>
        tpu.wait_dma2 semaphore(%run_scoped3A_84 : memref<!tpu.dma_semaphore, #tpu.memory_space<semaphore_mem>>) src(%dma_wait3A_92 : memref<624x16xf32, #tpu.memory_space<vmem_shared>>) dst(%dma_wait3A_90 : memref<624x16xf32, #tpu.memory_space<hbm>>)
        tpu.yield
      }) : () -> ()
    } else {
    }
    %eq3A_73 = arith.constant 15 : i32
    %eq3A_74 = arith.cmpi eq, %arg1, %eq3A_73 : i32
    %convert_element_type3A_75 = arith.extui %eq3A_74 : i1 to i32
    %cond3A_76 = arith.constant 0 : i32
    %cond3A_77 = arith.cmpi ne, %convert_element_type3A_75, %cond3A_76 : i32
    scf.if %cond3A_77 {
      %mul3A_78 = arith.constant 10000 : i32
      %mul3A_79 = arith.muli %arg0, %mul3A_78 : i32
      %add3A_80 = arith.constant 9360 : i32
      %add3A_81 = arith.addi %mul3A_79, %add3A_80 : i32
      %multiple_of3A = tpu.assume_multiple %add3A_81, 8 : i32
      "tpu.region"() ({
        %run_scoped3A_82 = tpu.sem_alloc : memref<!tpu.dma_semaphore, #tpu.memory_space<semaphore_mem>>
        %dma_start3A_83 = arith.constant 0 : i32
        %dma_start3A_84 = tpu.memref_slice %arg7[%multiple_of3A, %dma_start3A_83] : memref<20000x128xf32, #tpu.memory_space<hbm>> -> memref<640x128xf32, #tpu.memory_space<hbm>>
        %dma_start3A_85 = arith.constant 9360 : i32
        %dma_start3A_86 = arith.constant 0 : i32
        %dma_start3A_87 = tpu.memref_slice %arg9[%dma_start3A_85, %dma_start3A_86] : memref<10016x128xf32, #tpu.memory_space<vmem_shared>> -> memref<640x128xf32, #tpu.memory_space<vmem_shared>>
        tpu.enqueue_dma source(%dma_start3A_87 : memref<640x128xf32, #tpu.memory_space<vmem_shared>>) target(%dma_start3A_84 : memref<640x128xf32, #tpu.memory_space<hbm>>) target_semaphore(%run_scoped3A_82 : memref<!tpu.dma_semaphore, #tpu.memory_space<semaphore_mem>>)
        %dma_wait3A_88 = arith.constant 0 : i32
        %dma_wait3A_89 = tpu.memref_slice %arg7[%multiple_of3A, %dma_wait3A_88] : memref<20000x128xf32, #tpu.memory_space<hbm>> -> memref<640x128xf32, #tpu.memory_space<hbm>>
        %dma_wait3A_90 = arith.constant 9360 : i32
        %dma_wait3A_91 = arith.constant 0 : i32
        %dma_wait3A_92 = tpu.memref_slice %arg9[%dma_wait3A_90, %dma_wait3A_91] : memref<10016x128xf32, #tpu.memory_space<vmem_shared>> -> memref<640x128xf32, #tpu.memory_space<vmem_shared>>
        tpu.wait_dma2 semaphore(%run_scoped3A_82 : memref<!tpu.dma_semaphore, #tpu.memory_space<semaphore_mem>>) src(%dma_wait3A_92 : memref<640x128xf32, #tpu.memory_space<vmem_shared>>) dst(%dma_wait3A_89 : memref<640x128xf32, #tpu.memory_space<hbm>>)
        tpu.yield
      }) : () -> ()
      "tpu.region"() ({
        %run_scoped3A_82 = tpu.sem_alloc : memref<!tpu.dma_semaphore, #tpu.memory_space<semaphore_mem>>
        %dma_start3A_83 = arith.constant 0 : i32
        %dma_start3A_84 = tpu.memref_slice %arg8[%multiple_of3A, %dma_start3A_83] : memref<20000x16xf32, #tpu.memory_space<hbm>> -> memref<640x16xf32, #tpu.memory_space<hbm>>
        %dma_start3A_85 = arith.constant 9360 : i32
        %dma_start3A_86 = arith.constant 0 : i32
        %dma_start3A_87 = tpu.memref_slice %arg10[%dma_start3A_85, %dma_start3A_86] : memref<10016x16xf32, #tpu.memory_space<vmem_shared>> -> memref<640x16xf32, #tpu.memory_space<vmem_shared>>
        tpu.enqueue_dma source(%dma_start3A_87 : memref<640x16xf32, #tpu.memory_space<vmem_shared>>) target(%dma_start3A_84 : memref<640x16xf32, #tpu.memory_space<hbm>>) target_semaphore(%run_scoped3A_82 : memref<!tpu.dma_semaphore, #tpu.memory_space<semaphore_mem>>)
        %dma_wait3A_88 = arith.constant 0 : i32
        %dma_wait3A_89 = tpu.memref_slice %arg8[%multiple_of3A, %dma_wait3A_88] : memref<20000x16xf32, #tpu.memory_space<hbm>> -> memref<640x16xf32, #tpu.memory_space<hbm>>
        %dma_wait3A_90 = arith.constant 9360 : i32
        %dma_wait3A_91 = arith.constant 0 : i32
        %dma_wait3A_92 = tpu.memref_slice %arg10[%dma_wait3A_90, %dma_wait3A_91] : memref<10016x16xf32, #tpu.memory_space<vmem_shared>> -> memref<640x16xf32, #tpu.memory_space<vmem_shared>>
        tpu.wait_dma2 semaphore(%run_scoped3A_82 : memref<!tpu.dma_semaphore, #tpu.memory_space<semaphore_mem>>) src(%dma_wait3A_92 : memref<640x16xf32, #tpu.memory_space<vmem_shared>>) dst(%dma_wait3A_89 : memref<640x16xf32, #tpu.memory_space<hbm>>)
        tpu.yield
      }) : () -> ()
    } else {
    }
    return
  }
}

#map = affine_map<(d0, d1) -> (0, 0)>
#map1 = affine_map<(d0, d1) -> (0, 0, 0, 0)>
module attributes {stable_mosaic.version = 14 : i64} {
  func.func @body(%arg0: i32, %arg1: i32, %arg2: memref<10000x128xf32, #tpu.memory_space<hbm>>, %arg3: memref<10000x16xf32, #tpu.memory_space<hbm>>, %arg4: memref<32x90x2x112xi32, #tpu.memory_space<hbm>>, %arg5: memref<10016x128xf32, #tpu.memory_space<hbm>>, %arg6: memref<10016x16xf32, #tpu.memory_space<hbm>>, %arg7: memref<20000x128xf32, #tpu.memory_space<hbm>>, %arg8: memref<20000x16xf32, #tpu.memory_space<hbm>>, %arg9: memref<10016x128xf32, #tpu.memory_space<vmem_shared>>, %arg10: memref<10016x16xf32, #tpu.memory_space<vmem_shared>>, %arg11: memref<2x112xi32, #tpu.memory_space<vmem>>, %arg12: memref<2x112xi32, #tpu.memory_space<vmem>>, %arg13: memref<112xi32, #tpu.memory_space<vmem>>, %arg14: memref<112xi32, #tpu.memory_space<vmem>>, %arg15: memref<112x128xf32, #tpu.memory_space<vmem>>, %arg16: memref<112x128xf32, #tpu.memory_space<vmem>>, %arg17: memref<112x16xf32, #tpu.memory_space<vmem>>, %arg18: memref<112x16xf32, #tpu.memory_space<vmem>>, %arg19: memref<!tpu.dma_semaphore, #tpu.memory_space<semaphore_mem>>, %arg20: memref<!tpu.dma_semaphore, #tpu.memory_space<semaphore_mem>>, %arg21: memref<!tpu.dma_semaphore, #tpu.memory_space<semaphore_mem>>, %arg22: memref<!tpu.dma_semaphore, #tpu.memory_space<semaphore_mem>>, %arg23: memref<!tpu.dma_semaphore, #tpu.memory_space<semaphore_mem>>, %arg24: memref<!tpu.dma_semaphore, #tpu.memory_space<semaphore_mem>>, %arg25: memref<!tpu.dma_semaphore, #tpu.memory_space<semaphore_mem>>, %arg26: memref<!tpu.dma_semaphore, #tpu.memory_space<semaphore_mem>>, %arg27: memref<!tpu.dma_semaphore, #tpu.memory_space<semaphore_mem>>, %arg28: memref<!tpu.dma_semaphore, #tpu.memory_space<semaphore_mem>>) attributes {dimension_semantics = [#tpu.dimension_semantics<core_parallel>, #tpu.dimension_semantics<subcore_parallel>], iteration_bounds = array<i64: 2, 16>, scalar_prefetch = 0 : i64, scratch_operands = 20 : i64, tpu.core_type = #tpu.core_type<sc_vector_subcore>, window_params = [{transform_indices = #map}, {transform_indices = #map}, {transform_indices = #map1}, {transform_indices = #map}, {transform_indices = #map}, {transform_indices = #map}, {transform_indices = #map}]} {
    %mul3A = arith.constant 16 : i32
    %mul3A_0 = arith.muli %arg0, %mul3A : i32
    %add3A = arith.addi %mul3A_0, %arg1 : i32
    %lt3A = arith.constant 15 : i32
    %lt3A_1 = arith.cmpi slt, %arg1, %lt3A : i32
    %convert_element_type3A = arith.extui %lt3A_1 : i1 to i32
    %cond3A = arith.constant 0 : i32
    %cond3A_2 = arith.cmpi ne, %convert_element_type3A, %cond3A : i32
    scf.if %cond3A_2 {
      %mul3A_78 = arith.constant 624 : i32
      %mul3A_79 = arith.muli %arg1, %mul3A_78 : i32
      %multiple_of3A = tpu.assume_multiple %mul3A_79, 8 : i32
      "tpu.region"() ({
        %run_scoped3A_80 = tpu.sem_alloc : memref<!tpu.dma_semaphore, #tpu.memory_space<semaphore_mem>>
        %dma_start3A_81 = arith.constant 0 : i32
        %dma_start3A_82 = tpu.memref_slice %arg9[%multiple_of3A, %dma_start3A_81] : memref<10016x128xf32, #tpu.memory_space<vmem_shared>> -> memref<624x128xf32, #tpu.memory_space<vmem_shared>>
        %dma_start3A_83 = arith.constant 0 : i32
        %dma_start3A_84 = tpu.memref_slice %arg5[%multiple_of3A, %dma_start3A_83] : memref<10016x128xf32, #tpu.memory_space<hbm>> -> memref<624x128xf32, #tpu.memory_space<hbm>>
        tpu.enqueue_dma source(%dma_start3A_84 : memref<624x128xf32, #tpu.memory_space<hbm>>) target(%dma_start3A_82 : memref<624x128xf32, #tpu.memory_space<vmem_shared>>) target_semaphore(%run_scoped3A_80 : memref<!tpu.dma_semaphore, #tpu.memory_space<semaphore_mem>>)
        %dma_wait3A_85 = arith.constant 0 : i32
        %dma_wait3A_86 = tpu.memref_slice %arg9[%multiple_of3A, %dma_wait3A_85] : memref<10016x128xf32, #tpu.memory_space<vmem_shared>> -> memref<624x128xf32, #tpu.memory_space<vmem_shared>>
        %dma_wait3A_87 = arith.constant 0 : i32
        %dma_wait3A_88 = tpu.memref_slice %arg5[%multiple_of3A, %dma_wait3A_87] : memref<10016x128xf32, #tpu.memory_space<hbm>> -> memref<624x128xf32, #tpu.memory_space<hbm>>
        tpu.wait_dma2 semaphore(%run_scoped3A_80 : memref<!tpu.dma_semaphore, #tpu.memory_space<semaphore_mem>>) src(%dma_wait3A_88 : memref<624x128xf32, #tpu.memory_space<hbm>>) dst(%dma_wait3A_86 : memref<624x128xf32, #tpu.memory_space<vmem_shared>>)
        tpu.yield
      }) : () -> ()
      "tpu.region"() ({
        %run_scoped3A_80 = tpu.sem_alloc : memref<!tpu.dma_semaphore, #tpu.memory_space<semaphore_mem>>
        %dma_start3A_81 = arith.constant 0 : i32
        %dma_start3A_82 = tpu.memref_slice %arg10[%multiple_of3A, %dma_start3A_81] : memref<10016x16xf32, #tpu.memory_space<vmem_shared>> -> memref<624x16xf32, #tpu.memory_space<vmem_shared>>
        %dma_start3A_83 = arith.constant 0 : i32
        %dma_start3A_84 = tpu.memref_slice %arg6[%multiple_of3A, %dma_start3A_83] : memref<10016x16xf32, #tpu.memory_space<hbm>> -> memref<624x16xf32, #tpu.memory_space<hbm>>
        tpu.enqueue_dma source(%dma_start3A_84 : memref<624x16xf32, #tpu.memory_space<hbm>>) target(%dma_start3A_82 : memref<624x16xf32, #tpu.memory_space<vmem_shared>>) target_semaphore(%run_scoped3A_80 : memref<!tpu.dma_semaphore, #tpu.memory_space<semaphore_mem>>)
        %dma_wait3A_85 = arith.constant 0 : i32
        %dma_wait3A_86 = tpu.memref_slice %arg10[%multiple_of3A, %dma_wait3A_85] : memref<10016x16xf32, #tpu.memory_space<vmem_shared>> -> memref<624x16xf32, #tpu.memory_space<vmem_shared>>
        %dma_wait3A_87 = arith.constant 0 : i32
        %dma_wait3A_88 = tpu.memref_slice %arg6[%multiple_of3A, %dma_wait3A_87] : memref<10016x16xf32, #tpu.memory_space<hbm>> -> memref<624x16xf32, #tpu.memory_space<hbm>>
        tpu.wait_dma2 semaphore(%run_scoped3A_80 : memref<!tpu.dma_semaphore, #tpu.memory_space<semaphore_mem>>) src(%dma_wait3A_88 : memref<624x16xf32, #tpu.memory_space<hbm>>) dst(%dma_wait3A_86 : memref<624x16xf32, #tpu.memory_space<vmem_shared>>)
        tpu.yield
      }) : () -> ()
    } else {
    }
    %eq3A = arith.constant 15 : i32
    %eq3A_3 = arith.cmpi eq, %arg1, %eq3A : i32
    %convert_element_type3A_4 = arith.extui %eq3A_3 : i1 to i32
    %cond3A_5 = arith.constant 0 : i32
    %cond3A_6 = arith.cmpi ne, %convert_element_type3A_4, %cond3A_5 : i32
    scf.if %cond3A_6 {
      "tpu.region"() ({
        %run_scoped3A_78 = tpu.sem_alloc : memref<!tpu.dma_semaphore, #tpu.memory_space<semaphore_mem>>
        %dma_start3A_79 = arith.constant 9360 : i32
        %dma_start3A_80 = arith.constant 0 : i32
        %dma_start3A_81 = tpu.memref_slice %arg9[%dma_start3A_79, %dma_start3A_80] : memref<10016x128xf32, #tpu.memory_space<vmem_shared>> -> memref<656x128xf32, #tpu.memory_space<vmem_shared>>
        %dma_start3A_82 = arith.constant 9360 : i32
        %dma_start3A_83 = arith.constant 0 : i32
        %dma_start3A_84 = tpu.memref_slice %arg5[%dma_start3A_82, %dma_start3A_83] : memref<10016x128xf32, #tpu.memory_space<hbm>> -> memref<656x128xf32, #tpu.memory_space<hbm>>
        tpu.enqueue_dma source(%dma_start3A_84 : memref<656x128xf32, #tpu.memory_space<hbm>>) target(%dma_start3A_81 : memref<656x128xf32, #tpu.memory_space<vmem_shared>>) target_semaphore(%run_scoped3A_78 : memref<!tpu.dma_semaphore, #tpu.memory_space<semaphore_mem>>)
        %dma_wait3A_85 = arith.constant 9360 : i32
        %dma_wait3A_86 = arith.constant 0 : i32
        %dma_wait3A_87 = tpu.memref_slice %arg9[%dma_wait3A_85, %dma_wait3A_86] : memref<10016x128xf32, #tpu.memory_space<vmem_shared>> -> memref<656x128xf32, #tpu.memory_space<vmem_shared>>
        %dma_wait3A_88 = arith.constant 9360 : i32
        %dma_wait3A_89 = arith.constant 0 : i32
        %dma_wait3A_90 = tpu.memref_slice %arg5[%dma_wait3A_88, %dma_wait3A_89] : memref<10016x128xf32, #tpu.memory_space<hbm>> -> memref<656x128xf32, #tpu.memory_space<hbm>>
        tpu.wait_dma2 semaphore(%run_scoped3A_78 : memref<!tpu.dma_semaphore, #tpu.memory_space<semaphore_mem>>) src(%dma_wait3A_90 : memref<656x128xf32, #tpu.memory_space<hbm>>) dst(%dma_wait3A_87 : memref<656x128xf32, #tpu.memory_space<vmem_shared>>)
        tpu.yield
      }) : () -> ()
      "tpu.region"() ({
        %run_scoped3A_78 = tpu.sem_alloc : memref<!tpu.dma_semaphore, #tpu.memory_space<semaphore_mem>>
        %dma_start3A_79 = arith.constant 9360 : i32
        %dma_start3A_80 = arith.constant 0 : i32
        %dma_start3A_81 = tpu.memref_slice %arg10[%dma_start3A_79, %dma_start3A_80] : memref<10016x16xf32, #tpu.memory_space<vmem_shared>> -> memref<656x16xf32, #tpu.memory_space<vmem_shared>>
        %dma_start3A_82 = arith.constant 9360 : i32
        %dma_start3A_83 = arith.constant 0 : i32
        %dma_start3A_84 = tpu.memref_slice %arg6[%dma_start3A_82, %dma_start3A_83] : memref<10016x16xf32, #tpu.memory_space<hbm>> -> memref<656x16xf32, #tpu.memory_space<hbm>>
        tpu.enqueue_dma source(%dma_start3A_84 : memref<656x16xf32, #tpu.memory_space<hbm>>) target(%dma_start3A_81 : memref<656x16xf32, #tpu.memory_space<vmem_shared>>) target_semaphore(%run_scoped3A_78 : memref<!tpu.dma_semaphore, #tpu.memory_space<semaphore_mem>>)
        %dma_wait3A_85 = arith.constant 9360 : i32
        %dma_wait3A_86 = arith.constant 0 : i32
        %dma_wait3A_87 = tpu.memref_slice %arg10[%dma_wait3A_85, %dma_wait3A_86] : memref<10016x16xf32, #tpu.memory_space<vmem_shared>> -> memref<656x16xf32, #tpu.memory_space<vmem_shared>>
        %dma_wait3A_88 = arith.constant 9360 : i32
        %dma_wait3A_89 = arith.constant 0 : i32
        %dma_wait3A_90 = tpu.memref_slice %arg6[%dma_wait3A_88, %dma_wait3A_89] : memref<10016x16xf32, #tpu.memory_space<hbm>> -> memref<656x16xf32, #tpu.memory_space<hbm>>
        tpu.wait_dma2 semaphore(%run_scoped3A_78 : memref<!tpu.dma_semaphore, #tpu.memory_space<semaphore_mem>>) src(%dma_wait3A_90 : memref<656x16xf32, #tpu.memory_space<hbm>>) dst(%dma_wait3A_87 : memref<656x16xf32, #tpu.memory_space<vmem_shared>>)
        tpu.yield
      }) : () -> ()
    } else {
    }
    %barrier3A = arith.constant 0 : index
    tpu.barrier barrier_id(%barrier3A)
    %run_scoped3A = arith.constant 0 : i32
    "tpu.region"() ({
      %run_scoped3A_78 = tpu.sem_alloc : memref<!tpu.dma_semaphore, #tpu.memory_space<semaphore_mem>>
      %dma_start3A_79 = arith.constant 0 : i32
      %dma_start3A_80 = arith.constant 0 : i32
      %dma_start3A_81 = tpu.memref_slice %arg4[%add3A, %run_scoped3A, %dma_start3A_79, %dma_start3A_80] : memref<32x90x2x112xi32, #tpu.memory_space<hbm>> -> memref<1x1x2x112xi32, #tpu.memory_space<hbm>>
      %dma_start3A_82 = tpu.memref_squeeze %dma_start3A_81 : memref<1x1x2x112xi32, #tpu.memory_space<hbm>> -> memref<2x112xi32, #tpu.memory_space<hbm>>
      %dma_start3A_83 = arith.constant 0 : i32
      %dma_start3A_84 = arith.constant 0 : i32
      %dma_start3A_85 = tpu.memref_slice %arg4[%add3A, %run_scoped3A, %dma_start3A_83, %dma_start3A_84] : memref<32x90x2x112xi32, #tpu.memory_space<hbm>> -> memref<1x1x2x112xi32, #tpu.memory_space<hbm>>
      %dma_start3A_86 = tpu.memref_squeeze %dma_start3A_85 : memref<1x1x2x112xi32, #tpu.memory_space<hbm>> -> memref<2x112xi32, #tpu.memory_space<hbm>>
      tpu.enqueue_dma source(%dma_start3A_86 : memref<2x112xi32, #tpu.memory_space<hbm>>) target(%arg11 : memref<2x112xi32, #tpu.memory_space<vmem>>) target_semaphore(%run_scoped3A_78 : memref<!tpu.dma_semaphore, #tpu.memory_space<semaphore_mem>>)
      %dma_wait3A_87 = arith.constant 0 : i32
      %dma_wait3A_88 = arith.constant 0 : i32
      %dma_wait3A_89 = tpu.memref_slice %arg4[%add3A, %run_scoped3A, %dma_wait3A_87, %dma_wait3A_88] : memref<32x90x2x112xi32, #tpu.memory_space<hbm>> -> memref<1x1x2x112xi32, #tpu.memory_space<hbm>>
      %dma_wait3A_90 = tpu.memref_squeeze %dma_wait3A_89 : memref<1x1x2x112xi32, #tpu.memory_space<hbm>> -> memref<2x112xi32, #tpu.memory_space<hbm>>
      %dma_wait3A_91 = arith.constant 0 : i32
      %dma_wait3A_92 = arith.constant 0 : i32
      %dma_wait3A_93 = tpu.memref_slice %arg4[%add3A, %run_scoped3A, %dma_wait3A_91, %dma_wait3A_92] : memref<32x90x2x112xi32, #tpu.memory_space<hbm>> -> memref<1x1x2x112xi32, #tpu.memory_space<hbm>>
      %dma_wait3A_94 = tpu.memref_squeeze %dma_wait3A_93 : memref<1x1x2x112xi32, #tpu.memory_space<hbm>> -> memref<2x112xi32, #tpu.memory_space<hbm>>
      tpu.wait_dma2 semaphore(%run_scoped3A_78 : memref<!tpu.dma_semaphore, #tpu.memory_space<semaphore_mem>>) src(%dma_wait3A_94 : memref<2x112xi32, #tpu.memory_space<hbm>>) dst(%arg11 : memref<2x112xi32, #tpu.memory_space<vmem>>)
      tpu.yield
    }) : () -> ()
    %dma_start3A = arith.constant 0 : i32
    %dma_start3A_7 = arith.constant 0 : i32
    %dma_start3A_8 = tpu.memref_slice %arg11[%dma_start3A, %dma_start3A_7] : memref<2x112xi32, #tpu.memory_space<vmem>> -> memref<1x112xi32, #tpu.memory_space<vmem>>
    %dma_start3A_9 = tpu.memref_squeeze %dma_start3A_8 : memref<1x112xi32, #tpu.memory_space<vmem>> -> memref<112xi32, #tpu.memory_space<vmem>>
    %dma_start3A_10 = arith.constant 0 : i32
    %dma_start3A_11 = arith.constant 0 : i32
    %dma_start3A_12 = tpu.memref_slice %arg2[%dma_start3A_10, %dma_start3A_11] : memref<10000x128xf32, #tpu.memory_space<hbm>> -> memref<10000x128xf32, #tpu.memory_space<hbm>>
    tpu.enqueue_indirect_dma source(%dma_start3A_12 : memref<10000x128xf32, #tpu.memory_space<hbm>>) target(%arg15 : memref<112x128xf32, #tpu.memory_space<vmem>>) offsets(%dma_start3A_9 : memref<112xi32, #tpu.memory_space<vmem>>) semaphore(%arg21 : memref<!tpu.dma_semaphore, #tpu.memory_space<semaphore_mem>>)
    %dma_start3A_13 = arith.constant 0 : i32
    %dma_start3A_14 = arith.constant 0 : i32
    %dma_start3A_15 = tpu.memref_slice %arg11[%dma_start3A_13, %dma_start3A_14] : memref<2x112xi32, #tpu.memory_space<vmem>> -> memref<1x112xi32, #tpu.memory_space<vmem>>
    %dma_start3A_16 = tpu.memref_squeeze %dma_start3A_15 : memref<1x112xi32, #tpu.memory_space<vmem>> -> memref<112xi32, #tpu.memory_space<vmem>>
    %dma_start3A_17 = arith.constant 0 : i32
    %dma_start3A_18 = arith.constant 0 : i32
    %dma_start3A_19 = tpu.memref_slice %arg3[%dma_start3A_17, %dma_start3A_18] : memref<10000x16xf32, #tpu.memory_space<hbm>> -> memref<10000x16xf32, #tpu.memory_space<hbm>>
    tpu.enqueue_indirect_dma source(%dma_start3A_19 : memref<10000x16xf32, #tpu.memory_space<hbm>>) target(%arg17 : memref<112x16xf32, #tpu.memory_space<vmem>>) offsets(%dma_start3A_16 : memref<112xi32, #tpu.memory_space<vmem>>) semaphore(%arg23 : memref<!tpu.dma_semaphore, #tpu.memory_space<semaphore_mem>>)
    %dma_start3A_20 = arith.constant 1 : i32
    %dma_start3A_21 = arith.constant 0 : i32
    %dma_start3A_22 = arith.constant 0 : i32
    %dma_start3A_23 = tpu.memref_slice %arg4[%add3A, %dma_start3A_20, %dma_start3A_21, %dma_start3A_22] : memref<32x90x2x112xi32, #tpu.memory_space<hbm>> -> memref<1x1x2x112xi32, #tpu.memory_space<hbm>>
    %dma_start3A_24 = tpu.memref_squeeze %dma_start3A_23 : memref<1x1x2x112xi32, #tpu.memory_space<hbm>> -> memref<2x112xi32, #tpu.memory_space<hbm>>
    %dma_start3A_25 = arith.constant 0 : i32
    %dma_start3A_26 = arith.constant 0 : i32
    %dma_start3A_27 = tpu.memref_slice %arg4[%add3A, %dma_start3A_20, %dma_start3A_25, %dma_start3A_26] : memref<32x90x2x112xi32, #tpu.memory_space<hbm>> -> memref<1x1x2x112xi32, #tpu.memory_space<hbm>>
    %dma_start3A_28 = tpu.memref_squeeze %dma_start3A_27 : memref<1x1x2x112xi32, #tpu.memory_space<hbm>> -> memref<2x112xi32, #tpu.memory_space<hbm>>
    tpu.enqueue_dma source(%dma_start3A_28 : memref<2x112xi32, #tpu.memory_space<hbm>>) target(%arg12 : memref<2x112xi32, #tpu.memory_space<vmem>>) target_semaphore(%arg20 : memref<!tpu.dma_semaphore, #tpu.memory_space<semaphore_mem>>)
    %scan3A = arith.constant 0 : i32
    %scan3A_29 = arith.constant 0 : i32
    %scan3A_30 = arith.constant 45 : i32
    %scan3A_31 = arith.addi %scan3A_29, %scan3A_30 : i32
    %scan3A_32 = arith.constant 1 : i32
    scf.for %scan3A_78 = %scan3A_29 to %scan3A_31 step %scan3A_32  : i32 {
      %mul3A_79 = arith.constant 2 : i32
      %mul3A_80 = arith.muli %mul3A_79, %scan3A_78 : i32
      %add3A_81 = arith.constant 0 : i32
      %add3A_82 = arith.addi %mul3A_80, %add3A_81 : i32
      %dma_wait3A_83 = arith.constant 0 : i32
      %dma_wait3A_84 = arith.constant 0 : i32
      %dma_wait3A_85 = arith.constant 0 : i32
      %dma_wait3A_86 = arith.constant 0 : i32
      %dma_wait3A_87 = tpu.memref_slice %arg4[%dma_wait3A_83, %dma_wait3A_84, %dma_wait3A_85, %dma_wait3A_86] : memref<32x90x2x112xi32, #tpu.memory_space<hbm>> -> memref<1x1x2x112xi32, #tpu.memory_space<hbm>>
      %dma_wait3A_88 = tpu.memref_squeeze %dma_wait3A_87 : memref<1x1x2x112xi32, #tpu.memory_space<hbm>> -> memref<2x112xi32, #tpu.memory_space<hbm>>
      %dma_wait3A_89 = arith.constant 0 : i32
      %dma_wait3A_90 = arith.constant 0 : i32
      %dma_wait3A_91 = tpu.memref_slice %arg4[%dma_wait3A_83, %dma_wait3A_84, %dma_wait3A_89, %dma_wait3A_90] : memref<32x90x2x112xi32, #tpu.memory_space<hbm>> -> memref<1x1x2x112xi32, #tpu.memory_space<hbm>>
      %dma_wait3A_92 = tpu.memref_squeeze %dma_wait3A_91 : memref<1x1x2x112xi32, #tpu.memory_space<hbm>> -> memref<2x112xi32, #tpu.memory_space<hbm>>
      tpu.wait_dma2 semaphore(%arg20 : memref<!tpu.dma_semaphore, #tpu.memory_space<semaphore_mem>>) src(%dma_wait3A_92 : memref<2x112xi32, #tpu.memory_space<hbm>>) dst(%arg12 : memref<2x112xi32, #tpu.memory_space<vmem>>)
      %gt3A = arith.constant 0 : i32
      %gt3A_93 = arith.cmpi sgt, %scan3A_78, %gt3A : i32
      %convert_element_type3A_94 = arith.extui %gt3A_93 : i1 to i32
      %cond3A_95 = arith.constant 0 : i32
      %cond3A_96 = arith.cmpi ne, %convert_element_type3A_94, %cond3A_95 : i32
      scf.if %cond3A_96 {
        %dma_wait3A_334 = arith.constant 0 : i32
        %dma_wait3A_335 = arith.constant 0 : i32
        %dma_wait3A_336 = tpu.memref_slice %arg9[%dma_wait3A_334, %dma_wait3A_335] : memref<10016x128xf32, #tpu.memory_space<vmem_shared>> -> memref<112x128xf32, #tpu.memory_space<vmem_shared>>
        %dma_wait3A_337 = arith.constant 0 : i32
        %dma_wait3A_338 = arith.constant 0 : i32
        %dma_wait3A_339 = tpu.memref_slice %arg9[%dma_wait3A_337, %dma_wait3A_338] : memref<10016x128xf32, #tpu.memory_space<vmem_shared>> -> memref<112x128xf32, #tpu.memory_space<vmem_shared>>
        tpu.wait_dma2 semaphore(%arg26 : memref<!tpu.dma_semaphore, #tpu.memory_space<semaphore_mem>>) src(%arg16 : memref<112x128xf32, #tpu.memory_space<vmem>>) dst(%dma_wait3A_339 : memref<112x128xf32, #tpu.memory_space<vmem_shared>>)
        %dma_wait3A_340 = arith.constant 0 : i32
        %dma_wait3A_341 = arith.constant 0 : i32
        %dma_wait3A_342 = tpu.memref_slice %arg10[%dma_wait3A_340, %dma_wait3A_341] : memref<10016x16xf32, #tpu.memory_space<vmem_shared>> -> memref<112x16xf32, #tpu.memory_space<vmem_shared>>
        %dma_wait3A_343 = arith.constant 0 : i32
        %dma_wait3A_344 = arith.constant 0 : i32
        %dma_wait3A_345 = tpu.memref_slice %arg10[%dma_wait3A_343, %dma_wait3A_344] : memref<10016x16xf32, #tpu.memory_space<vmem_shared>> -> memref<112x16xf32, #tpu.memory_space<vmem_shared>>
        tpu.wait_dma2 semaphore(%arg28 : memref<!tpu.dma_semaphore, #tpu.memory_space<semaphore_mem>>) src(%arg18 : memref<112x16xf32, #tpu.memory_space<vmem>>) dst(%dma_wait3A_345 : memref<112x16xf32, #tpu.memory_space<vmem_shared>>)
      } else {
      }
      %dma_start3A_97 = arith.constant 0 : i32
      %dma_start3A_98 = arith.constant 0 : i32
      %dma_start3A_99 = tpu.memref_slice %arg12[%dma_start3A_97, %dma_start3A_98] : memref<2x112xi32, #tpu.memory_space<vmem>> -> memref<1x112xi32, #tpu.memory_space<vmem>>
      %dma_start3A_100 = tpu.memref_squeeze %dma_start3A_99 : memref<1x112xi32, #tpu.memory_space<vmem>> -> memref<112xi32, #tpu.memory_space<vmem>>
      %dma_start3A_101 = arith.constant 0 : i32
      %dma_start3A_102 = arith.constant 0 : i32
      %dma_start3A_103 = tpu.memref_slice %arg2[%dma_start3A_101, %dma_start3A_102] : memref<10000x128xf32, #tpu.memory_space<hbm>> -> memref<10000x128xf32, #tpu.memory_space<hbm>>
      tpu.enqueue_indirect_dma source(%dma_start3A_103 : memref<10000x128xf32, #tpu.memory_space<hbm>>) target(%arg16 : memref<112x128xf32, #tpu.memory_space<vmem>>) offsets(%dma_start3A_100 : memref<112xi32, #tpu.memory_space<vmem>>) semaphore(%arg22 : memref<!tpu.dma_semaphore, #tpu.memory_space<semaphore_mem>>)
      %dma_start3A_104 = arith.constant 0 : i32
      %dma_start3A_105 = arith.constant 0 : i32
      %dma_start3A_106 = tpu.memref_slice %arg12[%dma_start3A_104, %dma_start3A_105] : memref<2x112xi32, #tpu.memory_space<vmem>> -> memref<1x112xi32, #tpu.memory_space<vmem>>
      %dma_start3A_107 = tpu.memref_squeeze %dma_start3A_106 : memref<1x112xi32, #tpu.memory_space<vmem>> -> memref<112xi32, #tpu.memory_space<vmem>>
      %dma_start3A_108 = arith.constant 0 : i32
      %dma_start3A_109 = arith.constant 0 : i32
      %dma_start3A_110 = tpu.memref_slice %arg3[%dma_start3A_108, %dma_start3A_109] : memref<10000x16xf32, #tpu.memory_space<hbm>> -> memref<10000x16xf32, #tpu.memory_space<hbm>>
      tpu.enqueue_indirect_dma source(%dma_start3A_110 : memref<10000x16xf32, #tpu.memory_space<hbm>>) target(%arg18 : memref<112x16xf32, #tpu.memory_space<vmem>>) offsets(%dma_start3A_107 : memref<112xi32, #tpu.memory_space<vmem>>) semaphore(%arg24 : memref<!tpu.dma_semaphore, #tpu.memory_space<semaphore_mem>>)
      %dma_wait3A_111 = arith.constant 0 : i32
      %dma_wait3A_112 = arith.constant 0 : i32
      %dma_wait3A_113 = tpu.memref_slice %arg2[%dma_wait3A_111, %dma_wait3A_112] : memref<10000x128xf32, #tpu.memory_space<hbm>> -> memref<112x128xf32, #tpu.memory_space<hbm>>
      %dma_wait3A_114 = arith.constant 0 : i32
      %dma_wait3A_115 = arith.constant 0 : i32
      %dma_wait3A_116 = tpu.memref_slice %arg2[%dma_wait3A_114, %dma_wait3A_115] : memref<10000x128xf32, #tpu.memory_space<hbm>> -> memref<112x128xf32, #tpu.memory_space<hbm>>
      tpu.wait_dma2 semaphore(%arg21 : memref<!tpu.dma_semaphore, #tpu.memory_space<semaphore_mem>>) src(%dma_wait3A_116 : memref<112x128xf32, #tpu.memory_space<hbm>>) dst(%arg15 : memref<112x128xf32, #tpu.memory_space<vmem>>)
      %dma_wait3A_117 = arith.constant 0 : i32
      %dma_wait3A_118 = arith.constant 0 : i32
      %dma_wait3A_119 = tpu.memref_slice %arg3[%dma_wait3A_117, %dma_wait3A_118] : memref<10000x16xf32, #tpu.memory_space<hbm>> -> memref<112x16xf32, #tpu.memory_space<hbm>>
      %dma_wait3A_120 = arith.constant 0 : i32
      %dma_wait3A_121 = arith.constant 0 : i32
      %dma_wait3A_122 = tpu.memref_slice %arg3[%dma_wait3A_120, %dma_wait3A_121] : memref<10000x16xf32, #tpu.memory_space<hbm>> -> memref<112x16xf32, #tpu.memory_space<hbm>>
      tpu.wait_dma2 semaphore(%arg23 : memref<!tpu.dma_semaphore, #tpu.memory_space<semaphore_mem>>) src(%dma_wait3A_122 : memref<112x16xf32, #tpu.memory_space<hbm>>) dst(%arg17 : memref<112x16xf32, #tpu.memory_space<vmem>>)
      %get3A = arith.constant 1 : i32
      %get3A_123 = arith.index_cast %get3A : i32 to index
      %get3A_124 = arith.constant 0 : index
      %get3A_125 = tpu.vector_load %arg11[%get3A_123, %get3A_124] {strides = array<i32>} : memref<2x112xi32, #tpu.memory_space<vmem>>, vector<1x16xi32>,
      %get3A_126 = vector.shape_cast %get3A_125 : vector<1x16xi32> to vector<16xi32>
      %swap3A = arith.constant 0 : index
      %swap3A_127 = tpu.vector_load %arg13[%swap3A] {strides = array<i32>} : memref<112xi32, #tpu.memory_space<vmem>>, vector<16xi32>,
      %swap3A_128 = vector.shape_cast %swap3A_127 : vector<16xi32> to vector<16xi32>
      %swap3A_129 = vector.shape_cast %get3A_126 : vector<16xi32> to vector<16xi32>
      tpu.vector_store %arg13[%swap3A], %swap3A_129 {strides = array<i32>} : memref<112xi32, #tpu.memory_space<vmem>>, vector<16xi32>,
      %get3A_130 = arith.constant 1 : i32
      %get3A_131 = arith.index_cast %get3A_130 : i32 to index
      %get3A_132 = arith.constant 16 : index
      %get3A_133 = tpu.vector_load %arg11[%get3A_131, %get3A_132] {strides = array<i32>} : memref<2x112xi32, #tpu.memory_space<vmem>>, vector<1x16xi32>,
      %get3A_134 = vector.shape_cast %get3A_133 : vector<1x16xi32> to vector<16xi32>
      %swap3A_135 = arith.constant 16 : index
      %swap3A_136 = tpu.vector_load %arg13[%swap3A_135] {strides = array<i32>} : memref<112xi32, #tpu.memory_space<vmem>>, vector<16xi32>,
      %swap3A_137 = vector.shape_cast %swap3A_136 : vector<16xi32> to vector<16xi32>
      %swap3A_138 = vector.shape_cast %get3A_134 : vector<16xi32> to vector<16xi32>
      tpu.vector_store %arg13[%swap3A_135], %swap3A_138 {strides = array<i32>} : memref<112xi32, #tpu.memory_space<vmem>>, vector<16xi32>,
      %get3A_139 = arith.constant 1 : i32
      %get3A_140 = arith.index_cast %get3A_139 : i32 to index
      %get3A_141 = arith.constant 32 : index
      %get3A_142 = tpu.vector_load %arg11[%get3A_140, %get3A_141] {strides = array<i32>} : memref<2x112xi32, #tpu.memory_space<vmem>>, vector<1x16xi32>,
      %get3A_143 = vector.shape_cast %get3A_142 : vector<1x16xi32> to vector<16xi32>
      %swap3A_144 = arith.constant 32 : index
      %swap3A_145 = tpu.vector_load %arg13[%swap3A_144] {strides = array<i32>} : memref<112xi32, #tpu.memory_space<vmem>>, vector<16xi32>,
      %swap3A_146 = vector.shape_cast %swap3A_145 : vector<16xi32> to vector<16xi32>
      %swap3A_147 = vector.shape_cast %get3A_143 : vector<16xi32> to vector<16xi32>
      tpu.vector_store %arg13[%swap3A_144], %swap3A_147 {strides = array<i32>} : memref<112xi32, #tpu.memory_space<vmem>>, vector<16xi32>,
      %get3A_148 = arith.constant 1 : i32
      %get3A_149 = arith.index_cast %get3A_148 : i32 to index
      %get3A_150 = arith.constant 48 : index
      %get3A_151 = tpu.vector_load %arg11[%get3A_149, %get3A_150] {strides = array<i32>} : memref<2x112xi32, #tpu.memory_space<vmem>>, vector<1x16xi32>,
      %get3A_152 = vector.shape_cast %get3A_151 : vector<1x16xi32> to vector<16xi32>
      %swap3A_153 = arith.constant 48 : index
      %swap3A_154 = tpu.vector_load %arg13[%swap3A_153] {strides = array<i32>} : memref<112xi32, #tpu.memory_space<vmem>>, vector<16xi32>,
      %swap3A_155 = vector.shape_cast %swap3A_154 : vector<16xi32> to vector<16xi32>
      %swap3A_156 = vector.shape_cast %get3A_152 : vector<16xi32> to vector<16xi32>
      tpu.vector_store %arg13[%swap3A_153], %swap3A_156 {strides = array<i32>} : memref<112xi32, #tpu.memory_space<vmem>>, vector<16xi32>,
      %get3A_157 = arith.constant 1 : i32
      %get3A_158 = arith.index_cast %get3A_157 : i32 to index
      %get3A_159 = arith.constant 64 : index
      %get3A_160 = tpu.vector_load %arg11[%get3A_158, %get3A_159] {strides = array<i32>} : memref<2x112xi32, #tpu.memory_space<vmem>>, vector<1x16xi32>,
      %get3A_161 = vector.shape_cast %get3A_160 : vector<1x16xi32> to vector<16xi32>
      %swap3A_162 = arith.constant 64 : index
      %swap3A_163 = tpu.vector_load %arg13[%swap3A_162] {strides = array<i32>} : memref<112xi32, #tpu.memory_space<vmem>>, vector<16xi32>,
      %swap3A_164 = vector.shape_cast %swap3A_163 : vector<16xi32> to vector<16xi32>
      %swap3A_165 = vector.shape_cast %get3A_161 : vector<16xi32> to vector<16xi32>
      tpu.vector_store %arg13[%swap3A_162], %swap3A_165 {strides = array<i32>} : memref<112xi32, #tpu.memory_space<vmem>>, vector<16xi32>,
      %get3A_166 = arith.constant 1 : i32
      %get3A_167 = arith.index_cast %get3A_166 : i32 to index
      %get3A_168 = arith.constant 80 : index
      %get3A_169 = tpu.vector_load %arg11[%get3A_167, %get3A_168] {strides = array<i32>} : memref<2x112xi32, #tpu.memory_space<vmem>>, vector<1x16xi32>,
      %get3A_170 = vector.shape_cast %get3A_169 : vector<1x16xi32> to vector<16xi32>
      %swap3A_171 = arith.constant 80 : index
      %swap3A_172 = tpu.vector_load %arg13[%swap3A_171] {strides = array<i32>} : memref<112xi32, #tpu.memory_space<vmem>>, vector<16xi32>,
      %swap3A_173 = vector.shape_cast %swap3A_172 : vector<16xi32> to vector<16xi32>
      %swap3A_174 = vector.shape_cast %get3A_170 : vector<16xi32> to vector<16xi32>
      tpu.vector_store %arg13[%swap3A_171], %swap3A_174 {strides = array<i32>} : memref<112xi32, #tpu.memory_space<vmem>>, vector<16xi32>,
      %get3A_175 = arith.constant 1 : i32
      %get3A_176 = arith.index_cast %get3A_175 : i32 to index
      %get3A_177 = arith.constant 96 : index
      %get3A_178 = tpu.vector_load %arg11[%get3A_176, %get3A_177] {strides = array<i32>} : memref<2x112xi32, #tpu.memory_space<vmem>>, vector<1x16xi32>,
      %get3A_179 = vector.shape_cast %get3A_178 : vector<1x16xi32> to vector<16xi32>
      %swap3A_180 = arith.constant 96 : index
      %swap3A_181 = tpu.vector_load %arg13[%swap3A_180] {strides = array<i32>} : memref<112xi32, #tpu.memory_space<vmem>>, vector<16xi32>,
      %swap3A_182 = vector.shape_cast %swap3A_181 : vector<16xi32> to vector<16xi32>
      %swap3A_183 = vector.shape_cast %get3A_179 : vector<16xi32> to vector<16xi32>
      tpu.vector_store %arg13[%swap3A_180], %swap3A_183 {strides = array<i32>} : memref<112xi32, #tpu.memory_space<vmem>>, vector<16xi32>,
      %dma_start3A_184 = arith.constant 0 : i32
      %dma_start3A_185 = arith.constant 0 : i32
      %dma_start3A_186 = tpu.memref_slice %arg9[%dma_start3A_184, %dma_start3A_185] : memref<10016x128xf32, #tpu.memory_space<vmem_shared>> -> memref<10016x128xf32, #tpu.memory_space<vmem_shared>>
      tpu.enqueue_indirect_dma source(%arg15 : memref<112x128xf32, #tpu.memory_space<vmem>>) target(%dma_start3A_186 : memref<10016x128xf32, #tpu.memory_space<vmem_shared>>) offsets(%arg13 : memref<112xi32, #tpu.memory_space<vmem>>) semaphore(%arg25 : memref<!tpu.dma_semaphore, #tpu.memory_space<semaphore_mem>>) {add = true}
      %dma_start3A_187 = arith.constant 0 : i32
      %dma_start3A_188 = arith.constant 0 : i32
      %dma_start3A_189 = tpu.memref_slice %arg10[%dma_start3A_187, %dma_start3A_188] : memref<10016x16xf32, #tpu.memory_space<vmem_shared>> -> memref<10016x16xf32, #tpu.memory_space<vmem_shared>>
      tpu.enqueue_indirect_dma source(%arg17 : memref<112x16xf32, #tpu.memory_space<vmem>>) target(%dma_start3A_189 : memref<10016x16xf32, #tpu.memory_space<vmem_shared>>) offsets(%arg13 : memref<112xi32, #tpu.memory_space<vmem>>) semaphore(%arg27 : memref<!tpu.dma_semaphore, #tpu.memory_space<semaphore_mem>>) {add = true}
      %add3A_190 = arith.constant 2 : i32
      %add3A_191 = arith.addi %add3A_82, %add3A_190 : i32
      %min3A = arith.constant 89 : i32
      %min3A_192 = arith.minsi %add3A_191, %min3A : i32
      %dma_start3A_193 = arith.constant 0 : i32
      %dma_start3A_194 = arith.constant 0 : i32
      %dma_start3A_195 = tpu.memref_slice %arg4[%add3A, %min3A_192, %dma_start3A_193, %dma_start3A_194] : memref<32x90x2x112xi32, #tpu.memory_space<hbm>> -> memref<1x1x2x112xi32, #tpu.memory_space<hbm>>
      %dma_start3A_196 = tpu.memref_squeeze %dma_start3A_195 : memref<1x1x2x112xi32, #tpu.memory_space<hbm>> -> memref<2x112xi32, #tpu.memory_space<hbm>>
      %dma_start3A_197 = arith.constant 0 : i32
      %dma_start3A_198 = arith.constant 0 : i32
      %dma_start3A_199 = tpu.memref_slice %arg4[%add3A, %min3A_192, %dma_start3A_197, %dma_start3A_198] : memref<32x90x2x112xi32, #tpu.memory_space<hbm>> -> memref<1x1x2x112xi32, #tpu.memory_space<hbm>>
      %dma_start3A_200 = tpu.memref_squeeze %dma_start3A_199 : memref<1x1x2x112xi32, #tpu.memory_space<hbm>> -> memref<2x112xi32, #tpu.memory_space<hbm>>
      tpu.enqueue_dma source(%dma_start3A_200 : memref<2x112xi32, #tpu.memory_space<hbm>>) target(%arg11 : memref<2x112xi32, #tpu.memory_space<vmem>>) target_semaphore(%arg19 : memref<!tpu.dma_semaphore, #tpu.memory_space<semaphore_mem>>)
      %mul3A_201 = arith.constant 2 : i32
      %mul3A_202 = arith.muli %mul3A_201, %scan3A_78 : i32
      %add3A_203 = arith.constant 1 : i32
      %add3A_204 = arith.addi %mul3A_202, %add3A_203 : i32
      %dma_wait3A_205 = arith.constant 0 : i32
      %dma_wait3A_206 = arith.constant 0 : i32
      %dma_wait3A_207 = arith.constant 0 : i32
      %dma_wait3A_208 = arith.constant 0 : i32
      %dma_wait3A_209 = tpu.memref_slice %arg4[%dma_wait3A_205, %dma_wait3A_206, %dma_wait3A_207, %dma_wait3A_208] : memref<32x90x2x112xi32, #tpu.memory_space<hbm>> -> memref<1x1x2x112xi32, #tpu.memory_space<hbm>>
      %dma_wait3A_210 = tpu.memref_squeeze %dma_wait3A_209 : memref<1x1x2x112xi32, #tpu.memory_space<hbm>> -> memref<2x112xi32, #tpu.memory_space<hbm>>
      %dma_wait3A_211 = arith.constant 0 : i32
      %dma_wait3A_212 = arith.constant 0 : i32
      %dma_wait3A_213 = tpu.memref_slice %arg4[%dma_wait3A_205, %dma_wait3A_206, %dma_wait3A_211, %dma_wait3A_212] : memref<32x90x2x112xi32, #tpu.memory_space<hbm>> -> memref<1x1x2x112xi32, #tpu.memory_space<hbm>>
      %dma_wait3A_214 = tpu.memref_squeeze %dma_wait3A_213 : memref<1x1x2x112xi32, #tpu.memory_space<hbm>> -> memref<2x112xi32, #tpu.memory_space<hbm>>
      tpu.wait_dma2 semaphore(%arg19 : memref<!tpu.dma_semaphore, #tpu.memory_space<semaphore_mem>>) src(%dma_wait3A_214 : memref<2x112xi32, #tpu.memory_space<hbm>>) dst(%arg11 : memref<2x112xi32, #tpu.memory_space<vmem>>)
      %dma_wait3A_215 = arith.constant 0 : i32
      %dma_wait3A_216 = arith.constant 0 : i32
      %dma_wait3A_217 = tpu.memref_slice %arg9[%dma_wait3A_215, %dma_wait3A_216] : memref<10016x128xf32, #tpu.memory_space<vmem_shared>> -> memref<112x128xf32, #tpu.memory_space<vmem_shared>>
      %dma_wait3A_218 = arith.constant 0 : i32
      %dma_wait3A_219 = arith.constant 0 : i32
      %dma_wait3A_220 = tpu.memref_slice %arg9[%dma_wait3A_218, %dma_wait3A_219] : memref<10016x128xf32, #tpu.memory_space<vmem_shared>> -> memref<112x128xf32, #tpu.memory_space<vmem_shared>>
      tpu.wait_dma2 semaphore(%arg25 : memref<!tpu.dma_semaphore, #tpu.memory_space<semaphore_mem>>) src(%arg15 : memref<112x128xf32, #tpu.memory_space<vmem>>) dst(%dma_wait3A_220 : memref<112x128xf32, #tpu.memory_space<vmem_shared>>)
      %dma_wait3A_221 = arith.constant 0 : i32
      %dma_wait3A_222 = arith.constant 0 : i32
      %dma_wait3A_223 = tpu.memref_slice %arg10[%dma_wait3A_221, %dma_wait3A_222] : memref<10016x16xf32, #tpu.memory_space<vmem_shared>> -> memref<112x16xf32, #tpu.memory_space<vmem_shared>>
      %dma_wait3A_224 = arith.constant 0 : i32
      %dma_wait3A_225 = arith.constant 0 : i32
      %dma_wait3A_226 = tpu.memref_slice %arg10[%dma_wait3A_224, %dma_wait3A_225] : memref<10016x16xf32, #tpu.memory_space<vmem_shared>> -> memref<112x16xf32, #tpu.memory_space<vmem_shared>>
      tpu.wait_dma2 semaphore(%arg27 : memref<!tpu.dma_semaphore, #tpu.memory_space<semaphore_mem>>) src(%arg17 : memref<112x16xf32, #tpu.memory_space<vmem>>) dst(%dma_wait3A_226 : memref<112x16xf32, #tpu.memory_space<vmem_shared>>)
      %dma_start3A_227 = arith.constant 0 : i32
      %dma_start3A_228 = arith.constant 0 : i32
      %dma_start3A_229 = tpu.memref_slice %arg11[%dma_start3A_227, %dma_start3A_228] : memref<2x112xi32, #tpu.memory_space<vmem>> -> memref<1x112xi32, #tpu.memory_space<vmem>>
      %dma_start3A_230 = tpu.memref_squeeze %dma_start3A_229 : memref<1x112xi32, #tpu.memory_space<vmem>> -> memref<112xi32, #tpu.memory_space<vmem>>
      %dma_start3A_231 = arith.constant 0 : i32
      %dma_start3A_232 = arith.constant 0 : i32
      %dma_start3A_233 = tpu.memref_slice %arg2[%dma_start3A_231, %dma_start3A_232] : memref<10000x128xf32, #tpu.memory_space<hbm>> -> memref<10000x128xf32, #tpu.memory_space<hbm>>
      tpu.enqueue_indirect_dma source(%dma_start3A_233 : memref<10000x128xf32, #tpu.memory_space<hbm>>) target(%arg15 : memref<112x128xf32, #tpu.memory_space<vmem>>) offsets(%dma_start3A_230 : memref<112xi32, #tpu.memory_space<vmem>>) semaphore(%arg21 : memref<!tpu.dma_semaphore, #tpu.memory_space<semaphore_mem>>)
      %dma_start3A_234 = arith.constant 0 : i32
      %dma_start3A_235 = arith.constant 0 : i32
      %dma_start3A_236 = tpu.memref_slice %arg11[%dma_start3A_234, %dma_start3A_235] : memref<2x112xi32, #tpu.memory_space<vmem>> -> memref<1x112xi32, #tpu.memory_space<vmem>>
      %dma_start3A_237 = tpu.memref_squeeze %dma_start3A_236 : memref<1x112xi32, #tpu.memory_space<vmem>> -> memref<112xi32, #tpu.memory_space<vmem>>
      %dma_start3A_238 = arith.constant 0 : i32
      %dma_start3A_239 = arith.constant 0 : i32
      %dma_start3A_240 = tpu.memref_slice %arg3[%dma_start3A_238, %dma_start3A_239] : memref<10000x16xf32, #tpu.memory_space<hbm>> -> memref<10000x16xf32, #tpu.memory_space<hbm>>
      tpu.enqueue_indirect_dma source(%dma_start3A_240 : memref<10000x16xf32, #tpu.memory_space<hbm>>) target(%arg17 : memref<112x16xf32, #tpu.memory_space<vmem>>) offsets(%dma_start3A_237 : memref<112xi32, #tpu.memory_space<vmem>>) semaphore(%arg23 : memref<!tpu.dma_semaphore, #tpu.memory_space<semaphore_mem>>)
      %dma_wait3A_241 = arith.constant 0 : i32
      %dma_wait3A_242 = arith.constant 0 : i32
      %dma_wait3A_243 = tpu.memref_slice %arg2[%dma_wait3A_241, %dma_wait3A_242] : memref<10000x128xf32, #tpu.memory_space<hbm>> -> memref<112x128xf32, #tpu.memory_space<hbm>>
      %dma_wait3A_244 = arith.constant 0 : i32
      %dma_wait3A_245 = arith.constant 0 : i32
      %dma_wait3A_246 = tpu.memref_slice %arg2[%dma_wait3A_244, %dma_wait3A_245] : memref<10000x128xf32, #tpu.memory_space<hbm>> -> memref<112x128xf32, #tpu.memory_space<hbm>>
      tpu.wait_dma2 semaphore(%arg22 : memref<!tpu.dma_semaphore, #tpu.memory_space<semaphore_mem>>) src(%dma_wait3A_246 : memref<112x128xf32, #tpu.memory_space<hbm>>) dst(%arg16 : memref<112x128xf32, #tpu.memory_space<vmem>>)
      %dma_wait3A_247 = arith.constant 0 : i32
      %dma_wait3A_248 = arith.constant 0 : i32
      %dma_wait3A_249 = tpu.memref_slice %arg3[%dma_wait3A_247, %dma_wait3A_248] : memref<10000x16xf32, #tpu.memory_space<hbm>> -> memref<112x16xf32, #tpu.memory_space<hbm>>
      %dma_wait3A_250 = arith.constant 0 : i32
      %dma_wait3A_251 = arith.constant 0 : i32
      %dma_wait3A_252 = tpu.memref_slice %arg3[%dma_wait3A_250, %dma_wait3A_251] : memref<10000x16xf32, #tpu.memory_space<hbm>> -> memref<112x16xf32, #tpu.memory_space<hbm>>
      tpu.wait_dma2 semaphore(%arg24 : memref<!tpu.dma_semaphore, #tpu.memory_space<semaphore_mem>>) src(%dma_wait3A_252 : memref<112x16xf32, #tpu.memory_space<hbm>>) dst(%arg18 : memref<112x16xf32, #tpu.memory_space<vmem>>)
      %get3A_253 = arith.constant 1 : i32
      %get3A_254 = arith.index_cast %get3A_253 : i32 to index
      %get3A_255 = arith.constant 0 : index
      %get3A_256 = tpu.vector_load %arg12[%get3A_254, %get3A_255] {strides = array<i32>} : memref<2x112xi32, #tpu.memory_space<vmem>>, vector<1x16xi32>,
      %get3A_257 = vector.shape_cast %get3A_256 : vector<1x16xi32> to vector<16xi32>
      %swap3A_258 = arith.constant 0 : index
      %swap3A_259 = tpu.vector_load %arg14[%swap3A_258] {strides = array<i32>} : memref<112xi32, #tpu.memory_space<vmem>>, vector<16xi32>,
      %swap3A_260 = vector.shape_cast %swap3A_259 : vector<16xi32> to vector<16xi32>
      %swap3A_261 = vector.shape_cast %get3A_257 : vector<16xi32> to vector<16xi32>
      tpu.vector_store %arg14[%swap3A_258], %swap3A_261 {strides = array<i32>} : memref<112xi32, #tpu.memory_space<vmem>>, vector<16xi32>,
      %get3A_262 = arith.constant 1 : i32
      %get3A_263 = arith.index_cast %get3A_262 : i32 to index
      %get3A_264 = arith.constant 16 : index
      %get3A_265 = tpu.vector_load %arg12[%get3A_263, %get3A_264] {strides = array<i32>} : memref<2x112xi32, #tpu.memory_space<vmem>>, vector<1x16xi32>,
      %get3A_266 = vector.shape_cast %get3A_265 : vector<1x16xi32> to vector<16xi32>
      %swap3A_267 = arith.constant 16 : index
      %swap3A_268 = tpu.vector_load %arg14[%swap3A_267] {strides = array<i32>} : memref<112xi32, #tpu.memory_space<vmem>>, vector<16xi32>,
      %swap3A_269 = vector.shape_cast %swap3A_268 : vector<16xi32> to vector<16xi32>
      %swap3A_270 = vector.shape_cast %get3A_266 : vector<16xi32> to vector<16xi32>
      tpu.vector_store %arg14[%swap3A_267], %swap3A_270 {strides = array<i32>} : memref<112xi32, #tpu.memory_space<vmem>>, vector<16xi32>,
      %get3A_271 = arith.constant 1 : i32
      %get3A_272 = arith.index_cast %get3A_271 : i32 to index
      %get3A_273 = arith.constant 32 : index
      %get3A_274 = tpu.vector_load %arg12[%get3A_272, %get3A_273] {strides = array<i32>} : memref<2x112xi32, #tpu.memory_space<vmem>>, vector<1x16xi32>,
      %get3A_275 = vector.shape_cast %get3A_274 : vector<1x16xi32> to vector<16xi32>
      %swap3A_276 = arith.constant 32 : index
      %swap3A_277 = tpu.vector_load %arg14[%swap3A_276] {strides = array<i32>} : memref<112xi32, #tpu.memory_space<vmem>>, vector<16xi32>,
      %swap3A_278 = vector.shape_cast %swap3A_277 : vector<16xi32> to vector<16xi32>
      %swap3A_279 = vector.shape_cast %get3A_275 : vector<16xi32> to vector<16xi32>
      tpu.vector_store %arg14[%swap3A_276], %swap3A_279 {strides = array<i32>} : memref<112xi32, #tpu.memory_space<vmem>>, vector<16xi32>,
      %get3A_280 = arith.constant 1 : i32
      %get3A_281 = arith.index_cast %get3A_280 : i32 to index
      %get3A_282 = arith.constant 48 : index
      %get3A_283 = tpu.vector_load %arg12[%get3A_281, %get3A_282] {strides = array<i32>} : memref<2x112xi32, #tpu.memory_space<vmem>>, vector<1x16xi32>,
      %get3A_284 = vector.shape_cast %get3A_283 : vector<1x16xi32> to vector<16xi32>
      %swap3A_285 = arith.constant 48 : index
      %swap3A_286 = tpu.vector_load %arg14[%swap3A_285] {strides = array<i32>} : memref<112xi32, #tpu.memory_space<vmem>>, vector<16xi32>,
      %swap3A_287 = vector.shape_cast %swap3A_286 : vector<16xi32> to vector<16xi32>
      %swap3A_288 = vector.shape_cast %get3A_284 : vector<16xi32> to vector<16xi32>
      tpu.vector_store %arg14[%swap3A_285], %swap3A_288 {strides = array<i32>} : memref<112xi32, #tpu.memory_space<vmem>>, vector<16xi32>,
      %get3A_289 = arith.constant 1 : i32
      %get3A_290 = arith.index_cast %get3A_289 : i32 to index
      %get3A_291 = arith.constant 64 : index
      %get3A_292 = tpu.vector_load %arg12[%get3A_290, %get3A_291] {strides = array<i32>} : memref<2x112xi32, #tpu.memory_space<vmem>>, vector<1x16xi32>,
      %get3A_293 = vector.shape_cast %get3A_292 : vector<1x16xi32> to vector<16xi32>
      %swap3A_294 = arith.constant 64 : index
      %swap3A_295 = tpu.vector_load %arg14[%swap3A_294] {strides = array<i32>} : memref<112xi32, #tpu.memory_space<vmem>>, vector<16xi32>,
      %swap3A_296 = vector.shape_cast %swap3A_295 : vector<16xi32> to vector<16xi32>
      %swap3A_297 = vector.shape_cast %get3A_293 : vector<16xi32> to vector<16xi32>
      tpu.vector_store %arg14[%swap3A_294], %swap3A_297 {strides = array<i32>} : memref<112xi32, #tpu.memory_space<vmem>>, vector<16xi32>,
      %get3A_298 = arith.constant 1 : i32
      %get3A_299 = arith.index_cast %get3A_298 : i32 to index
      %get3A_300 = arith.constant 80 : index
      %get3A_301 = tpu.vector_load %arg12[%get3A_299, %get3A_300] {strides = array<i32>} : memref<2x112xi32, #tpu.memory_space<vmem>>, vector<1x16xi32>,
      %get3A_302 = vector.shape_cast %get3A_301 : vector<1x16xi32> to vector<16xi32>
      %swap3A_303 = arith.constant 80 : index
      %swap3A_304 = tpu.vector_load %arg14[%swap3A_303] {strides = array<i32>} : memref<112xi32, #tpu.memory_space<vmem>>, vector<16xi32>,
      %swap3A_305 = vector.shape_cast %swap3A_304 : vector<16xi32> to vector<16xi32>
      %swap3A_306 = vector.shape_cast %get3A_302 : vector<16xi32> to vector<16xi32>
      tpu.vector_store %arg14[%swap3A_303], %swap3A_306 {strides = array<i32>} : memref<112xi32, #tpu.memory_space<vmem>>, vector<16xi32>,
      %get3A_307 = arith.constant 1 : i32
      %get3A_308 = arith.index_cast %get3A_307 : i32 to index
      %get3A_309 = arith.constant 96 : index
      %get3A_310 = tpu.vector_load %arg12[%get3A_308, %get3A_309] {strides = array<i32>} : memref<2x112xi32, #tpu.memory_space<vmem>>, vector<1x16xi32>,
      %get3A_311 = vector.shape_cast %get3A_310 : vector<1x16xi32> to vector<16xi32>
      %swap3A_312 = arith.constant 96 : index
      %swap3A_313 = tpu.vector_load %arg14[%swap3A_312] {strides = array<i32>} : memref<112xi32, #tpu.memory_space<vmem>>, vector<16xi32>,
      %swap3A_314 = vector.shape_cast %swap3A_313 : vector<16xi32> to vector<16xi32>
      %swap3A_315 = vector.shape_cast %get3A_311 : vector<16xi32> to vector<16xi32>
      tpu.vector_store %arg14[%swap3A_312], %swap3A_315 {strides = array<i32>} : memref<112xi32, #tpu.memory_space<vmem>>, vector<16xi32>,
      %dma_start3A_316 = arith.constant 0 : i32
      %dma_start3A_317 = arith.constant 0 : i32
      %dma_start3A_318 = tpu.memref_slice %arg9[%dma_start3A_316, %dma_start3A_317] : memref<10016x128xf32, #tpu.memory_space<vmem_shared>> -> memref<10016x128xf32, #tpu.memory_space<vmem_shared>>
      tpu.enqueue_indirect_dma source(%arg16 : memref<112x128xf32, #tpu.memory_space<vmem>>) target(%dma_start3A_318 : memref<10016x128xf32, #tpu.memory_space<vmem_shared>>) offsets(%arg14 : memref<112xi32, #tpu.memory_space<vmem>>) semaphore(%arg26 : memref<!tpu.dma_semaphore, #tpu.memory_space<semaphore_mem>>) {add = true}
      %dma_start3A_319 = arith.constant 0 : i32
      %dma_start3A_320 = arith.constant 0 : i32
      %dma_start3A_321 = tpu.memref_slice %arg10[%dma_start3A_319, %dma_start3A_320] : memref<10016x16xf32, #tpu.memory_space<vmem_shared>> -> memref<10016x16xf32, #tpu.memory_space<vmem_shared>>
      tpu.enqueue_indirect_dma source(%arg18 : memref<112x16xf32, #tpu.memory_space<vmem>>) target(%dma_start3A_321 : memref<10016x16xf32, #tpu.memory_space<vmem_shared>>) offsets(%arg14 : memref<112xi32, #tpu.memory_space<vmem>>) semaphore(%arg28 : memref<!tpu.dma_semaphore, #tpu.memory_space<semaphore_mem>>) {add = true}
      %add3A_322 = arith.constant 2 : i32
      %add3A_323 = arith.addi %add3A_204, %add3A_322 : i32
      %min3A_324 = arith.constant 89 : i32
      %min3A_325 = arith.minsi %add3A_323, %min3A_324 : i32
      %dma_start3A_326 = arith.constant 0 : i32
      %dma_start3A_327 = arith.constant 0 : i32
      %dma_start3A_328 = tpu.memref_slice %arg4[%add3A, %min3A_325, %dma_start3A_326, %dma_start3A_327] : memref<32x90x2x112xi32, #tpu.memory_space<hbm>> -> memref<1x1x2x112xi32, #tpu.memory_space<hbm>>
      %dma_start3A_329 = tpu.memref_squeeze %dma_start3A_328 : memref<1x1x2x112xi32, #tpu.memory_space<hbm>> -> memref<2x112xi32, #tpu.memory_space<hbm>>
      %dma_start3A_330 = arith.constant 0 : i32
      %dma_start3A_331 = arith.constant 0 : i32
      %dma_start3A_332 = tpu.memref_slice %arg4[%add3A, %min3A_325, %dma_start3A_330, %dma_start3A_331] : memref<32x90x2x112xi32, #tpu.memory_space<hbm>> -> memref<1x1x2x112xi32, #tpu.memory_space<hbm>>
      %dma_start3A_333 = tpu.memref_squeeze %dma_start3A_332 : memref<1x1x2x112xi32, #tpu.memory_space<hbm>> -> memref<2x112xi32, #tpu.memory_space<hbm>>
      tpu.enqueue_dma source(%dma_start3A_333 : memref<2x112xi32, #tpu.memory_space<hbm>>) target(%arg12 : memref<2x112xi32, #tpu.memory_space<vmem>>) target_semaphore(%arg20 : memref<!tpu.dma_semaphore, #tpu.memory_space<semaphore_mem>>)
    }
    %scan3A_33 = arith.constant 45 : i32
    %dma_wait3A = arith.constant 0 : i32
    %dma_wait3A_34 = arith.constant 0 : i32
    %dma_wait3A_35 = arith.constant 0 : i32
    %dma_wait3A_36 = arith.constant 0 : i32
    %dma_wait3A_37 = tpu.memref_slice %arg4[%dma_wait3A, %dma_wait3A_34, %dma_wait3A_35, %dma_wait3A_36] : memref<32x90x2x112xi32, #tpu.memory_space<hbm>> -> memref<1x1x2x112xi32, #tpu.memory_space<hbm>>
    %dma_wait3A_38 = tpu.memref_squeeze %dma_wait3A_37 : memref<1x1x2x112xi32, #tpu.memory_space<hbm>> -> memref<2x112xi32, #tpu.memory_space<hbm>>
    %dma_wait3A_39 = arith.constant 0 : i32
    %dma_wait3A_40 = arith.constant 0 : i32
    %dma_wait3A_41 = tpu.memref_slice %arg4[%dma_wait3A, %dma_wait3A_34, %dma_wait3A_39, %dma_wait3A_40] : memref<32x90x2x112xi32, #tpu.memory_space<hbm>> -> memref<1x1x2x112xi32, #tpu.memory_space<hbm>>
    %dma_wait3A_42 = tpu.memref_squeeze %dma_wait3A_41 : memref<1x1x2x112xi32, #tpu.memory_space<hbm>> -> memref<2x112xi32, #tpu.memory_space<hbm>>
    tpu.wait_dma2 semaphore(%arg20 : memref<!tpu.dma_semaphore, #tpu.memory_space<semaphore_mem>>) src(%dma_wait3A_42 : memref<2x112xi32, #tpu.memory_space<hbm>>) dst(%arg12 : memref<2x112xi32, #tpu.memory_space<vmem>>)
    %dma_wait3A_43 = arith.constant 0 : i32
    %dma_wait3A_44 = arith.constant 0 : i32
    %dma_wait3A_45 = tpu.memref_slice %arg2[%dma_wait3A_43, %dma_wait3A_44] : memref<10000x128xf32, #tpu.memory_space<hbm>> -> memref<112x128xf32, #tpu.memory_space<hbm>>
    %dma_wait3A_46 = arith.constant 0 : i32
    %dma_wait3A_47 = arith.constant 0 : i32
    %dma_wait3A_48 = tpu.memref_slice %arg2[%dma_wait3A_46, %dma_wait3A_47] : memref<10000x128xf32, #tpu.memory_space<hbm>> -> memref<112x128xf32, #tpu.memory_space<hbm>>
    tpu.wait_dma2 semaphore(%arg21 : memref<!tpu.dma_semaphore, #tpu.memory_space<semaphore_mem>>) src(%dma_wait3A_48 : memref<112x128xf32, #tpu.memory_space<hbm>>) dst(%arg15 : memref<112x128xf32, #tpu.memory_space<vmem>>)
    %dma_wait3A_49 = arith.constant 0 : i32
    %dma_wait3A_50 = arith.constant 0 : i32
    %dma_wait3A_51 = tpu.memref_slice %arg3[%dma_wait3A_49, %dma_wait3A_50] : memref<10000x16xf32, #tpu.memory_space<hbm>> -> memref<112x16xf32, #tpu.memory_space<hbm>>
    %dma_wait3A_52 = arith.constant 0 : i32
    %dma_wait3A_53 = arith.constant 0 : i32
    %dma_wait3A_54 = tpu.memref_slice %arg3[%dma_wait3A_52, %dma_wait3A_53] : memref<10000x16xf32, #tpu.memory_space<hbm>> -> memref<112x16xf32, #tpu.memory_space<hbm>>
    tpu.wait_dma2 semaphore(%arg23 : memref<!tpu.dma_semaphore, #tpu.memory_space<semaphore_mem>>) src(%dma_wait3A_54 : memref<112x16xf32, #tpu.memory_space<hbm>>) dst(%arg17 : memref<112x16xf32, #tpu.memory_space<vmem>>)
    %dma_wait3A_55 = arith.constant 0 : i32
    %dma_wait3A_56 = arith.constant 0 : i32
    %dma_wait3A_57 = tpu.memref_slice %arg9[%dma_wait3A_55, %dma_wait3A_56] : memref<10016x128xf32, #tpu.memory_space<vmem_shared>> -> memref<112x128xf32, #tpu.memory_space<vmem_shared>>
    %dma_wait3A_58 = arith.constant 0 : i32
    %dma_wait3A_59 = arith.constant 0 : i32
    %dma_wait3A_60 = tpu.memref_slice %arg9[%dma_wait3A_58, %dma_wait3A_59] : memref<10016x128xf32, #tpu.memory_space<vmem_shared>> -> memref<112x128xf32, #tpu.memory_space<vmem_shared>>
    tpu.wait_dma2 semaphore(%arg26 : memref<!tpu.dma_semaphore, #tpu.memory_space<semaphore_mem>>) src(%arg16 : memref<112x128xf32, #tpu.memory_space<vmem>>) dst(%dma_wait3A_60 : memref<112x128xf32, #tpu.memory_space<vmem_shared>>)
    %dma_wait3A_61 = arith.constant 0 : i32
    %dma_wait3A_62 = arith.constant 0 : i32
    %dma_wait3A_63 = tpu.memref_slice %arg10[%dma_wait3A_61, %dma_wait3A_62] : memref<10016x16xf32, #tpu.memory_space<vmem_shared>> -> memref<112x16xf32, #tpu.memory_space<vmem_shared>>
    %dma_wait3A_64 = arith.constant 0 : i32
    %dma_wait3A_65 = arith.constant 0 : i32
    %dma_wait3A_66 = tpu.memref_slice %arg10[%dma_wait3A_64, %dma_wait3A_65] : memref<10016x16xf32, #tpu.memory_space<vmem_shared>> -> memref<112x16xf32, #tpu.memory_space<vmem_shared>>
    tpu.wait_dma2 semaphore(%arg28 : memref<!tpu.dma_semaphore, #tpu.memory_space<semaphore_mem>>) src(%arg18 : memref<112x16xf32, #tpu.memory_space<vmem>>) dst(%dma_wait3A_66 : memref<112x16xf32, #tpu.memory_space<vmem_shared>>)
    %barrier3A_67 = arith.constant 0 : index
    tpu.barrier barrier_id(%barrier3A_67)
    %lt3A_68 = arith.constant 15 : i32
    %lt3A_69 = arith.cmpi slt, %arg1, %lt3A_68 : i32
    %convert_element_type3A_70 = arith.extui %lt3A_69 : i1 to i32
    %cond3A_71 = arith.constant 0 : i32
    %cond3A_72 = arith.cmpi ne, %convert_element_type3A_70, %cond3A_71 : i32
    scf.if %cond3A_72 {
      %mul3A_78 = arith.constant 624 : i32
      %mul3A_79 = arith.muli %arg1, %mul3A_78 : i32
      %multiple_of3A = tpu.assume_multiple %mul3A_79, 8 : i32
      %mul3A_80 = arith.constant 10000 : i32
      %mul3A_81 = arith.muli %arg0, %mul3A_80 : i32
      %add3A_82 = arith.addi %mul3A_81, %multiple_of3A : i32
      %multiple_of3A_83 = tpu.assume_multiple %add3A_82, 8 : i32
      "tpu.region"() ({
        %run_scoped3A_84 = tpu.sem_alloc : memref<!tpu.dma_semaphore, #tpu.memory_space<semaphore_mem>>
        %dma_start3A_85 = arith.constant 0 : i32
        %dma_start3A_86 = tpu.memref_slice %arg7[%multiple_of3A_83, %dma_start3A_85] : memref<20000x128xf32, #tpu.memory_space<hbm>> -> memref<624x128xf32, #tpu.memory_space<hbm>>
        %dma_start3A_87 = arith.constant 0 : i32
        %dma_start3A_88 = tpu.memref_slice %arg9[%multiple_of3A, %dma_start3A_87] : memref<10016x128xf32, #tpu.memory_space<vmem_shared>> -> memref<624x128xf32, #tpu.memory_space<vmem_shared>>
        tpu.enqueue_dma source(%dma_start3A_88 : memref<624x128xf32, #tpu.memory_space<vmem_shared>>) target(%dma_start3A_86 : memref<624x128xf32, #tpu.memory_space<hbm>>) target_semaphore(%run_scoped3A_84 : memref<!tpu.dma_semaphore, #tpu.memory_space<semaphore_mem>>)
        %dma_wait3A_89 = arith.constant 0 : i32
        %dma_wait3A_90 = tpu.memref_slice %arg7[%multiple_of3A_83, %dma_wait3A_89] : memref<20000x128xf32, #tpu.memory_space<hbm>> -> memref<624x128xf32, #tpu.memory_space<hbm>>
        %dma_wait3A_91 = arith.constant 0 : i32
        %dma_wait3A_92 = tpu.memref_slice %arg9[%multiple_of3A, %dma_wait3A_91] : memref<10016x128xf32, #tpu.memory_space<vmem_shared>> -> memref<624x128xf32, #tpu.memory_space<vmem_shared>>
        tpu.wait_dma2 semaphore(%run_scoped3A_84 : memref<!tpu.dma_semaphore, #tpu.memory_space<semaphore_mem>>) src(%dma_wait3A_92 : memref<624x128xf32, #tpu.memory_space<vmem_shared>>) dst(%dma_wait3A_90 : memref<624x128xf32, #tpu.memory_space<hbm>>)
        tpu.yield
      }) : () -> ()
      "tpu.region"() ({
        %run_scoped3A_84 = tpu.sem_alloc : memref<!tpu.dma_semaphore, #tpu.memory_space<semaphore_mem>>
        %dma_start3A_85 = arith.constant 0 : i32
        %dma_start3A_86 = tpu.memref_slice %arg8[%multiple_of3A_83, %dma_start3A_85] : memref<20000x16xf32, #tpu.memory_space<hbm>> -> memref<624x16xf32, #tpu.memory_space<hbm>>
        %dma_start3A_87 = arith.constant 0 : i32
        %dma_start3A_88 = tpu.memref_slice %arg10[%multiple_of3A, %dma_start3A_87] : memref<10016x16xf32, #tpu.memory_space<vmem_shared>> -> memref<624x16xf32, #tpu.memory_space<vmem_shared>>
        tpu.enqueue_dma source(%dma_start3A_88 : memref<624x16xf32, #tpu.memory_space<vmem_shared>>) target(%dma_start3A_86 : memref<624x16xf32, #tpu.memory_space<hbm>>) target_semaphore(%run_scoped3A_84 : memref<!tpu.dma_semaphore, #tpu.memory_space<semaphore_mem>>)
        %dma_wait3A_89 = arith.constant 0 : i32
        %dma_wait3A_90 = tpu.memref_slice %arg8[%multiple_of3A_83, %dma_wait3A_89] : memref<20000x16xf32, #tpu.memory_space<hbm>> -> memref<624x16xf32, #tpu.memory_space<hbm>>
        %dma_wait3A_91 = arith.constant 0 : i32
        %dma_wait3A_92 = tpu.memref_slice %arg10[%multiple_of3A, %dma_wait3A_91] : memref<10016x16xf32, #tpu.memory_space<vmem_shared>> -> memref<624x16xf32, #tpu.memory_space<vmem_shared>>
        tpu.wait_dma2 semaphore(%run_scoped3A_84 : memref<!tpu.dma_semaphore, #tpu.memory_space<semaphore_mem>>) src(%dma_wait3A_92 : memref<624x16xf32, #tpu.memory_space<vmem_shared>>) dst(%dma_wait3A_90 : memref<624x16xf32, #tpu.memory_space<hbm>>)
        tpu.yield
      }) : () -> ()
    } else {
    }
    %eq3A_73 = arith.constant 15 : i32
    %eq3A_74 = arith.cmpi eq, %arg1, %eq3A_73 : i32
    %convert_element_type3A_75 = arith.extui %eq3A_74 : i1 to i32
    %cond3A_76 = arith.constant 0 : i32
    %cond3A_77 = arith.cmpi ne, %convert_element_type3A_75, %cond3A_76 : i32
    scf.if %cond3A_77 {
      %mul3A_78 = arith.constant 10000 : i32
      %mul3A_79 = arith.muli %arg0, %mul3A_78 : i32
      %add3A_80 = arith.constant 9360 : i32
      %add3A_81 = arith.addi %mul3A_79, %add3A_80 : i32
      %multiple_of3A = tpu.assume_multiple %add3A_81, 8 : i32
      "tpu.region"() ({
        %run_scoped3A_82 = tpu.sem_alloc : memref<!tpu.dma_semaphore, #tpu.memory_space<semaphore_mem>>
        %dma_start3A_83 = arith.constant 0 : i32
        %dma_start3A_84 = tpu.memref_slice %arg7[%multiple_of3A, %dma_start3A_83] : memref<20000x128xf32, #tpu.memory_space<hbm>> -> memref<640x128xf32, #tpu.memory_space<hbm>>
        %dma_start3A_85 = arith.constant 9360 : i32
        %dma_start3A_86 = arith.constant 0 : i32
        %dma_start3A_87 = tpu.memref_slice %arg9[%dma_start3A_85, %dma_start3A_86] : memref<10016x128xf32, #tpu.memory_space<vmem_shared>> -> memref<640x128xf32, #tpu.memory_space<vmem_shared>>
        tpu.enqueue_dma source(%dma_start3A_87 : memref<640x128xf32, #tpu.memory_space<vmem_shared>>) target(%dma_start3A_84 : memref<640x128xf32, #tpu.memory_space<hbm>>) target_semaphore(%run_scoped3A_82 : memref<!tpu.dma_semaphore, #tpu.memory_space<semaphore_mem>>)
        %dma_wait3A_88 = arith.constant 0 : i32
        %dma_wait3A_89 = tpu.memref_slice %arg7[%multiple_of3A, %dma_wait3A_88] : memref<20000x128xf32, #tpu.memory_space<hbm>> -> memref<640x128xf32, #tpu.memory_space<hbm>>
        %dma_wait3A_90 = arith.constant 9360 : i32
        %dma_wait3A_91 = arith.constant 0 : i32
        %dma_wait3A_92 = tpu.memref_slice %arg9[%dma_wait3A_90, %dma_wait3A_91] : memref<10016x128xf32, #tpu.memory_space<vmem_shared>> -> memref<640x128xf32, #tpu.memory_space<vmem_shared>>
        tpu.wait_dma2 semaphore(%run_scoped3A_82 : memref<!tpu.dma_semaphore, #tpu.memory_space<semaphore_mem>>) src(%dma_wait3A_92 : memref<640x128xf32, #tpu.memory_space<vmem_shared>>) dst(%dma_wait3A_89 : memref<640x128xf32, #tpu.memory_space<hbm>>)
        tpu.yield
      }) : () -> ()
      "tpu.region"() ({
        %run_scoped3A_82 = tpu.sem_alloc : memref<!tpu.dma_semaphore, #tpu.memory_space<semaphore_mem>>
        %dma_start3A_83 = arith.constant 0 : i32
        %dma_start3A_84 = tpu.memref_slice %arg8[%multiple_of3A, %dma_start3A_83] : memref<20000x16xf32, #tpu.memory_space<hbm>> -> memref<640x16xf32, #tpu.memory_space<hbm>>
        %dma_start3A_85 = arith.constant 9360 : i32
        %dma_start3A_86 = arith.constant 0 : i32
        %dma_start3A_87 = tpu.memref_slice %arg10[%dma_start3A_85, %dma_start3A_86] : memref<10016x16xf32, #tpu.memory_space<vmem_shared>> -> memref<640x16xf32, #tpu.memory_space<vmem_shared>>
        tpu.enqueue_dma source(%dma_start3A_87 : memref<640x16xf32, #tpu.memory_space<vmem_shared>>) target(%dma_start3A_84 : memref<640x16xf32, #tpu.memory_space<hbm>>) target_semaphore(%run_scoped3A_82 : memref<!tpu.dma_semaphore, #tpu.memory_space<semaphore_mem>>)
        %dma_wait3A_88 = arith.constant 0 : i32
        %dma_wait3A_89 = tpu.memref_slice %arg8[%multiple_of3A, %dma_wait3A_88] : memref<20000x16xf32, #tpu.memory_space<hbm>> -> memref<640x16xf32, #tpu.memory_space<hbm>>
        %dma_wait3A_90 = arith.constant 9360 : i32
        %dma_wait3A_91 = arith.constant 0 : i32
        %dma_wait3A_92 = tpu.memref_slice %arg10[%dma_wait3A_90, %dma_wait3A_91] : memref<10016x16xf32, #tpu.memory_space<vmem_shared>> -> memref<640x16xf32, #tpu.memory_space<vmem_shared>>
        tpu.wait_dma2 semaphore(%run_scoped3A_82 : memref<!tpu.dma_semaphore, #tpu.memory_space<semaphore_mem>>) src(%dma_wait3A_92 : memref<640x16xf32, #tpu.memory_space<vmem_shared>>) dst(%dma_wait3A_89 : memref<640x16xf32, #tpu.memory_space<hbm>>)
        tpu.yield
      }) : () -> ()
    } else {
    }
    return
  }
}

#map = affine_map<(d0, d1) -> (0, 0)>
#map1 = affine_map<(d0, d1) -> (0, 0, 0, 0)>
module attributes {stable_mosaic.version = 14 : i64} {
  func.func @body(%arg0: i32, %arg1: i32, %arg2: memref<10000x128xf32, #tpu.memory_space<hbm>>, %arg3: memref<10000x16xf32, #tpu.memory_space<hbm>>, %arg4: memref<32x90x2x112xi32, #tpu.memory_space<hbm>>, %arg5: memref<10016x128xf32, #tpu.memory_space<hbm>>, %arg6: memref<10016x16xf32, #tpu.memory_space<hbm>>, %arg7: memref<20000x128xf32, #tpu.memory_space<hbm>>, %arg8: memref<20000x16xf32, #tpu.memory_space<hbm>>, %arg9: memref<10016x128xf32, #tpu.memory_space<vmem_shared>>, %arg10: memref<10016x16xf32, #tpu.memory_space<vmem_shared>>, %arg11: memref<2x112xi32, #tpu.memory_space<vmem>>, %arg12: memref<2x112xi32, #tpu.memory_space<vmem>>, %arg13: memref<112xi32, #tpu.memory_space<vmem>>, %arg14: memref<112xi32, #tpu.memory_space<vmem>>, %arg15: memref<112x128xf32, #tpu.memory_space<vmem>>, %arg16: memref<112x128xf32, #tpu.memory_space<vmem>>, %arg17: memref<112x16xf32, #tpu.memory_space<vmem>>, %arg18: memref<112x16xf32, #tpu.memory_space<vmem>>, %arg19: memref<!tpu.dma_semaphore, #tpu.memory_space<semaphore_mem>>, %arg20: memref<!tpu.dma_semaphore, #tpu.memory_space<semaphore_mem>>, %arg21: memref<!tpu.dma_semaphore, #tpu.memory_space<semaphore_mem>>, %arg22: memref<!tpu.dma_semaphore, #tpu.memory_space<semaphore_mem>>, %arg23: memref<!tpu.dma_semaphore, #tpu.memory_space<semaphore_mem>>, %arg24: memref<!tpu.dma_semaphore, #tpu.memory_space<semaphore_mem>>, %arg25: memref<!tpu.dma_semaphore, #tpu.memory_space<semaphore_mem>>, %arg26: memref<!tpu.dma_semaphore, #tpu.memory_space<semaphore_mem>>, %arg27: memref<!tpu.dma_semaphore, #tpu.memory_space<semaphore_mem>>, %arg28: memref<!tpu.dma_semaphore, #tpu.memory_space<semaphore_mem>>) attributes {dimension_semantics = [#tpu.dimension_semantics<core_parallel>, #tpu.dimension_semantics<subcore_parallel>], iteration_bounds = array<i64: 2, 16>, scalar_prefetch = 0 : i64, scratch_operands = 20 : i64, tpu.core_type = #tpu.core_type<sc_vector_subcore>, window_params = [{transform_indices = #map}, {transform_indices = #map}, {transform_indices = #map1}, {transform_indices = #map}, {transform_indices = #map}, {transform_indices = #map}, {transform_indices = #map}]} {
    %mul3A = arith.constant 16 : i32
    %mul3A_0 = arith.muli %arg0, %mul3A : i32
    %add3A = arith.addi %mul3A_0, %arg1 : i32
    %lt3A = arith.constant 15 : i32
    %lt3A_1 = arith.cmpi slt, %arg1, %lt3A : i32
    %convert_element_type3A = arith.extui %lt3A_1 : i1 to i32
    %cond3A = arith.constant 0 : i32
    %cond3A_2 = arith.cmpi ne, %convert_element_type3A, %cond3A : i32
    scf.if %cond3A_2 {
      %mul3A_78 = arith.constant 624 : i32
      %mul3A_79 = arith.muli %arg1, %mul3A_78 : i32
      %multiple_of3A = tpu.assume_multiple %mul3A_79, 8 : i32
      "tpu.region"() ({
        %run_scoped3A_80 = tpu.sem_alloc : memref<!tpu.dma_semaphore, #tpu.memory_space<semaphore_mem>>
        %dma_start3A_81 = arith.constant 0 : i32
        %dma_start3A_82 = tpu.memref_slice %arg9[%multiple_of3A, %dma_start3A_81] : memref<10016x128xf32, #tpu.memory_space<vmem_shared>> -> memref<624x128xf32, #tpu.memory_space<vmem_shared>>
        %dma_start3A_83 = arith.constant 0 : i32
        %dma_start3A_84 = tpu.memref_slice %arg5[%multiple_of3A, %dma_start3A_83] : memref<10016x128xf32, #tpu.memory_space<hbm>> -> memref<624x128xf32, #tpu.memory_space<hbm>>
        tpu.enqueue_dma source(%dma_start3A_84 : memref<624x128xf32, #tpu.memory_space<hbm>>) target(%dma_start3A_82 : memref<624x128xf32, #tpu.memory_space<vmem_shared>>) target_semaphore(%run_scoped3A_80 : memref<!tpu.dma_semaphore, #tpu.memory_space<semaphore_mem>>)
        %dma_wait3A_85 = arith.constant 0 : i32
        %dma_wait3A_86 = tpu.memref_slice %arg9[%multiple_of3A, %dma_wait3A_85] : memref<10016x128xf32, #tpu.memory_space<vmem_shared>> -> memref<624x128xf32, #tpu.memory_space<vmem_shared>>
        %dma_wait3A_87 = arith.constant 0 : i32
        %dma_wait3A_88 = tpu.memref_slice %arg5[%multiple_of3A, %dma_wait3A_87] : memref<10016x128xf32, #tpu.memory_space<hbm>> -> memref<624x128xf32, #tpu.memory_space<hbm>>
        tpu.wait_dma2 semaphore(%run_scoped3A_80 : memref<!tpu.dma_semaphore, #tpu.memory_space<semaphore_mem>>) src(%dma_wait3A_88 : memref<624x128xf32, #tpu.memory_space<hbm>>) dst(%dma_wait3A_86 : memref<624x128xf32, #tpu.memory_space<vmem_shared>>)
        tpu.yield
      }) : () -> ()
      "tpu.region"() ({
        %run_scoped3A_80 = tpu.sem_alloc : memref<!tpu.dma_semaphore, #tpu.memory_space<semaphore_mem>>
        %dma_start3A_81 = arith.constant 0 : i32
        %dma_start3A_82 = tpu.memref_slice %arg10[%multiple_of3A, %dma_start3A_81] : memref<10016x16xf32, #tpu.memory_space<vmem_shared>> -> memref<624x16xf32, #tpu.memory_space<vmem_shared>>
        %dma_start3A_83 = arith.constant 0 : i32
        %dma_start3A_84 = tpu.memref_slice %arg6[%multiple_of3A, %dma_start3A_83] : memref<10016x16xf32, #tpu.memory_space<hbm>> -> memref<624x16xf32, #tpu.memory_space<hbm>>
        tpu.enqueue_dma source(%dma_start3A_84 : memref<624x16xf32, #tpu.memory_space<hbm>>) target(%dma_start3A_82 : memref<624x16xf32, #tpu.memory_space<vmem_shared>>) target_semaphore(%run_scoped3A_80 : memref<!tpu.dma_semaphore, #tpu.memory_space<semaphore_mem>>)
        %dma_wait3A_85 = arith.constant 0 : i32
        %dma_wait3A_86 = tpu.memref_slice %arg10[%multiple_of3A, %dma_wait3A_85] : memref<10016x16xf32, #tpu.memory_space<vmem_shared>> -> memref<624x16xf32, #tpu.memory_space<vmem_shared>>
        %dma_wait3A_87 = arith.constant 0 : i32
        %dma_wait3A_88 = tpu.memref_slice %arg6[%multiple_of3A, %dma_wait3A_87] : memref<10016x16xf32, #tpu.memory_space<hbm>> -> memref<624x16xf32, #tpu.memory_space<hbm>>
        tpu.wait_dma2 semaphore(%run_scoped3A_80 : memref<!tpu.dma_semaphore, #tpu.memory_space<semaphore_mem>>) src(%dma_wait3A_88 : memref<624x16xf32, #tpu.memory_space<hbm>>) dst(%dma_wait3A_86 : memref<624x16xf32, #tpu.memory_space<vmem_shared>>)
        tpu.yield
      }) : () -> ()
    } else {
    }
    %eq3A = arith.constant 15 : i32
    %eq3A_3 = arith.cmpi eq, %arg1, %eq3A : i32
    %convert_element_type3A_4 = arith.extui %eq3A_3 : i1 to i32
    %cond3A_5 = arith.constant 0 : i32
    %cond3A_6 = arith.cmpi ne, %convert_element_type3A_4, %cond3A_5 : i32
    scf.if %cond3A_6 {
      "tpu.region"() ({
        %run_scoped3A_78 = tpu.sem_alloc : memref<!tpu.dma_semaphore, #tpu.memory_space<semaphore_mem>>
        %dma_start3A_79 = arith.constant 9360 : i32
        %dma_start3A_80 = arith.constant 0 : i32
        %dma_start3A_81 = tpu.memref_slice %arg9[%dma_start3A_79, %dma_start3A_80] : memref<10016x128xf32, #tpu.memory_space<vmem_shared>> -> memref<656x128xf32, #tpu.memory_space<vmem_shared>>
        %dma_start3A_82 = arith.constant 9360 : i32
        %dma_start3A_83 = arith.constant 0 : i32
        %dma_start3A_84 = tpu.memref_slice %arg5[%dma_start3A_82, %dma_start3A_83] : memref<10016x128xf32, #tpu.memory_space<hbm>> -> memref<656x128xf32, #tpu.memory_space<hbm>>
        tpu.enqueue_dma source(%dma_start3A_84 : memref<656x128xf32, #tpu.memory_space<hbm>>) target(%dma_start3A_81 : memref<656x128xf32, #tpu.memory_space<vmem_shared>>) target_semaphore(%run_scoped3A_78 : memref<!tpu.dma_semaphore, #tpu.memory_space<semaphore_mem>>)
        %dma_wait3A_85 = arith.constant 9360 : i32
        %dma_wait3A_86 = arith.constant 0 : i32
        %dma_wait3A_87 = tpu.memref_slice %arg9[%dma_wait3A_85, %dma_wait3A_86] : memref<10016x128xf32, #tpu.memory_space<vmem_shared>> -> memref<656x128xf32, #tpu.memory_space<vmem_shared>>
        %dma_wait3A_88 = arith.constant 9360 : i32
        %dma_wait3A_89 = arith.constant 0 : i32
        %dma_wait3A_90 = tpu.memref_slice %arg5[%dma_wait3A_88, %dma_wait3A_89] : memref<10016x128xf32, #tpu.memory_space<hbm>> -> memref<656x128xf32, #tpu.memory_space<hbm>>
        tpu.wait_dma2 semaphore(%run_scoped3A_78 : memref<!tpu.dma_semaphore, #tpu.memory_space<semaphore_mem>>) src(%dma_wait3A_90 : memref<656x128xf32, #tpu.memory_space<hbm>>) dst(%dma_wait3A_87 : memref<656x128xf32, #tpu.memory_space<vmem_shared>>)
        tpu.yield
      }) : () -> ()
      "tpu.region"() ({
        %run_scoped3A_78 = tpu.sem_alloc : memref<!tpu.dma_semaphore, #tpu.memory_space<semaphore_mem>>
        %dma_start3A_79 = arith.constant 9360 : i32
        %dma_start3A_80 = arith.constant 0 : i32
        %dma_start3A_81 = tpu.memref_slice %arg10[%dma_start3A_79, %dma_start3A_80] : memref<10016x16xf32, #tpu.memory_space<vmem_shared>> -> memref<656x16xf32, #tpu.memory_space<vmem_shared>>
        %dma_start3A_82 = arith.constant 9360 : i32
        %dma_start3A_83 = arith.constant 0 : i32
        %dma_start3A_84 = tpu.memref_slice %arg6[%dma_start3A_82, %dma_start3A_83] : memref<10016x16xf32, #tpu.memory_space<hbm>> -> memref<656x16xf32, #tpu.memory_space<hbm>>
        tpu.enqueue_dma source(%dma_start3A_84 : memref<656x16xf32, #tpu.memory_space<hbm>>) target(%dma_start3A_81 : memref<656x16xf32, #tpu.memory_space<vmem_shared>>) target_semaphore(%run_scoped3A_78 : memref<!tpu.dma_semaphore, #tpu.memory_space<semaphore_mem>>)
        %dma_wait3A_85 = arith.constant 9360 : i32
        %dma_wait3A_86 = arith.constant 0 : i32
        %dma_wait3A_87 = tpu.memref_slice %arg10[%dma_wait3A_85, %dma_wait3A_86] : memref<10016x16xf32, #tpu.memory_space<vmem_shared>> -> memref<656x16xf32, #tpu.memory_space<vmem_shared>>
        %dma_wait3A_88 = arith.constant 9360 : i32
        %dma_wait3A_89 = arith.constant 0 : i32
        %dma_wait3A_90 = tpu.memref_slice %arg6[%dma_wait3A_88, %dma_wait3A_89] : memref<10016x16xf32, #tpu.memory_space<hbm>> -> memref<656x16xf32, #tpu.memory_space<hbm>>
        tpu.wait_dma2 semaphore(%run_scoped3A_78 : memref<!tpu.dma_semaphore, #tpu.memory_space<semaphore_mem>>) src(%dma_wait3A_90 : memref<656x16xf32, #tpu.memory_space<hbm>>) dst(%dma_wait3A_87 : memref<656x16xf32, #tpu.memory_space<vmem_shared>>)
        tpu.yield
      }) : () -> ()
    } else {
    }
    %barrier3A = arith.constant 0 : index
    tpu.barrier barrier_id(%barrier3A)
    %run_scoped3A = arith.constant 0 : i32
    "tpu.region"() ({
      %run_scoped3A_78 = tpu.sem_alloc : memref<!tpu.dma_semaphore, #tpu.memory_space<semaphore_mem>>
      %dma_start3A_79 = arith.constant 0 : i32
      %dma_start3A_80 = arith.constant 0 : i32
      %dma_start3A_81 = tpu.memref_slice %arg4[%add3A, %run_scoped3A, %dma_start3A_79, %dma_start3A_80] : memref<32x90x2x112xi32, #tpu.memory_space<hbm>> -> memref<1x1x2x112xi32, #tpu.memory_space<hbm>>
      %dma_start3A_82 = tpu.memref_squeeze %dma_start3A_81 : memref<1x1x2x112xi32, #tpu.memory_space<hbm>> -> memref<2x112xi32, #tpu.memory_space<hbm>>
      %dma_start3A_83 = arith.constant 0 : i32
      %dma_start3A_84 = arith.constant 0 : i32
      %dma_start3A_85 = tpu.memref_slice %arg4[%add3A, %run_scoped3A, %dma_start3A_83, %dma_start3A_84] : memref<32x90x2x112xi32, #tpu.memory_space<hbm>> -> memref<1x1x2x112xi32, #tpu.memory_space<hbm>>
      %dma_start3A_86 = tpu.memref_squeeze %dma_start3A_85 : memref<1x1x2x112xi32, #tpu.memory_space<hbm>> -> memref<2x112xi32, #tpu.memory_space<hbm>>
      tpu.enqueue_dma source(%dma_start3A_86 : memref<2x112xi32, #tpu.memory_space<hbm>>) target(%arg11 : memref<2x112xi32, #tpu.memory_space<vmem>>) target_semaphore(%run_scoped3A_78 : memref<!tpu.dma_semaphore, #tpu.memory_space<semaphore_mem>>)
      %dma_wait3A_87 = arith.constant 0 : i32
      %dma_wait3A_88 = arith.constant 0 : i32
      %dma_wait3A_89 = tpu.memref_slice %arg4[%add3A, %run_scoped3A, %dma_wait3A_87, %dma_wait3A_88] : memref<32x90x2x112xi32, #tpu.memory_space<hbm>> -> memref<1x1x2x112xi32, #tpu.memory_space<hbm>>
      %dma_wait3A_90 = tpu.memref_squeeze %dma_wait3A_89 : memref<1x1x2x112xi32, #tpu.memory_space<hbm>> -> memref<2x112xi32, #tpu.memory_space<hbm>>
      %dma_wait3A_91 = arith.constant 0 : i32
      %dma_wait3A_92 = arith.constant 0 : i32
      %dma_wait3A_93 = tpu.memref_slice %arg4[%add3A, %run_scoped3A, %dma_wait3A_91, %dma_wait3A_92] : memref<32x90x2x112xi32, #tpu.memory_space<hbm>> -> memref<1x1x2x112xi32, #tpu.memory_space<hbm>>
      %dma_wait3A_94 = tpu.memref_squeeze %dma_wait3A_93 : memref<1x1x2x112xi32, #tpu.memory_space<hbm>> -> memref<2x112xi32, #tpu.memory_space<hbm>>
      tpu.wait_dma2 semaphore(%run_scoped3A_78 : memref<!tpu.dma_semaphore, #tpu.memory_space<semaphore_mem>>) src(%dma_wait3A_94 : memref<2x112xi32, #tpu.memory_space<hbm>>) dst(%arg11 : memref<2x112xi32, #tpu.memory_space<vmem>>)
      tpu.yield
    }) : () -> ()
    %dma_start3A = arith.constant 0 : i32
    %dma_start3A_7 = arith.constant 0 : i32
    %dma_start3A_8 = tpu.memref_slice %arg11[%dma_start3A, %dma_start3A_7] : memref<2x112xi32, #tpu.memory_space<vmem>> -> memref<1x112xi32, #tpu.memory_space<vmem>>
    %dma_start3A_9 = tpu.memref_squeeze %dma_start3A_8 : memref<1x112xi32, #tpu.memory_space<vmem>> -> memref<112xi32, #tpu.memory_space<vmem>>
    %dma_start3A_10 = arith.constant 0 : i32
    %dma_start3A_11 = arith.constant 0 : i32
    %dma_start3A_12 = tpu.memref_slice %arg2[%dma_start3A_10, %dma_start3A_11] : memref<10000x128xf32, #tpu.memory_space<hbm>> -> memref<10000x128xf32, #tpu.memory_space<hbm>>
    tpu.enqueue_indirect_dma source(%dma_start3A_12 : memref<10000x128xf32, #tpu.memory_space<hbm>>) target(%arg15 : memref<112x128xf32, #tpu.memory_space<vmem>>) offsets(%dma_start3A_9 : memref<112xi32, #tpu.memory_space<vmem>>) semaphore(%arg21 : memref<!tpu.dma_semaphore, #tpu.memory_space<semaphore_mem>>)
    %dma_start3A_13 = arith.constant 0 : i32
    %dma_start3A_14 = arith.constant 0 : i32
    %dma_start3A_15 = tpu.memref_slice %arg11[%dma_start3A_13, %dma_start3A_14] : memref<2x112xi32, #tpu.memory_space<vmem>> -> memref<1x112xi32, #tpu.memory_space<vmem>>
    %dma_start3A_16 = tpu.memref_squeeze %dma_start3A_15 : memref<1x112xi32, #tpu.memory_space<vmem>> -> memref<112xi32, #tpu.memory_space<vmem>>
    %dma_start3A_17 = arith.constant 0 : i32
    %dma_start3A_18 = arith.constant 0 : i32
    %dma_start3A_19 = tpu.memref_slice %arg3[%dma_start3A_17, %dma_start3A_18] : memref<10000x16xf32, #tpu.memory_space<hbm>> -> memref<10000x16xf32, #tpu.memory_space<hbm>>
    tpu.enqueue_indirect_dma source(%dma_start3A_19 : memref<10000x16xf32, #tpu.memory_space<hbm>>) target(%arg17 : memref<112x16xf32, #tpu.memory_space<vmem>>) offsets(%dma_start3A_16 : memref<112xi32, #tpu.memory_space<vmem>>) semaphore(%arg23 : memref<!tpu.dma_semaphore, #tpu.memory_space<semaphore_mem>>)
    %dma_start3A_20 = arith.constant 1 : i32
    %dma_start3A_21 = arith.constant 0 : i32
    %dma_start3A_22 = arith.constant 0 : i32
    %dma_start3A_23 = tpu.memref_slice %arg4[%add3A, %dma_start3A_20, %dma_start3A_21, %dma_start3A_22] : memref<32x90x2x112xi32, #tpu.memory_space<hbm>> -> memref<1x1x2x112xi32, #tpu.memory_space<hbm>>
    %dma_start3A_24 = tpu.memref_squeeze %dma_start3A_23 : memref<1x1x2x112xi32, #tpu.memory_space<hbm>> -> memref<2x112xi32, #tpu.memory_space<hbm>>
    %dma_start3A_25 = arith.constant 0 : i32
    %dma_start3A_26 = arith.constant 0 : i32
    %dma_start3A_27 = tpu.memref_slice %arg4[%add3A, %dma_start3A_20, %dma_start3A_25, %dma_start3A_26] : memref<32x90x2x112xi32, #tpu.memory_space<hbm>> -> memref<1x1x2x112xi32, #tpu.memory_space<hbm>>
    %dma_start3A_28 = tpu.memref_squeeze %dma_start3A_27 : memref<1x1x2x112xi32, #tpu.memory_space<hbm>> -> memref<2x112xi32, #tpu.memory_space<hbm>>
    tpu.enqueue_dma source(%dma_start3A_28 : memref<2x112xi32, #tpu.memory_space<hbm>>) target(%arg12 : memref<2x112xi32, #tpu.memory_space<vmem>>) target_semaphore(%arg20 : memref<!tpu.dma_semaphore, #tpu.memory_space<semaphore_mem>>)
    %scan3A = arith.constant 0 : i32
    %scan3A_29 = arith.constant 0 : i32
    %scan3A_30 = arith.constant 45 : i32
    %scan3A_31 = arith.addi %scan3A_29, %scan3A_30 : i32
    %scan3A_32 = arith.constant 1 : i32
    scf.for %scan3A_78 = %scan3A_29 to %scan3A_31 step %scan3A_32  : i32 {
      %mul3A_79 = arith.constant 2 : i32
      %mul3A_80 = arith.muli %mul3A_79, %scan3A_78 : i32
      %add3A_81 = arith.constant 0 : i32
      %add3A_82 = arith.addi %mul3A_80, %add3A_81 : i32
      %dma_wait3A_83 = arith.constant 0 : i32
      %dma_wait3A_84 = arith.constant 0 : i32
      %dma_wait3A_85 = arith.constant 0 : i32
      %dma_wait3A_86 = arith.constant 0 : i32
      %dma_wait3A_87 = tpu.memref_slice %arg4[%dma_wait3A_83, %dma_wait3A_84, %dma_wait3A_85, %dma_wait3A_86] : memref<32x90x2x112xi32, #tpu.memory_space<hbm>> -> memref<1x1x2x112xi32, #tpu.memory_space<hbm>>
      %dma_wait3A_88 = tpu.memref_squeeze %dma_wait3A_87 : memref<1x1x2x112xi32, #tpu.memory_space<hbm>> -> memref<2x112xi32, #tpu.memory_space<hbm>>
      %dma_wait3A_89 = arith.constant 0 : i32
      %dma_wait3A_90 = arith.constant 0 : i32
      %dma_wait3A_91 = tpu.memref_slice %arg4[%dma_wait3A_83, %dma_wait3A_84, %dma_wait3A_89, %dma_wait3A_90] : memref<32x90x2x112xi32, #tpu.memory_space<hbm>> -> memref<1x1x2x112xi32, #tpu.memory_space<hbm>>
      %dma_wait3A_92 = tpu.memref_squeeze %dma_wait3A_91 : memref<1x1x2x112xi32, #tpu.memory_space<hbm>> -> memref<2x112xi32, #tpu.memory_space<hbm>>
      tpu.wait_dma2 semaphore(%arg20 : memref<!tpu.dma_semaphore, #tpu.memory_space<semaphore_mem>>) src(%dma_wait3A_92 : memref<2x112xi32, #tpu.memory_space<hbm>>) dst(%arg12 : memref<2x112xi32, #tpu.memory_space<vmem>>)
      %gt3A = arith.constant 0 : i32
      %gt3A_93 = arith.cmpi sgt, %scan3A_78, %gt3A : i32
      %convert_element_type3A_94 = arith.extui %gt3A_93 : i1 to i32
      %cond3A_95 = arith.constant 0 : i32
      %cond3A_96 = arith.cmpi ne, %convert_element_type3A_94, %cond3A_95 : i32
      scf.if %cond3A_96 {
        %dma_wait3A_334 = arith.constant 0 : i32
        %dma_wait3A_335 = arith.constant 0 : i32
        %dma_wait3A_336 = tpu.memref_slice %arg9[%dma_wait3A_334, %dma_wait3A_335] : memref<10016x128xf32, #tpu.memory_space<vmem_shared>> -> memref<112x128xf32, #tpu.memory_space<vmem_shared>>
        %dma_wait3A_337 = arith.constant 0 : i32
        %dma_wait3A_338 = arith.constant 0 : i32
        %dma_wait3A_339 = tpu.memref_slice %arg9[%dma_wait3A_337, %dma_wait3A_338] : memref<10016x128xf32, #tpu.memory_space<vmem_shared>> -> memref<112x128xf32, #tpu.memory_space<vmem_shared>>
        tpu.wait_dma2 semaphore(%arg26 : memref<!tpu.dma_semaphore, #tpu.memory_space<semaphore_mem>>) src(%arg16 : memref<112x128xf32, #tpu.memory_space<vmem>>) dst(%dma_wait3A_339 : memref<112x128xf32, #tpu.memory_space<vmem_shared>>)
        %dma_wait3A_340 = arith.constant 0 : i32
        %dma_wait3A_341 = arith.constant 0 : i32
        %dma_wait3A_342 = tpu.memref_slice %arg10[%dma_wait3A_340, %dma_wait3A_341] : memref<10016x16xf32, #tpu.memory_space<vmem_shared>> -> memref<112x16xf32, #tpu.memory_space<vmem_shared>>
        %dma_wait3A_343 = arith.constant 0 : i32
        %dma_wait3A_344 = arith.constant 0 : i32
        %dma_wait3A_345 = tpu.memref_slice %arg10[%dma_wait3A_343, %dma_wait3A_344] : memref<10016x16xf32, #tpu.memory_space<vmem_shared>> -> memref<112x16xf32, #tpu.memory_space<vmem_shared>>
        tpu.wait_dma2 semaphore(%arg28 : memref<!tpu.dma_semaphore, #tpu.memory_space<semaphore_mem>>) src(%arg18 : memref<112x16xf32, #tpu.memory_space<vmem>>) dst(%dma_wait3A_345 : memref<112x16xf32, #tpu.memory_space<vmem_shared>>)
      } else {
      }
      %dma_start3A_97 = arith.constant 0 : i32
      %dma_start3A_98 = arith.constant 0 : i32
      %dma_start3A_99 = tpu.memref_slice %arg12[%dma_start3A_97, %dma_start3A_98] : memref<2x112xi32, #tpu.memory_space<vmem>> -> memref<1x112xi32, #tpu.memory_space<vmem>>
      %dma_start3A_100 = tpu.memref_squeeze %dma_start3A_99 : memref<1x112xi32, #tpu.memory_space<vmem>> -> memref<112xi32, #tpu.memory_space<vmem>>
      %dma_start3A_101 = arith.constant 0 : i32
      %dma_start3A_102 = arith.constant 0 : i32
      %dma_start3A_103 = tpu.memref_slice %arg2[%dma_start3A_101, %dma_start3A_102] : memref<10000x128xf32, #tpu.memory_space<hbm>> -> memref<10000x128xf32, #tpu.memory_space<hbm>>
      tpu.enqueue_indirect_dma source(%dma_start3A_103 : memref<10000x128xf32, #tpu.memory_space<hbm>>) target(%arg16 : memref<112x128xf32, #tpu.memory_space<vmem>>) offsets(%dma_start3A_100 : memref<112xi32, #tpu.memory_space<vmem>>) semaphore(%arg22 : memref<!tpu.dma_semaphore, #tpu.memory_space<semaphore_mem>>)
      %dma_start3A_104 = arith.constant 0 : i32
      %dma_start3A_105 = arith.constant 0 : i32
      %dma_start3A_106 = tpu.memref_slice %arg12[%dma_start3A_104, %dma_start3A_105] : memref<2x112xi32, #tpu.memory_space<vmem>> -> memref<1x112xi32, #tpu.memory_space<vmem>>
      %dma_start3A_107 = tpu.memref_squeeze %dma_start3A_106 : memref<1x112xi32, #tpu.memory_space<vmem>> -> memref<112xi32, #tpu.memory_space<vmem>>
      %dma_start3A_108 = arith.constant 0 : i32
      %dma_start3A_109 = arith.constant 0 : i32
      %dma_start3A_110 = tpu.memref_slice %arg3[%dma_start3A_108, %dma_start3A_109] : memref<10000x16xf32, #tpu.memory_space<hbm>> -> memref<10000x16xf32, #tpu.memory_space<hbm>>
      tpu.enqueue_indirect_dma source(%dma_start3A_110 : memref<10000x16xf32, #tpu.memory_space<hbm>>) target(%arg18 : memref<112x16xf32, #tpu.memory_space<vmem>>) offsets(%dma_start3A_107 : memref<112xi32, #tpu.memory_space<vmem>>) semaphore(%arg24 : memref<!tpu.dma_semaphore, #tpu.memory_space<semaphore_mem>>)
      %dma_wait3A_111 = arith.constant 0 : i32
      %dma_wait3A_112 = arith.constant 0 : i32
      %dma_wait3A_113 = tpu.memref_slice %arg2[%dma_wait3A_111, %dma_wait3A_112] : memref<10000x128xf32, #tpu.memory_space<hbm>> -> memref<112x128xf32, #tpu.memory_space<hbm>>
      %dma_wait3A_114 = arith.constant 0 : i32
      %dma_wait3A_115 = arith.constant 0 : i32
      %dma_wait3A_116 = tpu.memref_slice %arg2[%dma_wait3A_114, %dma_wait3A_115] : memref<10000x128xf32, #tpu.memory_space<hbm>> -> memref<112x128xf32, #tpu.memory_space<hbm>>
      tpu.wait_dma2 semaphore(%arg21 : memref<!tpu.dma_semaphore, #tpu.memory_space<semaphore_mem>>) src(%dma_wait3A_116 : memref<112x128xf32, #tpu.memory_space<hbm>>) dst(%arg15 : memref<112x128xf32, #tpu.memory_space<vmem>>)
      %dma_wait3A_117 = arith.constant 0 : i32
      %dma_wait3A_118 = arith.constant 0 : i32
      %dma_wait3A_119 = tpu.memref_slice %arg3[%dma_wait3A_117, %dma_wait3A_118] : memref<10000x16xf32, #tpu.memory_space<hbm>> -> memref<112x16xf32, #tpu.memory_space<hbm>>
      %dma_wait3A_120 = arith.constant 0 : i32
      %dma_wait3A_121 = arith.constant 0 : i32
      %dma_wait3A_122 = tpu.memref_slice %arg3[%dma_wait3A_120, %dma_wait3A_121] : memref<10000x16xf32, #tpu.memory_space<hbm>> -> memref<112x16xf32, #tpu.memory_space<hbm>>
      tpu.wait_dma2 semaphore(%arg23 : memref<!tpu.dma_semaphore, #tpu.memory_space<semaphore_mem>>) src(%dma_wait3A_122 : memref<112x16xf32, #tpu.memory_space<hbm>>) dst(%arg17 : memref<112x16xf32, #tpu.memory_space<vmem>>)
      %get3A = arith.constant 1 : i32
      %get3A_123 = arith.index_cast %get3A : i32 to index
      %get3A_124 = arith.constant 0 : index
      %get3A_125 = tpu.vector_load %arg11[%get3A_123, %get3A_124] {strides = array<i32>} : memref<2x112xi32, #tpu.memory_space<vmem>>, vector<1x16xi32>,
      %get3A_126 = vector.shape_cast %get3A_125 : vector<1x16xi32> to vector<16xi32>
      %swap3A = arith.constant 0 : index
      %swap3A_127 = tpu.vector_load %arg13[%swap3A] {strides = array<i32>} : memref<112xi32, #tpu.memory_space<vmem>>, vector<16xi32>,
      %swap3A_128 = vector.shape_cast %swap3A_127 : vector<16xi32> to vector<16xi32>
      %swap3A_129 = vector.shape_cast %get3A_126 : vector<16xi32> to vector<16xi32>
      tpu.vector_store %arg13[%swap3A], %swap3A_129 {strides = array<i32>} : memref<112xi32, #tpu.memory_space<vmem>>, vector<16xi32>,
      %get3A_130 = arith.constant 1 : i32
      %get3A_131 = arith.index_cast %get3A_130 : i32 to index
      %get3A_132 = arith.constant 16 : index
      %get3A_133 = tpu.vector_load %arg11[%get3A_131, %get3A_132] {strides = array<i32>} : memref<2x112xi32, #tpu.memory_space<vmem>>, vector<1x16xi32>,
      %get3A_134 = vector.shape_cast %get3A_133 : vector<1x16xi32> to vector<16xi32>
      %swap3A_135 = arith.constant 16 : index
      %swap3A_136 = tpu.vector_load %arg13[%swap3A_135] {strides = array<i32>} : memref<112xi32, #tpu.memory_space<vmem>>, vector<16xi32>,
      %swap3A_137 = vector.shape_cast %swap3A_136 : vector<16xi32> to vector<16xi32>
      %swap3A_138 = vector.shape_cast %get3A_134 : vector<16xi32> to vector<16xi32>
      tpu.vector_store %arg13[%swap3A_135], %swap3A_138 {strides = array<i32>} : memref<112xi32, #tpu.memory_space<vmem>>, vector<16xi32>,
      %get3A_139 = arith.constant 1 : i32
      %get3A_140 = arith.index_cast %get3A_139 : i32 to index
      %get3A_141 = arith.constant 32 : index
      %get3A_142 = tpu.vector_load %arg11[%get3A_140, %get3A_141] {strides = array<i32>} : memref<2x112xi32, #tpu.memory_space<vmem>>, vector<1x16xi32>,
      %get3A_143 = vector.shape_cast %get3A_142 : vector<1x16xi32> to vector<16xi32>
      %swap3A_144 = arith.constant 32 : index
      %swap3A_145 = tpu.vector_load %arg13[%swap3A_144] {strides = array<i32>} : memref<112xi32, #tpu.memory_space<vmem>>, vector<16xi32>,
      %swap3A_146 = vector.shape_cast %swap3A_145 : vector<16xi32> to vector<16xi32>
      %swap3A_147 = vector.shape_cast %get3A_143 : vector<16xi32> to vector<16xi32>
      tpu.vector_store %arg13[%swap3A_144], %swap3A_147 {strides = array<i32>} : memref<112xi32, #tpu.memory_space<vmem>>, vector<16xi32>,
      %get3A_148 = arith.constant 1 : i32
      %get3A_149 = arith.index_cast %get3A_148 : i32 to index
      %get3A_150 = arith.constant 48 : index
      %get3A_151 = tpu.vector_load %arg11[%get3A_149, %get3A_150] {strides = array<i32>} : memref<2x112xi32, #tpu.memory_space<vmem>>, vector<1x16xi32>,
      %get3A_152 = vector.shape_cast %get3A_151 : vector<1x16xi32> to vector<16xi32>
      %swap3A_153 = arith.constant 48 : index
      %swap3A_154 = tpu.vector_load %arg13[%swap3A_153] {strides = array<i32>} : memref<112xi32, #tpu.memory_space<vmem>>, vector<16xi32>,
      %swap3A_155 = vector.shape_cast %swap3A_154 : vector<16xi32> to vector<16xi32>
      %swap3A_156 = vector.shape_cast %get3A_152 : vector<16xi32> to vector<16xi32>
      tpu.vector_store %arg13[%swap3A_153], %swap3A_156 {strides = array<i32>} : memref<112xi32, #tpu.memory_space<vmem>>, vector<16xi32>,
      %get3A_157 = arith.constant 1 : i32
      %get3A_158 = arith.index_cast %get3A_157 : i32 to index
      %get3A_159 = arith.constant 64 : index
      %get3A_160 = tpu.vector_load %arg11[%get3A_158, %get3A_159] {strides = array<i32>} : memref<2x112xi32, #tpu.memory_space<vmem>>, vector<1x16xi32>,
      %get3A_161 = vector.shape_cast %get3A_160 : vector<1x16xi32> to vector<16xi32>
      %swap3A_162 = arith.constant 64 : index
      %swap3A_163 = tpu.vector_load %arg13[%swap3A_162] {strides = array<i32>} : memref<112xi32, #tpu.memory_space<vmem>>, vector<16xi32>,
      %swap3A_164 = vector.shape_cast %swap3A_163 : vector<16xi32> to vector<16xi32>
      %swap3A_165 = vector.shape_cast %get3A_161 : vector<16xi32> to vector<16xi32>
      tpu.vector_store %arg13[%swap3A_162], %swap3A_165 {strides = array<i32>} : memref<112xi32, #tpu.memory_space<vmem>>, vector<16xi32>,
      %get3A_166 = arith.constant 1 : i32
      %get3A_167 = arith.index_cast %get3A_166 : i32 to index
      %get3A_168 = arith.constant 80 : index
      %get3A_169 = tpu.vector_load %arg11[%get3A_167, %get3A_168] {strides = array<i32>} : memref<2x112xi32, #tpu.memory_space<vmem>>, vector<1x16xi32>,
      %get3A_170 = vector.shape_cast %get3A_169 : vector<1x16xi32> to vector<16xi32>
      %swap3A_171 = arith.constant 80 : index
      %swap3A_172 = tpu.vector_load %arg13[%swap3A_171] {strides = array<i32>} : memref<112xi32, #tpu.memory_space<vmem>>, vector<16xi32>,
      %swap3A_173 = vector.shape_cast %swap3A_172 : vector<16xi32> to vector<16xi32>
      %swap3A_174 = vector.shape_cast %get3A_170 : vector<16xi32> to vector<16xi32>
      tpu.vector_store %arg13[%swap3A_171], %swap3A_174 {strides = array<i32>} : memref<112xi32, #tpu.memory_space<vmem>>, vector<16xi32>,
      %get3A_175 = arith.constant 1 : i32
      %get3A_176 = arith.index_cast %get3A_175 : i32 to index
      %get3A_177 = arith.constant 96 : index
      %get3A_178 = tpu.vector_load %arg11[%get3A_176, %get3A_177] {strides = array<i32>} : memref<2x112xi32, #tpu.memory_space<vmem>>, vector<1x16xi32>,
      %get3A_179 = vector.shape_cast %get3A_178 : vector<1x16xi32> to vector<16xi32>
      %swap3A_180 = arith.constant 96 : index
      %swap3A_181 = tpu.vector_load %arg13[%swap3A_180] {strides = array<i32>} : memref<112xi32, #tpu.memory_space<vmem>>, vector<16xi32>,
      %swap3A_182 = vector.shape_cast %swap3A_181 : vector<16xi32> to vector<16xi32>
      %swap3A_183 = vector.shape_cast %get3A_179 : vector<16xi32> to vector<16xi32>
      tpu.vector_store %arg13[%swap3A_180], %swap3A_183 {strides = array<i32>} : memref<112xi32, #tpu.memory_space<vmem>>, vector<16xi32>,
      %dma_start3A_184 = arith.constant 0 : i32
      %dma_start3A_185 = arith.constant 0 : i32
      %dma_start3A_186 = tpu.memref_slice %arg9[%dma_start3A_184, %dma_start3A_185] : memref<10016x128xf32, #tpu.memory_space<vmem_shared>> -> memref<10016x128xf32, #tpu.memory_space<vmem_shared>>
      tpu.enqueue_indirect_dma source(%arg15 : memref<112x128xf32, #tpu.memory_space<vmem>>) target(%dma_start3A_186 : memref<10016x128xf32, #tpu.memory_space<vmem_shared>>) offsets(%arg13 : memref<112xi32, #tpu.memory_space<vmem>>) semaphore(%arg25 : memref<!tpu.dma_semaphore, #tpu.memory_space<semaphore_mem>>) {add = true}
      %dma_start3A_187 = arith.constant 0 : i32
      %dma_start3A_188 = arith.constant 0 : i32
      %dma_start3A_189 = tpu.memref_slice %arg10[%dma_start3A_187, %dma_start3A_188] : memref<10016x16xf32, #tpu.memory_space<vmem_shared>> -> memref<10016x16xf32, #tpu.memory_space<vmem_shared>>
      tpu.enqueue_indirect_dma source(%arg17 : memref<112x16xf32, #tpu.memory_space<vmem>>) target(%dma_start3A_189 : memref<10016x16xf32, #tpu.memory_space<vmem_shared>>) offsets(%arg13 : memref<112xi32, #tpu.memory_space<vmem>>) semaphore(%arg27 : memref<!tpu.dma_semaphore, #tpu.memory_space<semaphore_mem>>) {add = true}
      %add3A_190 = arith.constant 2 : i32
      %add3A_191 = arith.addi %add3A_82, %add3A_190 : i32
      %min3A = arith.constant 89 : i32
      %min3A_192 = arith.minsi %add3A_191, %min3A : i32
      %dma_start3A_193 = arith.constant 0 : i32
      %dma_start3A_194 = arith.constant 0 : i32
      %dma_start3A_195 = tpu.memref_slice %arg4[%add3A, %min3A_192, %dma_start3A_193, %dma_start3A_194] : memref<32x90x2x112xi32, #tpu.memory_space<hbm>> -> memref<1x1x2x112xi32, #tpu.memory_space<hbm>>
      %dma_start3A_196 = tpu.memref_squeeze %dma_start3A_195 : memref<1x1x2x112xi32, #tpu.memory_space<hbm>> -> memref<2x112xi32, #tpu.memory_space<hbm>>
      %dma_start3A_197 = arith.constant 0 : i32
      %dma_start3A_198 = arith.constant 0 : i32
      %dma_start3A_199 = tpu.memref_slice %arg4[%add3A, %min3A_192, %dma_start3A_197, %dma_start3A_198] : memref<32x90x2x112xi32, #tpu.memory_space<hbm>> -> memref<1x1x2x112xi32, #tpu.memory_space<hbm>>
      %dma_start3A_200 = tpu.memref_squeeze %dma_start3A_199 : memref<1x1x2x112xi32, #tpu.memory_space<hbm>> -> memref<2x112xi32, #tpu.memory_space<hbm>>
      tpu.enqueue_dma source(%dma_start3A_200 : memref<2x112xi32, #tpu.memory_space<hbm>>) target(%arg11 : memref<2x112xi32, #tpu.memory_space<vmem>>) target_semaphore(%arg19 : memref<!tpu.dma_semaphore, #tpu.memory_space<semaphore_mem>>)
      %mul3A_201 = arith.constant 2 : i32
      %mul3A_202 = arith.muli %mul3A_201, %scan3A_78 : i32
      %add3A_203 = arith.constant 1 : i32
      %add3A_204 = arith.addi %mul3A_202, %add3A_203 : i32
      %dma_wait3A_205 = arith.constant 0 : i32
      %dma_wait3A_206 = arith.constant 0 : i32
      %dma_wait3A_207 = arith.constant 0 : i32
      %dma_wait3A_208 = arith.constant 0 : i32
      %dma_wait3A_209 = tpu.memref_slice %arg4[%dma_wait3A_205, %dma_wait3A_206, %dma_wait3A_207, %dma_wait3A_208] : memref<32x90x2x112xi32, #tpu.memory_space<hbm>> -> memref<1x1x2x112xi32, #tpu.memory_space<hbm>>
      %dma_wait3A_210 = tpu.memref_squeeze %dma_wait3A_209 : memref<1x1x2x112xi32, #tpu.memory_space<hbm>> -> memref<2x112xi32, #tpu.memory_space<hbm>>
      %dma_wait3A_211 = arith.constant 0 : i32
      %dma_wait3A_212 = arith.constant 0 : i32
      %dma_wait3A_213 = tpu.memref_slice %arg4[%dma_wait3A_205, %dma_wait3A_206, %dma_wait3A_211, %dma_wait3A_212] : memref<32x90x2x112xi32, #tpu.memory_space<hbm>> -> memref<1x1x2x112xi32, #tpu.memory_space<hbm>>
      %dma_wait3A_214 = tpu.memref_squeeze %dma_wait3A_213 : memref<1x1x2x112xi32, #tpu.memory_space<hbm>> -> memref<2x112xi32, #tpu.memory_space<hbm>>
      tpu.wait_dma2 semaphore(%arg19 : memref<!tpu.dma_semaphore, #tpu.memory_space<semaphore_mem>>) src(%dma_wait3A_214 : memref<2x112xi32, #tpu.memory_space<hbm>>) dst(%arg11 : memref<2x112xi32, #tpu.memory_space<vmem>>)
      %dma_wait3A_215 = arith.constant 0 : i32
      %dma_wait3A_216 = arith.constant 0 : i32
      %dma_wait3A_217 = tpu.memref_slice %arg9[%dma_wait3A_215, %dma_wait3A_216] : memref<10016x128xf32, #tpu.memory_space<vmem_shared>> -> memref<112x128xf32, #tpu.memory_space<vmem_shared>>
      %dma_wait3A_218 = arith.constant 0 : i32
      %dma_wait3A_219 = arith.constant 0 : i32
      %dma_wait3A_220 = tpu.memref_slice %arg9[%dma_wait3A_218, %dma_wait3A_219] : memref<10016x128xf32, #tpu.memory_space<vmem_shared>> -> memref<112x128xf32, #tpu.memory_space<vmem_shared>>
      tpu.wait_dma2 semaphore(%arg25 : memref<!tpu.dma_semaphore, #tpu.memory_space<semaphore_mem>>) src(%arg15 : memref<112x128xf32, #tpu.memory_space<vmem>>) dst(%dma_wait3A_220 : memref<112x128xf32, #tpu.memory_space<vmem_shared>>)
      %dma_wait3A_221 = arith.constant 0 : i32
      %dma_wait3A_222 = arith.constant 0 : i32
      %dma_wait3A_223 = tpu.memref_slice %arg10[%dma_wait3A_221, %dma_wait3A_222] : memref<10016x16xf32, #tpu.memory_space<vmem_shared>> -> memref<112x16xf32, #tpu.memory_space<vmem_shared>>
      %dma_wait3A_224 = arith.constant 0 : i32
      %dma_wait3A_225 = arith.constant 0 : i32
      %dma_wait3A_226 = tpu.memref_slice %arg10[%dma_wait3A_224, %dma_wait3A_225] : memref<10016x16xf32, #tpu.memory_space<vmem_shared>> -> memref<112x16xf32, #tpu.memory_space<vmem_shared>>
      tpu.wait_dma2 semaphore(%arg27 : memref<!tpu.dma_semaphore, #tpu.memory_space<semaphore_mem>>) src(%arg17 : memref<112x16xf32, #tpu.memory_space<vmem>>) dst(%dma_wait3A_226 : memref<112x16xf32, #tpu.memory_space<vmem_shared>>)
      %dma_start3A_227 = arith.constant 0 : i32
      %dma_start3A_228 = arith.constant 0 : i32
      %dma_start3A_229 = tpu.memref_slice %arg11[%dma_start3A_227, %dma_start3A_228] : memref<2x112xi32, #tpu.memory_space<vmem>> -> memref<1x112xi32, #tpu.memory_space<vmem>>
      %dma_start3A_230 = tpu.memref_squeeze %dma_start3A_229 : memref<1x112xi32, #tpu.memory_space<vmem>> -> memref<112xi32, #tpu.memory_space<vmem>>
      %dma_start3A_231 = arith.constant 0 : i32
      %dma_start3A_232 = arith.constant 0 : i32
      %dma_start3A_233 = tpu.memref_slice %arg2[%dma_start3A_231, %dma_start3A_232] : memref<10000x128xf32, #tpu.memory_space<hbm>> -> memref<10000x128xf32, #tpu.memory_space<hbm>>
      tpu.enqueue_indirect_dma source(%dma_start3A_233 : memref<10000x128xf32, #tpu.memory_space<hbm>>) target(%arg15 : memref<112x128xf32, #tpu.memory_space<vmem>>) offsets(%dma_start3A_230 : memref<112xi32, #tpu.memory_space<vmem>>) semaphore(%arg21 : memref<!tpu.dma_semaphore, #tpu.memory_space<semaphore_mem>>)
      %dma_start3A_234 = arith.constant 0 : i32
      %dma_start3A_235 = arith.constant 0 : i32
      %dma_start3A_236 = tpu.memref_slice %arg11[%dma_start3A_234, %dma_start3A_235] : memref<2x112xi32, #tpu.memory_space<vmem>> -> memref<1x112xi32, #tpu.memory_space<vmem>>
      %dma_start3A_237 = tpu.memref_squeeze %dma_start3A_236 : memref<1x112xi32, #tpu.memory_space<vmem>> -> memref<112xi32, #tpu.memory_space<vmem>>
      %dma_start3A_238 = arith.constant 0 : i32
      %dma_start3A_239 = arith.constant 0 : i32
      %dma_start3A_240 = tpu.memref_slice %arg3[%dma_start3A_238, %dma_start3A_239] : memref<10000x16xf32, #tpu.memory_space<hbm>> -> memref<10000x16xf32, #tpu.memory_space<hbm>>
      tpu.enqueue_indirect_dma source(%dma_start3A_240 : memref<10000x16xf32, #tpu.memory_space<hbm>>) target(%arg17 : memref<112x16xf32, #tpu.memory_space<vmem>>) offsets(%dma_start3A_237 : memref<112xi32, #tpu.memory_space<vmem>>) semaphore(%arg23 : memref<!tpu.dma_semaphore, #tpu.memory_space<semaphore_mem>>)
      %dma_wait3A_241 = arith.constant 0 : i32
      %dma_wait3A_242 = arith.constant 0 : i32
      %dma_wait3A_243 = tpu.memref_slice %arg2[%dma_wait3A_241, %dma_wait3A_242] : memref<10000x128xf32, #tpu.memory_space<hbm>> -> memref<112x128xf32, #tpu.memory_space<hbm>>
      %dma_wait3A_244 = arith.constant 0 : i32
      %dma_wait3A_245 = arith.constant 0 : i32
      %dma_wait3A_246 = tpu.memref_slice %arg2[%dma_wait3A_244, %dma_wait3A_245] : memref<10000x128xf32, #tpu.memory_space<hbm>> -> memref<112x128xf32, #tpu.memory_space<hbm>>
      tpu.wait_dma2 semaphore(%arg22 : memref<!tpu.dma_semaphore, #tpu.memory_space<semaphore_mem>>) src(%dma_wait3A_246 : memref<112x128xf32, #tpu.memory_space<hbm>>) dst(%arg16 : memref<112x128xf32, #tpu.memory_space<vmem>>)
      %dma_wait3A_247 = arith.constant 0 : i32
      %dma_wait3A_248 = arith.constant 0 : i32
      %dma_wait3A_249 = tpu.memref_slice %arg3[%dma_wait3A_247, %dma_wait3A_248] : memref<10000x16xf32, #tpu.memory_space<hbm>> -> memref<112x16xf32, #tpu.memory_space<hbm>>
      %dma_wait3A_250 = arith.constant 0 : i32
      %dma_wait3A_251 = arith.constant 0 : i32
      %dma_wait3A_252 = tpu.memref_slice %arg3[%dma_wait3A_250, %dma_wait3A_251] : memref<10000x16xf32, #tpu.memory_space<hbm>> -> memref<112x16xf32, #tpu.memory_space<hbm>>
      tpu.wait_dma2 semaphore(%arg24 : memref<!tpu.dma_semaphore, #tpu.memory_space<semaphore_mem>>) src(%dma_wait3A_252 : memref<112x16xf32, #tpu.memory_space<hbm>>) dst(%arg18 : memref<112x16xf32, #tpu.memory_space<vmem>>)
      %get3A_253 = arith.constant 1 : i32
      %get3A_254 = arith.index_cast %get3A_253 : i32 to index
      %get3A_255 = arith.constant 0 : index
      %get3A_256 = tpu.vector_load %arg12[%get3A_254, %get3A_255] {strides = array<i32>} : memref<2x112xi32, #tpu.memory_space<vmem>>, vector<1x16xi32>,
      %get3A_257 = vector.shape_cast %get3A_256 : vector<1x16xi32> to vector<16xi32>
      %swap3A_258 = arith.constant 0 : index
      %swap3A_259 = tpu.vector_load %arg14[%swap3A_258] {strides = array<i32>} : memref<112xi32, #tpu.memory_space<vmem>>, vector<16xi32>,
      %swap3A_260 = vector.shape_cast %swap3A_259 : vector<16xi32> to vector<16xi32>
      %swap3A_261 = vector.shape_cast %get3A_257 : vector<16xi32> to vector<16xi32>
      tpu.vector_store %arg14[%swap3A_258], %swap3A_261 {strides = array<i32>} : memref<112xi32, #tpu.memory_space<vmem>>, vector<16xi32>,
      %get3A_262 = arith.constant 1 : i32
      %get3A_263 = arith.index_cast %get3A_262 : i32 to index
      %get3A_264 = arith.constant 16 : index
      %get3A_265 = tpu.vector_load %arg12[%get3A_263, %get3A_264] {strides = array<i32>} : memref<2x112xi32, #tpu.memory_space<vmem>>, vector<1x16xi32>,
      %get3A_266 = vector.shape_cast %get3A_265 : vector<1x16xi32> to vector<16xi32>
      %swap3A_267 = arith.constant 16 : index
      %swap3A_268 = tpu.vector_load %arg14[%swap3A_267] {strides = array<i32>} : memref<112xi32, #tpu.memory_space<vmem>>, vector<16xi32>,
      %swap3A_269 = vector.shape_cast %swap3A_268 : vector<16xi32> to vector<16xi32>
      %swap3A_270 = vector.shape_cast %get3A_266 : vector<16xi32> to vector<16xi32>
      tpu.vector_store %arg14[%swap3A_267], %swap3A_270 {strides = array<i32>} : memref<112xi32, #tpu.memory_space<vmem>>, vector<16xi32>,
      %get3A_271 = arith.constant 1 : i32
      %get3A_272 = arith.index_cast %get3A_271 : i32 to index
      %get3A_273 = arith.constant 32 : index
      %get3A_274 = tpu.vector_load %arg12[%get3A_272, %get3A_273] {strides = array<i32>} : memref<2x112xi32, #tpu.memory_space<vmem>>, vector<1x16xi32>,
      %get3A_275 = vector.shape_cast %get3A_274 : vector<1x16xi32> to vector<16xi32>
      %swap3A_276 = arith.constant 32 : index
      %swap3A_277 = tpu.vector_load %arg14[%swap3A_276] {strides = array<i32>} : memref<112xi32, #tpu.memory_space<vmem>>, vector<16xi32>,
      %swap3A_278 = vector.shape_cast %swap3A_277 : vector<16xi32> to vector<16xi32>
      %swap3A_279 = vector.shape_cast %get3A_275 : vector<16xi32> to vector<16xi32>
      tpu.vector_store %arg14[%swap3A_276], %swap3A_279 {strides = array<i32>} : memref<112xi32, #tpu.memory_space<vmem>>, vector<16xi32>,
      %get3A_280 = arith.constant 1 : i32
      %get3A_281 = arith.index_cast %get3A_280 : i32 to index
      %get3A_282 = arith.constant 48 : index
      %get3A_283 = tpu.vector_load %arg12[%get3A_281, %get3A_282] {strides = array<i32>} : memref<2x112xi32, #tpu.memory_space<vmem>>, vector<1x16xi32>,
      %get3A_284 = vector.shape_cast %get3A_283 : vector<1x16xi32> to vector<16xi32>
      %swap3A_285 = arith.constant 48 : index
      %swap3A_286 = tpu.vector_load %arg14[%swap3A_285] {strides = array<i32>} : memref<112xi32, #tpu.memory_space<vmem>>, vector<16xi32>,
      %swap3A_287 = vector.shape_cast %swap3A_286 : vector<16xi32> to vector<16xi32>
      %swap3A_288 = vector.shape_cast %get3A_284 : vector<16xi32> to vector<16xi32>
      tpu.vector_store %arg14[%swap3A_285], %swap3A_288 {strides = array<i32>} : memref<112xi32, #tpu.memory_space<vmem>>, vector<16xi32>,
      %get3A_289 = arith.constant 1 : i32
      %get3A_290 = arith.index_cast %get3A_289 : i32 to index
      %get3A_291 = arith.constant 64 : index
      %get3A_292 = tpu.vector_load %arg12[%get3A_290, %get3A_291] {strides = array<i32>} : memref<2x112xi32, #tpu.memory_space<vmem>>, vector<1x16xi32>,
      %get3A_293 = vector.shape_cast %get3A_292 : vector<1x16xi32> to vector<16xi32>
      %swap3A_294 = arith.constant 64 : index
      %swap3A_295 = tpu.vector_load %arg14[%swap3A_294] {strides = array<i32>} : memref<112xi32, #tpu.memory_space<vmem>>, vector<16xi32>,
      %swap3A_296 = vector.shape_cast %swap3A_295 : vector<16xi32> to vector<16xi32>
      %swap3A_297 = vector.shape_cast %get3A_293 : vector<16xi32> to vector<16xi32>
      tpu.vector_store %arg14[%swap3A_294], %swap3A_297 {strides = array<i32>} : memref<112xi32, #tpu.memory_space<vmem>>, vector<16xi32>,
      %get3A_298 = arith.constant 1 : i32
      %get3A_299 = arith.index_cast %get3A_298 : i32 to index
      %get3A_300 = arith.constant 80 : index
      %get3A_301 = tpu.vector_load %arg12[%get3A_299, %get3A_300] {strides = array<i32>} : memref<2x112xi32, #tpu.memory_space<vmem>>, vector<1x16xi32>,
      %get3A_302 = vector.shape_cast %get3A_301 : vector<1x16xi32> to vector<16xi32>
      %swap3A_303 = arith.constant 80 : index
      %swap3A_304 = tpu.vector_load %arg14[%swap3A_303] {strides = array<i32>} : memref<112xi32, #tpu.memory_space<vmem>>, vector<16xi32>,
      %swap3A_305 = vector.shape_cast %swap3A_304 : vector<16xi32> to vector<16xi32>
      %swap3A_306 = vector.shape_cast %get3A_302 : vector<16xi32> to vector<16xi32>
      tpu.vector_store %arg14[%swap3A_303], %swap3A_306 {strides = array<i32>} : memref<112xi32, #tpu.memory_space<vmem>>, vector<16xi32>,
      %get3A_307 = arith.constant 1 : i32
      %get3A_308 = arith.index_cast %get3A_307 : i32 to index
      %get3A_309 = arith.constant 96 : index
      %get3A_310 = tpu.vector_load %arg12[%get3A_308, %get3A_309] {strides = array<i32>} : memref<2x112xi32, #tpu.memory_space<vmem>>, vector<1x16xi32>,
      %get3A_311 = vector.shape_cast %get3A_310 : vector<1x16xi32> to vector<16xi32>
      %swap3A_312 = arith.constant 96 : index
      %swap3A_313 = tpu.vector_load %arg14[%swap3A_312] {strides = array<i32>} : memref<112xi32, #tpu.memory_space<vmem>>, vector<16xi32>,
      %swap3A_314 = vector.shape_cast %swap3A_313 : vector<16xi32> to vector<16xi32>
      %swap3A_315 = vector.shape_cast %get3A_311 : vector<16xi32> to vector<16xi32>
      tpu.vector_store %arg14[%swap3A_312], %swap3A_315 {strides = array<i32>} : memref<112xi32, #tpu.memory_space<vmem>>, vector<16xi32>,
      %dma_start3A_316 = arith.constant 0 : i32
      %dma_start3A_317 = arith.constant 0 : i32
      %dma_start3A_318 = tpu.memref_slice %arg9[%dma_start3A_316, %dma_start3A_317] : memref<10016x128xf32, #tpu.memory_space<vmem_shared>> -> memref<10016x128xf32, #tpu.memory_space<vmem_shared>>
      tpu.enqueue_indirect_dma source(%arg16 : memref<112x128xf32, #tpu.memory_space<vmem>>) target(%dma_start3A_318 : memref<10016x128xf32, #tpu.memory_space<vmem_shared>>) offsets(%arg14 : memref<112xi32, #tpu.memory_space<vmem>>) semaphore(%arg26 : memref<!tpu.dma_semaphore, #tpu.memory_space<semaphore_mem>>) {add = true}
      %dma_start3A_319 = arith.constant 0 : i32
      %dma_start3A_320 = arith.constant 0 : i32
      %dma_start3A_321 = tpu.memref_slice %arg10[%dma_start3A_319, %dma_start3A_320] : memref<10016x16xf32, #tpu.memory_space<vmem_shared>> -> memref<10016x16xf32, #tpu.memory_space<vmem_shared>>
      tpu.enqueue_indirect_dma source(%arg18 : memref<112x16xf32, #tpu.memory_space<vmem>>) target(%dma_start3A_321 : memref<10016x16xf32, #tpu.memory_space<vmem_shared>>) offsets(%arg14 : memref<112xi32, #tpu.memory_space<vmem>>) semaphore(%arg28 : memref<!tpu.dma_semaphore, #tpu.memory_space<semaphore_mem>>) {add = true}
      %add3A_322 = arith.constant 2 : i32
      %add3A_323 = arith.addi %add3A_204, %add3A_322 : i32
      %min3A_324 = arith.constant 89 : i32
      %min3A_325 = arith.minsi %add3A_323, %min3A_324 : i32
      %dma_start3A_326 = arith.constant 0 : i32
      %dma_start3A_327 = arith.constant 0 : i32
      %dma_start3A_328 = tpu.memref_slice %arg4[%add3A, %min3A_325, %dma_start3A_326, %dma_start3A_327] : memref<32x90x2x112xi32, #tpu.memory_space<hbm>> -> memref<1x1x2x112xi32, #tpu.memory_space<hbm>>
      %dma_start3A_329 = tpu.memref_squeeze %dma_start3A_328 : memref<1x1x2x112xi32, #tpu.memory_space<hbm>> -> memref<2x112xi32, #tpu.memory_space<hbm>>
      %dma_start3A_330 = arith.constant 0 : i32
      %dma_start3A_331 = arith.constant 0 : i32
      %dma_start3A_332 = tpu.memref_slice %arg4[%add3A, %min3A_325, %dma_start3A_330, %dma_start3A_331] : memref<32x90x2x112xi32, #tpu.memory_space<hbm>> -> memref<1x1x2x112xi32, #tpu.memory_space<hbm>>
      %dma_start3A_333 = tpu.memref_squeeze %dma_start3A_332 : memref<1x1x2x112xi32, #tpu.memory_space<hbm>> -> memref<2x112xi32, #tpu.memory_space<hbm>>
      tpu.enqueue_dma source(%dma_start3A_333 : memref<2x112xi32, #tpu.memory_space<hbm>>) target(%arg12 : memref<2x112xi32, #tpu.memory_space<vmem>>) target_semaphore(%arg20 : memref<!tpu.dma_semaphore, #tpu.memory_space<semaphore_mem>>)
    }
    %scan3A_33 = arith.constant 45 : i32
    %dma_wait3A = arith.constant 0 : i32
    %dma_wait3A_34 = arith.constant 0 : i32
    %dma_wait3A_35 = arith.constant 0 : i32
    %dma_wait3A_36 = arith.constant 0 : i32
    %dma_wait3A_37 = tpu.memref_slice %arg4[%dma_wait3A, %dma_wait3A_34, %dma_wait3A_35, %dma_wait3A_36] : memref<32x90x2x112xi32, #tpu.memory_space<hbm>> -> memref<1x1x2x112xi32, #tpu.memory_space<hbm>>
    %dma_wait3A_38 = tpu.memref_squeeze %dma_wait3A_37 : memref<1x1x2x112xi32, #tpu.memory_space<hbm>> -> memref<2x112xi32, #tpu.memory_space<hbm>>
    %dma_wait3A_39 = arith.constant 0 : i32
    %dma_wait3A_40 = arith.constant 0 : i32
    %dma_wait3A_41 = tpu.memref_slice %arg4[%dma_wait3A, %dma_wait3A_34, %dma_wait3A_39, %dma_wait3A_40] : memref<32x90x2x112xi32, #tpu.memory_space<hbm>> -> memref<1x1x2x112xi32, #tpu.memory_space<hbm>>
    %dma_wait3A_42 = tpu.memref_squeeze %dma_wait3A_41 : memref<1x1x2x112xi32, #tpu.memory_space<hbm>> -> memref<2x112xi32, #tpu.memory_space<hbm>>
    tpu.wait_dma2 semaphore(%arg20 : memref<!tpu.dma_semaphore, #tpu.memory_space<semaphore_mem>>) src(%dma_wait3A_42 : memref<2x112xi32, #tpu.memory_space<hbm>>) dst(%arg12 : memref<2x112xi32, #tpu.memory_space<vmem>>)
    %dma_wait3A_43 = arith.constant 0 : i32
    %dma_wait3A_44 = arith.constant 0 : i32
    %dma_wait3A_45 = tpu.memref_slice %arg2[%dma_wait3A_43, %dma_wait3A_44] : memref<10000x128xf32, #tpu.memory_space<hbm>> -> memref<112x128xf32, #tpu.memory_space<hbm>>
    %dma_wait3A_46 = arith.constant 0 : i32
    %dma_wait3A_47 = arith.constant 0 : i32
    %dma_wait3A_48 = tpu.memref_slice %arg2[%dma_wait3A_46, %dma_wait3A_47] : memref<10000x128xf32, #tpu.memory_space<hbm>> -> memref<112x128xf32, #tpu.memory_space<hbm>>
    tpu.wait_dma2 semaphore(%arg21 : memref<!tpu.dma_semaphore, #tpu.memory_space<semaphore_mem>>) src(%dma_wait3A_48 : memref<112x128xf32, #tpu.memory_space<hbm>>) dst(%arg15 : memref<112x128xf32, #tpu.memory_space<vmem>>)
    %dma_wait3A_49 = arith.constant 0 : i32
    %dma_wait3A_50 = arith.constant 0 : i32
    %dma_wait3A_51 = tpu.memref_slice %arg3[%dma_wait3A_49, %dma_wait3A_50] : memref<10000x16xf32, #tpu.memory_space<hbm>> -> memref<112x16xf32, #tpu.memory_space<hbm>>
    %dma_wait3A_52 = arith.constant 0 : i32
    %dma_wait3A_53 = arith.constant 0 : i32
    %dma_wait3A_54 = tpu.memref_slice %arg3[%dma_wait3A_52, %dma_wait3A_53] : memref<10000x16xf32, #tpu.memory_space<hbm>> -> memref<112x16xf32, #tpu.memory_space<hbm>>
    tpu.wait_dma2 semaphore(%arg23 : memref<!tpu.dma_semaphore, #tpu.memory_space<semaphore_mem>>) src(%dma_wait3A_54 : memref<112x16xf32, #tpu.memory_space<hbm>>) dst(%arg17 : memref<112x16xf32, #tpu.memory_space<vmem>>)
    %dma_wait3A_55 = arith.constant 0 : i32
    %dma_wait3A_56 = arith.constant 0 : i32
    %dma_wait3A_57 = tpu.memref_slice %arg9[%dma_wait3A_55, %dma_wait3A_56] : memref<10016x128xf32, #tpu.memory_space<vmem_shared>> -> memref<112x128xf32, #tpu.memory_space<vmem_shared>>
    %dma_wait3A_58 = arith.constant 0 : i32
    %dma_wait3A_59 = arith.constant 0 : i32
    %dma_wait3A_60 = tpu.memref_slice %arg9[%dma_wait3A_58, %dma_wait3A_59] : memref<10016x128xf32, #tpu.memory_space<vmem_shared>> -> memref<112x128xf32, #tpu.memory_space<vmem_shared>>
    tpu.wait_dma2 semaphore(%arg26 : memref<!tpu.dma_semaphore, #tpu.memory_space<semaphore_mem>>) src(%arg16 : memref<112x128xf32, #tpu.memory_space<vmem>>) dst(%dma_wait3A_60 : memref<112x128xf32, #tpu.memory_space<vmem_shared>>)
    %dma_wait3A_61 = arith.constant 0 : i32
    %dma_wait3A_62 = arith.constant 0 : i32
    %dma_wait3A_63 = tpu.memref_slice %arg10[%dma_wait3A_61, %dma_wait3A_62] : memref<10016x16xf32, #tpu.memory_space<vmem_shared>> -> memref<112x16xf32, #tpu.memory_space<vmem_shared>>
    %dma_wait3A_64 = arith.constant 0 : i32
    %dma_wait3A_65 = arith.constant 0 : i32
    %dma_wait3A_66 = tpu.memref_slice %arg10[%dma_wait3A_64, %dma_wait3A_65] : memref<10016x16xf32, #tpu.memory_space<vmem_shared>> -> memref<112x16xf32, #tpu.memory_space<vmem_shared>>
    tpu.wait_dma2 semaphore(%arg28 : memref<!tpu.dma_semaphore, #tpu.memory_space<semaphore_mem>>) src(%arg18 : memref<112x16xf32, #tpu.memory_space<vmem>>) dst(%dma_wait3A_66 : memref<112x16xf32, #tpu.memory_space<vmem_shared>>)
    %barrier3A_67 = arith.constant 0 : index
    tpu.barrier barrier_id(%barrier3A_67)
    %lt3A_68 = arith.constant 15 : i32
    %lt3A_69 = arith.cmpi slt, %arg1, %lt3A_68 : i32
    %convert_element_type3A_70 = arith.extui %lt3A_69 : i1 to i32
    %cond3A_71 = arith.constant 0 : i32
    %cond3A_72 = arith.cmpi ne, %convert_element_type3A_70, %cond3A_71 : i32
    scf.if %cond3A_72 {
      %mul3A_78 = arith.constant 624 : i32
      %mul3A_79 = arith.muli %arg1, %mul3A_78 : i32
      %multiple_of3A = tpu.assume_multiple %mul3A_79, 8 : i32
      %mul3A_80 = arith.constant 10000 : i32
      %mul3A_81 = arith.muli %arg0, %mul3A_80 : i32
      %add3A_82 = arith.addi %mul3A_81, %multiple_of3A : i32
      %multiple_of3A_83 = tpu.assume_multiple %add3A_82, 8 : i32
      "tpu.region"() ({
        %run_scoped3A_84 = tpu.sem_alloc : memref<!tpu.dma_semaphore, #tpu.memory_space<semaphore_mem>>
        %dma_start3A_85 = arith.constant 0 : i32
        %dma_start3A_86 = tpu.memref_slice %arg7[%multiple_of3A_83, %dma_start3A_85] : memref<20000x128xf32, #tpu.memory_space<hbm>> -> memref<624x128xf32, #tpu.memory_space<hbm>>
        %dma_start3A_87 = arith.constant 0 : i32
        %dma_start3A_88 = tpu.memref_slice %arg9[%multiple_of3A, %dma_start3A_87] : memref<10016x128xf32, #tpu.memory_space<vmem_shared>> -> memref<624x128xf32, #tpu.memory_space<vmem_shared>>
        tpu.enqueue_dma source(%dma_start3A_88 : memref<624x128xf32, #tpu.memory_space<vmem_shared>>) target(%dma_start3A_86 : memref<624x128xf32, #tpu.memory_space<hbm>>) target_semaphore(%run_scoped3A_84 : memref<!tpu.dma_semaphore, #tpu.memory_space<semaphore_mem>>)
        %dma_wait3A_89 = arith.constant 0 : i32
        %dma_wait3A_90 = tpu.memref_slice %arg7[%multiple_of3A_83, %dma_wait3A_89] : memref<20000x128xf32, #tpu.memory_space<hbm>> -> memref<624x128xf32, #tpu.memory_space<hbm>>
        %dma_wait3A_91 = arith.constant 0 : i32
        %dma_wait3A_92 = tpu.memref_slice %arg9[%multiple_of3A, %dma_wait3A_91] : memref<10016x128xf32, #tpu.memory_space<vmem_shared>> -> memref<624x128xf32, #tpu.memory_space<vmem_shared>>
        tpu.wait_dma2 semaphore(%run_scoped3A_84 : memref<!tpu.dma_semaphore, #tpu.memory_space<semaphore_mem>>) src(%dma_wait3A_92 : memref<624x128xf32, #tpu.memory_space<vmem_shared>>) dst(%dma_wait3A_90 : memref<624x128xf32, #tpu.memory_space<hbm>>)
        tpu.yield
      }) : () -> ()
      "tpu.region"() ({
        %run_scoped3A_84 = tpu.sem_alloc : memref<!tpu.dma_semaphore, #tpu.memory_space<semaphore_mem>>
        %dma_start3A_85 = arith.constant 0 : i32
        %dma_start3A_86 = tpu.memref_slice %arg8[%multiple_of3A_83, %dma_start3A_85] : memref<20000x16xf32, #tpu.memory_space<hbm>> -> memref<624x16xf32, #tpu.memory_space<hbm>>
        %dma_start3A_87 = arith.constant 0 : i32
        %dma_start3A_88 = tpu.memref_slice %arg10[%multiple_of3A, %dma_start3A_87] : memref<10016x16xf32, #tpu.memory_space<vmem_shared>> -> memref<624x16xf32, #tpu.memory_space<vmem_shared>>
        tpu.enqueue_dma source(%dma_start3A_88 : memref<624x16xf32, #tpu.memory_space<vmem_shared>>) target(%dma_start3A_86 : memref<624x16xf32, #tpu.memory_space<hbm>>) target_semaphore(%run_scoped3A_84 : memref<!tpu.dma_semaphore, #tpu.memory_space<semaphore_mem>>)
        %dma_wait3A_89 = arith.constant 0 : i32
        %dma_wait3A_90 = tpu.memref_slice %arg8[%multiple_of3A_83, %dma_wait3A_89] : memref<20000x16xf32, #tpu.memory_space<hbm>> -> memref<624x16xf32, #tpu.memory_space<hbm>>
        %dma_wait3A_91 = arith.constant 0 : i32
        %dma_wait3A_92 = tpu.memref_slice %arg10[%multiple_of3A, %dma_wait3A_91] : memref<10016x16xf32, #tpu.memory_space<vmem_shared>> -> memref<624x16xf32, #tpu.memory_space<vmem_shared>>
        tpu.wait_dma2 semaphore(%run_scoped3A_84 : memref<!tpu.dma_semaphore, #tpu.memory_space<semaphore_mem>>) src(%dma_wait3A_92 : memref<624x16xf32, #tpu.memory_space<vmem_shared>>) dst(%dma_wait3A_90 : memref<624x16xf32, #tpu.memory_space<hbm>>)
        tpu.yield
      }) : () -> ()
    } else {
    }
    %eq3A_73 = arith.constant 15 : i32
    %eq3A_74 = arith.cmpi eq, %arg1, %eq3A_73 : i32
    %convert_element_type3A_75 = arith.extui %eq3A_74 : i1 to i32
    %cond3A_76 = arith.constant 0 : i32
    %cond3A_77 = arith.cmpi ne, %convert_element_type3A_75, %cond3A_76 : i32
    scf.if %cond3A_77 {
      %mul3A_78 = arith.constant 10000 : i32
      %mul3A_79 = arith.muli %arg0, %mul3A_78 : i32
      %add3A_80 = arith.constant 9360 : i32
      %add3A_81 = arith.addi %mul3A_79, %add3A_80 : i32
      %multiple_of3A = tpu.assume_multiple %add3A_81, 8 : i32
      "tpu.region"() ({
        %run_scoped3A_82 = tpu.sem_alloc : memref<!tpu.dma_semaphore, #tpu.memory_space<semaphore_mem>>
        %dma_start3A_83 = arith.constant 0 : i32
        %dma_start3A_84 = tpu.memref_slice %arg7[%multiple_of3A, %dma_start3A_83] : memref<20000x128xf32, #tpu.memory_space<hbm>> -> memref<640x128xf32, #tpu.memory_space<hbm>>
        %dma_start3A_85 = arith.constant 9360 : i32
        %dma_start3A_86 = arith.constant 0 : i32
        %dma_start3A_87 = tpu.memref_slice %arg9[%dma_start3A_85, %dma_start3A_86] : memref<10016x128xf32, #tpu.memory_space<vmem_shared>> -> memref<640x128xf32, #tpu.memory_space<vmem_shared>>
        tpu.enqueue_dma source(%dma_start3A_87 : memref<640x128xf32, #tpu.memory_space<vmem_shared>>) target(%dma_start3A_84 : memref<640x128xf32, #tpu.memory_space<hbm>>) target_semaphore(%run_scoped3A_82 : memref<!tpu.dma_semaphore, #tpu.memory_space<semaphore_mem>>)
        %dma_wait3A_88 = arith.constant 0 : i32
        %dma_wait3A_89 = tpu.memref_slice %arg7[%multiple_of3A, %dma_wait3A_88] : memref<20000x128xf32, #tpu.memory_space<hbm>> -> memref<640x128xf32, #tpu.memory_space<hbm>>
        %dma_wait3A_90 = arith.constant 9360 : i32
        %dma_wait3A_91 = arith.constant 0 : i32
        %dma_wait3A_92 = tpu.memref_slice %arg9[%dma_wait3A_90, %dma_wait3A_91] : memref<10016x128xf32, #tpu.memory_space<vmem_shared>> -> memref<640x128xf32, #tpu.memory_space<vmem_shared>>
        tpu.wait_dma2 semaphore(%run_scoped3A_82 : memref<!tpu.dma_semaphore, #tpu.memory_space<semaphore_mem>>) src(%dma_wait3A_92 : memref<640x128xf32, #tpu.memory_space<vmem_shared>>) dst(%dma_wait3A_89 : memref<640x128xf32, #tpu.memory_space<hbm>>)
        tpu.yield
      }) : () -> ()
      "tpu.region"() ({
        %run_scoped3A_82 = tpu.sem_alloc : memref<!tpu.dma_semaphore, #tpu.memory_space<semaphore_mem>>
        %dma_start3A_83 = arith.constant 0 : i32
        %dma_start3A_84 = tpu.memref_slice %arg8[%multiple_of3A, %dma_start3A_83] : memref<20000x16xf32, #tpu.memory_space<hbm>> -> memref<640x16xf32, #tpu.memory_space<hbm>>
        %dma_start3A_85 = arith.constant 9360 : i32
        %dma_start3A_86 = arith.constant 0 : i32
        %dma_start3A_87 = tpu.memref_slice %arg10[%dma_start3A_85, %dma_start3A_86] : memref<10016x16xf32, #tpu.memory_space<vmem_shared>> -> memref<640x16xf32, #tpu.memory_space<vmem_shared>>
        tpu.enqueue_dma source(%dma_start3A_87 : memref<640x16xf32, #tpu.memory_space<vmem_shared>>) target(%dma_start3A_84 : memref<640x16xf32, #tpu.memory_space<hbm>>) target_semaphore(%run_scoped3A_82 : memref<!tpu.dma_semaphore, #tpu.memory_space<semaphore_mem>>)
        %dma_wait3A_88 = arith.constant 0 : i32
        %dma_wait3A_89 = tpu.memref_slice %arg8[%multiple_of3A, %dma_wait3A_88] : memref<20000x16xf32, #tpu.memory_space<hbm>> -> memref<640x16xf32, #tpu.memory_space<hbm>>
        %dma_wait3A_90 = arith.constant 9360 : i32
        %dma_wait3A_91 = arith.constant 0 : i32
        %dma_wait3A_92 = tpu.memref_slice %arg10[%dma_wait3A_90, %dma_wait3A_91] : memref<10016x16xf32, #tpu.memory_space<vmem_shared>> -> memref<640x16xf32, #tpu.memory_space<vmem_shared>>
        tpu.wait_dma2 semaphore(%run_scoped3A_82 : memref<!tpu.dma_semaphore, #tpu.memory_space<semaphore_mem>>) src(%dma_wait3A_92 : memref<640x16xf32, #tpu.memory_space<vmem_shared>>) dst(%dma_wait3A_89 : memref<640x16xf32, #tpu.memory_space<hbm>>)
        tpu.yield
      }) : () -> ()
    } else {
    }
    return
  }
}

module attributes {stable_mosaic.version = 14 : i64} {
  func.func @_pro_body(%arg0: i32, %arg1: memref<1000x128xf32, #tpu.memory_space<vmem>>, %arg2: memref<128x128xf32, #tpu.memory_space<vmem>>, %arg3: memref<1x128xf32, #tpu.memory_space<vmem>>, %arg4: memref<128x128xf32, #tpu.memory_space<vmem>>, %arg5: memref<1x128xf32, #tpu.memory_space<vmem>>, %arg6: memref<1000x32xf32, #tpu.memory_space<vmem>>, %arg7: memref<32x16xf32, #tpu.memory_space<vmem>>, %arg8: memref<1x16xf32, #tpu.memory_space<vmem>>, %arg9: memref<2x1000x16xf32, #tpu.memory_space<vmem>>, %arg10: memref<16x1xf32, #tpu.memory_space<vmem>>, %arg11: memref<1x1xf32, #tpu.memory_space<vmem>>, %arg12: memref<1x1xf32, #tpu.memory_space<vmem>>, %arg13: memref<1000x128xf32, #tpu.memory_space<vmem>>, %arg14: memref<1000x16xf32, #tpu.memory_space<vmem>>, %arg15: memref<1000x128xf32, #tpu.memory_space<vmem>>, %arg16: memref<1000x16xf32, #tpu.memory_space<vmem>>, %arg17: memref<1000x1xf32, #tpu.memory_space<vmem>>, %arg18: memref<1000x128xf32, #tpu.memory_space<vmem>>) attributes {dimension_semantics = [#tpu.dimension_semantics<arbitrary>], iteration_bounds = array<i64: 10>, scalar_prefetch = 0 : i64, scratch_operands = 0 : i64, tpu.core_type = #tpu.core_type<tc>, window_params = [{transform_indices = @transform_0, window_bounds = array<i64: 1000, 128>}, {pipeline_mode = #tpu.pipeline_mode<synchronous>, transform_indices = @transform_1, window_bounds = array<i64: 128, 128>}, {pipeline_mode = #tpu.pipeline_mode<synchronous>, transform_indices = @transform_2, window_bounds = array<i64: 1, 128>}, {pipeline_mode = #tpu.pipeline_mode<synchronous>, transform_indices = @transform_3, window_bounds = array<i64: 128, 128>}, {pipeline_mode = #tpu.pipeline_mode<synchronous>, transform_indices = @transform_4, window_bounds = array<i64: 1, 128>}, {transform_indices = @transform_5, window_bounds = array<i64: 1000, 32>}, {pipeline_mode = #tpu.pipeline_mode<synchronous>, transform_indices = @transform_6, window_bounds = array<i64: 32, 16>}, {pipeline_mode = #tpu.pipeline_mode<synchronous>, transform_indices = @transform_7, window_bounds = array<i64: 1, 16>}, {transform_indices = @transform_8, window_bounds = array<i64: 2, 1000, 16>}, {pipeline_mode = #tpu.pipeline_mode<synchronous>, transform_indices = @transform_9, window_bounds = array<i64: 16, 1>}, {pipeline_mode = #tpu.pipeline_mode<synchronous>, transform_indices = @transform_10, window_bounds = array<i64: 1, 1>}, {pipeline_mode = #tpu.pipeline_mode<synchronous>, transform_indices = @transform_11, window_bounds = array<i64: 1, 1>}, {transform_indices = @transform_12, window_bounds = array<i64: 1000, 128>}, {transform_indices = @transform_13, window_bounds = array<i64: 1000, 16>}, {transform_indices = @transform_14, window_bounds = array<i64: 1000, 128>}, {transform_indices = @transform_15, window_bounds = array<i64: 1000, 16>}, {transform_indices = @transform_16, window_bounds = array<i64: 1000, 1>}, {transform_indices = @transform_17, window_bounds = array<i64: 1000, 128>}]} {
    %get3A = arith.constant 0 : index
    %get3A_0 = arith.constant 0 : index
    %get3A_1 = arith.constant 0 : index
    %get3A_2 = vector.load %arg9[%get3A, %get3A_0, %get3A_1] : memref<2x1000x16xf32, #tpu.memory_space<vmem>>, vector<1x1000x16xf32>
    %get3A_3 = vector.shape_cast %get3A_2 : vector<1x1000x16xf32> to vector<1000x16xf32>
    %slice3A = vector.extract_strided_slice %get3A_3 {offsets = [0, 0], sizes = [1000, 1], strides = [1, 1]} : vector<1000x16xf32> to vector<1000x1xf32>
    %add3A = arith.constant 1.000000e+00 : f32
    %add3A_4 = vector.broadcast %add3A : f32 to vector<1000x1xf32>
    %add3A_5 = arith.addf %add3A_4, %slice3A : vector<1000x1xf32>
    %get3A_6 = arith.constant 1 : index
    %get3A_7 = arith.constant 0 : index
    %get3A_8 = arith.constant 0 : index
    %get3A_9 = vector.load %arg9[%get3A_6, %get3A_7, %get3A_8] : memref<2x1000x16xf32, #tpu.memory_space<vmem>>, vector<1x1000x16xf32>
    %get3A_10 = vector.shape_cast %get3A_9 : vector<1x1000x16xf32> to vector<1000x16xf32>
    %slice3A_11 = vector.extract_strided_slice %get3A_10 {offsets = [0, 0], sizes = [1000, 1], strides = [1, 1]} : vector<1000x16xf32> to vector<1000x1xf32>
    %add3A_12 = arith.addf %add3A_5, %slice3A_11 : vector<1000x1xf32>
    %rsqrt3A = math.rsqrt %add3A_12 : vector<1000x1xf32>
    %get3A_13 = arith.constant 0 : index
    %get3A_14 = arith.constant 0 : index
    %get3A_15 = vector.load %arg1[%get3A_13, %get3A_14] : memref<1000x128xf32, #tpu.memory_space<vmem>>, vector<1000x128xf32>
    %get3A_16 = arith.constant 0 : index
    %get3A_17 = arith.constant 0 : index
    %get3A_18 = vector.load %arg2[%get3A_16, %get3A_17] : memref<128x128xf32, #tpu.memory_space<vmem>>, vector<128x128xf32>
    %dot_general3A = arith.constant dense<0.000000e+00> : vector<1000x128xf32>
    %dot_general3A_19 = tpu.matmul %get3A_15, %get3A_18, %dot_general3A {dimension_numbers = #tpu.dot_dimension_numbers<[1], [0], [0], [1], [0, 0, 1, 1], [], []>, transpose_lhs_hint = false} : vector<1000x128xf32>, vector<128x128xf32>, vector<1000x128xf32> -> vector<1000x128xf32>
    %get3A_20 = arith.constant 0 : index
    %get3A_21 = arith.constant 0 : index
    %get3A_22 = vector.load %arg3[%get3A_20, %get3A_21] : memref<1x128xf32, #tpu.memory_space<vmem>>, vector<1x128xf32>
    %add3A_23 = vector.broadcast %get3A_22 : vector<1x128xf32> to vector<1000x128xf32>
    %add3A_24 = arith.addf %dot_general3A_19, %add3A_23 : vector<1000x128xf32>
    %max3A = arith.constant 0.000000e+00 : f32
    %max3A_25 = vector.broadcast %max3A : f32 to vector<1000x128xf32>
    %max3A_26 = arith.maximumf %add3A_24, %max3A_25 : vector<1000x128xf32>
    %get3A_27 = arith.constant 0 : index
    %get3A_28 = arith.constant 0 : index
    %get3A_29 = vector.load %arg4[%get3A_27, %get3A_28] : memref<128x128xf32, #tpu.memory_space<vmem>>, vector<128x128xf32>
    %dot_general3A_30 = arith.constant dense<0.000000e+00> : vector<1000x128xf32>
    %dot_general3A_31 = tpu.matmul %max3A_26, %get3A_29, %dot_general3A_30 {dimension_numbers = #tpu.dot_dimension_numbers<[1], [0], [0], [1], [0, 0, 1, 1], [], []>, transpose_lhs_hint = false} : vector<1000x128xf32>, vector<128x128xf32>, vector<1000x128xf32> -> vector<1000x128xf32>
    %get3A_32 = arith.constant 0 : index
    %get3A_33 = arith.constant 0 : index
    %get3A_34 = vector.load %arg5[%get3A_32, %get3A_33] : memref<1x128xf32, #tpu.memory_space<vmem>>, vector<1x128xf32>
    %add3A_35 = vector.broadcast %get3A_34 : vector<1x128xf32> to vector<1000x128xf32>
    %add3A_36 = arith.addf %dot_general3A_31, %add3A_35 : vector<1000x128xf32>
    %get3A_37 = arith.constant 0 : index
    %get3A_38 = arith.constant 0 : index
    %get3A_39 = vector.load %arg6[%get3A_37, %get3A_38] : memref<1000x32xf32, #tpu.memory_space<vmem>>, vector<1000x32xf32>
    %get3A_40 = arith.constant 0 : index
    %get3A_41 = arith.constant 0 : index
    %get3A_42 = vector.load %arg7[%get3A_40, %get3A_41] : memref<32x16xf32, #tpu.memory_space<vmem>>, vector<32x16xf32>
    %dot_general3A_43 = arith.constant dense<0.000000e+00> : vector<1000x16xf32>
    %dot_general3A_44 = tpu.matmul %get3A_39, %get3A_42, %dot_general3A_43 {dimension_numbers = #tpu.dot_dimension_numbers<[1], [0], [0], [1], [0, 0, 1, 1], [], []>, transpose_lhs_hint = false} : vector<1000x32xf32>, vector<32x16xf32>, vector<1000x16xf32> -> vector<1000x16xf32>
    %get3A_45 = arith.constant 0 : index
    %get3A_46 = arith.constant 0 : index
    %get3A_47 = vector.load %arg8[%get3A_45, %get3A_46] : memref<1x16xf32, #tpu.memory_space<vmem>>, vector<1x16xf32>
    %add3A_48 = vector.broadcast %get3A_47 : vector<1x16xf32> to vector<1000x16xf32>
    %add3A_49 = arith.addf %dot_general3A_44, %add3A_48 : vector<1000x16xf32>
    %tanh3A = math.tanh %add3A_49 : vector<1000x16xf32>
    %get3A_50 = arith.constant 0 : index
    %get3A_51 = arith.constant 0 : index
    %get3A_52 = vector.load %arg12[%get3A_50, %get3A_51] : memref<1x1xf32, #tpu.memory_space<vmem>>, vector<1x1xf32>
    %get3A_53 = vector.extract %get3A_52[0, 0] : f32 from vector<1x1xf32>
    %get3A_54 = arith.constant 0 : index
    %get3A_55 = arith.constant 0 : index
    %get3A_56 = vector.load %arg10[%get3A_54, %get3A_55] : memref<16x1xf32, #tpu.memory_space<vmem>>, vector<16x1xf32>
    %dot_general3A_57 = arith.constant dense<0.000000e+00> : vector<1000x1xf32>
    %dot_general3A_58 = tpu.matmul %tanh3A, %get3A_56, %dot_general3A_57 {dimension_numbers = #tpu.dot_dimension_numbers<[1], [0], [0], [1], [0, 0, 1, 1], [], []>, transpose_lhs_hint = false} : vector<1000x16xf32>, vector<16x1xf32>, vector<1000x1xf32> -> vector<1000x1xf32>
    %get3A_59 = arith.constant 0 : index
    %get3A_60 = arith.constant 0 : index
    %get3A_61 = vector.load %arg11[%get3A_59, %get3A_60] : memref<1x1xf32, #tpu.memory_space<vmem>>, vector<1x1xf32>
    %get3A_62 = vector.extract %get3A_61[0, 0] : f32 from vector<1x1xf32>
    %add3A_63 = vector.broadcast %get3A_62 : f32 to vector<1000x1xf32>
    %add3A_64 = arith.addf %dot_general3A_58, %add3A_63 : vector<1000x1xf32>
    %tanh3A_65 = math.tanh %add3A_64 : vector<1000x1xf32>
    %mul3A = vector.broadcast %get3A_53 : f32 to vector<1000x1xf32>
    %mul3A_66 = arith.mulf %mul3A, %tanh3A_65 : vector<1000x1xf32>
    %swap3A = arith.constant 0 : index
    %swap3A_67 = arith.constant 0 : index
    %swap3A_68 = vector.load %arg13[%swap3A, %swap3A_67] : memref<1000x128xf32, #tpu.memory_space<vmem>>, vector<1000x128xf32>
    tpu.vector_store %arg13[%swap3A, %swap3A_67], %add3A_36 {strides = array<i32>} : memref<1000x128xf32, #tpu.memory_space<vmem>>, vector<1000x128xf32>,
    %swap3A_69 = arith.constant 0 : index
    %swap3A_70 = arith.constant 0 : index
    %swap3A_71 = vector.load %arg14[%swap3A_69, %swap3A_70] : memref<1000x16xf32, #tpu.memory_space<vmem>>, vector<1000x16xf32>
    tpu.vector_store %arg14[%swap3A_69, %swap3A_70], %tanh3A {strides = array<i32>} : memref<1000x16xf32, #tpu.memory_space<vmem>>, vector<1000x16xf32>,
    %mul3A_72 = vector.broadcast %rsqrt3A : vector<1000x1xf32> to vector<1000x128xf32>
    %mul3A_73 = arith.mulf %mul3A_72, %add3A_36 : vector<1000x128xf32>
    %swap3A_74 = arith.constant 0 : index
    %swap3A_75 = arith.constant 0 : index
    %swap3A_76 = vector.load %arg15[%swap3A_74, %swap3A_75] : memref<1000x128xf32, #tpu.memory_space<vmem>>, vector<1000x128xf32>
    tpu.vector_store %arg15[%swap3A_74, %swap3A_75], %mul3A_73 {strides = array<i32>} : memref<1000x128xf32, #tpu.memory_space<vmem>>, vector<1000x128xf32>,
    %mul3A_77 = vector.broadcast %rsqrt3A : vector<1000x1xf32> to vector<1000x16xf32>
    %mul3A_78 = arith.mulf %mul3A_77, %tanh3A : vector<1000x16xf32>
    %swap3A_79 = arith.constant 0 : index
    %swap3A_80 = arith.constant 0 : index
    %swap3A_81 = vector.load %arg16[%swap3A_79, %swap3A_80] : memref<1000x16xf32, #tpu.memory_space<vmem>>, vector<1000x16xf32>
    tpu.vector_store %arg16[%swap3A_79, %swap3A_80], %mul3A_78 {strides = array<i32>} : memref<1000x16xf32, #tpu.memory_space<vmem>>, vector<1000x16xf32>,
    %swap3A_82 = arith.constant 0 : index
    %swap3A_83 = arith.constant 0 : index
    %swap3A_84 = vector.load %arg17[%swap3A_82, %swap3A_83] : memref<1000x1xf32, #tpu.memory_space<vmem>>, vector<1000x1xf32>
    tpu.vector_store %arg17[%swap3A_82, %swap3A_83], %rsqrt3A {strides = array<i32>} : memref<1000x1xf32, #tpu.memory_space<vmem>>, vector<1000x1xf32>,
    %mul3A_85 = vector.broadcast %mul3A_66 : vector<1000x1xf32> to vector<1000x128xf32>
    %mul3A_86 = arith.mulf %mul3A_85, %add3A_36 : vector<1000x128xf32>
    %swap3A_87 = arith.constant 0 : index
    %swap3A_88 = arith.constant 0 : index
    %swap3A_89 = vector.load %arg18[%swap3A_87, %swap3A_88] : memref<1000x128xf32, #tpu.memory_space<vmem>>, vector<1000x128xf32>
    tpu.vector_store %arg18[%swap3A_87, %swap3A_88], %mul3A_86 {strides = array<i32>} : memref<1000x128xf32, #tpu.memory_space<vmem>>, vector<1000x128xf32>,
    return
  }
  func.func @transform_0(%arg0: i32) -> (i32, i32) {
    %c0_i32 = arith.constant 0 : i32
    %c0_i32_0 = arith.constant 0 : i32
    return %arg0, %c0_i32 : i32, i32
  }
  func.func @transform_1(%arg0: i32) -> (i32, i32) {
    %c0_i32 = arith.constant 0 : i32
    %c0_i32_0 = arith.constant 0 : i32
    %c0_i32_1 = arith.constant 0 : i32
    return %c0_i32, %c0_i32_0 : i32, i32
  }
  func.func @transform_2(%arg0: i32) -> (i32, i32) {
    %c0_i32 = arith.constant 0 : i32
    %c0_i32_0 = arith.constant 0 : i32
    %c0_i32_1 = arith.constant 0 : i32
    return %c0_i32, %c0_i32_0 : i32, i32
  }
  func.func @transform_3(%arg0: i32) -> (i32, i32) {
    %c0_i32 = arith.constant 0 : i32
    %c0_i32_0 = arith.constant 0 : i32
    %c0_i32_1 = arith.constant 0 : i32
    return %c0_i32, %c0_i32_0 : i32, i32
  }
  func.func @transform_4(%arg0: i32) -> (i32, i32) {
    %c0_i32 = arith.constant 0 : i32
    %c0_i32_0 = arith.constant 0 : i32
    %c0_i32_1 = arith.constant 0 : i32
    return %c0_i32, %c0_i32_0 : i32, i32
  }
  func.func @transform_5(%arg0: i32) -> (i32, i32) {
    %c0_i32 = arith.constant 0 : i32
    %c0_i32_0 = arith.constant 0 : i32
    return %arg0, %c0_i32 : i32, i32
  }
  func.func @transform_6(%arg0: i32) -> (i32, i32) {
    %c0_i32 = arith.constant 0 : i32
    %c0_i32_0 = arith.constant 0 : i32
    %c0_i32_1 = arith.constant 0 : i32
    return %c0_i32, %c0_i32_0 : i32, i32
  }
  func.func @transform_7(%arg0: i32) -> (i32, i32) {
    %c0_i32 = arith.constant 0 : i32
    %c0_i32_0 = arith.constant 0 : i32
    %c0_i32_1 = arith.constant 0 : i32
    return %c0_i32, %c0_i32_0 : i32, i32
  }
  func.func @transform_8(%arg0: i32) -> (i32, i32, i32) {
    %c0_i32 = arith.constant 0 : i32
    %c0_i32_0 = arith.constant 0 : i32
    %c0_i32_1 = arith.constant 0 : i32
    return %c0_i32, %arg0, %c0_i32_0 : i32, i32, i32
  }
  func.func @transform_9(%arg0: i32) -> (i32, i32) {
    %c0_i32 = arith.constant 0 : i32
    %c0_i32_0 = arith.constant 0 : i32
    %c0_i32_1 = arith.constant 0 : i32
    return %c0_i32, %c0_i32_0 : i32, i32
  }
  func.func @transform_10(%arg0: i32) -> (i32, i32) {
    %c0_i32 = arith.constant 0 : i32
    %c0_i32_0 = arith.constant 0 : i32
    %c0_i32_1 = arith.constant 0 : i32
    return %c0_i32, %c0_i32_0 : i32, i32
  }
  func.func @transform_11(%arg0: i32) -> (i32, i32) {
    %c0_i32 = arith.constant 0 : i32
    %c0_i32_0 = arith.constant 0 : i32
    %c0_i32_1 = arith.constant 0 : i32
    return %c0_i32, %c0_i32_0 : i32, i32
  }
  func.func @transform_12(%arg0: i32) -> (i32, i32) {
    %c0_i32 = arith.constant 0 : i32
    %c0_i32_0 = arith.constant 0 : i32
    return %arg0, %c0_i32 : i32, i32
  }
  func.func @transform_13(%arg0: i32) -> (i32, i32) {
    %c0_i32 = arith.constant 0 : i32
    %c0_i32_0 = arith.constant 0 : i32
    return %arg0, %c0_i32 : i32, i32
  }
  func.func @transform_14(%arg0: i32) -> (i32, i32) {
    %c0_i32 = arith.constant 0 : i32
    %c0_i32_0 = arith.constant 0 : i32
    return %arg0, %c0_i32 : i32, i32
  }
  func.func @transform_15(%arg0: i32) -> (i32, i32) {
    %c0_i32 = arith.constant 0 : i32
    %c0_i32_0 = arith.constant 0 : i32
    return %arg0, %c0_i32 : i32, i32
  }
  func.func @transform_16(%arg0: i32) -> (i32, i32) {
    %c0_i32 = arith.constant 0 : i32
    %c0_i32_0 = arith.constant 0 : i32
    return %arg0, %c0_i32 : i32, i32
  }
  func.func @transform_17(%arg0: i32) -> (i32, i32) {
    %c0_i32 = arith.constant 0 : i32
    %c0_i32_0 = arith.constant 0 : i32
    return %arg0, %c0_i32 : i32, i32
  }
}

module attributes {stable_mosaic.version = 14 : i64} {
  func.func @_flash_body(%arg0: i32, %arg1: memref<10000x16xf32, #tpu.memory_space<vmem>>, %arg2: memref<1000x16xf32, #tpu.memory_space<vmem>>, %arg3: memref<16x16xf32, #tpu.memory_space<vmem>>, %arg4: memref<1x16xf32, #tpu.memory_space<vmem>>, %arg5: memref<1000x16xf32, #tpu.memory_space<vmem>>) attributes {dimension_semantics = [#tpu.dimension_semantics<arbitrary>], iteration_bounds = array<i64: 10>, scalar_prefetch = 0 : i64, scratch_operands = 0 : i64, tpu.core_type = #tpu.core_type<tc>, window_params = [{pipeline_mode = #tpu.pipeline_mode<synchronous>, transform_indices = @transform_0, window_bounds = array<i64: 10000, 16>}, {transform_indices = @transform_1, window_bounds = array<i64: 1000, 16>}, {pipeline_mode = #tpu.pipeline_mode<synchronous>, transform_indices = @transform_2, window_bounds = array<i64: 16, 16>}, {pipeline_mode = #tpu.pipeline_mode<synchronous>, transform_indices = @transform_3, window_bounds = array<i64: 1, 16>}, {transform_indices = @transform_4, window_bounds = array<i64: 1000, 16>}]} {
    %get3A = arith.constant 0 : index
    %get3A_0 = arith.constant 0 : index
    %get3A_1 = vector.load %arg1[%get3A, %get3A_0] : memref<10000x16xf32, #tpu.memory_space<vmem>>, vector<10000x16xf32>
    %get3A_2 = arith.constant 0 : index
    %get3A_3 = arith.constant 0 : index
    %get3A_4 = vector.load %arg3[%get3A_2, %get3A_3] : memref<16x16xf32, #tpu.memory_space<vmem>>, vector<16x16xf32>
    %dot_general3A = arith.constant dense<0.000000e+00> : vector<10000x16xf32>
    %dot_general3A_5 = tpu.matmul %get3A_1, %get3A_4, %dot_general3A {dimension_numbers = #tpu.dot_dimension_numbers<[1], [0], [0], [1], [0, 0, 1, 1], [], []>, transpose_lhs_hint = false} : vector<10000x16xf32>, vector<16x16xf32>, vector<10000x16xf32> -> vector<10000x16xf32>
    %get3A_6 = arith.constant 0 : index
    %get3A_7 = arith.constant 0 : index
    %get3A_8 = vector.load %arg4[%get3A_6, %get3A_7] : memref<1x16xf32, #tpu.memory_space<vmem>>, vector<1x16xf32>
    %add3A = vector.broadcast %get3A_8 : vector<1x16xf32> to vector<10000x16xf32>
    %add3A_9 = arith.addf %dot_general3A_5, %add3A : vector<10000x16xf32>
    %get3A_10 = arith.constant 0 : index
    %get3A_11 = arith.constant 0 : index
    %get3A_12 = vector.load %arg2[%get3A_10, %get3A_11] : memref<1000x16xf32, #tpu.memory_space<vmem>>, vector<1000x16xf32>
    %get3A_13 = arith.constant 0 : index
    %get3A_14 = arith.constant 0 : index
    %get3A_15 = vector.load %arg3[%get3A_13, %get3A_14] : memref<16x16xf32, #tpu.memory_space<vmem>>, vector<16x16xf32>
    %dot_general3A_16 = arith.constant dense<0.000000e+00> : vector<1000x16xf32>
    %dot_general3A_17 = tpu.matmul %get3A_12, %get3A_15, %dot_general3A_16 {dimension_numbers = #tpu.dot_dimension_numbers<[1], [0], [0], [1], [0, 0, 1, 1], [], []>, transpose_lhs_hint = false} : vector<1000x16xf32>, vector<16x16xf32>, vector<1000x16xf32> -> vector<1000x16xf32>
    %get3A_18 = arith.constant 0 : index
    %get3A_19 = arith.constant 0 : index
    %get3A_20 = vector.load %arg4[%get3A_18, %get3A_19] : memref<1x16xf32, #tpu.memory_space<vmem>>, vector<1x16xf32>
    %add3A_21 = vector.broadcast %get3A_20 : vector<1x16xf32> to vector<1000x16xf32>
    %add3A_22 = arith.addf %dot_general3A_17, %add3A_21 : vector<1000x16xf32>
    %broadcast_in_dim3A = arith.constant 0.000000e+00 : f32
    %broadcast_in_dim3A_23 = vector.broadcast %broadcast_in_dim3A : f32 to vector<1000x16xf32>
    %slice3A = vector.extract_strided_slice %add3A_9 {offsets = [0, 0], sizes = [1000, 16], strides = [1, 1]} : vector<10000x16xf32> to vector<1000x16xf32>
    %slice3A_24 = vector.extract_strided_slice %get3A_1 {offsets = [0, 0], sizes = [1000, 16], strides = [1, 1]} : vector<10000x16xf32> to vector<1000x16xf32>
    %dot_general3A_25 = arith.constant dense<0.000000e+00> : vector<1000x1000xf32>
    %dot_general3A_26 = tpu.matmul %add3A_22, %slice3A, %dot_general3A_25 {dimension_numbers = #tpu.dot_dimension_numbers<[1], [1], [0], [0], [0, 0, 1, 0], [], []>, transpose_lhs_hint = false} : vector<1000x16xf32>, vector<1000x16xf32>, vector<1000x1000xf32> -> vector<1000x1000xf32>
    %mul3A = arith.constant 5.000000e-01 : f32
    %mul3A_27 = vector.broadcast %mul3A : f32 to vector<1000x1000xf32>
    %mul3A_28 = arith.mulf %mul3A_27, %dot_general3A_26 : vector<1000x1000xf32>
    %tanh3A = math.tanh %mul3A_28 : vector<1000x1000xf32>
    %mul3A_29 = arith.constant 5.000000e-01 : f32
    %mul3A_30 = vector.broadcast %mul3A_29 : f32 to vector<1000x1000xf32>
    %mul3A_31 = arith.mulf %mul3A_30, %tanh3A : vector<1000x1000xf32>
    %add3A_32 = arith.constant 5.000000e-01 : f32
    %add3A_33 = vector.broadcast %add3A_32 : f32 to vector<1000x1000xf32>
    %add3A_34 = arith.addf %add3A_33, %mul3A_31 : vector<1000x1000xf32>
    %dot_general3A_35 = arith.constant dense<0.000000e+00> : vector<1000x16xf32>
    %dot_general3A_36 = tpu.matmul %add3A_34, %slice3A_24, %dot_general3A_35 {dimension_numbers = #tpu.dot_dimension_numbers<[1], [0], [0], [1], [0, 0, 1, 1], [], []>, transpose_lhs_hint = false} : vector<1000x1000xf32>, vector<1000x16xf32>, vector<1000x16xf32> -> vector<1000x16xf32>
    %add3A_37 = arith.addf %broadcast_in_dim3A_23, %dot_general3A_36 : vector<1000x16xf32>
    %slice3A_38 = vector.extract_strided_slice %add3A_9 {offsets = [1000, 0], sizes = [1000, 16], strides = [1, 1]} : vector<10000x16xf32> to vector<1000x16xf32>
    %slice3A_39 = vector.extract_strided_slice %get3A_1 {offsets = [1000, 0], sizes = [1000, 16], strides = [1, 1]} : vector<10000x16xf32> to vector<1000x16xf32>
    %dot_general3A_40 = arith.constant dense<0.000000e+00> : vector<1000x1000xf32>
    %dot_general3A_41 = tpu.matmul %add3A_22, %slice3A_38, %dot_general3A_40 {dimension_numbers = #tpu.dot_dimension_numbers<[1], [1], [0], [0], [0, 0, 1, 0], [], []>, transpose_lhs_hint = false} : vector<1000x16xf32>, vector<1000x16xf32>, vector<1000x1000xf32> -> vector<1000x1000xf32>
    %mul3A_42 = arith.constant 5.000000e-01 : f32
    %mul3A_43 = vector.broadcast %mul3A_42 : f32 to vector<1000x1000xf32>
    %mul3A_44 = arith.mulf %mul3A_43, %dot_general3A_41 : vector<1000x1000xf32>
    %tanh3A_45 = math.tanh %mul3A_44 : vector<1000x1000xf32>
    %mul3A_46 = arith.constant 5.000000e-01 : f32
    %mul3A_47 = vector.broadcast %mul3A_46 : f32 to vector<1000x1000xf32>
    %mul3A_48 = arith.mulf %mul3A_47, %tanh3A_45 : vector<1000x1000xf32>
    %add3A_49 = arith.constant 5.000000e-01 : f32
    %add3A_50 = vector.broadcast %add3A_49 : f32 to vector<1000x1000xf32>
    %add3A_51 = arith.addf %add3A_50, %mul3A_48 : vector<1000x1000xf32>
    %dot_general3A_52 = arith.constant dense<0.000000e+00> : vector<1000x16xf32>
    %dot_general3A_53 = tpu.matmul %add3A_51, %slice3A_39, %dot_general3A_52 {dimension_numbers = #tpu.dot_dimension_numbers<[1], [0], [0], [1], [0, 0, 1, 1], [], []>, transpose_lhs_hint = false} : vector<1000x1000xf32>, vector<1000x16xf32>, vector<1000x16xf32> -> vector<1000x16xf32>
    %add3A_54 = arith.addf %add3A_37, %dot_general3A_53 : vector<1000x16xf32>
    %slice3A_55 = vector.extract_strided_slice %add3A_9 {offsets = [2000, 0], sizes = [1000, 16], strides = [1, 1]} : vector<10000x16xf32> to vector<1000x16xf32>
    %slice3A_56 = vector.extract_strided_slice %get3A_1 {offsets = [2000, 0], sizes = [1000, 16], strides = [1, 1]} : vector<10000x16xf32> to vector<1000x16xf32>
    %dot_general3A_57 = arith.constant dense<0.000000e+00> : vector<1000x1000xf32>
    %dot_general3A_58 = tpu.matmul %add3A_22, %slice3A_55, %dot_general3A_57 {dimension_numbers = #tpu.dot_dimension_numbers<[1], [1], [0], [0], [0, 0, 1, 0], [], []>, transpose_lhs_hint = false} : vector<1000x16xf32>, vector<1000x16xf32>, vector<1000x1000xf32> -> vector<1000x1000xf32>
    %mul3A_59 = arith.constant 5.000000e-01 : f32
    %mul3A_60 = vector.broadcast %mul3A_59 : f32 to vector<1000x1000xf32>
    %mul3A_61 = arith.mulf %mul3A_60, %dot_general3A_58 : vector<1000x1000xf32>
    %tanh3A_62 = math.tanh %mul3A_61 : vector<1000x1000xf32>
    %mul3A_63 = arith.constant 5.000000e-01 : f32
    %mul3A_64 = vector.broadcast %mul3A_63 : f32 to vector<1000x1000xf32>
    %mul3A_65 = arith.mulf %mul3A_64, %tanh3A_62 : vector<1000x1000xf32>
    %add3A_66 = arith.constant 5.000000e-01 : f32
    %add3A_67 = vector.broadcast %add3A_66 : f32 to vector<1000x1000xf32>
    %add3A_68 = arith.addf %add3A_67, %mul3A_65 : vector<1000x1000xf32>
    %dot_general3A_69 = arith.constant dense<0.000000e+00> : vector<1000x16xf32>
    %dot_general3A_70 = tpu.matmul %add3A_68, %slice3A_56, %dot_general3A_69 {dimension_numbers = #tpu.dot_dimension_numbers<[1], [0], [0], [1], [0, 0, 1, 1], [], []>, transpose_lhs_hint = false} : vector<1000x1000xf32>, vector<1000x16xf32>, vector<1000x16xf32> -> vector<1000x16xf32>
    %add3A_71 = arith.addf %add3A_54, %dot_general3A_70 : vector<1000x16xf32>
    %slice3A_72 = vector.extract_strided_slice %add3A_9 {offsets = [3000, 0], sizes = [1000, 16], strides = [1, 1]} : vector<10000x16xf32> to vector<1000x16xf32>
    %slice3A_73 = vector.extract_strided_slice %get3A_1 {offsets = [3000, 0], sizes = [1000, 16], strides = [1, 1]} : vector<10000x16xf32> to vector<1000x16xf32>
    %dot_general3A_74 = arith.constant dense<0.000000e+00> : vector<1000x1000xf32>
    %dot_general3A_75 = tpu.matmul %add3A_22, %slice3A_72, %dot_general3A_74 {dimension_numbers = #tpu.dot_dimension_numbers<[1], [1], [0], [0], [0, 0, 1, 0], [], []>, transpose_lhs_hint = false} : vector<1000x16xf32>, vector<1000x16xf32>, vector<1000x1000xf32> -> vector<1000x1000xf32>
    %mul3A_76 = arith.constant 5.000000e-01 : f32
    %mul3A_77 = vector.broadcast %mul3A_76 : f32 to vector<1000x1000xf32>
    %mul3A_78 = arith.mulf %mul3A_77, %dot_general3A_75 : vector<1000x1000xf32>
    %tanh3A_79 = math.tanh %mul3A_78 : vector<1000x1000xf32>
    %mul3A_80 = arith.constant 5.000000e-01 : f32
    %mul3A_81 = vector.broadcast %mul3A_80 : f32 to vector<1000x1000xf32>
    %mul3A_82 = arith.mulf %mul3A_81, %tanh3A_79 : vector<1000x1000xf32>
    %add3A_83 = arith.constant 5.000000e-01 : f32
    %add3A_84 = vector.broadcast %add3A_83 : f32 to vector<1000x1000xf32>
    %add3A_85 = arith.addf %add3A_84, %mul3A_82 : vector<1000x1000xf32>
    %dot_general3A_86 = arith.constant dense<0.000000e+00> : vector<1000x16xf32>
    %dot_general3A_87 = tpu.matmul %add3A_85, %slice3A_73, %dot_general3A_86 {dimension_numbers = #tpu.dot_dimension_numbers<[1], [0], [0], [1], [0, 0, 1, 1], [], []>, transpose_lhs_hint = false} : vector<1000x1000xf32>, vector<1000x16xf32>, vector<1000x16xf32> -> vector<1000x16xf32>
    %add3A_88 = arith.addf %add3A_71, %dot_general3A_87 : vector<1000x16xf32>
    %slice3A_89 = vector.extract_strided_slice %add3A_9 {offsets = [4000, 0], sizes = [1000, 16], strides = [1, 1]} : vector<10000x16xf32> to vector<1000x16xf32>
    %slice3A_90 = vector.extract_strided_slice %get3A_1 {offsets = [4000, 0], sizes = [1000, 16], strides = [1, 1]} : vector<10000x16xf32> to vector<1000x16xf32>
    %dot_general3A_91 = arith.constant dense<0.000000e+00> : vector<1000x1000xf32>
    %dot_general3A_92 = tpu.matmul %add3A_22, %slice3A_89, %dot_general3A_91 {dimension_numbers = #tpu.dot_dimension_numbers<[1], [1], [0], [0], [0, 0, 1, 0], [], []>, transpose_lhs_hint = false} : vector<1000x16xf32>, vector<1000x16xf32>, vector<1000x1000xf32> -> vector<1000x1000xf32>
    %mul3A_93 = arith.constant 5.000000e-01 : f32
    %mul3A_94 = vector.broadcast %mul3A_93 : f32 to vector<1000x1000xf32>
    %mul3A_95 = arith.mulf %mul3A_94, %dot_general3A_92 : vector<1000x1000xf32>
    %tanh3A_96 = math.tanh %mul3A_95 : vector<1000x1000xf32>
    %mul3A_97 = arith.constant 5.000000e-01 : f32
    %mul3A_98 = vector.broadcast %mul3A_97 : f32 to vector<1000x1000xf32>
    %mul3A_99 = arith.mulf %mul3A_98, %tanh3A_96 : vector<1000x1000xf32>
    %add3A_100 = arith.constant 5.000000e-01 : f32
    %add3A_101 = vector.broadcast %add3A_100 : f32 to vector<1000x1000xf32>
    %add3A_102 = arith.addf %add3A_101, %mul3A_99 : vector<1000x1000xf32>
    %dot_general3A_103 = arith.constant dense<0.000000e+00> : vector<1000x16xf32>
    %dot_general3A_104 = tpu.matmul %add3A_102, %slice3A_90, %dot_general3A_103 {dimension_numbers = #tpu.dot_dimension_numbers<[1], [0], [0], [1], [0, 0, 1, 1], [], []>, transpose_lhs_hint = false} : vector<1000x1000xf32>, vector<1000x16xf32>, vector<1000x16xf32> -> vector<1000x16xf32>
    %add3A_105 = arith.addf %add3A_88, %dot_general3A_104 : vector<1000x16xf32>
    %slice3A_106 = vector.extract_strided_slice %add3A_9 {offsets = [5000, 0], sizes = [1000, 16], strides = [1, 1]} : vector<10000x16xf32> to vector<1000x16xf32>
    %slice3A_107 = vector.extract_strided_slice %get3A_1 {offsets = [5000, 0], sizes = [1000, 16], strides = [1, 1]} : vector<10000x16xf32> to vector<1000x16xf32>
    %dot_general3A_108 = arith.constant dense<0.000000e+00> : vector<1000x1000xf32>
    %dot_general3A_109 = tpu.matmul %add3A_22, %slice3A_106, %dot_general3A_108 {dimension_numbers = #tpu.dot_dimension_numbers<[1], [1], [0], [0], [0, 0, 1, 0], [], []>, transpose_lhs_hint = false} : vector<1000x16xf32>, vector<1000x16xf32>, vector<1000x1000xf32> -> vector<1000x1000xf32>
    %mul3A_110 = arith.constant 5.000000e-01 : f32
    %mul3A_111 = vector.broadcast %mul3A_110 : f32 to vector<1000x1000xf32>
    %mul3A_112 = arith.mulf %mul3A_111, %dot_general3A_109 : vector<1000x1000xf32>
    %tanh3A_113 = math.tanh %mul3A_112 : vector<1000x1000xf32>
    %mul3A_114 = arith.constant 5.000000e-01 : f32
    %mul3A_115 = vector.broadcast %mul3A_114 : f32 to vector<1000x1000xf32>
    %mul3A_116 = arith.mulf %mul3A_115, %tanh3A_113 : vector<1000x1000xf32>
    %add3A_117 = arith.constant 5.000000e-01 : f32
    %add3A_118 = vector.broadcast %add3A_117 : f32 to vector<1000x1000xf32>
    %add3A_119 = arith.addf %add3A_118, %mul3A_116 : vector<1000x1000xf32>
    %dot_general3A_120 = arith.constant dense<0.000000e+00> : vector<1000x16xf32>
    %dot_general3A_121 = tpu.matmul %add3A_119, %slice3A_107, %dot_general3A_120 {dimension_numbers = #tpu.dot_dimension_numbers<[1], [0], [0], [1], [0, 0, 1, 1], [], []>, transpose_lhs_hint = false} : vector<1000x1000xf32>, vector<1000x16xf32>, vector<1000x16xf32> -> vector<1000x16xf32>
    %add3A_122 = arith.addf %add3A_105, %dot_general3A_121 : vector<1000x16xf32>
    %slice3A_123 = vector.extract_strided_slice %add3A_9 {offsets = [6000, 0], sizes = [1000, 16], strides = [1, 1]} : vector<10000x16xf32> to vector<1000x16xf32>
    %slice3A_124 = vector.extract_strided_slice %get3A_1 {offsets = [6000, 0], sizes = [1000, 16], strides = [1, 1]} : vector<10000x16xf32> to vector<1000x16xf32>
    %dot_general3A_125 = arith.constant dense<0.000000e+00> : vector<1000x1000xf32>
    %dot_general3A_126 = tpu.matmul %add3A_22, %slice3A_123, %dot_general3A_125 {dimension_numbers = #tpu.dot_dimension_numbers<[1], [1], [0], [0], [0, 0, 1, 0], [], []>, transpose_lhs_hint = false} : vector<1000x16xf32>, vector<1000x16xf32>, vector<1000x1000xf32> -> vector<1000x1000xf32>
    %mul3A_127 = arith.constant 5.000000e-01 : f32
    %mul3A_128 = vector.broadcast %mul3A_127 : f32 to vector<1000x1000xf32>
    %mul3A_129 = arith.mulf %mul3A_128, %dot_general3A_126 : vector<1000x1000xf32>
    %tanh3A_130 = math.tanh %mul3A_129 : vector<1000x1000xf32>
    %mul3A_131 = arith.constant 5.000000e-01 : f32
    %mul3A_132 = vector.broadcast %mul3A_131 : f32 to vector<1000x1000xf32>
    %mul3A_133 = arith.mulf %mul3A_132, %tanh3A_130 : vector<1000x1000xf32>
    %add3A_134 = arith.constant 5.000000e-01 : f32
    %add3A_135 = vector.broadcast %add3A_134 : f32 to vector<1000x1000xf32>
    %add3A_136 = arith.addf %add3A_135, %mul3A_133 : vector<1000x1000xf32>
    %dot_general3A_137 = arith.constant dense<0.000000e+00> : vector<1000x16xf32>
    %dot_general3A_138 = tpu.matmul %add3A_136, %slice3A_124, %dot_general3A_137 {dimension_numbers = #tpu.dot_dimension_numbers<[1], [0], [0], [1], [0, 0, 1, 1], [], []>, transpose_lhs_hint = false} : vector<1000x1000xf32>, vector<1000x16xf32>, vector<1000x16xf32> -> vector<1000x16xf32>
    %add3A_139 = arith.addf %add3A_122, %dot_general3A_138 : vector<1000x16xf32>
    %slice3A_140 = vector.extract_strided_slice %add3A_9 {offsets = [7000, 0], sizes = [1000, 16], strides = [1, 1]} : vector<10000x16xf32> to vector<1000x16xf32>
    %slice3A_141 = vector.extract_strided_slice %get3A_1 {offsets = [7000, 0], sizes = [1000, 16], strides = [1, 1]} : vector<10000x16xf32> to vector<1000x16xf32>
    %dot_general3A_142 = arith.constant dense<0.000000e+00> : vector<1000x1000xf32>
    %dot_general3A_143 = tpu.matmul %add3A_22, %slice3A_140, %dot_general3A_142 {dimension_numbers = #tpu.dot_dimension_numbers<[1], [1], [0], [0], [0, 0, 1, 0], [], []>, transpose_lhs_hint = false} : vector<1000x16xf32>, vector<1000x16xf32>, vector<1000x1000xf32> -> vector<1000x1000xf32>
    %mul3A_144 = arith.constant 5.000000e-01 : f32
    %mul3A_145 = vector.broadcast %mul3A_144 : f32 to vector<1000x1000xf32>
    %mul3A_146 = arith.mulf %mul3A_145, %dot_general3A_143 : vector<1000x1000xf32>
    %tanh3A_147 = math.tanh %mul3A_146 : vector<1000x1000xf32>
    %mul3A_148 = arith.constant 5.000000e-01 : f32
    %mul3A_149 = vector.broadcast %mul3A_148 : f32 to vector<1000x1000xf32>
    %mul3A_150 = arith.mulf %mul3A_149, %tanh3A_147 : vector<1000x1000xf32>
    %add3A_151 = arith.constant 5.000000e-01 : f32
    %add3A_152 = vector.broadcast %add3A_151 : f32 to vector<1000x1000xf32>
    %add3A_153 = arith.addf %add3A_152, %mul3A_150 : vector<1000x1000xf32>
    %dot_general3A_154 = arith.constant dense<0.000000e+00> : vector<1000x16xf32>
    %dot_general3A_155 = tpu.matmul %add3A_153, %slice3A_141, %dot_general3A_154 {dimension_numbers = #tpu.dot_dimension_numbers<[1], [0], [0], [1], [0, 0, 1, 1], [], []>, transpose_lhs_hint = false} : vector<1000x1000xf32>, vector<1000x16xf32>, vector<1000x16xf32> -> vector<1000x16xf32>
    %add3A_156 = arith.addf %add3A_139, %dot_general3A_155 : vector<1000x16xf32>
    %slice3A_157 = vector.extract_strided_slice %add3A_9 {offsets = [8000, 0], sizes = [1000, 16], strides = [1, 1]} : vector<10000x16xf32> to vector<1000x16xf32>
    %slice3A_158 = vector.extract_strided_slice %get3A_1 {offsets = [8000, 0], sizes = [1000, 16], strides = [1, 1]} : vector<10000x16xf32> to vector<1000x16xf32>
    %dot_general3A_159 = arith.constant dense<0.000000e+00> : vector<1000x1000xf32>
    %dot_general3A_160 = tpu.matmul %add3A_22, %slice3A_157, %dot_general3A_159 {dimension_numbers = #tpu.dot_dimension_numbers<[1], [1], [0], [0], [0, 0, 1, 0], [], []>, transpose_lhs_hint = false} : vector<1000x16xf32>, vector<1000x16xf32>, vector<1000x1000xf32> -> vector<1000x1000xf32>
    %mul3A_161 = arith.constant 5.000000e-01 : f32
    %mul3A_162 = vector.broadcast %mul3A_161 : f32 to vector<1000x1000xf32>
    %mul3A_163 = arith.mulf %mul3A_162, %dot_general3A_160 : vector<1000x1000xf32>
    %tanh3A_164 = math.tanh %mul3A_163 : vector<1000x1000xf32>
    %mul3A_165 = arith.constant 5.000000e-01 : f32
    %mul3A_166 = vector.broadcast %mul3A_165 : f32 to vector<1000x1000xf32>
    %mul3A_167 = arith.mulf %mul3A_166, %tanh3A_164 : vector<1000x1000xf32>
    %add3A_168 = arith.constant 5.000000e-01 : f32
    %add3A_169 = vector.broadcast %add3A_168 : f32 to vector<1000x1000xf32>
    %add3A_170 = arith.addf %add3A_169, %mul3A_167 : vector<1000x1000xf32>
    %dot_general3A_171 = arith.constant dense<0.000000e+00> : vector<1000x16xf32>
    %dot_general3A_172 = tpu.matmul %add3A_170, %slice3A_158, %dot_general3A_171 {dimension_numbers = #tpu.dot_dimension_numbers<[1], [0], [0], [1], [0, 0, 1, 1], [], []>, transpose_lhs_hint = false} : vector<1000x1000xf32>, vector<1000x16xf32>, vector<1000x16xf32> -> vector<1000x16xf32>
    %add3A_173 = arith.addf %add3A_156, %dot_general3A_172 : vector<1000x16xf32>
    %slice3A_174 = vector.extract_strided_slice %add3A_9 {offsets = [9000, 0], sizes = [1000, 16], strides = [1, 1]} : vector<10000x16xf32> to vector<1000x16xf32>
    %slice3A_175 = vector.extract_strided_slice %get3A_1 {offsets = [9000, 0], sizes = [1000, 16], strides = [1, 1]} : vector<10000x16xf32> to vector<1000x16xf32>
    %dot_general3A_176 = arith.constant dense<0.000000e+00> : vector<1000x1000xf32>
    %dot_general3A_177 = tpu.matmul %add3A_22, %slice3A_174, %dot_general3A_176 {dimension_numbers = #tpu.dot_dimension_numbers<[1], [1], [0], [0], [0, 0, 1, 0], [], []>, transpose_lhs_hint = false} : vector<1000x16xf32>, vector<1000x16xf32>, vector<1000x1000xf32> -> vector<1000x1000xf32>
    %mul3A_178 = arith.constant 5.000000e-01 : f32
    %mul3A_179 = vector.broadcast %mul3A_178 : f32 to vector<1000x1000xf32>
    %mul3A_180 = arith.mulf %mul3A_179, %dot_general3A_177 : vector<1000x1000xf32>
    %tanh3A_181 = math.tanh %mul3A_180 : vector<1000x1000xf32>
    %mul3A_182 = arith.constant 5.000000e-01 : f32
    %mul3A_183 = vector.broadcast %mul3A_182 : f32 to vector<1000x1000xf32>
    %mul3A_184 = arith.mulf %mul3A_183, %tanh3A_181 : vector<1000x1000xf32>
    %add3A_185 = arith.constant 5.000000e-01 : f32
    %add3A_186 = vector.broadcast %add3A_185 : f32 to vector<1000x1000xf32>
    %add3A_187 = arith.addf %add3A_186, %mul3A_184 : vector<1000x1000xf32>
    %dot_general3A_188 = arith.constant dense<0.000000e+00> : vector<1000x16xf32>
    %dot_general3A_189 = tpu.matmul %add3A_187, %slice3A_175, %dot_general3A_188 {dimension_numbers = #tpu.dot_dimension_numbers<[1], [0], [0], [1], [0, 0, 1, 1], [], []>, transpose_lhs_hint = false} : vector<1000x1000xf32>, vector<1000x16xf32>, vector<1000x16xf32> -> vector<1000x16xf32>
    %add3A_190 = arith.addf %add3A_173, %dot_general3A_189 : vector<1000x16xf32>
    %swap3A = arith.constant 0 : index
    %swap3A_191 = arith.constant 0 : index
    %swap3A_192 = vector.load %arg5[%swap3A, %swap3A_191] : memref<1000x16xf32, #tpu.memory_space<vmem>>, vector<1000x16xf32>
    tpu.vector_store %arg5[%swap3A, %swap3A_191], %add3A_190 {strides = array<i32>} : memref<1000x16xf32, #tpu.memory_space<vmem>>, vector<1000x16xf32>,
    return
  }
  func.func @transform_0(%arg0: i32) -> (i32, i32) {
    %c0_i32 = arith.constant 0 : i32
    %c0_i32_0 = arith.constant 0 : i32
    %c0_i32_1 = arith.constant 0 : i32
    return %c0_i32, %c0_i32_0 : i32, i32
  }
  func.func @transform_1(%arg0: i32) -> (i32, i32) {
    %c0_i32 = arith.constant 0 : i32
    %c0_i32_0 = arith.constant 0 : i32
    return %arg0, %c0_i32 : i32, i32
  }
  func.func @transform_2(%arg0: i32) -> (i32, i32) {
    %c0_i32 = arith.constant 0 : i32
    %c0_i32_0 = arith.constant 0 : i32
    %c0_i32_1 = arith.constant 0 : i32
    return %c0_i32, %c0_i32_0 : i32, i32
  }
  func.func @transform_3(%arg0: i32) -> (i32, i32) {
    %c0_i32 = arith.constant 0 : i32
    %c0_i32_0 = arith.constant 0 : i32
    %c0_i32_1 = arith.constant 0 : i32
    return %c0_i32, %c0_i32_0 : i32, i32
  }
  func.func @transform_4(%arg0: i32) -> (i32, i32) {
    %c0_i32 = arith.constant 0 : i32
    %c0_i32_0 = arith.constant 0 : i32
    return %arg0, %c0_i32 : i32, i32
  }
}

module attributes {stable_mosaic.version = 14 : i64} {
  func.func @_iter_body(%arg0: i32, %arg1: memref<1000x16xf32, #tpu.memory_space<vmem>>, %arg2: memref<1000x16xf32, #tpu.memory_space<vmem>>, %arg3: memref<1000x128xf32, #tpu.memory_space<vmem>>, %arg4: memref<2x1000x128xf32, #tpu.memory_space<vmem>>, %arg5: memref<2x1000x16xf32, #tpu.memory_space<vmem>>, %arg6: memref<1000x1xf32, #tpu.memory_space<vmem>>, %arg7: memref<1000x16xf32, #tpu.memory_space<vmem>>, %arg8: memref<16x1xf32, #tpu.memory_space<vmem>>, %arg9: memref<1x1xf32, #tpu.memory_space<vmem>>, %arg10: memref<1x1xf32, #tpu.memory_space<vmem>>, %arg11: memref<1000x128xf32, #tpu.memory_space<vmem>>, %arg12: memref<1000x128xf32, #tpu.memory_space<vmem>>, %arg13: memref<1000x16xf32, #tpu.memory_space<vmem>>, %arg14: memref<1000x128xf32, #tpu.memory_space<vmem>>, %arg15: memref<1000x16xf32, #tpu.memory_space<vmem>>, %arg16: memref<1000x128xf32, #tpu.memory_space<vmem>>) attributes {dimension_semantics = [#tpu.dimension_semantics<arbitrary>], iteration_bounds = array<i64: 10>, scalar_prefetch = 0 : i64, scratch_operands = 0 : i64, tpu.core_type = #tpu.core_type<tc>, window_params = [{transform_indices = @transform_0, window_bounds = array<i64: 1000, 16>}, {transform_indices = @transform_1, window_bounds = array<i64: 1000, 16>}, {transform_indices = @transform_2, window_bounds = array<i64: 1000, 128>}, {transform_indices = @transform_3, window_bounds = array<i64: 2, 1000, 128>}, {transform_indices = @transform_4, window_bounds = array<i64: 2, 1000, 16>}, {transform_indices = @transform_5, window_bounds = array<i64: 1000, 1>}, {transform_indices = @transform_6, window_bounds = array<i64: 1000, 16>}, {pipeline_mode = #tpu.pipeline_mode<synchronous>, transform_indices = @transform_7, window_bounds = array<i64: 16, 1>}, {pipeline_mode = #tpu.pipeline_mode<synchronous>, transform_indices = @transform_8, window_bounds = array<i64: 1, 1>}, {pipeline_mode = #tpu.pipeline_mode<synchronous>, transform_indices = @transform_9, window_bounds = array<i64: 1, 1>}, {transform_indices = @transform_10, window_bounds = array<i64: 1000, 128>}, {transform_indices = @transform_11, window_bounds = array<i64: 1000, 128>}, {transform_indices = @transform_12, window_bounds = array<i64: 1000, 16>}, {transform_indices = @transform_13, window_bounds = array<i64: 1000, 128>}, {transform_indices = @transform_14, window_bounds = array<i64: 1000, 16>}, {transform_indices = @transform_15, window_bounds = array<i64: 1000, 128>}]} {
    %get3A = arith.constant 0 : index
    %get3A_0 = arith.constant 0 : index
    %get3A_1 = vector.load %arg6[%get3A, %get3A_0] : memref<1000x1xf32, #tpu.memory_space<vmem>>, vector<1000x1xf32>
    %mul3A = arith.mulf %get3A_1, %get3A_1 : vector<1000x1xf32>
    %get3A_2 = arith.constant 0 : index
    %get3A_3 = arith.constant 0 : index
    %get3A_4 = arith.constant 0 : index
    %get3A_5 = vector.load %arg4[%get3A_2, %get3A_3, %get3A_4] : memref<2x1000x128xf32, #tpu.memory_space<vmem>>, vector<1x1000x128xf32>
    %get3A_6 = vector.shape_cast %get3A_5 : vector<1x1000x128xf32> to vector<1000x128xf32>
    %get3A_7 = arith.constant 1 : index
    %get3A_8 = arith.constant 0 : index
    %get3A_9 = arith.constant 0 : index
    %get3A_10 = vector.load %arg4[%get3A_7, %get3A_8, %get3A_9] : memref<2x1000x128xf32, #tpu.memory_space<vmem>>, vector<1x1000x128xf32>
    %get3A_11 = vector.shape_cast %get3A_10 : vector<1x1000x128xf32> to vector<1000x128xf32>
    %add3A = arith.addf %get3A_6, %get3A_11 : vector<1000x128xf32>
    %mul3A_12 = vector.broadcast %get3A_1 : vector<1000x1xf32> to vector<1000x128xf32>
    %mul3A_13 = arith.mulf %mul3A_12, %add3A : vector<1000x128xf32>
    %get3A_14 = arith.constant 0 : index
    %get3A_15 = arith.constant 0 : index
    %get3A_16 = vector.load %arg3[%get3A_14, %get3A_15] : memref<1000x128xf32, #tpu.memory_space<vmem>>, vector<1000x128xf32>
    %mul3A_17 = vector.broadcast %mul3A : vector<1000x1xf32> to vector<1000x128xf32>
    %mul3A_18 = arith.mulf %mul3A_17, %get3A_16 : vector<1000x128xf32>
    %add3A_19 = arith.addf %mul3A_13, %mul3A_18 : vector<1000x128xf32>
    %get3A_20 = arith.constant 0 : index
    %get3A_21 = arith.constant 0 : index
    %get3A_22 = arith.constant 0 : index
    %get3A_23 = vector.load %arg5[%get3A_20, %get3A_21, %get3A_22] : memref<2x1000x16xf32, #tpu.memory_space<vmem>>, vector<1x1000x16xf32>
    %get3A_24 = vector.shape_cast %get3A_23 : vector<1x1000x16xf32> to vector<1000x16xf32>
    %get3A_25 = arith.constant 1 : index
    %get3A_26 = arith.constant 0 : index
    %get3A_27 = arith.constant 0 : index
    %get3A_28 = vector.load %arg5[%get3A_25, %get3A_26, %get3A_27] : memref<2x1000x16xf32, #tpu.memory_space<vmem>>, vector<1x1000x16xf32>
    %get3A_29 = vector.shape_cast %get3A_28 : vector<1x1000x16xf32> to vector<1000x16xf32>
    %add3A_30 = arith.addf %get3A_24, %get3A_29 : vector<1000x16xf32>
    %mul3A_31 = vector.broadcast %get3A_1 : vector<1000x1xf32> to vector<1000x16xf32>
    %mul3A_32 = arith.mulf %mul3A_31, %add3A_30 : vector<1000x16xf32>
    %get3A_33 = arith.constant 0 : index
    %get3A_34 = arith.constant 0 : index
    %get3A_35 = vector.load %arg1[%get3A_33, %get3A_34] : memref<1000x16xf32, #tpu.memory_space<vmem>>, vector<1000x16xf32>
    %mul3A_36 = vector.broadcast %mul3A : vector<1000x1xf32> to vector<1000x16xf32>
    %mul3A_37 = arith.mulf %mul3A_36, %get3A_35 : vector<1000x16xf32>
    %add3A_38 = arith.addf %mul3A_32, %mul3A_37 : vector<1000x16xf32>
    %mul3A_39 = arith.constant 1.500000e+00 : f32
    %mul3A_40 = vector.broadcast %mul3A_39 : f32 to vector<1000x16xf32>
    %mul3A_41 = arith.mulf %mul3A_40, %add3A_38 : vector<1000x16xf32>
    %get3A_42 = arith.constant 0 : index
    %get3A_43 = arith.constant 0 : index
    %get3A_44 = vector.load %arg7[%get3A_42, %get3A_43] : memref<1000x16xf32, #tpu.memory_space<vmem>>, vector<1000x16xf32>
    %mul3A_45 = arith.constant 5.000000e-01 : f32
    %mul3A_46 = vector.broadcast %mul3A_45 : f32 to vector<1000x16xf32>
    %mul3A_47 = arith.mulf %mul3A_46, %get3A_44 : vector<1000x16xf32>
    %sub3A = arith.subf %mul3A_41, %mul3A_47 : vector<1000x16xf32>
    %get3A_48 = arith.constant 0 : index
    %get3A_49 = arith.constant 0 : index
    %get3A_50 = vector.load %arg2[%get3A_48, %get3A_49] : memref<1000x16xf32, #tpu.memory_space<vmem>>, vector<1000x16xf32>
    %mul3A_51 = arith.constant 5.000000e-01 : f32
    %mul3A_52 = vector.broadcast %mul3A_51 : f32 to vector<1000x16xf32>
    %mul3A_53 = arith.mulf %mul3A_52, %get3A_50 : vector<1000x16xf32>
    %mul3A_54 = arith.constant 5.000000e-01 : f32
    %mul3A_55 = vector.broadcast %mul3A_54 : f32 to vector<1000x16xf32>
    %mul3A_56 = arith.mulf %mul3A_55, %sub3A : vector<1000x16xf32>
    %add3A_57 = arith.addf %mul3A_53, %mul3A_56 : vector<1000x16xf32>
    %tanh3A = math.tanh %add3A_57 : vector<1000x16xf32>
    %get3A_58 = arith.constant 0 : index
    %get3A_59 = arith.constant 0 : index
    %get3A_60 = vector.load %arg10[%get3A_58, %get3A_59] : memref<1x1xf32, #tpu.memory_space<vmem>>, vector<1x1xf32>
    %get3A_61 = vector.extract %get3A_60[0, 0] : f32 from vector<1x1xf32>
    %get3A_62 = arith.constant 0 : index
    %get3A_63 = arith.constant 0 : index
    %get3A_64 = vector.load %arg8[%get3A_62, %get3A_63] : memref<16x1xf32, #tpu.memory_space<vmem>>, vector<16x1xf32>
    %dot_general3A = arith.constant dense<0.000000e+00> : vector<1000x1xf32>
    %dot_general3A_65 = tpu.matmul %tanh3A, %get3A_64, %dot_general3A {dimension_numbers = #tpu.dot_dimension_numbers<[1], [0], [0], [1], [0, 0, 1, 1], [], []>, transpose_lhs_hint = false} : vector<1000x16xf32>, vector<16x1xf32>, vector<1000x1xf32> -> vector<1000x1xf32>
    %get3A_66 = arith.constant 0 : index
    %get3A_67 = arith.constant 0 : index
    %get3A_68 = vector.load %arg9[%get3A_66, %get3A_67] : memref<1x1xf32, #tpu.memory_space<vmem>>, vector<1x1xf32>
    %get3A_69 = vector.extract %get3A_68[0, 0] : f32 from vector<1x1xf32>
    %add3A_70 = vector.broadcast %get3A_69 : f32 to vector<1000x1xf32>
    %add3A_71 = arith.addf %dot_general3A_65, %add3A_70 : vector<1000x1xf32>
    %tanh3A_72 = math.tanh %add3A_71 : vector<1000x1xf32>
    %mul3A_73 = vector.broadcast %get3A_61 : f32 to vector<1000x1xf32>
    %mul3A_74 = arith.mulf %mul3A_73, %tanh3A_72 : vector<1000x1xf32>
    %swap3A = arith.constant 0 : index
    %swap3A_75 = arith.constant 0 : index
    %swap3A_76 = vector.load %arg12[%swap3A, %swap3A_75] : memref<1000x128xf32, #tpu.memory_space<vmem>>, vector<1000x128xf32>
    tpu.vector_store %arg12[%swap3A, %swap3A_75], %add3A_19 {strides = array<i32>} : memref<1000x128xf32, #tpu.memory_space<vmem>>, vector<1000x128xf32>,
    %swap3A_77 = arith.constant 0 : index
    %swap3A_78 = arith.constant 0 : index
    %swap3A_79 = vector.load %arg13[%swap3A_77, %swap3A_78] : memref<1000x16xf32, #tpu.memory_space<vmem>>, vector<1000x16xf32>
    tpu.vector_store %arg13[%swap3A_77, %swap3A_78], %tanh3A {strides = array<i32>} : memref<1000x16xf32, #tpu.memory_space<vmem>>, vector<1000x16xf32>,
    %mul3A_80 = vector.broadcast %get3A_1 : vector<1000x1xf32> to vector<1000x128xf32>
    %mul3A_81 = arith.mulf %mul3A_80, %add3A_19 : vector<1000x128xf32>
    %swap3A_82 = arith.constant 0 : index
    %swap3A_83 = arith.constant 0 : index
    %swap3A_84 = vector.load %arg14[%swap3A_82, %swap3A_83] : memref<1000x128xf32, #tpu.memory_space<vmem>>, vector<1000x128xf32>
    tpu.vector_store %arg14[%swap3A_82, %swap3A_83], %mul3A_81 {strides = array<i32>} : memref<1000x128xf32, #tpu.memory_space<vmem>>, vector<1000x128xf32>,
    %mul3A_85 = vector.broadcast %get3A_1 : vector<1000x1xf32> to vector<1000x16xf32>
    %mul3A_86 = arith.mulf %mul3A_85, %tanh3A : vector<1000x16xf32>
    %swap3A_87 = arith.constant 0 : index
    %swap3A_88 = arith.constant 0 : index
    %swap3A_89 = vector.load %arg15[%swap3A_87, %swap3A_88] : memref<1000x16xf32, #tpu.memory_space<vmem>>, vector<1000x16xf32>
    tpu.vector_store %arg15[%swap3A_87, %swap3A_88], %mul3A_86 {strides = array<i32>} : memref<1000x16xf32, #tpu.memory_space<vmem>>, vector<1000x16xf32>,
    %get3A_90 = arith.constant 0 : index
    %get3A_91 = arith.constant 0 : index
    %get3A_92 = vector.load %arg11[%get3A_90, %get3A_91] : memref<1000x128xf32, #tpu.memory_space<vmem>>, vector<1000x128xf32>
    %mul3A_93 = vector.broadcast %mul3A_74 : vector<1000x1xf32> to vector<1000x128xf32>
    %mul3A_94 = arith.mulf %mul3A_93, %add3A_19 : vector<1000x128xf32>
    %add3A_95 = arith.addf %get3A_92, %mul3A_94 : vector<1000x128xf32>
    %swap3A_96 = arith.constant 0 : index
    %swap3A_97 = arith.constant 0 : index
    %swap3A_98 = vector.load %arg16[%swap3A_96, %swap3A_97] : memref<1000x128xf32, #tpu.memory_space<vmem>>, vector<1000x128xf32>
    tpu.vector_store %arg16[%swap3A_96, %swap3A_97], %add3A_95 {strides = array<i32>} : memref<1000x128xf32, #tpu.memory_space<vmem>>, vector<1000x128xf32>,
    return
  }
  func.func @transform_0(%arg0: i32) -> (i32, i32) {
    %c0_i32 = arith.constant 0 : i32
    %c0_i32_0 = arith.constant 0 : i32
    return %arg0, %c0_i32 : i32, i32
  }
  func.func @transform_1(%arg0: i32) -> (i32, i32) {
    %c0_i32 = arith.constant 0 : i32
    %c0_i32_0 = arith.constant 0 : i32
    return %arg0, %c0_i32 : i32, i32
  }
  func.func @transform_2(%arg0: i32) -> (i32, i32) {
    %c0_i32 = arith.constant 0 : i32
    %c0_i32_0 = arith.constant 0 : i32
    return %arg0, %c0_i32 : i32, i32
  }
  func.func @transform_3(%arg0: i32) -> (i32, i32, i32) {
    %c0_i32 = arith.constant 0 : i32
    %c0_i32_0 = arith.constant 0 : i32
    %c0_i32_1 = arith.constant 0 : i32
    return %c0_i32, %arg0, %c0_i32_0 : i32, i32, i32
  }
  func.func @transform_4(%arg0: i32) -> (i32, i32, i32) {
    %c0_i32 = arith.constant 0 : i32
    %c0_i32_0 = arith.constant 0 : i32
    %c0_i32_1 = arith.constant 0 : i32
    return %c0_i32, %arg0, %c0_i32_0 : i32, i32, i32
  }
  func.func @transform_5(%arg0: i32) -> (i32, i32) {
    %c0_i32 = arith.constant 0 : i32
    %c0_i32_0 = arith.constant 0 : i32
    return %arg0, %c0_i32 : i32, i32
  }
  func.func @transform_6(%arg0: i32) -> (i32, i32) {
    %c0_i32 = arith.constant 0 : i32
    %c0_i32_0 = arith.constant 0 : i32
    return %arg0, %c0_i32 : i32, i32
  }
  func.func @transform_7(%arg0: i32) -> (i32, i32) {
    %c0_i32 = arith.constant 0 : i32
    %c0_i32_0 = arith.constant 0 : i32
    %c0_i32_1 = arith.constant 0 : i32
    return %c0_i32, %c0_i32_0 : i32, i32
  }
  func.func @transform_8(%arg0: i32) -> (i32, i32) {
    %c0_i32 = arith.constant 0 : i32
    %c0_i32_0 = arith.constant 0 : i32
    %c0_i32_1 = arith.constant 0 : i32
    return %c0_i32, %c0_i32_0 : i32, i32
  }
  func.func @transform_9(%arg0: i32) -> (i32, i32) {
    %c0_i32 = arith.constant 0 : i32
    %c0_i32_0 = arith.constant 0 : i32
    %c0_i32_1 = arith.constant 0 : i32
    return %c0_i32, %c0_i32_0 : i32, i32
  }
  func.func @transform_10(%arg0: i32) -> (i32, i32) {
    %c0_i32 = arith.constant 0 : i32
    %c0_i32_0 = arith.constant 0 : i32
    return %arg0, %c0_i32 : i32, i32
  }
  func.func @transform_11(%arg0: i32) -> (i32, i32) {
    %c0_i32 = arith.constant 0 : i32
    %c0_i32_0 = arith.constant 0 : i32
    return %arg0, %c0_i32 : i32, i32
  }
  func.func @transform_12(%arg0: i32) -> (i32, i32) {
    %c0_i32 = arith.constant 0 : i32
    %c0_i32_0 = arith.constant 0 : i32
    return %arg0, %c0_i32 : i32, i32
  }
  func.func @transform_13(%arg0: i32) -> (i32, i32) {
    %c0_i32 = arith.constant 0 : i32
    %c0_i32_0 = arith.constant 0 : i32
    return %arg0, %c0_i32 : i32, i32
  }
  func.func @transform_14(%arg0: i32) -> (i32, i32) {
    %c0_i32 = arith.constant 0 : i32
    %c0_i32_0 = arith.constant 0 : i32
    return %arg0, %c0_i32 : i32, i32
  }
  func.func @transform_15(%arg0: i32) -> (i32, i32) {
    %c0_i32 = arith.constant 0 : i32
    %c0_i32_0 = arith.constant 0 : i32
    return %arg0, %c0_i32 : i32, i32
  }
}

module attributes {stable_mosaic.version = 14 : i64} {
  func.func @_iter_body(%arg0: i32, %arg1: memref<1000x16xf32, #tpu.memory_space<vmem>>, %arg2: memref<1000x16xf32, #tpu.memory_space<vmem>>, %arg3: memref<1000x128xf32, #tpu.memory_space<vmem>>, %arg4: memref<2x1000x128xf32, #tpu.memory_space<vmem>>, %arg5: memref<2x1000x16xf32, #tpu.memory_space<vmem>>, %arg6: memref<1000x1xf32, #tpu.memory_space<vmem>>, %arg7: memref<1000x16xf32, #tpu.memory_space<vmem>>, %arg8: memref<16x1xf32, #tpu.memory_space<vmem>>, %arg9: memref<1x1xf32, #tpu.memory_space<vmem>>, %arg10: memref<1x1xf32, #tpu.memory_space<vmem>>, %arg11: memref<1000x128xf32, #tpu.memory_space<vmem>>, %arg12: memref<1000x128xf32, #tpu.memory_space<vmem>>, %arg13: memref<1000x16xf32, #tpu.memory_space<vmem>>, %arg14: memref<1000x128xf32, #tpu.memory_space<vmem>>, %arg15: memref<1000x16xf32, #tpu.memory_space<vmem>>, %arg16: memref<1000x128xf32, #tpu.memory_space<vmem>>) attributes {dimension_semantics = [#tpu.dimension_semantics<arbitrary>], iteration_bounds = array<i64: 10>, scalar_prefetch = 0 : i64, scratch_operands = 0 : i64, tpu.core_type = #tpu.core_type<tc>, window_params = [{transform_indices = @transform_0, window_bounds = array<i64: 1000, 16>}, {transform_indices = @transform_1, window_bounds = array<i64: 1000, 16>}, {transform_indices = @transform_2, window_bounds = array<i64: 1000, 128>}, {transform_indices = @transform_3, window_bounds = array<i64: 2, 1000, 128>}, {transform_indices = @transform_4, window_bounds = array<i64: 2, 1000, 16>}, {transform_indices = @transform_5, window_bounds = array<i64: 1000, 1>}, {transform_indices = @transform_6, window_bounds = array<i64: 1000, 16>}, {pipeline_mode = #tpu.pipeline_mode<synchronous>, transform_indices = @transform_7, window_bounds = array<i64: 16, 1>}, {pipeline_mode = #tpu.pipeline_mode<synchronous>, transform_indices = @transform_8, window_bounds = array<i64: 1, 1>}, {pipeline_mode = #tpu.pipeline_mode<synchronous>, transform_indices = @transform_9, window_bounds = array<i64: 1, 1>}, {transform_indices = @transform_10, window_bounds = array<i64: 1000, 128>}, {transform_indices = @transform_11, window_bounds = array<i64: 1000, 128>}, {transform_indices = @transform_12, window_bounds = array<i64: 1000, 16>}, {transform_indices = @transform_13, window_bounds = array<i64: 1000, 128>}, {transform_indices = @transform_14, window_bounds = array<i64: 1000, 16>}, {transform_indices = @transform_15, window_bounds = array<i64: 1000, 128>}]} {
    %get3A = arith.constant 0 : index
    %get3A_0 = arith.constant 0 : index
    %get3A_1 = vector.load %arg6[%get3A, %get3A_0] : memref<1000x1xf32, #tpu.memory_space<vmem>>, vector<1000x1xf32>
    %mul3A = arith.mulf %get3A_1, %get3A_1 : vector<1000x1xf32>
    %get3A_2 = arith.constant 0 : index
    %get3A_3 = arith.constant 0 : index
    %get3A_4 = arith.constant 0 : index
    %get3A_5 = vector.load %arg4[%get3A_2, %get3A_3, %get3A_4] : memref<2x1000x128xf32, #tpu.memory_space<vmem>>, vector<1x1000x128xf32>
    %get3A_6 = vector.shape_cast %get3A_5 : vector<1x1000x128xf32> to vector<1000x128xf32>
    %get3A_7 = arith.constant 1 : index
    %get3A_8 = arith.constant 0 : index
    %get3A_9 = arith.constant 0 : index
    %get3A_10 = vector.load %arg4[%get3A_7, %get3A_8, %get3A_9] : memref<2x1000x128xf32, #tpu.memory_space<vmem>>, vector<1x1000x128xf32>
    %get3A_11 = vector.shape_cast %get3A_10 : vector<1x1000x128xf32> to vector<1000x128xf32>
    %add3A = arith.addf %get3A_6, %get3A_11 : vector<1000x128xf32>
    %mul3A_12 = vector.broadcast %get3A_1 : vector<1000x1xf32> to vector<1000x128xf32>
    %mul3A_13 = arith.mulf %mul3A_12, %add3A : vector<1000x128xf32>
    %get3A_14 = arith.constant 0 : index
    %get3A_15 = arith.constant 0 : index
    %get3A_16 = vector.load %arg3[%get3A_14, %get3A_15] : memref<1000x128xf32, #tpu.memory_space<vmem>>, vector<1000x128xf32>
    %mul3A_17 = vector.broadcast %mul3A : vector<1000x1xf32> to vector<1000x128xf32>
    %mul3A_18 = arith.mulf %mul3A_17, %get3A_16 : vector<1000x128xf32>
    %add3A_19 = arith.addf %mul3A_13, %mul3A_18 : vector<1000x128xf32>
    %get3A_20 = arith.constant 0 : index
    %get3A_21 = arith.constant 0 : index
    %get3A_22 = arith.constant 0 : index
    %get3A_23 = vector.load %arg5[%get3A_20, %get3A_21, %get3A_22] : memref<2x1000x16xf32, #tpu.memory_space<vmem>>, vector<1x1000x16xf32>
    %get3A_24 = vector.shape_cast %get3A_23 : vector<1x1000x16xf32> to vector<1000x16xf32>
    %get3A_25 = arith.constant 1 : index
    %get3A_26 = arith.constant 0 : index
    %get3A_27 = arith.constant 0 : index
    %get3A_28 = vector.load %arg5[%get3A_25, %get3A_26, %get3A_27] : memref<2x1000x16xf32, #tpu.memory_space<vmem>>, vector<1x1000x16xf32>
    %get3A_29 = vector.shape_cast %get3A_28 : vector<1x1000x16xf32> to vector<1000x16xf32>
    %add3A_30 = arith.addf %get3A_24, %get3A_29 : vector<1000x16xf32>
    %mul3A_31 = vector.broadcast %get3A_1 : vector<1000x1xf32> to vector<1000x16xf32>
    %mul3A_32 = arith.mulf %mul3A_31, %add3A_30 : vector<1000x16xf32>
    %get3A_33 = arith.constant 0 : index
    %get3A_34 = arith.constant 0 : index
    %get3A_35 = vector.load %arg1[%get3A_33, %get3A_34] : memref<1000x16xf32, #tpu.memory_space<vmem>>, vector<1000x16xf32>
    %mul3A_36 = vector.broadcast %mul3A : vector<1000x1xf32> to vector<1000x16xf32>
    %mul3A_37 = arith.mulf %mul3A_36, %get3A_35 : vector<1000x16xf32>
    %add3A_38 = arith.addf %mul3A_32, %mul3A_37 : vector<1000x16xf32>
    %mul3A_39 = arith.constant 1.500000e+00 : f32
    %mul3A_40 = vector.broadcast %mul3A_39 : f32 to vector<1000x16xf32>
    %mul3A_41 = arith.mulf %mul3A_40, %add3A_38 : vector<1000x16xf32>
    %get3A_42 = arith.constant 0 : index
    %get3A_43 = arith.constant 0 : index
    %get3A_44 = vector.load %arg7[%get3A_42, %get3A_43] : memref<1000x16xf32, #tpu.memory_space<vmem>>, vector<1000x16xf32>
    %mul3A_45 = arith.constant 5.000000e-01 : f32
    %mul3A_46 = vector.broadcast %mul3A_45 : f32 to vector<1000x16xf32>
    %mul3A_47 = arith.mulf %mul3A_46, %get3A_44 : vector<1000x16xf32>
    %sub3A = arith.subf %mul3A_41, %mul3A_47 : vector<1000x16xf32>
    %get3A_48 = arith.constant 0 : index
    %get3A_49 = arith.constant 0 : index
    %get3A_50 = vector.load %arg2[%get3A_48, %get3A_49] : memref<1000x16xf32, #tpu.memory_space<vmem>>, vector<1000x16xf32>
    %mul3A_51 = arith.constant 5.000000e-01 : f32
    %mul3A_52 = vector.broadcast %mul3A_51 : f32 to vector<1000x16xf32>
    %mul3A_53 = arith.mulf %mul3A_52, %get3A_50 : vector<1000x16xf32>
    %mul3A_54 = arith.constant 5.000000e-01 : f32
    %mul3A_55 = vector.broadcast %mul3A_54 : f32 to vector<1000x16xf32>
    %mul3A_56 = arith.mulf %mul3A_55, %sub3A : vector<1000x16xf32>
    %add3A_57 = arith.addf %mul3A_53, %mul3A_56 : vector<1000x16xf32>
    %tanh3A = math.tanh %add3A_57 : vector<1000x16xf32>
    %get3A_58 = arith.constant 0 : index
    %get3A_59 = arith.constant 0 : index
    %get3A_60 = vector.load %arg10[%get3A_58, %get3A_59] : memref<1x1xf32, #tpu.memory_space<vmem>>, vector<1x1xf32>
    %get3A_61 = vector.extract %get3A_60[0, 0] : f32 from vector<1x1xf32>
    %get3A_62 = arith.constant 0 : index
    %get3A_63 = arith.constant 0 : index
    %get3A_64 = vector.load %arg8[%get3A_62, %get3A_63] : memref<16x1xf32, #tpu.memory_space<vmem>>, vector<16x1xf32>
    %dot_general3A = arith.constant dense<0.000000e+00> : vector<1000x1xf32>
    %dot_general3A_65 = tpu.matmul %tanh3A, %get3A_64, %dot_general3A {dimension_numbers = #tpu.dot_dimension_numbers<[1], [0], [0], [1], [0, 0, 1, 1], [], []>, transpose_lhs_hint = false} : vector<1000x16xf32>, vector<16x1xf32>, vector<1000x1xf32> -> vector<1000x1xf32>
    %get3A_66 = arith.constant 0 : index
    %get3A_67 = arith.constant 0 : index
    %get3A_68 = vector.load %arg9[%get3A_66, %get3A_67] : memref<1x1xf32, #tpu.memory_space<vmem>>, vector<1x1xf32>
    %get3A_69 = vector.extract %get3A_68[0, 0] : f32 from vector<1x1xf32>
    %add3A_70 = vector.broadcast %get3A_69 : f32 to vector<1000x1xf32>
    %add3A_71 = arith.addf %dot_general3A_65, %add3A_70 : vector<1000x1xf32>
    %tanh3A_72 = math.tanh %add3A_71 : vector<1000x1xf32>
    %mul3A_73 = vector.broadcast %get3A_61 : f32 to vector<1000x1xf32>
    %mul3A_74 = arith.mulf %mul3A_73, %tanh3A_72 : vector<1000x1xf32>
    %swap3A = arith.constant 0 : index
    %swap3A_75 = arith.constant 0 : index
    %swap3A_76 = vector.load %arg12[%swap3A, %swap3A_75] : memref<1000x128xf32, #tpu.memory_space<vmem>>, vector<1000x128xf32>
    tpu.vector_store %arg12[%swap3A, %swap3A_75], %add3A_19 {strides = array<i32>} : memref<1000x128xf32, #tpu.memory_space<vmem>>, vector<1000x128xf32>,
    %swap3A_77 = arith.constant 0 : index
    %swap3A_78 = arith.constant 0 : index
    %swap3A_79 = vector.load %arg13[%swap3A_77, %swap3A_78] : memref<1000x16xf32, #tpu.memory_space<vmem>>, vector<1000x16xf32>
    tpu.vector_store %arg13[%swap3A_77, %swap3A_78], %tanh3A {strides = array<i32>} : memref<1000x16xf32, #tpu.memory_space<vmem>>, vector<1000x16xf32>,
    %mul3A_80 = vector.broadcast %get3A_1 : vector<1000x1xf32> to vector<1000x128xf32>
    %mul3A_81 = arith.mulf %mul3A_80, %add3A_19 : vector<1000x128xf32>
    %swap3A_82 = arith.constant 0 : index
    %swap3A_83 = arith.constant 0 : index
    %swap3A_84 = vector.load %arg14[%swap3A_82, %swap3A_83] : memref<1000x128xf32, #tpu.memory_space<vmem>>, vector<1000x128xf32>
    tpu.vector_store %arg14[%swap3A_82, %swap3A_83], %mul3A_81 {strides = array<i32>} : memref<1000x128xf32, #tpu.memory_space<vmem>>, vector<1000x128xf32>,
    %mul3A_85 = vector.broadcast %get3A_1 : vector<1000x1xf32> to vector<1000x16xf32>
    %mul3A_86 = arith.mulf %mul3A_85, %tanh3A : vector<1000x16xf32>
    %swap3A_87 = arith.constant 0 : index
    %swap3A_88 = arith.constant 0 : index
    %swap3A_89 = vector.load %arg15[%swap3A_87, %swap3A_88] : memref<1000x16xf32, #tpu.memory_space<vmem>>, vector<1000x16xf32>
    tpu.vector_store %arg15[%swap3A_87, %swap3A_88], %mul3A_86 {strides = array<i32>} : memref<1000x16xf32, #tpu.memory_space<vmem>>, vector<1000x16xf32>,
    %get3A_90 = arith.constant 0 : index
    %get3A_91 = arith.constant 0 : index
    %get3A_92 = vector.load %arg11[%get3A_90, %get3A_91] : memref<1000x128xf32, #tpu.memory_space<vmem>>, vector<1000x128xf32>
    %mul3A_93 = vector.broadcast %mul3A_74 : vector<1000x1xf32> to vector<1000x128xf32>
    %mul3A_94 = arith.mulf %mul3A_93, %add3A_19 : vector<1000x128xf32>
    %add3A_95 = arith.addf %get3A_92, %mul3A_94 : vector<1000x128xf32>
    %swap3A_96 = arith.constant 0 : index
    %swap3A_97 = arith.constant 0 : index
    %swap3A_98 = vector.load %arg16[%swap3A_96, %swap3A_97] : memref<1000x128xf32, #tpu.memory_space<vmem>>, vector<1000x128xf32>
    tpu.vector_store %arg16[%swap3A_96, %swap3A_97], %add3A_95 {strides = array<i32>} : memref<1000x128xf32, #tpu.memory_space<vmem>>, vector<1000x128xf32>,
    return
  }
  func.func @transform_0(%arg0: i32) -> (i32, i32) {
    %c0_i32 = arith.constant 0 : i32
    %c0_i32_0 = arith.constant 0 : i32
    return %arg0, %c0_i32 : i32, i32
  }
  func.func @transform_1(%arg0: i32) -> (i32, i32) {
    %c0_i32 = arith.constant 0 : i32
    %c0_i32_0 = arith.constant 0 : i32
    return %arg0, %c0_i32 : i32, i32
  }
  func.func @transform_2(%arg0: i32) -> (i32, i32) {
    %c0_i32 = arith.constant 0 : i32
    %c0_i32_0 = arith.constant 0 : i32
    return %arg0, %c0_i32 : i32, i32
  }
  func.func @transform_3(%arg0: i32) -> (i32, i32, i32) {
    %c0_i32 = arith.constant 0 : i32
    %c0_i32_0 = arith.constant 0 : i32
    %c0_i32_1 = arith.constant 0 : i32
    return %c0_i32, %arg0, %c0_i32_0 : i32, i32, i32
  }
  func.func @transform_4(%arg0: i32) -> (i32, i32, i32) {
    %c0_i32 = arith.constant 0 : i32
    %c0_i32_0 = arith.constant 0 : i32
    %c0_i32_1 = arith.constant 0 : i32
    return %c0_i32, %arg0, %c0_i32_0 : i32, i32, i32
  }
  func.func @transform_5(%arg0: i32) -> (i32, i32) {
    %c0_i32 = arith.constant 0 : i32
    %c0_i32_0 = arith.constant 0 : i32
    return %arg0, %c0_i32 : i32, i32
  }
  func.func @transform_6(%arg0: i32) -> (i32, i32) {
    %c0_i32 = arith.constant 0 : i32
    %c0_i32_0 = arith.constant 0 : i32
    return %arg0, %c0_i32 : i32, i32
  }
  func.func @transform_7(%arg0: i32) -> (i32, i32) {
    %c0_i32 = arith.constant 0 : i32
    %c0_i32_0 = arith.constant 0 : i32
    %c0_i32_1 = arith.constant 0 : i32
    return %c0_i32, %c0_i32_0 : i32, i32
  }
  func.func @transform_8(%arg0: i32) -> (i32, i32) {
    %c0_i32 = arith.constant 0 : i32
    %c0_i32_0 = arith.constant 0 : i32
    %c0_i32_1 = arith.constant 0 : i32
    return %c0_i32, %c0_i32_0 : i32, i32
  }
  func.func @transform_9(%arg0: i32) -> (i32, i32) {
    %c0_i32 = arith.constant 0 : i32
    %c0_i32_0 = arith.constant 0 : i32
    %c0_i32_1 = arith.constant 0 : i32
    return %c0_i32, %c0_i32_0 : i32, i32
  }
  func.func @transform_10(%arg0: i32) -> (i32, i32) {
    %c0_i32 = arith.constant 0 : i32
    %c0_i32_0 = arith.constant 0 : i32
    return %arg0, %c0_i32 : i32, i32
  }
  func.func @transform_11(%arg0: i32) -> (i32, i32) {
    %c0_i32 = arith.constant 0 : i32
    %c0_i32_0 = arith.constant 0 : i32
    return %arg0, %c0_i32 : i32, i32
  }
  func.func @transform_12(%arg0: i32) -> (i32, i32) {
    %c0_i32 = arith.constant 0 : i32
    %c0_i32_0 = arith.constant 0 : i32
    return %arg0, %c0_i32 : i32, i32
  }
  func.func @transform_13(%arg0: i32) -> (i32, i32) {
    %c0_i32 = arith.constant 0 : i32
    %c0_i32_0 = arith.constant 0 : i32
    return %arg0, %c0_i32 : i32, i32
  }
  func.func @transform_14(%arg0: i32) -> (i32, i32) {
    %c0_i32 = arith.constant 0 : i32
    %c0_i32_0 = arith.constant 0 : i32
    return %arg0, %c0_i32 : i32, i32
  }
  func.func @transform_15(%arg0: i32) -> (i32, i32) {
    %c0_i32 = arith.constant 0 : i32
    %c0_i32_0 = arith.constant 0 : i32
    return %arg0, %c0_i32 : i32, i32
  }
}

</mosaic_0001>

<sc_bundles>
// kernel: kernel.16.cloned.1.call-start
scs
__scs_entry_jumppad:
0x0: {  	(pc) =	sbr.rel $0x88, $3  }
0x1: {  	(tag) =	ssettag $0x0;
	lr =	simm.s32 $0x1  }
0x2: {  	[smem:$0x3F93] =	sst lr;
	_ =	strace $0xD0000000  }
0x3: {  	_ = 	snop  }
0x4: {  	_ = 	snop  }
0x5: {  	_ = 	snop  }
0x6: {  	_ = 	snop  }
0x7: {  	_ = 	snop  }
__scs_overlays_trampoline_lowered:
0x8: {  	[smem:$0x3FA2] =	sst s0  }
0x9: {  	[smem:$0x3FA3] =	sst s1  }
0xa: {  	[smem:$0x3FA4] =	sst s2  }
0xb: {  	[smem:$0x3FA5] =	sst s3  }
0xc: {  	[smem:$0x3FA6] =	sst s4  }
0xd: {  	[smem:$0x3FA7] =	sst s5  }
0xe: {  	[smem:$0x3FA8] =	sst s6  }
0xf: {  	[smem:$0x3FA9] =	sst s7  }
0x10: {  	[smem:$0x3FAA] =	sst s8  }
0x11: {  	[smem:$0x3FAB] =	sst s9;
	s0 =	simm.s32 @!p0 $0x0  }
0x12: {  	s1 =	sld [smem:$0x3F91];
	s0 =	simm.s32 @p0 $0x1  }
0x13: {  	[smem:$0x3FAC] =	sst s0;
	s0 =	simm.s32 @!p1 $0x0  }
0x14: {  	s2 =	sld [smem:$0x3F90];
	s0 =	simm.s32 @p1 $0x1  }
0x15: {  	[smem:$0x3FAD] =	sst s0;
	s0 =	simm.s32 @!p2 $0x0  }
0x16: {  	s3 =	sld [smem:$0x3FDB];
	s0 =	simm.s32 @p2 $0x1  }
0x17: {  	s4 =	simm.s32 $0x1BF5;
	[smem:$0x3FAF] =	sst s0  }
0x18: {  	s0 =	sld [smem:$0x3F92];
	_ =	swait.ge [sflag:s4], $0x0  }
0x19: {  	s7 =	sld [smem:$0x3F93]  }
0x1a: {  	s8 =	sadd.s32 $0xFFFFE003, lr  }
0x1b: {  	s9 =	sadd.s32 $0xFFFFFEF7, lr;
	s5 =	simm.s32 $0xFFFFFFFF;
	p2 =	slt.u32 s8, $0xFFFFF086  }
0x1c: {  	p1 =	slt.u32 s9, $0xF7A;
	s5 =	simm.s32 @!p2 $0x0  }
0x1d: {  	s5 =	simm.s32 @p1 $0x1;
	p0 =	seq.s32 s7, s2  }
0x1e: {  	s7 =	smul.u32 @!p0 $0xF7A, s2;
	p2 =	seq.s32 @!p0 s5, $0x0  }
0x1f: {  	s9 =	smul.u32 $0xF7A, s1;
	s8 =	simm.s32 @!p0 $0x1BF5;
	p2 =	por !p2, p0  }
0x20: {  	[sflag:s8] =	ssyncset.s32 @!p0 $0xFFFFF086;
	s6 =	sadd.s32 @!p0 s3, s7;
	s7 =	simm.s32 @!p0 $0x108  }
0x21: {  	s3 =	sadd.s32 s3, s9;
	s6 =	sadd.s32 @!p0 $0x88, s6;
	s7 =	simm.s32 @p2 $0x1082  }
0x22: {  	[simem:s7], [sflag:s8] =	dma.local @!p0 [hbm:s6], $0xF7A  }
0x23: {  	s9 =	sor.u32 $0xD0000000, s2;
	s6 =	simm.s32 $0x108;
	_ =	swait.ge @!p0 [sflag:s8], $0x0  }
0x24: {  	s3 =	sadd.s32 $0x88, s3;
	s6 =	simm.s32 @!p1 $0x1082;
	[sflag:s4] =	ssyncset.s32 $0xFFFFF086  }
0x25: {  	[simem:s6], [sflag:s4] =	dma.local [hbm:s3], $0xF7A  }
0x26: {  	[smem:$0x3F93] =	sst s1;
	(tag) =	ssettag s2;
	_ =	strace s9  }
0x27: {  	s1 =	sld [smem:$0x3FA3]  }
0x28: {  	s2 =	sld [smem:$0x3FA4]  }
0x29: {  	s4 =	sld [smem:$0x3FA6]  }
0x2a: {  	p0 =	seq.s32 s5, $0x0;
	s5 =	sld [smem:$0x3FA7]  }
0x2b: {  	s6 =	sld [smem:$0x3FA8]  }
0x2c: {  	s7 =	sld [smem:$0x3FA9]  }
0x2d: {  	s3 =	simm.s32 $0x108;
	s8 =	sld [smem:$0x3FAA]  }
0x2e: {  	s3 =	simm.s32 @!p0 $0x1082;
	s9 =	sld [smem:$0x3FAB]  }
0x2f: {  	lr =	sadd.s32 s0, s3;
	s0 =	sld [smem:$0x3FA2]  }
0x30: {  	s3 =	sld [smem:$0x3FA5]  }
0x31: {  	[smem:$0x3FAE] =	sst s10  }
0x32: {  	s10 =	sld [smem:$0x3FAC];
	_ =	sdelay $0x3  }
0x33: {  	p0 =	seq.s32 s10, $0x1;
	s10 =	sld [smem:$0x3FAE];
	_ =	sdelay $0x3  }
0x34: {  	[smem:$0x3FAE] =	sst s10  }
0x35: {  	s10 =	sld [smem:$0x3FAD];
	_ =	sdelay $0x3  }
0x36: {  	p1 =	seq.s32 s10, $0x1;
	s10 =	sld [smem:$0x3FAE];
	_ =	sdelay $0x3  }
0x37: {  	[smem:$0x3FAE] =	sst s10  }
0x38: {  	s10 =	sld [smem:$0x3FAF]  }
0x39: {  	_ = 	snop;
	(pc) =	sbr.ind lr, $3  }
0x3a: {  	_ = 	snop  }
0x3b: {  	_ = 	snop  }
0x3c: {  	p2 =	seq.s32 s10, $0x1;
	s10 =	sld [smem:$0x3FAE]  }
0x3d: {  	_ =	shalt  }
0x3e: {  	_ =	shalt  }
0x3f: {  	_ =	shalt  }
0x40: {  	_ =	shalt  }
0x41: {  	_ =	shalt  }
0x42: {  	_ =	shalt  }
0x43: {  	_ =	shalt  }
0x44: {  	_ =	shalt  }
0x45: {  	_ =	shalt  }
0x46: {  	_ =	shalt  }
0x47: {  	_ =	shalt  }
0x48: {  	_ =	shalt  }
0x49: {  	_ =	shalt  }
0x4a: {  	_ =	shalt  }
0x4b: {  	_ =	shalt  }
0x4c: {  	_ =	shalt  }
0x4d: {  	_ =	shalt  }
0x4e: {  	_ =	shalt  }
0x4f: {  	_ =	shalt  }
0x50: {  	_ =	shalt  }
0x51: {  	_ =	shalt  }
0x52: {  	_ =	shalt  }
0x53: {  	_ =	shalt  }
0x54: {  	_ =	shalt  }
0x55: {  	_ =	shalt  }
0x56: {  	_ =	shalt  }
0x57: {  	_ =	shalt  }
0x58: {  	_ =	shalt  }
0x59: {  	_ =	shalt  }
0x5a: {  	_ =	shalt  }
0x5b: {  	_ =	shalt  }
0x5c: {  	_ =	shalt  }
0x5d: {  	_ =	shalt  }
0x5e: {  	_ =	shalt  }
0x5f: {  	_ =	shalt  }
0x60: {  	_ =	shalt  }
0x61: {  	_ =	shalt  }
0x62: {  	_ =	shalt  }
0x63: {  	_ =	shalt  }
0x64: {  	_ =	shalt  }
0x65: {  	_ =	shalt  }
0x66: {  	_ =	shalt  }
0x67: {  	_ =	shalt  }
0x68: {  	_ =	shalt  }
0x69: {  	_ =	shalt  }
0x6a: {  	_ =	shalt  }
0x6b: {  	_ =	shalt  }
0x6c: {  	_ =	shalt  }
0x6d: {  	_ =	shalt  }
0x6e: {  	_ =	shalt  }
0x6f: {  	_ =	shalt  }
0x70: {  	_ =	shalt  }
0x71: {  	_ =	shalt  }
0x72: {  	_ =	shalt  }
0x73: {  	_ =	shalt  }
0x74: {  	_ =	shalt  }
0x75: {  	_ =	shalt  }
0x76: {  	_ =	shalt  }
0x77: {  	_ =	shalt  }
0x78: {  	_ =	shalt  }
0x79: {  	_ =	shalt  }
0x7a: {  	_ =	shalt  }
0x7b: {  	_ =	shalt  }
0x7c: {  	_ =	shalt  }
0x7d: {  	_ =	shalt  }
0x7e: {  	_ =	shalt  }
0x7f: {  	_ =	shalt  }
0x80: {  	_ =	shalt  }
0x81: {  	_ =	shalt  }
0x82: {  	_ =	shalt  }
0x83: {  	_ =	shalt  }
0x84: {  	_ =	shalt  }
0x85: {  	_ =	shalt  }
0x86: {  	_ =	shalt  }
0x87: {  	_ =	shalt  }
.Lfunc_end0:
.L_simem_size_0:
called_computation_lowered:
.L_overlay_start_0:
0x88: {  	s2 =	sld [smem:$0x3FD9]  }
0x89: {  	s3 =	sld [smem:$0x3FFE];
	_ =	sdelay $0x1  }
0x8a: {  	s1 =	srdreg.scid  }
0x8b: {  	s0 =	sand.u32 $0x1, s1  }
0x8c: {  	s14 =	sshll.u32 s0, $0xA;
	s2 =	sadd.s32 s3, s2  }
0x8d: {  	s2 =	sadd.s32 s2, s14  }
0x8e: {  	[smem:$0x3FBA] =	sst s2  }
0x8f: {  	_ = 	snop  }
0x90: {  	s2 =	sld [smem:$0x3FD0];
	_ =	sdelay $0x2  }
0x91: {  	s15 =	simm.s32 $0xA;
	s4 =	simm.s32 $0x10  }
0x92: {  	[smem:s4], [sflag:s15] =	dma.local [hbm:s2], $0x1  }
0x93: {  	_ =	swait.eq [sflag:s15], $0x1  }
0x94: {  	[sflag:s15] =	ssyncset.done $0x0  }
0x95: {  	[sflag:s15] =	ssyncadd.s32 $0xFFFFFFFF  }
0x96: {  	s16 =	sld [smem:$0x11];
	(tm) =	ssettm $0x1  }
0x97: {  	s17 =	sld [smem:$0x3FFB];
	_ =	sdelay $0x3  }
0x98: {  	_ =	strace s17  }
0x99: {  	s3 =	sld [smem:$0x3FFC];
	_ =	sdelay $0x3  }
0x9a: {  	_ =	strace s3  }
0x9b: {  	s3 =	sld [smem:$0x3FFD];
	_ =	sdelay $0x3  }
0x9c: {  	_ =	strace s3  }
0x9d: {  	_ =	strace $0x8FFFFFFF  }
0x9e: {  	s18 =	sld [smem:$0x3FDB];
	_ =	sdelay $0x1  }
0x9f: {  	s19 =	simm.s32 $_scs_section_size  }
0xa0: {  	s5 =	simm.s32 $_size__tile_overlayer_lowered;
	s6 =	simm.s32 $_tile_overlayer_lowered  }
0xa1: {  	s22 =	simm.s32 $0x1BFF;
	s21 =	sshll.u32 s6, $0x1;
	s3 =	sadd.s32 s19, s18  }
0xa2: {  	s7 =	simm.s32 $0x0;
	s20 =	sshll.u32 s5, $0x1;
	s5 =	sadd.s32 s21, s3  }
0xa3: {  	[timem:s7], [sflag:s22] =	dma.local [hbm:s5], s20  }
0xa4: {  	_ =	swait.ge [sflag:s22], s20  }
0xa5: {  	s4 =	ssub.s32 $0x0, s20;
	[sflag:s22] =	ssyncset.done $0x0  }
0xa6: {  	[sflag:s22] =	ssyncadd.s32 s4;
	_ =	sdelay $0x1  }
0xa7: {  	s23 =	simm.s32 $0x1B8B  }
0xa8: {  	_ =	swait.ge [sflag:s23], $0x1  }
0xa9: {  	[sflag:s23] =	ssyncset.done $0x0  }
0xaa: {  	s25 =	simm.s32 $0x1B8E;
	s24 =	sld [smem:$0x3FFE];
	[sflag:s23] =	ssyncadd.s32 $0xFFFFFFFF  }
0xab: {  	s26 =	simm.s32 $execute0_lowered;
	[smem:$0x3FD2] =	sst s25  }
0xac: {  	s5 =	sshll.u32 s26, $0x1;
	_ =	strace $0x80000046;
	[dreg:$0x1] =	wrdreg $0xFFFFFFFF  }
0xad: {  	s28 =	simm.s32 $_size_execute0_lowered;
	s3 =	sadd.s32 s3, s5;
	[dreg:$0x0] =	wrdreg $0x0  }
0xae: {  	s5 =	sshll.u32 s28, $0x1;
	[dreg:$0x2] =	wrdreg s3  }
0xaf: {  	[dreg:$0x3] =	wrdreg s5  }
0xb0: {  	[dreg:$0x4] =	wrdreg $0xC0  }
0xb1: {  	_ =	task [dreg:s7], $0x5FFFF  }
0xb2: {  	[dreg:$0x1] =	wrdreg $0xFFFFFFFF  }
0xb3: {  	[dreg:$0x0] =	wrdreg $0x60  }
0xb4: {  	[dreg:$0x2] =	wrdreg s24  }
0xb5: {  	[dreg:$0x3] =	wrdreg s16  }
0xb6: {  	[dreg:$0x4] =	wrdreg $0x0  }
0xb7: {  	[dreg:$0x5] =	wrdreg $0x9  }
0xb8: {  	_ =	task.clear_ibuf [dreg:s7], $0x6FFFF;
	_ =	strace $0x90000046  }
0xb9: {  	s29 =	simm.s32 $0x9;
	_ =	strace $0x80000048  }
0xba: {  	_ =	swait.ge [sflag:s29], $0x1  }
0xbb: {  	[sflag:s29] =	ssyncadd.s32 $0xFFFFFFFF  }
0xbc: {  	_ =	strace $0x90000048  }
0xbd: {  	_ =	sfence  }
0xbe: {  	s30 =	sld [smem:$0x0];
	_ =	sdelay $0x2  }
0xbf: {  	s31 =	sshll.u32 s1, $0xD;
	s1 =	sshrl.u32 s1, $0x2  }
0xc0: {  	s3 =	sand.u32 $0x4000, s31;
	s1 =	sadd.s32 s1, s30  }
0xc1: {  	s0 =	sor.u32 s3, s0;
	s1 =	sshll.u32 s1, $0x11  }
0xc2: {  	s0 =	sor.u32 s1, s0  }
0xc3: {  	s0 =	sadd.s32 $0x8F2B, s0  }
0xc4: {  	[sflag:s0] =	ssyncadd.remote.s32 $0x1  }
0xc5: {  	_ =	sfence.sel $0xFFFF  }
0xc6: {  	[dreg:$0x0] =	wrdreg $0xFFFFFFFF;
	(pc) =	sbr.abs _section_cstart, $3  }
0xc7: {  	[dreg:$0x1] =	wrdreg $0xFFFFFFFF  }
0xc8: {  	_ =	task.clear_ibuf [dreg:s7], $0x2FFFF;
	_ =	strace $0x9FFFFFFF  }
0xc9: {  	(tm) =	ssettm $0x7FFFFFFF  }
tec
execute0_lowered:
.L_overlay_start_1:
0x0: {  	(tag) =	ssettag $0x1  }
0x1: {  	s0 =	rddreg [dreg:$0x0]  }
0x2: {  	s2 =	rddreg [dreg:$0x1]  }
0x3: {  	s1 =	rddreg [dreg:$0x2];
	s15 =	stileid.u32  }
0x4: {  	s4 =	srdreg.scid;
	s3 =	simm.s32 $0x0;
	s6 =	smul.u32 $0x2700, s15  }
0x5: {  	s28 =	simm.s32 $0x1;
	s29 =	simm.s32 $0x2870;
	s12 =	smul.u32 $0x4E0, s15  }
0x6: {  	s30 =	simm.s32 $0x0;
	s8 =	sand.u32 $0x1, s4;
	s13 =	smul.u32 $0x9C00, s15  }
0x7: {  	[smem:$0x7FF] =	sst s3;
	s16 =	sadd.s32 $0x24900, s1;
	s24 =	smul.u32 $0x4EC0, s15  }
0x8: {  	p0 =	seq.s32 s15, $0xF;
	s4 =	sshll.u32 s8, $0x4;
	s10 =	smul.u32 $0x4E20, s8  }
0x9: {  	_ =	strace $0x80000047;
	s7 =	ssub.s32 $0x2, s8;
	s14 =	smul.u32 $0x27100, s8  }
0xa: {  	s22 =	smul.u32 $0x4EC00, s8;
	s16 =	sshrl.u32 @p0 s16, $0x3;
	s5 =	sor.u32 s15, s4  }
0xb: {  	s4 =	sadd.s32 $0x6400, s0;
	s0 =	sadd.s32 $0x1A000, s0;
	s19 =	sshrl.u32 s7, $0x1  }
0xc: {  	s20 =	sshrl.u32 s6, $0x3;
	s18 =	sadd.s32 s6, s1;
	s6 =	sadd.s32 $0x4920, s2  }
0xd: {  	s25 =	sshrl.u32 s13, $0x2;
	s9 =	smul.u32 $0x4EC0, s5;
	s11 =	ssub.s32 s7, s19  }
0xe: {  	s5 =	sadd.s32 s2, s20;
	s23 =	sadd.s32 s12, s10;
	s26 =	sshrl.u32 s14, $0x3  }
0xf: {  	s25 =	sadd.s32 s25, s1;
	s2 =	sadd.s32 s24, s22;
	s18 =	sshrl.u32 @!p0 s18, $0x3  }
0x10: {  	s19 =	simm.s32 $0x2720;
	s20 =	simm.s32 $0x3;
	s22 =	simm.s32 $0x2  }
0x11: {  	s24 =	simm.s32 $0x2790;
	[dreg:$0x4] =	wrdreg s5;
	s11 =	smax.u32 s11, $0x1  }
0x12: {  	s31 =	sadd.s32 $0x2A0, s2;
	s25 =	sshrl.u32 @!p0 s25, $0x3;
	s21 =	sshrl.u32 s9, $0x3  }
0x13: {  	s9 =	sadd.s32 s0, s23;
	s0 =	sadd.s32 s0, s26;
	s23 =	simm.s32 $0x70  }
0x14: {  	s26 =	simm.s32 $0x28E0;
	s7 =	sadd.s32 s4, s21;
	s10 =	sadd.s32 $0x4920, s0  }
0x15: {  	s0 =	sshrl.u32 s31, $0x3;
	s21 =	simm.s32 $0x2800;
	s8 =	sadd.s32 $0x1C, s7  }
0x16: {  	s12 =	sadd.s32 $0x9BC, s7;
	s14 =	sadd.s32 s0, s4;
	s0 =	sshll.u32 @!p0 s15, $0x6  }
0x17: {  	v0 =	vimm.f32 $1.000000000e+00;
	s13 =	sadd.s32 $0x9A0, s7;
	s15 =	sadd.s32 $0x1C0, s2;
	s17 =	sor.u32 @!p0 $0x1C03, s0  }
.LBB2_1:
0x18: {  	s0 =	simm.s32 @p0 $0x1FC3  }
0x19: {  	[spmem:s16], [sflag:s0] =	dma.local @p0 [hbm:s6], $0x520  }
0x1a: {  	s0 =	simm.s32 @p0 $0x3  }
0x1b: {  	_ =	swait.ge @p0 [sflag:s0], $0x520  }
0x1c: {  	[sflag:s0] =	ssyncset.done @p0 $0x0  }
0x1d: {  	[sflag:s0] =	ssyncadd.s32 @p0 $0xFFFFFAE0;
	s0 =	rddreg [dreg:$0x4]  }
0x1e: {  	[spmem:s18], [sflag:s17] =	dma.local @!p0 [hbm:s0], $0x4E0  }
0x1f: {  	s0 =	simm.s32 @!p0 $0x3  }
0x20: {  	_ =	swait.ge @!p0 [sflag:s0], $0x4E0  }
0x21: {  	[sflag:s0] =	ssyncset.done @!p0 $0x0  }
0x22: {  	s2 =	simm.s32 $0x0;
	[sflag:s0] =	ssyncadd.s32 @!p0 $0xFFFFFB20;
	s0 =	simm.s32 $0x40  }
.LBB2_2:
0x23: {  	p1 =	sne.s32 s0, $0x1BC0;
	[tilespmem:s2+$0x28E0] =	vst v0;
	s2 =	smov.u32 s0;
	s0 =	sadd.s32 $0x40, s0  }
.Ltmp0:
0x24: {  	(pc) =	sbr.rel @p1 .LBB2_2-.Ltmp0, $2  }
0x25: {  	_ =	sdelay $0x2  }
0x26: {  	s2 =	sshra.s32 s2, $0x2  }
0x27: {  	[tilespmem:s2+$0x28E0] =	vst v0  }
0x28: {  	s0 =	simm.s32 $0x0;
	[bflag:$0x0] =	sbarrier.arrive $0xFFFF  }
0x29: {  	[tilespmem:s19], [sflag:$0x3] =	stream.linear.gather [hbm4b:s7+s0], $0xE0, $0x38;
	[tilespmem:$0x2FE0] =	vst v63  }
0x2a: {  	_ =	swait.ge [sflag:s20], $0xE0  }
0x2b: {  	[sflag:s20] =	ssyncset.done $0x0  }
0x2c: {  	[sflag:s20] =	ssyncadd.s32 $0xFFFFFF20  }
0x2d: {  	[tilespmem:s21], [sflag:$0x2] =	stream.linear.gather [hbm4b:s8+s0], $0xE0, $0x38;
	[tilespmem:$0x2FE0] =	vst v63  }
0x2e: {  	_ =	swait.ge [sflag:s22], $0xE0  }
0x2f: {  	[sflag:s22] =	ssyncset.done $0x0  }
0x30: {  	[sflag:s22] =	ssyncadd.s32 $0xFFFFFF20  }
0x31: {  	[spmem:s1] =	stream.indirect.scatter.add.f32 [tilespmem:s26], [sflag:$0x3], $0x10, s24, s23, $0xb8;
	[tilespmem:$0x2FE0] =	vst v63  }
0x32: {  	_ =	swait.ge [sflag:s20], $0x700  }
0x33: {  	s5 =	sshrl.u32 s15, $0x3;
	[sflag:s20] =	ssyncset.done $0x0  }
0x34: {  	s0 =	sadd.s32 s4, s5;
	[sflag:s20] =	ssyncadd.s32 $0xFFFFF900  }
0x35: {  	[tilespmem:s19], [sflag:$0x1] =	stream.linear.gather [hbm4b:s0+s3], $0xE0, $0x38;
	[tilespmem:$0x2FE0] =	vst v63  }
0x36: {  	_ =	swait.ge [sflag:s28], $0xE0  }
0x37: {  	[sflag:s28] =	ssyncset.done $0x0  }
0x38: {  	[sflag:s28] =	ssyncadd.s32 $0xFFFFFF20  }
0x39: {  	[spmem:s1] =	stream.indirect.scatter.add.f32 [tilespmem:s26], [sflag:$0x3], $0x10, s29, s23, $0xb8;
	[tilespmem:$0x2FE0] =	vst v63  }
0x3a: {  	_ =	swait.ge [sflag:s20], $0x700  }
0x3b: {  	s31 =	simm.s32 $0x38;
	[sflag:s20] =	ssyncset.done $0x0  }
0x3c: {  	s2 =	sadd.s32 $0x0, s14;
	s0 =	sadd.s32 $0x1C0, s15;
	[sflag:s20] =	ssyncadd.s32 $0xFFFFF900  }
.LBB2_4:
0x3d: {  	[tilespmem:s21], [sflag:$0x2] =	stream.linear.gather [hbm4b:s2+s3], $0xE0, $0x38;
	[tilespmem:$0x2FE0] =	vst v63  }
0x3e: {  	s2 =	smov.u32 s31  }
0x3f: {  	p1 =	sne.s32 s31, $0x930;
	s31 =	sadd.s32 $0x38, s31;
	_ =	swait.ge [sflag:s22], $0xE0  }
0x40: {  	[sflag:s22] =	ssyncset.done $0x0  }
0x41: {  	[sflag:s22] =	ssyncadd.s32 $0xFFFFFF20  }
0x42: {  	[spmem:s1] =	stream.indirect.scatter.add.f32 [tilespmem:s26], [sflag:$0x3], $0x10, s24, s23, $0xb8;
	[tilespmem:$0x2FE0] =	vst v63  }
0x43: {  	_ =	swait.ge [sflag:s20], $0x700  }
0x44: {  	s5 =	sshrl.u32 s0, $0x3;
	[sflag:s20] =	ssyncset.done $0x0  }
0x45: {  	s5 =	sadd.s32 s4, s5;
	[sflag:s20] =	ssyncadd.s32 $0xFFFFF900  }
0x46: {  	[tilespmem:s19], [sflag:$0x1] =	stream.linear.gather [hbm4b:s5+s3], $0xE0, $0x38;
	[tilespmem:$0x2FE0] =	vst v63  }
0x47: {  	_ =	swait.ge [sflag:s28], $0xE0  }
0x48: {  	[sflag:s28] =	ssyncset.done $0x0  }
.Ltmp1:
0x49: {  	[sflag:s28] =	ssyncadd.s32 $0xFFFFFF20;
	(pc) =	sbr.rel @p1 .LBB2_4-.Ltmp1, $4  }
0x4a: {  	[spmem:s1] =	stream.indirect.scatter.add.f32 [tilespmem:s26], [sflag:$0x3], $0x10, s29, s23, $0xb8;
	[tilespmem:$0x2FE0] =	vst v63  }
0x4b: {  	_ =	swait.ge [sflag:s20], $0x700  }
0x4c: {  	[sflag:s20] =	ssyncset.done $0x0  }
0x4d: {  	s0 =	sadd.s32 $0x1C0, s0;
	s2 =	sadd.s32 s2, s14;
	[sflag:s20] =	ssyncadd.s32 $0xFFFFF900  }
0x4e: {  	[tilespmem:s21], [sflag:$0x2] =	stream.linear.gather [hbm4b:s2+s3], $0xE0, $0x38;
	[tilespmem:$0x2FE0] =	vst v63  }
0x4f: {  	_ =	swait.ge [sflag:s22], $0xE0  }
0x50: {  	[sflag:s22] =	ssyncset.done $0x0  }
0x51: {  	[sflag:s22] =	ssyncadd.s32 $0xFFFFFF20  }
0x52: {  	[spmem:s1] =	stream.indirect.scatter.add.f32 [tilespmem:s26], [sflag:$0x3], $0x10, s24, s23, $0xb8;
	[tilespmem:$0x2FE0] =	vst v63  }
0x53: {  	_ =	swait.ge [sflag:s20], $0x700  }
0x54: {  	[sflag:s20] =	ssyncset.done $0x0  }
0x55: {  	[sflag:s20] =	ssyncadd.s32 $0xFFFFF900  }
0x56: {  	[tilespmem:s19], [sflag:$0x1] =	stream.linear.gather [hbm4b:s13+s3], $0xE0, $0x38;
	[tilespmem:$0x2FE0] =	vst v63  }
0x57: {  	_ =	swait.ge [sflag:s28], $0xE0  }
0x58: {  	[sflag:s28] =	ssyncset.done $0x0  }
0x59: {  	[sflag:s28] =	ssyncadd.s32 $0xFFFFFF20  }
0x5a: {  	[spmem:s1] =	stream.indirect.scatter.add.f32 [tilespmem:s26], [sflag:$0x3], $0x10, s29, s23, $0xb8;
	[tilespmem:$0x2FE0] =	vst v63  }
0x5b: {  	_ =	swait.ge [sflag:s20], $0x700  }
0x5c: {  	[sflag:s20] =	ssyncset.done $0x0  }
0x5d: {  	[sflag:s20] =	ssyncadd.s32 $0xFFFFF900  }
0x5e: {  	[tilespmem:s21], [sflag:$0x2] =	stream.linear.gather [hbm4b:s12+s3], $0xE0, $0x38;
	[tilespmem:$0x2FE0] =	vst v63  }
0x5f: {  	_ =	swait.ge [sflag:s22], $0xE0  }
0x60: {  	[sflag:s22] =	ssyncset.done $0x0  }
0x61: {  	[sflag:s22] =	ssyncadd.s32 $0xFFFFFF20  }
0x62: {  	[spmem:s1] =	stream.indirect.scatter.add.f32 [tilespmem:s26], [sflag:$0x3], $0x10, s24, s23, $0xb8;
	[tilespmem:$0x2FE0] =	vst v63  }
0x63: {  	_ =	swait.ge [sflag:s20], $0x700  }
0x64: {  	[sflag:s20] =	ssyncset.done $0x0  }
0x65: {  	[sflag:s20] =	ssyncadd.s32 $0xFFFFF900  }
0x66: {  	[tilespmem:s19], [sflag:$0x1] =	stream.linear.gather [hbm4b:s12+s3], $0xE0, $0x38;
	[tilespmem:$0x2FE0] =	vst v63  }
0x67: {  	_ =	swait.ge [sflag:s28], $0xE0  }
0x68: {  	[sflag:s28] =	ssyncset.done $0x0  }
0x69: {  	[sflag:s28] =	ssyncadd.s32 $0xFFFFFF20  }
0x6a: {  	[spmem:s1] =	stream.indirect.scatter.add.f32 [tilespmem:s26], [sflag:$0x3], $0x10, s29, s23, $0xb8;
	[tilespmem:$0x2FE0] =	vst v63  }
0x6b: {  	_ =	swait.ge [sflag:s20], $0x700  }
0x6c: {  	[sflag:s20] =	ssyncset.done $0x0  }
0x6d: {  	[sflag:s20] =	ssyncadd.s32 $0xFFFFF900  }
0x6e: {  	[tilespmem:s21], [sflag:$0x2] =	stream.linear.gather [hbm4b:s12+s3], $0xE0, $0x38;
	[tilespmem:$0x2FE0] =	vst v63  }
0x6f: {  	_ =	swait.ge [sflag:s22], $0xE0  }
0x70: {  	[sflag:s22] =	ssyncset.done $0x0  }
0x71: {  	[sflag:s22] =	ssyncadd.s32 $0xFFFFFF20  }
0x72: {  	s0 =	simm.s32 @p0 $0x1FC3;
	[bflag:$0x0] =	sbarrier.arrive $0xFFFF  }
0x73: {  	[hbm:s10], [sflag:s0] =	dma.local @p0 [spmem:s16], $0x500  }
0x74: {  	s0 =	simm.s32 @p0 $0x3  }
0x75: {  	s30 =	sadd.s32 $0x1, s30;
	_ =	swait.ge @p0 [sflag:s0], $0x500  }
0x76: {  	p1 =	sne.s32 s30, s11;
	[sflag:s0] =	ssyncset.done @p0 $0x0  }
.Ltmp2:
0x77: {  	[sflag:s0] =	ssyncadd.s32 @p0 $0xFFFFFB00;
	s0 =	simm.s32 @!p0 $0x3;
	(pc) =	sbr.rel @p1 .LBB2_1-.Ltmp2, $4  }
0x78: {  	[hbm:s9], [sflag:s17] =	dma.local @!p0 [spmem:s25], $0x4E0  }
0x79: {  	_ =	swait.ge @!p0 [sflag:s0], $0x4E0  }
0x7a: {  	[sflag:s0] =	ssyncset.done @!p0 $0x0  }
0x7b: {  	[sflag:s0] =	ssyncadd.s32 @!p0 $0xFFFFFB20  }
0x7c: {  	_ =	sfence.sel $0x180000  }
0x7d: {  	[bflag:$0x0] =	sbarrier.arrive $0xFFFF  }
0x7e: {  	_ =	strace $0x90000047  }
0x7f: {  	s0 =	stileid.u32;
	[bflag:$0x2] =	sbarrier.arrive $0xFFFF  }
0x80: {  	p0 =	sne.s32 s0, $0x0;
	s0 =	rddreg [dreg:$0x3]  }
0x81: {  	s0 =	sadd.s32 @!p0 $0x100000, s0  }
0x82: {  	[sflag:s0] =	ssyncadd.tile.s32 @!p0 $0x1;
	_ =	shalt  }
.Lfunc_end2:
_tile_overlayer_lowered:
.L_overlay_start_2:
0x83: {  	(tag) =	ssettag $0x2  }
0x84: {  	s0 =	rddreg [dreg:$0x0];
	s2 =	stileid.u32  }
0x85: {  	s1 =	rddreg [dreg:$0x1];
	p0 =	sne.s32 s2, $0x0  }
0x86: {  	s3 =	rddreg [dreg:$0x2];
	[bflag:$0x3] =	sbarrier.arrive $0xFFFF;
	s2 =	simm.s32 @!p0 $0x1C03  }
0x87: {  	[timem:s3], [sflag:s2] =	dma.local @!p0 [hbm:s0], s1  }
0x88: {  	s0 =	simm.s32 @!p0 $0x3  }
0x89: {  	_ =	swait.ge @!p0 [sflag:s0], s1  }
0x8a: {  	s1 =	ssub.s32 @!p0 $0x0, s1;
	[sflag:s0] =	ssyncset.done @!p0 $0x0  }
0x8b: {  	[sflag:s0] =	ssyncadd.s32 @!p0 s1  }
0x8c: {  	[bflag:$0x3] =	sbarrier.arrive $0xFFFF  }
0x8d: {  	_ =	shalt  }

// kernel: kernel.19.cloned.1.call-start
scs
__scs_entry_jumppad:
0x0: {  	(pc) =	sbr.rel $0x88, $3  }
0x1: {  	(tag) =	ssettag $0x0;
	lr =	simm.s32 $0x1  }
0x2: {  	[smem:$0x3F93] =	sst lr;
	_ =	strace $0xD0000000  }
0x3: {  	_ = 	snop  }
0x4: {  	_ = 	snop  }
0x5: {  	_ = 	snop  }
0x6: {  	_ = 	snop  }
0x7: {  	_ = 	snop  }
__scs_overlays_trampoline_lowered:
0x8: {  	[smem:$0x3FA2] =	sst s0  }
0x9: {  	[smem:$0x3FA3] =	sst s1  }
0xa: {  	[smem:$0x3FA4] =	sst s2  }
0xb: {  	[smem:$0x3FA5] =	sst s3  }
0xc: {  	[smem:$0x3FA6] =	sst s4  }
0xd: {  	[smem:$0x3FA7] =	sst s5  }
0xe: {  	[smem:$0x3FA8] =	sst s6  }
0xf: {  	[smem:$0x3FA9] =	sst s7  }
0x10: {  	[smem:$0x3FAA] =	sst s8  }
0x11: {  	[smem:$0x3FAB] =	sst s9;
	s0 =	simm.s32 @!p0 $0x0  }
0x12: {  	s1 =	sld [smem:$0x3F91];
	s0 =	simm.s32 @p0 $0x1  }
0x13: {  	[smem:$0x3FAC] =	sst s0;
	s0 =	simm.s32 @!p1 $0x0  }
0x14: {  	s2 =	sld [smem:$0x3F90];
	s0 =	simm.s32 @p1 $0x1  }
0x15: {  	[smem:$0x3FAD] =	sst s0;
	s0 =	simm.s32 @!p2 $0x0  }
0x16: {  	s3 =	sld [smem:$0x3FDB];
	s0 =	simm.s32 @p2 $0x1  }
0x17: {  	s4 =	simm.s32 $0x1BF5;
	[smem:$0x3FAF] =	sst s0  }
0x18: {  	s0 =	sld [smem:$0x3F92];
	_ =	swait.ge [sflag:s4], $0x0  }
0x19: {  	s7 =	sld [smem:$0x3F93]  }
0x1a: {  	s8 =	sadd.s32 $0xFFFFE003, lr  }
0x1b: {  	s9 =	sadd.s32 $0xFFFFFEF7, lr;
	s5 =	simm.s32 $0xFFFFFFFF;
	p2 =	slt.u32 s8, $0xFFFFF086  }
0x1c: {  	p1 =	slt.u32 s9, $0xF7A;
	s5 =	simm.s32 @!p2 $0x0  }
0x1d: {  	s5 =	simm.s32 @p1 $0x1;
	p0 =	seq.s32 s7, s2  }
0x1e: {  	s7 =	smul.u32 @!p0 $0xF7A, s2;
	p2 =	seq.s32 @!p0 s5, $0x0  }
0x1f: {  	s9 =	smul.u32 $0xF7A, s1;
	s8 =	simm.s32 @!p0 $0x1BF5;
	p2 =	por !p2, p0  }
0x20: {  	[sflag:s8] =	ssyncset.s32 @!p0 $0xFFFFF086;
	s6 =	sadd.s32 @!p0 s3, s7;
	s7 =	simm.s32 @!p0 $0x108  }
0x21: {  	s3 =	sadd.s32 s3, s9;
	s6 =	sadd.s32 @!p0 $0x88, s6;
	s7 =	simm.s32 @p2 $0x1082  }
0x22: {  	[simem:s7], [sflag:s8] =	dma.local @!p0 [hbm:s6], $0xF7A  }
0x23: {  	s9 =	sor.u32 $0xD0000000, s2;
	s6 =	simm.s32 $0x108;
	_ =	swait.ge @!p0 [sflag:s8], $0x0  }
0x24: {  	s3 =	sadd.s32 $0x88, s3;
	s6 =	simm.s32 @!p1 $0x1082;
	[sflag:s4] =	ssyncset.s32 $0xFFFFF086  }
0x25: {  	[simem:s6], [sflag:s4] =	dma.local [hbm:s3], $0xF7A  }
0x26: {  	[smem:$0x3F93] =	sst s1;
	(tag) =	ssettag s2;
	_ =	strace s9  }
0x27: {  	s1 =	sld [smem:$0x3FA3]  }
0x28: {  	s2 =	sld [smem:$0x3FA4]  }
0x29: {  	s4 =	sld [smem:$0x3FA6]  }
0x2a: {  	p0 =	seq.s32 s5, $0x0;
	s5 =	sld [smem:$0x3FA7]  }
0x2b: {  	s6 =	sld [smem:$0x3FA8]  }
0x2c: {  	s7 =	sld [smem:$0x3FA9]  }
0x2d: {  	s3 =	simm.s32 $0x108;
	s8 =	sld [smem:$0x3FAA]  }
0x2e: {  	s3 =	simm.s32 @!p0 $0x1082;
	s9 =	sld [smem:$0x3FAB]  }
0x2f: {  	lr =	sadd.s32 s0, s3;
	s0 =	sld [smem:$0x3FA2]  }
0x30: {  	s3 =	sld [smem:$0x3FA5]  }
0x31: {  	[smem:$0x3FAE] =	sst s10  }
0x32: {  	s10 =	sld [smem:$0x3FAC];
	_ =	sdelay $0x3  }
0x33: {  	p0 =	seq.s32 s10, $0x1;
	s10 =	sld [smem:$0x3FAE];
	_ =	sdelay $0x3  }
0x34: {  	[smem:$0x3FAE] =	sst s10  }
0x35: {  	s10 =	sld [smem:$0x3FAD];
	_ =	sdelay $0x3  }
0x36: {  	p1 =	seq.s32 s10, $0x1;
	s10 =	sld [smem:$0x3FAE];
	_ =	sdelay $0x3  }
0x37: {  	[smem:$0x3FAE] =	sst s10  }
0x38: {  	s10 =	sld [smem:$0x3FAF]  }
0x39: {  	_ = 	snop;
	(pc) =	sbr.ind lr, $3  }
0x3a: {  	_ = 	snop  }
0x3b: {  	_ = 	snop  }
0x3c: {  	p2 =	seq.s32 s10, $0x1;
	s10 =	sld [smem:$0x3FAE]  }
0x3d: {  	_ =	shalt  }
0x3e: {  	_ =	shalt  }
0x3f: {  	_ =	shalt  }
0x40: {  	_ =	shalt  }
0x41: {  	_ =	shalt  }
0x42: {  	_ =	shalt  }
0x43: {  	_ =	shalt  }
0x44: {  	_ =	shalt  }
0x45: {  	_ =	shalt  }
0x46: {  	_ =	shalt  }
0x47: {  	_ =	shalt  }
0x48: {  	_ =	shalt  }
0x49: {  	_ =	shalt  }
0x4a: {  	_ =	shalt  }
0x4b: {  	_ =	shalt  }
0x4c: {  	_ =	shalt  }
0x4d: {  	_ =	shalt  }
0x4e: {  	_ =	shalt  }
0x4f: {  	_ =	shalt  }
0x50: {  	_ =	shalt  }
0x51: {  	_ =	shalt  }
0x52: {  	_ =	shalt  }
0x53: {  	_ =	shalt  }
0x54: {  	_ =	shalt  }
0x55: {  	_ =	shalt  }
0x56: {  	_ =	shalt  }
0x57: {  	_ =	shalt  }
0x58: {  	_ =	shalt  }
0x59: {  	_ =	shalt  }
0x5a: {  	_ =	shalt  }
0x5b: {  	_ =	shalt  }
0x5c: {  	_ =	shalt  }
0x5d: {  	_ =	shalt  }
0x5e: {  	_ =	shalt  }
0x5f: {  	_ =	shalt  }
0x60: {  	_ =	shalt  }
0x61: {  	_ =	shalt  }
0x62: {  	_ =	shalt  }
0x63: {  	_ =	shalt  }
0x64: {  	_ =	shalt  }
0x65: {  	_ =	shalt  }
0x66: {  	_ =	shalt  }
0x67: {  	_ =	shalt  }
0x68: {  	_ =	shalt  }
0x69: {  	_ =	shalt  }
0x6a: {  	_ =	shalt  }
0x6b: {  	_ =	shalt  }
0x6c: {  	_ =	shalt  }
0x6d: {  	_ =	shalt  }
0x6e: {  	_ =	shalt  }
0x6f: {  	_ =	shalt  }
0x70: {  	_ =	shalt  }
0x71: {  	_ =	shalt  }
0x72: {  	_ =	shalt  }
0x73: {  	_ =	shalt  }
0x74: {  	_ =	shalt  }
0x75: {  	_ =	shalt  }
0x76: {  	_ =	shalt  }
0x77: {  	_ =	shalt  }
0x78: {  	_ =	shalt  }
0x79: {  	_ =	shalt  }
0x7a: {  	_ =	shalt  }
0x7b: {  	_ =	shalt  }
0x7c: {  	_ =	shalt  }
0x7d: {  	_ =	shalt  }
0x7e: {  	_ =	shalt  }
0x7f: {  	_ =	shalt  }
0x80: {  	_ =	shalt  }
0x81: {  	_ =	shalt  }
0x82: {  	_ =	shalt  }
0x83: {  	_ =	shalt  }
0x84: {  	_ =	shalt  }
0x85: {  	_ =	shalt  }
0x86: {  	_ =	shalt  }
0x87: {  	_ =	shalt  }
.Lfunc_end0:
.L_simem_size_0:
called_computation.1_lowered:
.L_overlay_start_0:
0x88: {  	s2 =	sld [smem:$0x3FD9]  }
0x89: {  	s3 =	sld [smem:$0x3FFE];
	_ =	sdelay $0x1  }
0x8a: {  	s1 =	srdreg.scid  }
0x8b: {  	s0 =	sand.u32 $0x1, s1  }
0x8c: {  	s14 =	sshll.u32 s0, $0xA;
	s2 =	sadd.s32 s3, s2  }
0x8d: {  	s2 =	sadd.s32 s2, s14  }
0x8e: {  	[smem:$0x3FBA] =	sst s2  }
0x8f: {  	_ = 	snop  }
0x90: {  	s2 =	sld [smem:$0x3FD0];
	_ =	sdelay $0x2  }
0x91: {  	s15 =	simm.s32 $0xA;
	s4 =	simm.s32 $0x10  }
0x92: {  	[smem:s4], [sflag:s15] =	dma.local [hbm:s2], $0x1  }
0x93: {  	_ =	swait.eq [sflag:s15], $0x1  }
0x94: {  	[sflag:s15] =	ssyncset.done $0x0  }
0x95: {  	[sflag:s15] =	ssyncadd.s32 $0xFFFFFFFF  }
0x96: {  	s16 =	sld [smem:$0x11];
	(tm) =	ssettm $0x1  }
0x97: {  	s17 =	sld [smem:$0x3FFB];
	_ =	sdelay $0x3  }
0x98: {  	_ =	strace s17  }
0x99: {  	s3 =	sld [smem:$0x3FFC];
	_ =	sdelay $0x3  }
0x9a: {  	_ =	strace s3  }
0x9b: {  	s3 =	sld [smem:$0x3FFD];
	_ =	sdelay $0x3  }
0x9c: {  	_ =	strace s3  }
0x9d: {  	_ =	strace $0x8FFFFFFF  }
0x9e: {  	s18 =	sld [smem:$0x3FDB];
	_ =	sdelay $0x1  }
0x9f: {  	s19 =	simm.s32 $_scs_section_size  }
0xa0: {  	s5 =	simm.s32 $_size__tile_overlayer_lowered;
	s6 =	simm.s32 $_tile_overlayer_lowered  }
0xa1: {  	s22 =	simm.s32 $0x1BFF;
	s21 =	sshll.u32 s6, $0x1;
	s3 =	sadd.s32 s19, s18  }
0xa2: {  	s7 =	simm.s32 $0x0;
	s20 =	sshll.u32 s5, $0x1;
	s5 =	sadd.s32 s21, s3  }
0xa3: {  	[timem:s7], [sflag:s22] =	dma.local [hbm:s5], s20  }
0xa4: {  	_ =	swait.ge [sflag:s22], s20  }
0xa5: {  	s4 =	ssub.s32 $0x0, s20;
	[sflag:s22] =	ssyncset.done $0x0  }
0xa6: {  	[sflag:s22] =	ssyncadd.s32 s4;
	_ =	sdelay $0x1  }
0xa7: {  	s23 =	simm.s32 $0x1B8B  }
0xa8: {  	_ =	swait.ge [sflag:s23], $0x1  }
0xa9: {  	[sflag:s23] =	ssyncset.done $0x0  }
0xaa: {  	s25 =	simm.s32 $0x1B8E;
	s24 =	sld [smem:$0x3FFE];
	[sflag:s23] =	ssyncadd.s32 $0xFFFFFFFF  }
0xab: {  	s26 =	simm.s32 $execute0_lowered;
	[smem:$0x3FD2] =	sst s25  }
0xac: {  	s5 =	sshll.u32 s26, $0x1;
	_ =	strace $0x80000049;
	[dreg:$0x1] =	wrdreg $0xFFFFFFFF  }
0xad: {  	s28 =	simm.s32 $_size_execute0_lowered;
	s3 =	sadd.s32 s3, s5;
	[dreg:$0x0] =	wrdreg $0x0  }
0xae: {  	s5 =	sshll.u32 s28, $0x1;
	[dreg:$0x2] =	wrdreg s3  }
0xaf: {  	[dreg:$0x3] =	wrdreg s5  }
0xb0: {  	[dreg:$0x4] =	wrdreg $0xC0  }
0xb1: {  	_ =	task [dreg:s7], $0x5FFFF  }
0xb2: {  	[dreg:$0x1] =	wrdreg $0xFFFFFFFF  }
0xb3: {  	[dreg:$0x0] =	wrdreg $0x60  }
0xb4: {  	[dreg:$0x2] =	wrdreg s24  }
0xb5: {  	[dreg:$0x3] =	wrdreg s16  }
0xb6: {  	[dreg:$0x4] =	wrdreg $0x0  }
0xb7: {  	[dreg:$0x5] =	wrdreg $0x139000  }
0xb8: {  	[dreg:$0x6] =	wrdreg $0x9  }
0xb9: {  	_ =	task.clear_ibuf [dreg:s7], $0x7FFFF;
	_ =	strace $0x90000049  }
0xba: {  	s29 =	simm.s32 $0x9;
	_ =	strace $0x8000004B  }
0xbb: {  	_ =	swait.ge [sflag:s29], $0x1  }
0xbc: {  	[sflag:s29] =	ssyncadd.s32 $0xFFFFFFFF  }
0xbd: {  	_ =	strace $0x9000004B  }
0xbe: {  	_ =	sfence  }
0xbf: {  	s30 =	sld [smem:$0x0];
	_ =	sdelay $0x2  }
0xc0: {  	s31 =	sshll.u32 s1, $0xD;
	s1 =	sshrl.u32 s1, $0x2  }
0xc1: {  	s3 =	sand.u32 $0x4000, s31;
	s1 =	sadd.s32 s1, s30  }
0xc2: {  	s0 =	sor.u32 s3, s0;
	s1 =	sshll.u32 s1, $0x11  }
0xc3: {  	s0 =	sor.u32 s1, s0  }
0xc4: {  	s0 =	sadd.s32 $0x8F2B, s0  }
0xc5: {  	[sflag:s0] =	ssyncadd.remote.s32 $0x1  }
0xc6: {  	_ =	sfence.sel $0xFFFF  }
0xc7: {  	[dreg:$0x0] =	wrdreg $0xFFFFFFFF;
	(pc) =	sbr.abs _section_cstart, $3  }
0xc8: {  	[dreg:$0x1] =	wrdreg $0xFFFFFFFF  }
0xc9: {  	_ =	task.clear_ibuf [dreg:s7], $0x2FFFF;
	_ =	strace $0x9FFFFFFF  }
0xca: {  	(tm) =	ssettm $0x7FFFFFFF  }
0xcb: {  	_ =	shalt  }
tec
execute0_lowered:
.L_overlay_start_1:
0x0: {  	(tag) =	ssettag $0x1  }
0x1: {  	s0 =	rddreg [dreg:$0x0]  }
0x2: {  	s1 =	rddreg [dreg:$0x1]  }
0x3: {  	s2 =	rddreg [dreg:$0x2]  }
0x4: {  	s3 =	rddreg [dreg:$0x3]  }
0x5: {  	s4 =	simm.s32 $0x0;
	s16 =	stileid.u32;
	s7 =	srdreg.scid  }
0x6: {  	s28 =	simm.s32 $0x70;
	s29 =	simm.s32 $0x162C0;
	s30 =	simm.s32 $0x1D2C0  }
0x7: {  	s31 =	simm.s32 $0x16100;
	[smem:$0x7FF] =	sst s4;
	s8 =	smul.u32 $0x13800, s16  }
0x8: {  	s5 =	sadd.s32 $0x25200, s0;
	s6 =	sadd.s32 $0x1A000, s0;
	s10 =	sand.u32 $0x1, s7  }
0x9: {  	s7 =	sadd.s32 $0x6400, s0;
	s12 =	sadd.s32 $0x10FC00, s0;
	s13 =	sadd.s32 $0x4C400, s0  }
0xa: {  	s15 =	smul.u32 $0x2700, s16;
	s17 =	sadd.s32 $0x124800, s2;
	s22 =	sadd.s32 $0x24900, s3  }
0xb: {  	s23 =	smul.u32 $0x270, s16;
	_ =	strace $0x8000004A;
	s11 =	ssub.s32 $0x2, s10  }
0xc: {  	s20 =	sshll.u32 s10, $0x4;
	[dreg:$0x8] =	wrdreg s17;
	s10 =	smul.u32 $0x2710, s10  }
0xd: {  	p0 =	seq.s32 s16, $0xF;
	[dreg:$0xb] =	wrdreg s22;
	s22 =	smul.u32 $0x9C00, s16  }
0xe: {  	s17 =	simm.s32 $0x16250;
	s9 =	sshrl.u32 s8, $0x3;
	s14 =	sshrl.u32 s11, $0x1  }
0xf: {  	s8 =	sadd.s32 s8, s2;
	s9 =	sadd.s32 s9, s0;
	s11 =	ssub.s32 s11, s14  }
0x10: {  	s14 =	sor.u32 s16, s20;
	s0 =	sadd.s32 $0x10D300, s0;
	s18 =	sadd.s32 $0x2490, s10  }
0x11: {  	s20 =	smul.u32 $0x4E000, s16;
	s16 =	simm.s32 $0x4;
	s9 =	sadd.s32 $0xE8A00, s9  }
0x12: {  	[dreg:$0x7] =	wrdreg s9;
	s9 =	sadd.s32 s15, s3;
	s15 =	sshrl.u32 s15, $0x3  }
0x13: {  	[dreg:$0xa] =	wrdreg s0;
	s21 =	smul.u32 $0x4EC0, s14;
	s15 =	sadd.s32 s1, s15  }
0x14: {  	s14 =	simm.s32 $0x6;
	s1 =	sadd.s32 $0x4920, s1;
	[dreg:$0x9] =	wrdreg s15  }
0x15: {  	s24 =	sshrl.u32 s21, $0x3;
	s25 =	sadd.s32 $0x1C0, s21;
	[dreg:$0xc] =	wrdreg s1  }
0x16: {  	s0 =	sadd.s32 $0x2A0, s21;
	s21 =	sshll.u32 s18, $0x4;
	[dreg:$0x5] =	wrdreg s25  }
0x17: {  	s26 =	sadd.s32 s7, s24;
	[dreg:$0x6] =	wrdreg s0;
	s1 =	sadd.s32 s23, s10  }
0x18: {  	s24 =	sshrl.u32 s20, $0x2;
	s25 =	sshrl.u32 s22, $0x2;
	s15 =	simm.s32 $0x9  }
0x19: {  	s20 =	simm.s32 $0x0;
	s19 =	sshll.u32 s1, $0x4;
	[dreg:$0xd] =	wrdreg s26  }
0x1a: {  	s23 =	sadd.s32 $0x1C, s26;
	s0 =	sshll.u32 s1, $0x1;
	s1 =	sshll.u32 s18, $0x1  }
0x1b: {  	s26 =	smax.u32 s11, $0x1;
	s11 =	simm.s32 $0x161E0;
	[dreg:$0x10] =	wrdreg s23  }
0x1c: {  	s10 =	sadd.s32 s12, s19;
	s12 =	sadd.s32 s12, s21;
	[dreg:$0x13] =	wrdreg s26  }
0x1d: {  	s0 =	sadd.s32 s13, s0;
	s1 =	sadd.s32 s13, s1;
	[dreg:$0xe] =	wrdreg s10  }
0x1e: {  	s23 =	simm.s32 $0x16020;
	s13 =	simm.s32 $0x7;
	[dreg:$0xf] =	wrdreg s12  }
0x1f: {  	s12 =	sadd.s32 s24, s2;
	[dreg:$0x11] =	wrdreg s0;
	s0 =	sadd.s32 s25, s3  }
0x20: {  	[dreg:$0x12] =	wrdreg s1;
	s1 =	sshrl.u32 @!p0 s8, $0x3;
	s8 =	simm.s32 $0x1D9C0  }
0x21: {  	s10 =	simm.s32 $0x5;
	[dreg:$0x14] =	wrdreg s1;
	s1 =	sshrl.u32 @!p0 s9, $0x3  }
0x22: {  	s0 =	sshrl.u32 @!p0 s0, $0x3;
	s9 =	simm.s32 $0x3;
	[dreg:$0x15] =	wrdreg s1  }
0x23: {  	s1 =	sshrl.u32 @!p0 s12, $0x3;
	[dreg:$0x17] =	wrdreg s0;
	s0 =	simm.s32 $0x2  }
0x24: {  	s12 =	simm.s32 $0x1;
	[dreg:$0x16] =	wrdreg s1;
	s1 =	simm.s32 $0x19AC0  }
.LBB2_1:
0x25: {  	s18 =	rddreg [dreg:$0x8]  }
0x26: {  	s19 =	rddreg [dreg:$0xa];
	s21 =	sshrl.u32 @p0 s18, $0x3  }
0x27: {  	s18 =	simm.s32 @p0 $0x1FCB;
	[dreg:$0x18] =	wrdreg s21  }
0x28: {  	[spmem:s21], [sflag:s18] =	dma.local @p0 [hbm:s19], $0x2900  }
0x29: {  	s21 =	simm.s32 @p0 $0xB  }
0x2a: {  	_ =	swait.ge @p0 [sflag:s21], $0x2900  }
0x2b: {  	[sflag:s21] =	ssyncset.done @p0 $0x0;
	s19 =	rddreg [dreg:$0xb]  }
0x2c: {  	[sflag:s21] =	ssyncadd.s32 @p0 $0xFFFFD700;
	s24 =	sshrl.u32 @p0 s19, $0x3;
	s19 =	rddreg [dreg:$0xc]  }
0x2d: {  	[spmem:s24], [sflag:s18] =	dma.local @p0 [hbm:s19], $0x520  }
0x2e: {  	s18 =	stileid.u32;
	_ =	swait.ge @p0 [sflag:s21], $0x520  }
0x2f: {  	s18 =	sshll.u32 @!p0 s18, $0x6;
	[sflag:s21] =	ssyncset.done @p0 $0x0;
	s19 =	rddreg [dreg:$0x14]  }
0x30: {  	[sflag:s21] =	ssyncadd.s32 @p0 $0xFFFFFAE0;
	s21 =	sor.u32 @!p0 $0x1C0B, s18;
	s18 =	rddreg [dreg:$0x7]  }
0x31: {  	[spmem:s19], [sflag:s21] =	dma.local @!p0 [hbm:s18], $0x2700  }
0x32: {  	s18 =	simm.s32 @!p0 $0xB  }
0x33: {  	_ =	swait.ge @!p0 [sflag:s18], $0x2700  }
0x34: {  	[sflag:s18] =	ssyncset.done @!p0 $0x0;
	s19 =	rddreg [dreg:$0x9]  }
0x35: {  	s22 =	rddreg [dreg:$0x15];
	[sflag:s18] =	ssyncadd.s32 @!p0 $0xFFFFD900  }
0x36: {  	[spmem:s22], [sflag:s21] =	dma.local @!p0 [hbm:s19], $0x4E0  }
0x37: {  	_ =	swait.ge @!p0 [sflag:s18], $0x4E0  }
0x38: {  	[sflag:s18] =	ssyncset.done @!p0 $0x0  }
0x39: {  	[sflag:s18] =	ssyncadd.s32 @!p0 $0xFFFFFB20  }
0x3a: {  	[bflag:$0x0] =	sbarrier.arrive $0xFFFF  }
0x3b: {  	s25 =	simm.s32 $0xB;
	s22 =	rddreg [dreg:$0xd]  }
0x3c: {  	[tilespmem:s23], [sflag:$0xB] =	stream.linear.gather [hbm4b:s22+s4], $0xE0, $0x38;
	[tilespmem:$0x1E0C0] =	vst v63  }
0x3d: {  	_ =	swait.ge [sflag:s25], $0xE0  }
0x3e: {  	[sflag:s25] =	ssyncset.done $0x0  }
0x3f: {  	[sflag:s25] =	ssyncadd.s32 $0xFFFFFF20  }
0x40: {  	[tilespmem:s29], [sflag:$0x3] =	stream.indirect.gather [hbm4b:s5+s28], $0x80, s23, s28, $0xb8;
	[tilespmem:$0x1E0C0] =	vst v63  }
0x41: {  	_ = 	snop  }
0x42: {  	[tilespmem:s30], [sflag:$0x5] =	stream.indirect.gather [hbm4b:s6+s28], $0x10, s23, s28, $0xb8;
	[tilespmem:$0x1E0C0] =	vst v63  }
0x43: {  	s26 =	rddreg [dreg:$0x10]  }
0x44: {  	[tilespmem:s31], [sflag:$0x2] =	stream.linear.gather [hbm4b:s26+s4], $0xE0, $0x38;
	[tilespmem:$0x1E0C0] =	vst v63  }
0x45: {  	_ =	swait.ge [sflag:s0], $0xE0  }
0x46: {  	p1 =	por $0x1, $0x1;
	[sflag:s0] =	ssyncset.done $0x0  }
0x47: {  	s18 =	simm.s32 @!p1 $0x8;
	[sflag:s0] =	ssyncadd.s32 $0xFFFFFF20  }
0x48: {  	_ =	swait.ge @!p1 [sflag:s18], $0x3800  }
0x49: {  	[sflag:s18] =	ssyncset.done @!p1 $0x0  }
0x4a: {  	[sflag:s18] =	ssyncadd.s32 @!p1 $0xFFFFC800;
	s18 =	simm.s32 @!p1 $0xA  }
0x4b: {  	_ =	swait.ge @!p1 [sflag:s18], $0x700  }
0x4c: {  	[sflag:s18] =	ssyncset.done @!p1 $0x0  }
0x4d: {  	s25 =	simm.s32 $0x0;
	s26 =	simm.s32 $0x2;
	[sflag:s18] =	ssyncadd.s32 @!p1 $0xFFFFF900  }
0x4e: {  	[tilespmem:s1], [sflag:$0x4] =	stream.indirect.gather [hbm4b:s5+s28], $0x80, s31, s28, $0xb8;
	[tilespmem:$0x1E0C0] =	vst v63  }
.LBB2_2:
0x4f: {  	[tilespmem:s8], [sflag:$0x6] =	stream.indirect.gather [hbm4b:s6+s28], $0x10, s31, s28, $0xb8;
	[tilespmem:$0x1E0C0] =	vst v63  }
0x50: {  	_ =	swait.ge [sflag:s9], $0x3800  }
0x51: {  	[sflag:s9] =	ssyncset.done $0x0  }
0x52: {  	[sflag:s9] =	ssyncadd.s32 $0xFFFFC800  }
0x53: {  	_ =	swait.ge [sflag:s10], $0x700  }
0x54: {  	[sflag:s10] =	ssyncset.done $0x0  }
0x55: {  	[sflag:s10] =	ssyncadd.s32 $0xFFFFF900  }
0x56: {  	v0 =	vld [tilespmem:$0x160E0]  }
0x57: {  	v1 =	vld [tilespmem:$0x160C0]  }
0x58: {  	v2 =	vld [tilespmem:$0x16090]  }
0x59: {  	v3 =	vld [tilespmem:$0x160A0]  }
0x5a: {  	v4 =	vld [tilespmem:$0x160F0]  }
0x5b: {  	v5 =	vld [tilespmem:$0x160D0];
	[tilespmem:$0x16230] =	vst v0  }
0x5c: {  	v56 =	vld [tilespmem:$0x160B0];
	[tilespmem:$0x16210] =	vst v1  }
0x5d: {  	[tilespmem:$0x161E0] =	vst v2  }
0x5e: {  	s19 =	smin.u32 s25, $0x57;
	[tilespmem:$0x161F0] =	vst v3  }
0x5f: {  	s19 =	smul.u32 $0xE0, s19;
	[tilespmem:$0x16240] =	vst v4  }
0x60: {  	s22 =	rddreg [dreg:$0x5];
	[tilespmem:$0x16220] =	vst v5  }
0x61: {  	s19 =	sadd.s32 s19, s22;
	[tilespmem:$0x16200] =	vst v56  }
0x62: {  	[spmem:s2] =	stream.indirect.scatter.add.f32 [tilespmem:s29], [sflag:$0x7], $0x80, s11, s28, $0xb8;
	[tilespmem:$0x1E0C0] =	vst v63  }
0x63: {  	s19 =	sshrl.u32 s19, $0x3  }
0x64: {  	[spmem:s3] =	stream.indirect.scatter.add.f32 [tilespmem:s30], [sflag:$0x9], $0x10, s11, s28, $0xb8;
	[tilespmem:$0x1E0C0] =	vst v63  }
0x65: {  	s19 =	sadd.s32 s7, s19  }
0x66: {  	[tilespmem:s23], [sflag:$0x1] =	stream.linear.gather [hbm4b:s19+s4], $0xE0, $0x38;
	[tilespmem:$0x1E0C0] =	vst v63  }
0x67: {  	_ =	swait.ge [sflag:s12], $0xE0  }
0x68: {  	[sflag:s12] =	ssyncset.done $0x0  }
0x69: {  	[sflag:s12] =	ssyncadd.s32 $0xFFFFFF20  }
0x6a: {  	_ =	swait.ge [sflag:s13], $0x3800  }
0x6b: {  	[sflag:s13] =	ssyncset.done $0x0  }
0x6c: {  	[sflag:s13] =	ssyncadd.s32 $0xFFFFC800  }
0x6d: {  	_ =	swait.ge [sflag:s15], $0x700  }
0x6e: {  	[sflag:s15] =	ssyncset.done $0x0  }
0x6f: {  	[sflag:s15] =	ssyncadd.s32 $0xFFFFF900  }
0x70: {  	[tilespmem:s29], [sflag:$0x3] =	stream.indirect.gather [hbm4b:s5+s28], $0x80, s23, s28, $0xb8;
	[tilespmem:$0x1E0C0] =	vst v63  }
0x71: {  	_ = 	snop  }
0x72: {  	[tilespmem:s30], [sflag:$0x5] =	stream.indirect.gather [hbm4b:s6+s28], $0x10, s23, s28, $0xb8;
	[tilespmem:$0x1E0C0] =	vst v63  }
0x73: {  	_ =	swait.ge [sflag:s16], $0x3800  }
0x74: {  	[sflag:s16] =	ssyncset.done $0x0  }
0x75: {  	[sflag:s16] =	ssyncadd.s32 $0xFFFFC800  }
0x76: {  	_ =	swait.ge [sflag:s14], $0x700  }
0x77: {  	[sflag:s14] =	ssyncset.done $0x0  }
0x78: {  	[sflag:s14] =	ssyncadd.s32 $0xFFFFF900  }
0x79: {  	v57 =	vld [tilespmem:$0x16170]  }
0x7a: {  	v58 =	vld [tilespmem:$0x161D0]  }
0x7b: {  	v59 =	vld [tilespmem:$0x161B0]  }
0x7c: {  	v60 =	vld [tilespmem:$0x161A0]  }
0x7d: {  	v61 =	vld [tilespmem:$0x161C0]  }
0x7e: {  	v62 =	vld [tilespmem:$0x16180];
	[tilespmem:$0x16250] =	vst v57  }
0x7f: {  	v63 =	vld [tilespmem:$0x16190];
	[tilespmem:$0x162B0] =	vst v58  }
0x80: {  	[tilespmem:$0x16290] =	vst v59  }
0x81: {  	s25 =	smin.u32 s25, $0x56;
	[tilespmem:$0x16280] =	vst v60  }
0x82: {  	s19 =	smul.u32 $0xE0, s25;
	[tilespmem:$0x162A0] =	vst v61  }
0x83: {  	s22 =	rddreg [dreg:$0x6];
	[tilespmem:$0x16260] =	vst v62  }
0x84: {  	s18 =	smov.u32 s26;
	s22 =	sadd.s32 s19, s22;
	[tilespmem:$0x16270] =	vst v63  }
0x85: {  	[spmem:s2] =	stream.indirect.scatter.add.f32 [tilespmem:s1], [sflag:$0x8], $0x80, s17, s28, $0xb8;
	[tilespmem:$0x1E0C0] =	vst v63  }
0x86: {  	s25 =	smov.u32 s18;
	s18 =	sshrl.u32 s22, $0x3  }
0x87: {  	[spmem:s3] =	stream.indirect.scatter.add.f32 [tilespmem:s8], [sflag:$0xA], $0x10, s17, s28, $0xb8;
	[tilespmem:$0x1E0C0] =	vst v63  }
0x88: {  	s18 =	sadd.s32 s7, s18  }
0x89: {  	[tilespmem:s31], [sflag:$0x2] =	stream.linear.gather [hbm4b:s18+s4], $0xE0, $0x38;
	[tilespmem:$0x1E0C0] =	vst v63  }
0x8a: {  	_ =	swait.ge [sflag:s0], $0xE0  }
0x8b: {  	p2 =	seq.s32 s25, $0x0;
	[sflag:s0] =	ssyncset.done $0x0  }
0x8c: {  	s18 =	simm.s32 @!p2 $0x8;
	[sflag:s0] =	ssyncadd.s32 $0xFFFFFF20  }
0x8d: {  	s26 =	sadd.s32 $0x2, s26;
	_ =	swait.ge @!p2 [sflag:s18], $0x3800  }
0x8e: {  	p1 =	sne.s32 s26, $0x5A;
	[sflag:s18] =	ssyncset.done @!p2 $0x0  }
.Ltmp0:
0x8f: {  	[sflag:s18] =	ssyncadd.s32 @!p2 $0xFFFFC800;
	s18 =	simm.s32 @!p2 $0xA;
	(pc) =	sbr.rel @p1 .LBB2_2-.Ltmp0, $4  }
0x90: {  	_ =	swait.ge @!p2 [sflag:s18], $0x700  }
0x91: {  	[sflag:s18] =	ssyncset.done @!p2 $0x0  }
0x92: {  	[sflag:s18] =	ssyncadd.s32 @!p2 $0xFFFFF900  }
0x93: {  	[tilespmem:s1], [sflag:$0x4] =	stream.indirect.gather [hbm4b:s5+s28], $0x80, s31, s28, $0xb8;
	[tilespmem:$0x1E0C0] =	vst v63  }
0x94: {  	[tilespmem:s8], [sflag:$0x6] =	stream.indirect.gather [hbm4b:s6+s28], $0x10, s31, s28, $0xb8;
	[tilespmem:$0x1E0C0] =	vst v63  }
0x95: {  	_ =	swait.ge [sflag:s9], $0x3800  }
0x96: {  	[sflag:s9] =	ssyncset.done $0x0  }
0x97: {  	[sflag:s9] =	ssyncadd.s32 $0xFFFFC800  }
0x98: {  	_ =	swait.ge [sflag:s10], $0x700  }
0x99: {  	[sflag:s10] =	ssyncset.done $0x0  }
0x9a: {  	[sflag:s10] =	ssyncadd.s32 $0xFFFFF900  }
0x9b: {  	v0 =	vld [tilespmem:$0x160E0]  }
0x9c: {  	v1 =	vld [tilespmem:$0x160C0]  }
0x9d: {  	v2 =	vld [tilespmem:$0x16090]  }
0x9e: {  	v3 =	vld [tilespmem:$0x160A0]  }
0x9f: {  	v4 =	vld [tilespmem:$0x160F0]  }
0xa0: {  	v5 =	vld [tilespmem:$0x160D0];
	[tilespmem:$0x16230] =	vst v0  }
0xa1: {  	v56 =	vld [tilespmem:$0x160B0];
	[tilespmem:$0x16210] =	vst v1  }
0xa2: {  	[tilespmem:$0x161E0] =	vst v2  }
0xa3: {  	s18 =	smin.u32 s25, $0x57;
	[tilespmem:$0x161F0] =	vst v3  }
0xa4: {  	s18 =	smul.u32 $0xE0, s18;
	[tilespmem:$0x16240] =	vst v4  }
0xa5: {  	s19 =	rddreg [dreg:$0x5];
	[tilespmem:$0x16220] =	vst v5  }
0xa6: {  	s18 =	sadd.s32 s18, s19;
	[tilespmem:$0x16200] =	vst v56  }
0xa7: {  	[spmem:s2] =	stream.indirect.scatter.add.f32 [tilespmem:s29], [sflag:$0x7], $0x80, s11, s28, $0xb8;
	[tilespmem:$0x1E0C0] =	vst v63  }
0xa8: {  	s18 =	sshrl.u32 s18, $0x3  }
0xa9: {  	[spmem:s3] =	stream.indirect.scatter.add.f32 [tilespmem:s30], [sflag:$0x9], $0x10, s11, s28, $0xb8;
	[tilespmem:$0x1E0C0] =	vst v63  }
0xaa: {  	s18 =	sadd.s32 s7, s18  }
0xab: {  	[tilespmem:s23], [sflag:$0x1] =	stream.linear.gather [hbm4b:s18+s4], $0xE0, $0x38;
	[tilespmem:$0x1E0C0] =	vst v63  }
0xac: {  	_ =	swait.ge [sflag:s12], $0xE0  }
0xad: {  	[sflag:s12] =	ssyncset.done $0x0  }
0xae: {  	[sflag:s12] =	ssyncadd.s32 $0xFFFFFF20  }
0xaf: {  	_ =	swait.ge [sflag:s13], $0x3800  }
0xb0: {  	[sflag:s13] =	ssyncset.done $0x0  }
0xb1: {  	[sflag:s13] =	ssyncadd.s32 $0xFFFFC800  }
0xb2: {  	_ =	swait.ge [sflag:s15], $0x700  }
0xb3: {  	[sflag:s15] =	ssyncset.done $0x0  }
0xb4: {  	[sflag:s15] =	ssyncadd.s32 $0xFFFFF900  }
0xb5: {  	[tilespmem:s29], [sflag:$0x3] =	stream.indirect.gather [hbm4b:s5+s28], $0x80, s23, s28, $0xb8;
	[tilespmem:$0x1E0C0] =	vst v63  }
0xb6: {  	_ = 	snop  }
0xb7: {  	[tilespmem:s30], [sflag:$0x5] =	stream.indirect.gather [hbm4b:s6+s28], $0x10, s23, s28, $0xb8;
	[tilespmem:$0x1E0C0] =	vst v63  }
0xb8: {  	_ =	swait.ge [sflag:s16], $0x3800  }
0xb9: {  	[sflag:s16] =	ssyncset.done $0x0  }
0xba: {  	[sflag:s16] =	ssyncadd.s32 $0xFFFFC800  }
0xbb: {  	_ =	swait.ge [sflag:s14], $0x700  }
0xbc: {  	[sflag:s14] =	ssyncset.done $0x0  }
0xbd: {  	[sflag:s14] =	ssyncadd.s32 $0xFFFFF900  }
0xbe: {  	v57 =	vld [tilespmem:$0x16170]  }
0xbf: {  	v58 =	vld [tilespmem:$0x161D0]  }
0xc0: {  	v59 =	vld [tilespmem:$0x161B0]  }
0xc1: {  	v60 =	vld [tilespmem:$0x161A0]  }
0xc2: {  	v61 =	vld [tilespmem:$0x161C0]  }
0xc3: {  	v62 =	vld [tilespmem:$0x16180];
	[tilespmem:$0x16250] =	vst v57  }
0xc4: {  	v63 =	vld [tilespmem:$0x16190];
	[tilespmem:$0x162B0] =	vst v58  }
0xc5: {  	[tilespmem:$0x16290] =	vst v59  }
0xc6: {  	s25 =	smin.u32 s25, $0x56;
	[tilespmem:$0x16280] =	vst v60  }
0xc7: {  	s18 =	smul.u32 $0xE0, s25;
	[tilespmem:$0x162A0] =	vst v61  }
0xc8: {  	s26 =	rddreg [dreg:$0x6];
	[tilespmem:$0x16260] =	vst v62  }
0xc9: {  	s18 =	sadd.s32 s18, s26;
	[tilespmem:$0x16270] =	vst v63  }
0xca: {  	[spmem:s2] =	stream.indirect.scatter.add.f32 [tilespmem:s1], [sflag:$0x8], $0x80, s17, s28, $0xb8;
	[tilespmem:$0x1E0C0] =	vst v63  }
0xcb: {  	s18 =	sshrl.u32 s18, $0x3  }
0xcc: {  	[spmem:s3] =	stream.indirect.scatter.add.f32 [tilespmem:s8], [sflag:$0xA], $0x10, s17, s28, $0xb8;
	[tilespmem:$0x1E0C0] =	vst v63  }
0xcd: {  	s18 =	sadd.s32 s7, s18  }
0xce: {  	[tilespmem:s31], [sflag:$0x2] =	stream.linear.gather [hbm4b:s18+s4], $0xE0, $0x38;
	[tilespmem:$0x1E0C0] =	vst v63  }
0xcf: {  	_ =	swait.ge [sflag:s0], $0xE0  }
0xd0: {  	[sflag:s0] =	ssyncset.done $0x0  }
0xd1: {  	[sflag:s0] =	ssyncadd.s32 $0xFFFFFF20  }
0xd2: {  	_ =	swait.ge [sflag:s9], $0x3800  }
0xd3: {  	[sflag:s9] =	ssyncset.done $0x0  }
0xd4: {  	[sflag:s9] =	ssyncadd.s32 $0xFFFFC800  }
0xd5: {  	_ =	swait.ge [sflag:s10], $0x700  }
0xd6: {  	[sflag:s10] =	ssyncset.done $0x0  }
0xd7: {  	s22 =	simm.s32 $0x8;
	[sflag:s10] =	ssyncadd.s32 $0xFFFFF900  }
0xd8: {  	_ =	swait.ge [sflag:s22], $0x3800  }
0xd9: {  	[sflag:s22] =	ssyncset.done $0x0  }
0xda: {  	s25 =	simm.s32 $0xA;
	[sflag:s22] =	ssyncadd.s32 $0xFFFFC800  }
0xdb: {  	_ =	swait.ge [sflag:s25], $0x700  }
0xdc: {  	[sflag:s25] =	ssyncset.done $0x0  }
0xdd: {  	[sflag:s25] =	ssyncadd.s32 $0xFFFFF900  }
0xde: {  	[bflag:$0x0] =	sbarrier.arrive $0xFFFF  }
0xdf: {  	s19 =	rddreg [dreg:$0xf]  }
0xe0: {  	s18 =	simm.s32 @p0 $0x1FCB;
	s22 =	rddreg [dreg:$0x18]  }
0xe1: {  	[hbm:s19], [sflag:s18] =	dma.local @p0 [spmem:s22], $0x2800  }
0xe2: {  	s19 =	simm.s32 @p0 $0xB  }
0xe3: {  	_ =	swait.ge @p0 [sflag:s19], $0x2800  }
0xe4: {  	[sflag:s19] =	ssyncset.done @p0 $0x0  }
0xe5: {  	s22 =	rddreg [dreg:$0x12];
	[sflag:s19] =	ssyncadd.s32 @p0 $0xFFFFD800  }
0xe6: {  	[hbm:s22], [sflag:s18] =	dma.local @p0 [spmem:s24], $0x500  }
0xe7: {  	_ =	swait.ge @p0 [sflag:s19], $0x500  }
0xe8: {  	[sflag:s19] =	ssyncset.done @p0 $0x0;
	s18 =	rddreg [dreg:$0xe]  }
0xe9: {  	[sflag:s19] =	ssyncadd.s32 @p0 $0xFFFFFB00;
	s19 =	rddreg [dreg:$0x16]  }
0xea: {  	[hbm:s18], [sflag:s21] =	dma.local @!p0 [spmem:s19], $0x2700  }
0xeb: {  	s18 =	simm.s32 @!p0 $0xB  }
0xec: {  	_ =	swait.ge @!p0 [sflag:s18], $0x2700  }
0xed: {  	[sflag:s18] =	ssyncset.done @!p0 $0x0;
	s19 =	rddreg [dreg:$0x11]  }
0xee: {  	s22 =	rddreg [dreg:$0x17];
	[sflag:s18] =	ssyncadd.s32 @!p0 $0xFFFFD900  }
0xef: {  	[hbm:s19], [sflag:s21] =	dma.local @!p0 [spmem:s22], $0x4E0  }
0xf0: {  	_ =	swait.ge @!p0 [sflag:s18], $0x4E0  }
0xf1: {  	s20 =	sadd.s32 $0x1, s20;
	s26 =	rddreg [dreg:$0x13]  }
0xf2: {  	p1 =	sne.s32 s20, s26  }
.Ltmp1:
0xf3: {  	_ = 	snop;
	(pc) =	sbr.rel @p1 .LBB2_1-.Ltmp1, $3  }
0xf4: {  	_ =	sdelay $0x1  }
0xf5: {  	[sflag:s18] =	ssyncset.done @!p0 $0x0  }
0xf6: {  	[sflag:s18] =	ssyncadd.s32 @!p0 $0xFFFFFB20  }
0xf7: {  	_ =	sfence.sel $0x180000  }
0xf8: {  	[bflag:$0x0] =	sbarrier.arrive $0xFFFF  }
0xf9: {  	_ =	strace $0x9000004A  }
0xfa: {  	s0 =	stileid.u32;
	[bflag:$0x2] =	sbarrier.arrive $0xFFFF  }
0xfb: {  	p0 =	sne.s32 s0, $0x0;
	s0 =	rddreg [dreg:$0x4]  }
0xfc: {  	s0 =	sadd.s32 @!p0 $0x100000, s0  }
0xfd: {  	[sflag:s0] =	ssyncadd.tile.s32 @!p0 $0x1;
	_ =	shalt  }
.Lfunc_end2:
_tile_overlayer_lowered:
.L_overlay_start_2:
0xfe: {  	(tag) =	ssettag $0x2  }
0xff: {  	s0 =	rddreg [dreg:$0x0];
	s2 =	stileid.u32  }
0x100: {  	s1 =	rddreg [dreg:$0x1];
	p0 =	sne.s32 s2, $0x0  }
0x101: {  	s3 =	rddreg [dreg:$0x2];
	[bflag:$0x3] =	sbarrier.arrive $0xFFFF;
	s2 =	simm.s32 @!p0 $0x1C0B  }
0x102: {  	[timem:s3], [sflag:s2] =	dma.local @!p0 [hbm:s0], s1  }
0x103: {  	s0 =	simm.s32 @!p0 $0xB  }
0x104: {  	_ =	swait.ge @!p0 [sflag:s0], s1  }
0x105: {  	s1 =	ssub.s32 @!p0 $0x0, s1;
	[sflag:s0] =	ssyncset.done @!p0 $0x0  }
0x106: {  	[sflag:s0] =	ssyncadd.s32 @!p0 s1  }
0x107: {  	[bflag:$0x3] =	sbarrier.arrive $0xFFFF  }
0x108: {  	_ =	shalt  }

// kernel: kernel.22.cloned.1.call-start
scs
__scs_entry_jumppad:
0x0: {  	(pc) =	sbr.rel $0x88, $3  }
0x1: {  	(tag) =	ssettag $0x0;
	lr =	simm.s32 $0x1  }
0x2: {  	[smem:$0x3F93] =	sst lr;
	_ =	strace $0xD0000000  }
0x3: {  	_ = 	snop  }
0x4: {  	_ = 	snop  }
0x5: {  	_ = 	snop  }
0x6: {  	_ = 	snop  }
0x7: {  	_ = 	snop  }
__scs_overlays_trampoline_lowered:
0x8: {  	[smem:$0x3FA2] =	sst s0  }
0x9: {  	[smem:$0x3FA3] =	sst s1  }
0xa: {  	[smem:$0x3FA4] =	sst s2  }
0xb: {  	[smem:$0x3FA5] =	sst s3  }
0xc: {  	[smem:$0x3FA6] =	sst s4  }
0xd: {  	[smem:$0x3FA7] =	sst s5  }
0xe: {  	[smem:$0x3FA8] =	sst s6  }
0xf: {  	[smem:$0x3FA9] =	sst s7  }
0x10: {  	[smem:$0x3FAA] =	sst s8  }
0x11: {  	[smem:$0x3FAB] =	sst s9;
	s0 =	simm.s32 @!p0 $0x0  }
0x12: {  	s1 =	sld [smem:$0x3F91];
	s0 =	simm.s32 @p0 $0x1  }
0x13: {  	[smem:$0x3FAC] =	sst s0;
	s0 =	simm.s32 @!p1 $0x0  }
0x14: {  	s2 =	sld [smem:$0x3F90];
	s0 =	simm.s32 @p1 $0x1  }
0x15: {  	[smem:$0x3FAD] =	sst s0;
	s0 =	simm.s32 @!p2 $0x0  }
0x16: {  	s3 =	sld [smem:$0x3FDB];
	s0 =	simm.s32 @p2 $0x1  }
0x17: {  	s4 =	simm.s32 $0x1BF5;
	[smem:$0x3FAF] =	sst s0  }
0x18: {  	s0 =	sld [smem:$0x3F92];
	_ =	swait.ge [sflag:s4], $0x0  }
0x19: {  	s7 =	sld [smem:$0x3F93]  }
0x1a: {  	s8 =	sadd.s32 $0xFFFFE003, lr  }
0x1b: {  	s9 =	sadd.s32 $0xFFFFFEF7, lr;
	s5 =	simm.s32 $0xFFFFFFFF;
	p2 =	slt.u32 s8, $0xFFFFF086  }
0x1c: {  	p1 =	slt.u32 s9, $0xF7A;
	s5 =	simm.s32 @!p2 $0x0  }
0x1d: {  	s5 =	simm.s32 @p1 $0x1;
	p0 =	seq.s32 s7, s2  }
0x1e: {  	s7 =	smul.u32 @!p0 $0xF7A, s2;
	p2 =	seq.s32 @!p0 s5, $0x0  }
0x1f: {  	s9 =	smul.u32 $0xF7A, s1;
	s8 =	simm.s32 @!p0 $0x1BF5;
	p2 =	por !p2, p0  }
0x20: {  	[sflag:s8] =	ssyncset.s32 @!p0 $0xFFFFF086;
	s6 =	sadd.s32 @!p0 s3, s7;
	s7 =	simm.s32 @!p0 $0x108  }
0x21: {  	s3 =	sadd.s32 s3, s9;
	s6 =	sadd.s32 @!p0 $0x88, s6;
	s7 =	simm.s32 @p2 $0x1082  }
0x22: {  	[simem:s7], [sflag:s8] =	dma.local @!p0 [hbm:s6], $0xF7A  }
0x23: {  	s9 =	sor.u32 $0xD0000000, s2;
	s6 =	simm.s32 $0x108;
	_ =	swait.ge @!p0 [sflag:s8], $0x0  }
0x24: {  	s3 =	sadd.s32 $0x88, s3;
	s6 =	simm.s32 @!p1 $0x1082;
	[sflag:s4] =	ssyncset.s32 $0xFFFFF086  }
0x25: {  	[simem:s6], [sflag:s4] =	dma.local [hbm:s3], $0xF7A  }
0x26: {  	[smem:$0x3F93] =	sst s1;
	(tag) =	ssettag s2;
	_ =	strace s9  }
0x27: {  	s1 =	sld [smem:$0x3FA3]  }
0x28: {  	s2 =	sld [smem:$0x3FA4]  }
0x29: {  	s4 =	sld [smem:$0x3FA6]  }
0x2a: {  	p0 =	seq.s32 s5, $0x0;
	s5 =	sld [smem:$0x3FA7]  }
0x2b: {  	s6 =	sld [smem:$0x3FA8]  }
0x2c: {  	s7 =	sld [smem:$0x3FA9]  }
0x2d: {  	s3 =	simm.s32 $0x108;
	s8 =	sld [smem:$0x3FAA]  }
0x2e: {  	s3 =	simm.s32 @!p0 $0x1082;
	s9 =	sld [smem:$0x3FAB]  }
0x2f: {  	lr =	sadd.s32 s0, s3;
	s0 =	sld [smem:$0x3FA2]  }
0x30: {  	s3 =	sld [smem:$0x3FA5]  }
0x31: {  	[smem:$0x3FAE] =	sst s10  }
0x32: {  	s10 =	sld [smem:$0x3FAC];
	_ =	sdelay $0x3  }
0x33: {  	p0 =	seq.s32 s10, $0x1;
	s10 =	sld [smem:$0x3FAE];
	_ =	sdelay $0x3  }
0x34: {  	[smem:$0x3FAE] =	sst s10  }
0x35: {  	s10 =	sld [smem:$0x3FAD];
	_ =	sdelay $0x3  }
0x36: {  	p1 =	seq.s32 s10, $0x1;
	s10 =	sld [smem:$0x3FAE];
	_ =	sdelay $0x3  }
0x37: {  	[smem:$0x3FAE] =	sst s10  }
0x38: {  	s10 =	sld [smem:$0x3FAF]  }
0x39: {  	_ = 	snop;
	(pc) =	sbr.ind lr, $3  }
0x3a: {  	_ = 	snop  }
0x3b: {  	_ = 	snop  }
0x3c: {  	p2 =	seq.s32 s10, $0x1;
	s10 =	sld [smem:$0x3FAE]  }
0x3d: {  	_ =	shalt  }
0x3e: {  	_ =	shalt  }
0x3f: {  	_ =	shalt  }
0x40: {  	_ =	shalt  }
0x41: {  	_ =	shalt  }
0x42: {  	_ =	shalt  }
0x43: {  	_ =	shalt  }
0x44: {  	_ =	shalt  }
0x45: {  	_ =	shalt  }
0x46: {  	_ =	shalt  }
0x47: {  	_ =	shalt  }
0x48: {  	_ =	shalt  }
0x49: {  	_ =	shalt  }
0x4a: {  	_ =	shalt  }
0x4b: {  	_ =	shalt  }
0x4c: {  	_ =	shalt  }
0x4d: {  	_ =	shalt  }
0x4e: {  	_ =	shalt  }
0x4f: {  	_ =	shalt  }
0x50: {  	_ =	shalt  }
0x51: {  	_ =	shalt  }
0x52: {  	_ =	shalt  }
0x53: {  	_ =	shalt  }
0x54: {  	_ =	shalt  }
0x55: {  	_ =	shalt  }
0x56: {  	_ =	shalt  }
0x57: {  	_ =	shalt  }
0x58: {  	_ =	shalt  }
0x59: {  	_ =	shalt  }
0x5a: {  	_ =	shalt  }
0x5b: {  	_ =	shalt  }
0x5c: {  	_ =	shalt  }
0x5d: {  	_ =	shalt  }
0x5e: {  	_ =	shalt  }
0x5f: {  	_ =	shalt  }
0x60: {  	_ =	shalt  }
0x61: {  	_ =	shalt  }
0x62: {  	_ =	shalt  }
0x63: {  	_ =	shalt  }
0x64: {  	_ =	shalt  }
0x65: {  	_ =	shalt  }
0x66: {  	_ =	shalt  }
0x67: {  	_ =	shalt  }
0x68: {  	_ =	shalt  }
0x69: {  	_ =	shalt  }
0x6a: {  	_ =	shalt  }
0x6b: {  	_ =	shalt  }
0x6c: {  	_ =	shalt  }
0x6d: {  	_ =	shalt  }
0x6e: {  	_ =	shalt  }
0x6f: {  	_ =	shalt  }
0x70: {  	_ =	shalt  }
0x71: {  	_ =	shalt  }
0x72: {  	_ =	shalt  }
0x73: {  	_ =	shalt  }
0x74: {  	_ =	shalt  }
0x75: {  	_ =	shalt  }
0x76: {  	_ =	shalt  }
0x77: {  	_ =	shalt  }
0x78: {  	_ =	shalt  }
0x79: {  	_ =	shalt  }
0x7a: {  	_ =	shalt  }
0x7b: {  	_ =	shalt  }
0x7c: {  	_ =	shalt  }
0x7d: {  	_ =	shalt  }
0x7e: {  	_ =	shalt  }
0x7f: {  	_ =	shalt  }
0x80: {  	_ =	shalt  }
0x81: {  	_ =	shalt  }
0x82: {  	_ =	shalt  }
0x83: {  	_ =	shalt  }
0x84: {  	_ =	shalt  }
0x85: {  	_ =	shalt  }
0x86: {  	_ =	shalt  }
0x87: {  	_ =	shalt  }
.Lfunc_end0:
.L_simem_size_0:
called_computation.2_lowered:
.L_overlay_start_0:
0x88: {  	s2 =	sld [smem:$0x3FD9]  }
0x89: {  	s3 =	sld [smem:$0x3FFE];
	_ =	sdelay $0x1  }
0x8a: {  	s1 =	srdreg.scid  }
0x8b: {  	s0 =	sand.u32 $0x1, s1  }
0x8c: {  	s14 =	sshll.u32 s0, $0xA;
	s2 =	sadd.s32 s3, s2  }
0x8d: {  	s2 =	sadd.s32 s2, s14  }
0x8e: {  	[smem:$0x3FBA] =	sst s2  }
0x8f: {  	_ = 	snop  }
0x90: {  	s2 =	sld [smem:$0x3FD0];
	_ =	sdelay $0x2  }
0x91: {  	s15 =	simm.s32 $0xA;
	s4 =	simm.s32 $0x10  }
0x92: {  	[smem:s4], [sflag:s15] =	dma.local [hbm:s2], $0x1  }
0x93: {  	_ =	swait.eq [sflag:s15], $0x1  }
0x94: {  	[sflag:s15] =	ssyncset.done $0x0  }
0x95: {  	[sflag:s15] =	ssyncadd.s32 $0xFFFFFFFF  }
0x96: {  	s16 =	sld [smem:$0x11];
	(tm) =	ssettm $0x1  }
0x97: {  	s17 =	sld [smem:$0x3FFB];
	_ =	sdelay $0x3  }
0x98: {  	_ =	strace s17  }
0x99: {  	s3 =	sld [smem:$0x3FFC];
	_ =	sdelay $0x3  }
0x9a: {  	_ =	strace s3  }
0x9b: {  	s3 =	sld [smem:$0x3FFD];
	_ =	sdelay $0x3  }
0x9c: {  	_ =	strace s3  }
0x9d: {  	_ =	strace $0x8FFFFFFF  }
0x9e: {  	s18 =	sld [smem:$0x3FDB];
	_ =	sdelay $0x1  }
0x9f: {  	s19 =	simm.s32 $_scs_section_size  }
0xa0: {  	s5 =	simm.s32 $_size__tile_overlayer_lowered;
	s6 =	simm.s32 $_tile_overlayer_lowered  }
0xa1: {  	s22 =	simm.s32 $0x1BFF;
	s21 =	sshll.u32 s6, $0x1;
	s3 =	sadd.s32 s19, s18  }
0xa2: {  	s7 =	simm.s32 $0x0;
	s20 =	sshll.u32 s5, $0x1;
	s5 =	sadd.s32 s21, s3  }
0xa3: {  	[timem:s7], [sflag:s22] =	dma.local [hbm:s5], s20  }
0xa4: {  	_ =	swait.ge [sflag:s22], s20  }
0xa5: {  	s4 =	ssub.s32 $0x0, s20;
	[sflag:s22] =	ssyncset.done $0x0  }
0xa6: {  	[sflag:s22] =	ssyncadd.s32 s4;
	_ =	sdelay $0x1  }
0xa7: {  	s23 =	simm.s32 $0x1B8B  }
0xa8: {  	_ =	swait.ge [sflag:s23], $0x1  }
0xa9: {  	[sflag:s23] =	ssyncset.done $0x0  }
0xaa: {  	s25 =	simm.s32 $0x1B8E;
	s24 =	sld [smem:$0x3FFE];
	[sflag:s23] =	ssyncadd.s32 $0xFFFFFFFF  }
0xab: {  	s26 =	simm.s32 $execute0_lowered;
	[smem:$0x3FD2] =	sst s25  }
0xac: {  	s5 =	sshll.u32 s26, $0x1;
	_ =	strace $0x8000004C;
	[dreg:$0x1] =	wrdreg $0xFFFFFFFF  }
0xad: {  	s28 =	simm.s32 $_size_execute0_lowered;
	s3 =	sadd.s32 s3, s5;
	[dreg:$0x0] =	wrdreg $0x0  }
0xae: {  	s5 =	sshll.u32 s28, $0x1;
	[dreg:$0x2] =	wrdreg s3  }
0xaf: {  	[dreg:$0x3] =	wrdreg s5  }
0xb0: {  	[dreg:$0x4] =	wrdreg $0xC0  }
0xb1: {  	_ =	task [dreg:s7], $0x5FFFF  }
0xb2: {  	[dreg:$0x1] =	wrdreg $0xFFFFFFFF  }
0xb3: {  	[dreg:$0x0] =	wrdreg $0x60  }
0xb4: {  	[dreg:$0x2] =	wrdreg s24  }
0xb5: {  	[dreg:$0x3] =	wrdreg s16  }
0xb6: {  	[dreg:$0x4] =	wrdreg $0x0  }
0xb7: {  	[dreg:$0x5] =	wrdreg $0x139000  }
0xb8: {  	[dreg:$0x6] =	wrdreg $0x9  }
0xb9: {  	_ =	task.clear_ibuf [dreg:s7], $0x7FFFF;
	_ =	strace $0x9000004C  }
0xba: {  	s29 =	simm.s32 $0x9;
	_ =	strace $0x8000004E  }
0xbb: {  	_ =	swait.ge [sflag:s29], $0x1  }
0xbc: {  	[sflag:s29] =	ssyncadd.s32 $0xFFFFFFFF  }
0xbd: {  	_ =	strace $0x9000004E  }
0xbe: {  	_ =	sfence  }
0xbf: {  	s30 =	sld [smem:$0x0];
	_ =	sdelay $0x2  }
0xc0: {  	s31 =	sshll.u32 s1, $0xD;
	s1 =	sshrl.u32 s1, $0x2  }
0xc1: {  	s3 =	sand.u32 $0x4000, s31;
	s1 =	sadd.s32 s1, s30  }
0xc2: {  	s0 =	sor.u32 s3, s0;
	s1 =	sshll.u32 s1, $0x11  }
0xc3: {  	s0 =	sor.u32 s1, s0  }
0xc4: {  	s0 =	sadd.s32 $0x8F2B, s0  }
0xc5: {  	[sflag:s0] =	ssyncadd.remote.s32 $0x1  }
0xc6: {  	_ =	sfence.sel $0xFFFF  }
0xc7: {  	[dreg:$0x0] =	wrdreg $0xFFFFFFFF;
	(pc) =	sbr.abs _section_cstart, $3  }
0xc8: {  	[dreg:$0x1] =	wrdreg $0xFFFFFFFF  }
0xc9: {  	_ =	task.clear_ibuf [dreg:s7], $0x2FFFF;
	_ =	strace $0x9FFFFFFF  }
0xca: {  	(tm) =	ssettm $0x7FFFFFFF  }
0xcb: {  	_ =	shalt  }
tec
execute0_lowered:
.L_overlay_start_1:
0x0: {  	(tag) =	ssettag $0x1  }
0x1: {  	s0 =	rddreg [dreg:$0x0]  }
0x2: {  	s1 =	rddreg [dreg:$0x1]  }
0x3: {  	s2 =	rddreg [dreg:$0x2]  }
0x4: {  	s3 =	rddreg [dreg:$0x3]  }
0x5: {  	s4 =	simm.s32 $0x0;
	s16 =	stileid.u32;
	s7 =	srdreg.scid  }
0x6: {  	s28 =	simm.s32 $0x70;
	s29 =	simm.s32 $0x162C0;
	s30 =	simm.s32 $0x1D2C0  }
0x7: {  	s31 =	simm.s32 $0x16100;
	[smem:$0x7FF] =	sst s4;
	s8 =	smul.u32 $0x13800, s16  }
0x8: {  	s5 =	sadd.s32 $0x4C400, s0;
	s6 =	sadd.s32 $0x1A000, s0;
	s10 =	sand.u32 $0x1, s7  }
0x9: {  	s7 =	sadd.s32 $0x6400, s0;
	s12 =	sadd.s32 $0x136E00, s0;
	s13 =	sadd.s32 $0x73600, s0  }
0xa: {  	s15 =	smul.u32 $0x2700, s16;
	s17 =	sadd.s32 $0x124800, s2;
	s22 =	sadd.s32 $0x24900, s3  }
0xb: {  	s23 =	smul.u32 $0x270, s16;
	_ =	strace $0x8000004D;
	s11 =	ssub.s32 $0x2, s10  }
0xc: {  	s20 =	sshll.u32 s10, $0x4;
	[dreg:$0x8] =	wrdreg s17;
	s10 =	smul.u32 $0x2710, s10  }
0xd: {  	p0 =	seq.s32 s16, $0xF;
	[dreg:$0xb] =	wrdreg s22;
	s22 =	smul.u32 $0x9C00, s16  }
0xe: {  	s17 =	simm.s32 $0x16250;
	s9 =	sshrl.u32 s8, $0x3;
	s14 =	sshrl.u32 s11, $0x1  }
0xf: {  	s8 =	sadd.s32 s8, s2;
	s9 =	sadd.s32 s9, s0;
	s11 =	ssub.s32 s11, s14  }
0x10: {  	s14 =	sor.u32 s16, s20;
	s0 =	sadd.s32 $0x10D300, s0;
	s18 =	sadd.s32 $0x2490, s10  }
0x11: {  	s20 =	smul.u32 $0x4E000, s16;
	s16 =	simm.s32 $0x4;
	s9 =	sadd.s32 $0xE8A00, s9  }
0x12: {  	[dreg:$0x7] =	wrdreg s9;
	s9 =	sadd.s32 s15, s3;
	s15 =	sshrl.u32 s15, $0x3  }
0x13: {  	[dreg:$0xa] =	wrdreg s0;
	s21 =	smul.u32 $0x4EC0, s14;
	s15 =	sadd.s32 s1, s15  }
0x14: {  	s14 =	simm.s32 $0x6;
	s1 =	sadd.s32 $0x4920, s1;
	[dreg:$0x9] =	wrdreg s15  }
0x15: {  	s24 =	sshrl.u32 s21, $0x3;
	s25 =	sadd.s32 $0x1C0, s21;
	[dreg:$0xc] =	wrdreg s1  }
0x16: {  	s0 =	sadd.s32 $0x2A0, s21;
	s21 =	sshll.u32 s18, $0x4;
	[dreg:$0x5] =	wrdreg s25  }
0x17: {  	s26 =	sadd.s32 s7, s24;
	[dreg:$0x6] =	wrdreg s0;
	s1 =	sadd.s32 s23, s10  }
0x18: {  	s24 =	sshrl.u32 s20, $0x2;
	s25 =	sshrl.u32 s22, $0x2;
	s15 =	simm.s32 $0x9  }
0x19: {  	s20 =	simm.s32 $0x0;
	s19 =	sshll.u32 s1, $0x4;
	[dreg:$0xd] =	wrdreg s26  }
0x1a: {  	s23 =	sadd.s32 $0x1C, s26;
	s0 =	sshll.u32 s1, $0x1;
	s1 =	sshll.u32 s18, $0x1  }
0x1b: {  	s26 =	smax.u32 s11, $0x1;
	s11 =	simm.s32 $0x161E0;
	[dreg:$0x10] =	wrdreg s23  }
0x1c: {  	s10 =	sadd.s32 s12, s19;
	s12 =	sadd.s32 s12, s21;
	[dreg:$0x13] =	wrdreg s26  }
0x1d: {  	s0 =	sadd.s32 s13, s0;
	s1 =	sadd.s32 s13, s1;
	[dreg:$0xe] =	wrdreg s10  }
0x1e: {  	s23 =	simm.s32 $0x16020;
	s13 =	simm.s32 $0x7;
	[dreg:$0xf] =	wrdreg s12  }
0x1f: {  	s12 =	sadd.s32 s24, s2;
	[dreg:$0x11] =	wrdreg s0;
	s0 =	sadd.s32 s25, s3  }
0x20: {  	[dreg:$0x12] =	wrdreg s1;
	s1 =	sshrl.u32 @!p0 s8, $0x3;
	s8 =	simm.s32 $0x1D9C0  }
0x21: {  	s10 =	simm.s32 $0x5;
	[dreg:$0x14] =	wrdreg s1;
	s1 =	sshrl.u32 @!p0 s9, $0x3  }
0x22: {  	s0 =	sshrl.u32 @!p0 s0, $0x3;
	s9 =	simm.s32 $0x3;
	[dreg:$0x15] =	wrdreg s1  }
0x23: {  	s1 =	sshrl.u32 @!p0 s12, $0x3;
	[dreg:$0x17] =	wrdreg s0;
	s0 =	simm.s32 $0x2  }
0x24: {  	s12 =	simm.s32 $0x1;
	[dreg:$0x16] =	wrdreg s1;
	s1 =	simm.s32 $0x19AC0  }
.LBB2_1:
0x25: {  	s18 =	rddreg [dreg:$0x8]  }
0x26: {  	s19 =	rddreg [dreg:$0xa];
	s21 =	sshrl.u32 @p0 s18, $0x3  }
0x27: {  	s18 =	simm.s32 @p0 $0x1FCB;
	[dreg:$0x18] =	wrdreg s21  }
0x28: {  	[spmem:s21], [sflag:s18] =	dma.local @p0 [hbm:s19], $0x2900  }
0x29: {  	s21 =	simm.s32 @p0 $0xB  }
0x2a: {  	_ =	swait.ge @p0 [sflag:s21], $0x2900  }
0x2b: {  	[sflag:s21] =	ssyncset.done @p0 $0x0;
	s19 =	rddreg [dreg:$0xb]  }
0x2c: {  	[sflag:s21] =	ssyncadd.s32 @p0 $0xFFFFD700;
	s24 =	sshrl.u32 @p0 s19, $0x3;
	s19 =	rddreg [dreg:$0xc]  }
0x2d: {  	[spmem:s24], [sflag:s18] =	dma.local @p0 [hbm:s19], $0x520  }
0x2e: {  	s18 =	stileid.u32;
	_ =	swait.ge @p0 [sflag:s21], $0x520  }
0x2f: {  	s18 =	sshll.u32 @!p0 s18, $0x6;
	[sflag:s21] =	ssyncset.done @p0 $0x0;
	s19 =	rddreg [dreg:$0x14]  }
0x30: {  	[sflag:s21] =	ssyncadd.s32 @p0 $0xFFFFFAE0;
	s21 =	sor.u32 @!p0 $0x1C0B, s18;
	s18 =	rddreg [dreg:$0x7]  }
0x31: {  	[spmem:s19], [sflag:s21] =	dma.local @!p0 [hbm:s18], $0x2700  }
0x32: {  	s18 =	simm.s32 @!p0 $0xB  }
0x33: {  	_ =	swait.ge @!p0 [sflag:s18], $0x2700  }
0x34: {  	[sflag:s18] =	ssyncset.done @!p0 $0x0;
	s19 =	rddreg [dreg:$0x9]  }
0x35: {  	s22 =	rddreg [dreg:$0x15];
	[sflag:s18] =	ssyncadd.s32 @!p0 $0xFFFFD900  }
0x36: {  	[spmem:s22], [sflag:s21] =	dma.local @!p0 [hbm:s19], $0x4E0  }
0x37: {  	_ =	swait.ge @!p0 [sflag:s18], $0x4E0  }
0x38: {  	[sflag:s18] =	ssyncset.done @!p0 $0x0  }
0x39: {  	[sflag:s18] =	ssyncadd.s32 @!p0 $0xFFFFFB20  }
0x3a: {  	[bflag:$0x0] =	sbarrier.arrive $0xFFFF  }
0x3b: {  	s25 =	simm.s32 $0xB;
	s22 =	rddreg [dreg:$0xd]  }
0x3c: {  	[tilespmem:s23], [sflag:$0xB] =	stream.linear.gather [hbm4b:s22+s4], $0xE0, $0x38;
	[tilespmem:$0x1E0C0] =	vst v63  }
0x3d: {  	_ =	swait.ge [sflag:s25], $0xE0  }
0x3e: {  	[sflag:s25] =	ssyncset.done $0x0  }
0x3f: {  	[sflag:s25] =	ssyncadd.s32 $0xFFFFFF20  }
0x40: {  	[tilespmem:s29], [sflag:$0x3] =	stream.indirect.gather [hbm4b:s5+s28], $0x80, s23, s28, $0xb8;
	[tilespmem:$0x1E0C0] =	vst v63  }
0x41: {  	_ = 	snop  }
0x42: {  	[tilespmem:s30], [sflag:$0x5] =	stream.indirect.gather [hbm4b:s6+s28], $0x10, s23, s28, $0xb8;
	[tilespmem:$0x1E0C0] =	vst v63  }
0x43: {  	s26 =	rddreg [dreg:$0x10]  }
0x44: {  	[tilespmem:s31], [sflag:$0x2] =	stream.linear.gather [hbm4b:s26+s4], $0xE0, $0x38;
	[tilespmem:$0x1E0C0] =	vst v63  }
0x45: {  	_ =	swait.ge [sflag:s0], $0xE0  }
0x46: {  	p1 =	por $0x1, $0x1;
	[sflag:s0] =	ssyncset.done $0x0  }
0x47: {  	s18 =	simm.s32 @!p1 $0x8;
	[sflag:s0] =	ssyncadd.s32 $0xFFFFFF20  }
0x48: {  	_ =	swait.ge @!p1 [sflag:s18], $0x3800  }
0x49: {  	[sflag:s18] =	ssyncset.done @!p1 $0x0  }
0x4a: {  	[sflag:s18] =	ssyncadd.s32 @!p1 $0xFFFFC800;
	s18 =	simm.s32 @!p1 $0xA  }
0x4b: {  	_ =	swait.ge @!p1 [sflag:s18], $0x700  }
0x4c: {  	[sflag:s18] =	ssyncset.done @!p1 $0x0  }
0x4d: {  	s25 =	simm.s32 $0x0;
	s26 =	simm.s32 $0x2;
	[sflag:s18] =	ssyncadd.s32 @!p1 $0xFFFFF900  }
0x4e: {  	[tilespmem:s1], [sflag:$0x4] =	stream.indirect.gather [hbm4b:s5+s28], $0x80, s31, s28, $0xb8;
	[tilespmem:$0x1E0C0] =	vst v63  }
.LBB2_2:
0x4f: {  	[tilespmem:s8], [sflag:$0x6] =	stream.indirect.gather [hbm4b:s6+s28], $0x10, s31, s28, $0xb8;
	[tilespmem:$0x1E0C0] =	vst v63  }
0x50: {  	_ =	swait.ge [sflag:s9], $0x3800  }
0x51: {  	[sflag:s9] =	ssyncset.done $0x0  }
0x52: {  	[sflag:s9] =	ssyncadd.s32 $0xFFFFC800  }
0x53: {  	_ =	swait.ge [sflag:s10], $0x700  }
0x54: {  	[sflag:s10] =	ssyncset.done $0x0  }
0x55: {  	[sflag:s10] =	ssyncadd.s32 $0xFFFFF900  }
0x56: {  	v0 =	vld [tilespmem:$0x160E0]  }
0x57: {  	v1 =	vld [tilespmem:$0x160C0]  }
0x58: {  	v2 =	vld [tilespmem:$0x16090]  }
0x59: {  	v3 =	vld [tilespmem:$0x160A0]  }
0x5a: {  	v4 =	vld [tilespmem:$0x160F0]  }
0x5b: {  	v5 =	vld [tilespmem:$0x160D0];
	[tilespmem:$0x16230] =	vst v0  }
0x5c: {  	v56 =	vld [tilespmem:$0x160B0];
	[tilespmem:$0x16210] =	vst v1  }
0x5d: {  	[tilespmem:$0x161E0] =	vst v2  }
0x5e: {  	s19 =	smin.u32 s25, $0x57;
	[tilespmem:$0x161F0] =	vst v3  }
0x5f: {  	s19 =	smul.u32 $0xE0, s19;
	[tilespmem:$0x16240] =	vst v4  }
0x60: {  	s22 =	rddreg [dreg:$0x5];
	[tilespmem:$0x16220] =	vst v5  }
0x61: {  	s19 =	sadd.s32 s19, s22;
	[tilespmem:$0x16200] =	vst v56  }
0x62: {  	[spmem:s2] =	stream.indirect.scatter.add.f32 [tilespmem:s29], [sflag:$0x7], $0x80, s11, s28, $0xb8;
	[tilespmem:$0x1E0C0] =	vst v63  }
0x63: {  	s19 =	sshrl.u32 s19, $0x3  }
0x64: {  	[spmem:s3] =	stream.indirect.scatter.add.f32 [tilespmem:s30], [sflag:$0x9], $0x10, s11, s28, $0xb8;
	[tilespmem:$0x1E0C0] =	vst v63  }
0x65: {  	s19 =	sadd.s32 s7, s19  }
0x66: {  	[tilespmem:s23], [sflag:$0x1] =	stream.linear.gather [hbm4b:s19+s4], $0xE0, $0x38;
	[tilespmem:$0x1E0C0] =	vst v63  }
0x67: {  	_ =	swait.ge [sflag:s12], $0xE0  }
0x68: {  	[sflag:s12] =	ssyncset.done $0x0  }
0x69: {  	[sflag:s12] =	ssyncadd.s32 $0xFFFFFF20  }
0x6a: {  	_ =	swait.ge [sflag:s13], $0x3800  }
0x6b: {  	[sflag:s13] =	ssyncset.done $0x0  }
0x6c: {  	[sflag:s13] =	ssyncadd.s32 $0xFFFFC800  }
0x6d: {  	_ =	swait.ge [sflag:s15], $0x700  }
0x6e: {  	[sflag:s15] =	ssyncset.done $0x0  }
0x6f: {  	[sflag:s15] =	ssyncadd.s32 $0xFFFFF900  }
0x70: {  	[tilespmem:s29], [sflag:$0x3] =	stream.indirect.gather [hbm4b:s5+s28], $0x80, s23, s28, $0xb8;
	[tilespmem:$0x1E0C0] =	vst v63  }
0x71: {  	_ = 	snop  }
0x72: {  	[tilespmem:s30], [sflag:$0x5] =	stream.indirect.gather [hbm4b:s6+s28], $0x10, s23, s28, $0xb8;
	[tilespmem:$0x1E0C0] =	vst v63  }
0x73: {  	_ =	swait.ge [sflag:s16], $0x3800  }
0x74: {  	[sflag:s16] =	ssyncset.done $0x0  }
0x75: {  	[sflag:s16] =	ssyncadd.s32 $0xFFFFC800  }
0x76: {  	_ =	swait.ge [sflag:s14], $0x700  }
0x77: {  	[sflag:s14] =	ssyncset.done $0x0  }
0x78: {  	[sflag:s14] =	ssyncadd.s32 $0xFFFFF900  }
0x79: {  	v57 =	vld [tilespmem:$0x16170]  }
0x7a: {  	v58 =	vld [tilespmem:$0x161D0]  }
0x7b: {  	v59 =	vld [tilespmem:$0x161B0]  }
0x7c: {  	v60 =	vld [tilespmem:$0x161A0]  }
0x7d: {  	v61 =	vld [tilespmem:$0x161C0]  }
0x7e: {  	v62 =	vld [tilespmem:$0x16180];
	[tilespmem:$0x16250] =	vst v57  }
0x7f: {  	v63 =	vld [tilespmem:$0x16190];
	[tilespmem:$0x162B0] =	vst v58  }
0x80: {  	[tilespmem:$0x16290] =	vst v59  }
0x81: {  	s25 =	smin.u32 s25, $0x56;
	[tilespmem:$0x16280] =	vst v60  }
0x82: {  	s19 =	smul.u32 $0xE0, s25;
	[tilespmem:$0x162A0] =	vst v61  }
0x83: {  	s22 =	rddreg [dreg:$0x6];
	[tilespmem:$0x16260] =	vst v62  }
0x84: {  	s18 =	smov.u32 s26;
	s22 =	sadd.s32 s19, s22;
	[tilespmem:$0x16270] =	vst v63  }
0x85: {  	[spmem:s2] =	stream.indirect.scatter.add.f32 [tilespmem:s1], [sflag:$0x8], $0x80, s17, s28, $0xb8;
	[tilespmem:$0x1E0C0] =	vst v63  }
0x86: {  	s25 =	smov.u32 s18;
	s18 =	sshrl.u32 s22, $0x3  }
0x87: {  	[spmem:s3] =	stream.indirect.scatter.add.f32 [tilespmem:s8], [sflag:$0xA], $0x10, s17, s28, $0xb8;
	[tilespmem:$0x1E0C0] =	vst v63  }
0x88: {  	s18 =	sadd.s32 s7, s18  }
0x89: {  	[tilespmem:s31], [sflag:$0x2] =	stream.linear.gather [hbm4b:s18+s4], $0xE0, $0x38;
	[tilespmem:$0x1E0C0] =	vst v63  }
0x8a: {  	_ =	swait.ge [sflag:s0], $0xE0  }
0x8b: {  	p2 =	seq.s32 s25, $0x0;
	[sflag:s0] =	ssyncset.done $0x0  }
0x8c: {  	s18 =	simm.s32 @!p2 $0x8;
	[sflag:s0] =	ssyncadd.s32 $0xFFFFFF20  }
0x8d: {  	s26 =	sadd.s32 $0x2, s26;
	_ =	swait.ge @!p2 [sflag:s18], $0x3800  }
0x8e: {  	p1 =	sne.s32 s26, $0x5A;
	[sflag:s18] =	ssyncset.done @!p2 $0x0  }
.Ltmp0:
0x8f: {  	[sflag:s18] =	ssyncadd.s32 @!p2 $0xFFFFC800;
	s18 =	simm.s32 @!p2 $0xA;
	(pc) =	sbr.rel @p1 .LBB2_2-.Ltmp0, $4  }
0x90: {  	_ =	swait.ge @!p2 [sflag:s18], $0x700  }
0x91: {  	[sflag:s18] =	ssyncset.done @!p2 $0x0  }
0x92: {  	[sflag:s18] =	ssyncadd.s32 @!p2 $0xFFFFF900  }
0x93: {  	[tilespmem:s1], [sflag:$0x4] =	stream.indirect.gather [hbm4b:s5+s28], $0x80, s31, s28, $0xb8;
	[tilespmem:$0x1E0C0] =	vst v63  }
0x94: {  	[tilespmem:s8], [sflag:$0x6] =	stream.indirect.gather [hbm4b:s6+s28], $0x10, s31, s28, $0xb8;
	[tilespmem:$0x1E0C0] =	vst v63  }
0x95: {  	_ =	swait.ge [sflag:s9], $0x3800  }
0x96: {  	[sflag:s9] =	ssyncset.done $0x0  }
0x97: {  	[sflag:s9] =	ssyncadd.s32 $0xFFFFC800  }
0x98: {  	_ =	swait.ge [sflag:s10], $0x700  }
0x99: {  	[sflag:s10] =	ssyncset.done $0x0  }
0x9a: {  	[sflag:s10] =	ssyncadd.s32 $0xFFFFF900  }
0x9b: {  	v0 =	vld [tilespmem:$0x160E0]  }
0x9c: {  	v1 =	vld [tilespmem:$0x160C0]  }
0x9d: {  	v2 =	vld [tilespmem:$0x16090]  }
0x9e: {  	v3 =	vld [tilespmem:$0x160A0]  }
0x9f: {  	v4 =	vld [tilespmem:$0x160F0]  }
0xa0: {  	v5 =	vld [tilespmem:$0x160D0];
	[tilespmem:$0x16230] =	vst v0  }
0xa1: {  	v56 =	vld [tilespmem:$0x160B0];
	[tilespmem:$0x16210] =	vst v1  }
0xa2: {  	[tilespmem:$0x161E0] =	vst v2  }
0xa3: {  	s18 =	smin.u32 s25, $0x57;
	[tilespmem:$0x161F0] =	vst v3  }
0xa4: {  	s18 =	smul.u32 $0xE0, s18;
	[tilespmem:$0x16240] =	vst v4  }
0xa5: {  	s19 =	rddreg [dreg:$0x5];
	[tilespmem:$0x16220] =	vst v5  }
0xa6: {  	s18 =	sadd.s32 s18, s19;
	[tilespmem:$0x16200] =	vst v56  }
0xa7: {  	[spmem:s2] =	stream.indirect.scatter.add.f32 [tilespmem:s29], [sflag:$0x7], $0x80, s11, s28, $0xb8;
	[tilespmem:$0x1E0C0] =	vst v63  }
0xa8: {  	s18 =	sshrl.u32 s18, $0x3  }
0xa9: {  	[spmem:s3] =	stream.indirect.scatter.add.f32 [tilespmem:s30], [sflag:$0x9], $0x10, s11, s28, $0xb8;
	[tilespmem:$0x1E0C0] =	vst v63  }
0xaa: {  	s18 =	sadd.s32 s7, s18  }
0xab: {  	[tilespmem:s23], [sflag:$0x1] =	stream.linear.gather [hbm4b:s18+s4], $0xE0, $0x38;
	[tilespmem:$0x1E0C0] =	vst v63  }
0xac: {  	_ =	swait.ge [sflag:s12], $0xE0  }
0xad: {  	[sflag:s12] =	ssyncset.done $0x0  }
0xae: {  	[sflag:s12] =	ssyncadd.s32 $0xFFFFFF20  }
0xaf: {  	_ =	swait.ge [sflag:s13], $0x3800  }
0xb0: {  	[sflag:s13] =	ssyncset.done $0x0  }
0xb1: {  	[sflag:s13] =	ssyncadd.s32 $0xFFFFC800  }
0xb2: {  	_ =	swait.ge [sflag:s15], $0x700  }
0xb3: {  	[sflag:s15] =	ssyncset.done $0x0  }
0xb4: {  	[sflag:s15] =	ssyncadd.s32 $0xFFFFF900  }
0xb5: {  	[tilespmem:s29], [sflag:$0x3] =	stream.indirect.gather [hbm4b:s5+s28], $0x80, s23, s28, $0xb8;
	[tilespmem:$0x1E0C0] =	vst v63  }
0xb6: {  	_ = 	snop  }
0xb7: {  	[tilespmem:s30], [sflag:$0x5] =	stream.indirect.gather [hbm4b:s6+s28], $0x10, s23, s28, $0xb8;
	[tilespmem:$0x1E0C0] =	vst v63  }
0xb8: {  	_ =	swait.ge [sflag:s16], $0x3800  }
0xb9: {  	[sflag:s16] =	ssyncset.done $0x0  }
0xba: {  	[sflag:s16] =	ssyncadd.s32 $0xFFFFC800  }
0xbb: {  	_ =	swait.ge [sflag:s14], $0x700  }
0xbc: {  	[sflag:s14] =	ssyncset.done $0x0  }
0xbd: {  	[sflag:s14] =	ssyncadd.s32 $0xFFFFF900  }
0xbe: {  	v57 =	vld [tilespmem:$0x16170]  }
0xbf: {  	v58 =	vld [tilespmem:$0x161D0]  }
0xc0: {  	v59 =	vld [tilespmem:$0x161B0]  }
0xc1: {  	v60 =	vld [tilespmem:$0x161A0]  }
0xc2: {  	v61 =	vld [tilespmem:$0x161C0]  }
0xc3: {  	v62 =	vld [tilespmem:$0x16180];
	[tilespmem:$0x16250] =	vst v57  }
0xc4: {  	v63 =	vld [tilespmem:$0x16190];
	[tilespmem:$0x162B0] =	vst v58  }
0xc5: {  	[tilespmem:$0x16290] =	vst v59  }
0xc6: {  	s25 =	smin.u32 s25, $0x56;
	[tilespmem:$0x16280] =	vst v60  }
0xc7: {  	s18 =	smul.u32 $0xE0, s25;
	[tilespmem:$0x162A0] =	vst v61  }
0xc8: {  	s26 =	rddreg [dreg:$0x6];
	[tilespmem:$0x16260] =	vst v62  }
0xc9: {  	s18 =	sadd.s32 s18, s26;
	[tilespmem:$0x16270] =	vst v63  }
0xca: {  	[spmem:s2] =	stream.indirect.scatter.add.f32 [tilespmem:s1], [sflag:$0x8], $0x80, s17, s28, $0xb8;
	[tilespmem:$0x1E0C0] =	vst v63  }
0xcb: {  	s18 =	sshrl.u32 s18, $0x3  }
0xcc: {  	[spmem:s3] =	stream.indirect.scatter.add.f32 [tilespmem:s8], [sflag:$0xA], $0x10, s17, s28, $0xb8;
	[tilespmem:$0x1E0C0] =	vst v63  }
0xcd: {  	s18 =	sadd.s32 s7, s18  }
0xce: {  	[tilespmem:s31], [sflag:$0x2] =	stream.linear.gather [hbm4b:s18+s4], $0xE0, $0x38;
	[tilespmem:$0x1E0C0] =	vst v63  }
0xcf: {  	_ =	swait.ge [sflag:s0], $0xE0  }
0xd0: {  	[sflag:s0] =	ssyncset.done $0x0  }
0xd1: {  	[sflag:s0] =	ssyncadd.s32 $0xFFFFFF20  }
0xd2: {  	_ =	swait.ge [sflag:s9], $0x3800  }
0xd3: {  	[sflag:s9] =	ssyncset.done $0x0  }
0xd4: {  	[sflag:s9] =	ssyncadd.s32 $0xFFFFC800  }
0xd5: {  	_ =	swait.ge [sflag:s10], $0x700  }
0xd6: {  	[sflag:s10] =	ssyncset.done $0x0  }
0xd7: {  	s22 =	simm.s32 $0x8;
	[sflag:s10] =	ssyncadd.s32 $0xFFFFF900  }
0xd8: {  	_ =	swait.ge [sflag:s22], $0x3800  }
0xd9: {  	[sflag:s22] =	ssyncset.done $0x0  }
0xda: {  	s25 =	simm.s32 $0xA;
	[sflag:s22] =	ssyncadd.s32 $0xFFFFC800  }
0xdb: {  	_ =	swait.ge [sflag:s25], $0x700  }
0xdc: {  	[sflag:s25] =	ssyncset.done $0x0  }
0xdd: {  	[sflag:s25] =	ssyncadd.s32 $0xFFFFF900  }
0xde: {  	[bflag:$0x0] =	sbarrier.arrive $0xFFFF  }
0xdf: {  	s19 =	rddreg [dreg:$0xf]  }
0xe0: {  	s18 =	simm.s32 @p0 $0x1FCB;
	s22 =	rddreg [dreg:$0x18]  }
0xe1: {  	[hbm:s19], [sflag:s18] =	dma.local @p0 [spmem:s22], $0x2800  }
0xe2: {  	s19 =	simm.s32 @p0 $0xB  }
0xe3: {  	_ =	swait.ge @p0 [sflag:s19], $0x2800  }
0xe4: {  	[sflag:s19] =	ssyncset.done @p0 $0x0  }
0xe5: {  	s22 =	rddreg [dreg:$0x12];
	[sflag:s19] =	ssyncadd.s32 @p0 $0xFFFFD800  }
0xe6: {  	[hbm:s22], [sflag:s18] =	dma.local @p0 [spmem:s24], $0x500  }
0xe7: {  	_ =	swait.ge @p0 [sflag:s19], $0x500  }
0xe8: {  	[sflag:s19] =	ssyncset.done @p0 $0x0;
	s18 =	rddreg [dreg:$0xe]  }
0xe9: {  	[sflag:s19] =	ssyncadd.s32 @p0 $0xFFFFFB00;
	s19 =	rddreg [dreg:$0x16]  }
0xea: {  	[hbm:s18], [sflag:s21] =	dma.local @!p0 [spmem:s19], $0x2700  }
0xeb: {  	s18 =	simm.s32 @!p0 $0xB  }
0xec: {  	_ =	swait.ge @!p0 [sflag:s18], $0x2700  }
0xed: {  	[sflag:s18] =	ssyncset.done @!p0 $0x0;
	s19 =	rddreg [dreg:$0x11]  }
0xee: {  	s22 =	rddreg [dreg:$0x17];
	[sflag:s18] =	ssyncadd.s32 @!p0 $0xFFFFD900  }
0xef: {  	[hbm:s19], [sflag:s21] =	dma.local @!p0 [spmem:s22], $0x4E0  }
0xf0: {  	_ =	swait.ge @!p0 [sflag:s18], $0x4E0  }
0xf1: {  	s20 =	sadd.s32 $0x1, s20;
	s26 =	rddreg [dreg:$0x13]  }
0xf2: {  	p1 =	sne.s32 s20, s26  }
.Ltmp1:
0xf3: {  	_ = 	snop;
	(pc) =	sbr.rel @p1 .LBB2_1-.Ltmp1, $3  }
0xf4: {  	_ =	sdelay $0x1  }
0xf5: {  	[sflag:s18] =	ssyncset.done @!p0 $0x0  }
0xf6: {  	[sflag:s18] =	ssyncadd.s32 @!p0 $0xFFFFFB20  }
0xf7: {  	_ =	sfence.sel $0x180000  }
0xf8: {  	[bflag:$0x0] =	sbarrier.arrive $0xFFFF  }
0xf9: {  	_ =	strace $0x9000004D  }
0xfa: {  	s0 =	stileid.u32;
	[bflag:$0x2] =	sbarrier.arrive $0xFFFF  }
0xfb: {  	p0 =	sne.s32 s0, $0x0;
	s0 =	rddreg [dreg:$0x4]  }
0xfc: {  	s0 =	sadd.s32 @!p0 $0x100000, s0  }
0xfd: {  	[sflag:s0] =	ssyncadd.tile.s32 @!p0 $0x1;
	_ =	shalt  }
.Lfunc_end2:
_tile_overlayer_lowered:
.L_overlay_start_2:
0xfe: {  	(tag) =	ssettag $0x2  }
0xff: {  	s0 =	rddreg [dreg:$0x0];
	s2 =	stileid.u32  }
0x100: {  	s1 =	rddreg [dreg:$0x1];
	p0 =	sne.s32 s2, $0x0  }
0x101: {  	s3 =	rddreg [dreg:$0x2];
	[bflag:$0x3] =	sbarrier.arrive $0xFFFF;
	s2 =	simm.s32 @!p0 $0x1C0B  }
0x102: {  	[timem:s3], [sflag:s2] =	dma.local @!p0 [hbm:s0], s1  }
0x103: {  	s0 =	simm.s32 @!p0 $0xB  }
0x104: {  	_ =	swait.ge @!p0 [sflag:s0], s1  }
0x105: {  	s1 =	ssub.s32 @!p0 $0x0, s1;
	[sflag:s0] =	ssyncset.done @!p0 $0x0  }
0x106: {  	[sflag:s0] =	ssyncadd.s32 @!p0 s1  }
0x107: {  	[bflag:$0x3] =	sbarrier.arrive $0xFFFF  }
0x108: {  	_ =	shalt  }

// kernel: kernel.25.cloned.1.call-start
scs
__scs_entry_jumppad:
0x0: {  	(pc) =	sbr.rel $0x88, $3  }
0x1: {  	(tag) =	ssettag $0x0;
	lr =	simm.s32 $0x1  }
0x2: {  	[smem:$0x3F93] =	sst lr;
	_ =	strace $0xD0000000  }
0x3: {  	_ = 	snop  }
0x4: {  	_ = 	snop  }
0x5: {  	_ = 	snop  }
0x6: {  	_ = 	snop  }
0x7: {  	_ = 	snop  }
__scs_overlays_trampoline_lowered:
0x8: {  	[smem:$0x3FA2] =	sst s0  }
0x9: {  	[smem:$0x3FA3] =	sst s1  }
0xa: {  	[smem:$0x3FA4] =	sst s2  }
0xb: {  	[smem:$0x3FA5] =	sst s3  }
0xc: {  	[smem:$0x3FA6] =	sst s4  }
0xd: {  	[smem:$0x3FA7] =	sst s5  }
0xe: {  	[smem:$0x3FA8] =	sst s6  }
0xf: {  	[smem:$0x3FA9] =	sst s7  }
0x10: {  	[smem:$0x3FAA] =	sst s8  }
0x11: {  	[smem:$0x3FAB] =	sst s9;
	s0 =	simm.s32 @!p0 $0x0  }
0x12: {  	s1 =	sld [smem:$0x3F91];
	s0 =	simm.s32 @p0 $0x1  }
0x13: {  	[smem:$0x3FAC] =	sst s0;
	s0 =	simm.s32 @!p1 $0x0  }
0x14: {  	s2 =	sld [smem:$0x3F90];
	s0 =	simm.s32 @p1 $0x1  }
0x15: {  	[smem:$0x3FAD] =	sst s0;
	s0 =	simm.s32 @!p2 $0x0  }
0x16: {  	s3 =	sld [smem:$0x3FDB];
	s0 =	simm.s32 @p2 $0x1  }
0x17: {  	s4 =	simm.s32 $0x1BF5;
	[smem:$0x3FAF] =	sst s0  }
0x18: {  	s0 =	sld [smem:$0x3F92];
	_ =	swait.ge [sflag:s4], $0x0  }
0x19: {  	s7 =	sld [smem:$0x3F93]  }
0x1a: {  	s8 =	sadd.s32 $0xFFFFE003, lr  }
0x1b: {  	s9 =	sadd.s32 $0xFFFFFEF7, lr;
	s5 =	simm.s32 $0xFFFFFFFF;
	p2 =	slt.u32 s8, $0xFFFFF086  }
0x1c: {  	p1 =	slt.u32 s9, $0xF7A;
	s5 =	simm.s32 @!p2 $0x0  }
0x1d: {  	s5 =	simm.s32 @p1 $0x1;
	p0 =	seq.s32 s7, s2  }
0x1e: {  	s7 =	smul.u32 @!p0 $0xF7A, s2;
	p2 =	seq.s32 @!p0 s5, $0x0  }
0x1f: {  	s9 =	smul.u32 $0xF7A, s1;
	s8 =	simm.s32 @!p0 $0x1BF5;
	p2 =	por !p2, p0  }
0x20: {  	[sflag:s8] =	ssyncset.s32 @!p0 $0xFFFFF086;
	s6 =	sadd.s32 @!p0 s3, s7;
	s7 =	simm.s32 @!p0 $0x108  }
0x21: {  	s3 =	sadd.s32 s3, s9;
	s6 =	sadd.s32 @!p0 $0x88, s6;
	s7 =	simm.s32 @p2 $0x1082  }
0x22: {  	[simem:s7], [sflag:s8] =	dma.local @!p0 [hbm:s6], $0xF7A  }
0x23: {  	s9 =	sor.u32 $0xD0000000, s2;
	s6 =	simm.s32 $0x108;
	_ =	swait.ge @!p0 [sflag:s8], $0x0  }
0x24: {  	s3 =	sadd.s32 $0x88, s3;
	s6 =	simm.s32 @!p1 $0x1082;
	[sflag:s4] =	ssyncset.s32 $0xFFFFF086  }
0x25: {  	[simem:s6], [sflag:s4] =	dma.local [hbm:s3], $0xF7A  }
0x26: {  	[smem:$0x3F93] =	sst s1;
	(tag) =	ssettag s2;
	_ =	strace s9  }
0x27: {  	s1 =	sld [smem:$0x3FA3]  }
0x28: {  	s2 =	sld [smem:$0x3FA4]  }
0x29: {  	s4 =	sld [smem:$0x3FA6]  }
0x2a: {  	p0 =	seq.s32 s5, $0x0;
	s5 =	sld [smem:$0x3FA7]  }
0x2b: {  	s6 =	sld [smem:$0x3FA8]  }
0x2c: {  	s7 =	sld [smem:$0x3FA9]  }
0x2d: {  	s3 =	simm.s32 $0x108;
	s8 =	sld [smem:$0x3FAA]  }
0x2e: {  	s3 =	simm.s32 @!p0 $0x1082;
	s9 =	sld [smem:$0x3FAB]  }
0x2f: {  	lr =	sadd.s32 s0, s3;
	s0 =	sld [smem:$0x3FA2]  }
0x30: {  	s3 =	sld [smem:$0x3FA5]  }
0x31: {  	[smem:$0x3FAE] =	sst s10  }
0x32: {  	s10 =	sld [smem:$0x3FAC];
	_ =	sdelay $0x3  }
0x33: {  	p0 =	seq.s32 s10, $0x1;
	s10 =	sld [smem:$0x3FAE];
	_ =	sdelay $0x3  }
0x34: {  	[smem:$0x3FAE] =	sst s10  }
0x35: {  	s10 =	sld [smem:$0x3FAD];
	_ =	sdelay $0x3  }
0x36: {  	p1 =	seq.s32 s10, $0x1;
	s10 =	sld [smem:$0x3FAE];
	_ =	sdelay $0x3  }
0x37: {  	[smem:$0x3FAE] =	sst s10  }
0x38: {  	s10 =	sld [smem:$0x3FAF]  }
0x39: {  	_ = 	snop;
	(pc) =	sbr.ind lr, $3  }
0x3a: {  	_ = 	snop  }
0x3b: {  	_ = 	snop  }
0x3c: {  	p2 =	seq.s32 s10, $0x1;
	s10 =	sld [smem:$0x3FAE]  }
0x3d: {  	_ =	shalt  }
0x3e: {  	_ =	shalt  }
0x3f: {  	_ =	shalt  }
0x40: {  	_ =	shalt  }
0x41: {  	_ =	shalt  }
0x42: {  	_ =	shalt  }
0x43: {  	_ =	shalt  }
0x44: {  	_ =	shalt  }
0x45: {  	_ =	shalt  }
0x46: {  	_ =	shalt  }
0x47: {  	_ =	shalt  }
0x48: {  	_ =	shalt  }
0x49: {  	_ =	shalt  }
0x4a: {  	_ =	shalt  }
0x4b: {  	_ =	shalt  }
0x4c: {  	_ =	shalt  }
0x4d: {  	_ =	shalt  }
0x4e: {  	_ =	shalt  }
0x4f: {  	_ =	shalt  }
0x50: {  	_ =	shalt  }
0x51: {  	_ =	shalt  }
0x52: {  	_ =	shalt  }
0x53: {  	_ =	shalt  }
0x54: {  	_ =	shalt  }
0x55: {  	_ =	shalt  }
0x56: {  	_ =	shalt  }
0x57: {  	_ =	shalt  }
0x58: {  	_ =	shalt  }
0x59: {  	_ =	shalt  }
0x5a: {  	_ =	shalt  }
0x5b: {  	_ =	shalt  }
0x5c: {  	_ =	shalt  }
0x5d: {  	_ =	shalt  }
0x5e: {  	_ =	shalt  }
0x5f: {  	_ =	shalt  }
0x60: {  	_ =	shalt  }
0x61: {  	_ =	shalt  }
0x62: {  	_ =	shalt  }
0x63: {  	_ =	shalt  }
0x64: {  	_ =	shalt  }
0x65: {  	_ =	shalt  }
0x66: {  	_ =	shalt  }
0x67: {  	_ =	shalt  }
0x68: {  	_ =	shalt  }
0x69: {  	_ =	shalt  }
0x6a: {  	_ =	shalt  }
0x6b: {  	_ =	shalt  }
0x6c: {  	_ =	shalt  }
0x6d: {  	_ =	shalt  }
0x6e: {  	_ =	shalt  }
0x6f: {  	_ =	shalt  }
0x70: {  	_ =	shalt  }
0x71: {  	_ =	shalt  }
0x72: {  	_ =	shalt  }
0x73: {  	_ =	shalt  }
0x74: {  	_ =	shalt  }
0x75: {  	_ =	shalt  }
0x76: {  	_ =	shalt  }
0x77: {  	_ =	shalt  }
0x78: {  	_ =	shalt  }
0x79: {  	_ =	shalt  }
0x7a: {  	_ =	shalt  }
0x7b: {  	_ =	shalt  }
0x7c: {  	_ =	shalt  }
0x7d: {  	_ =	shalt  }
0x7e: {  	_ =	shalt  }
0x7f: {  	_ =	shalt  }
0x80: {  	_ =	shalt  }
0x81: {  	_ =	shalt  }
0x82: {  	_ =	shalt  }
0x83: {  	_ =	shalt  }
0x84: {  	_ =	shalt  }
0x85: {  	_ =	shalt  }
0x86: {  	_ =	shalt  }
0x87: {  	_ =	shalt  }
.Lfunc_end0:
.L_simem_size_0:
called_computation.3_lowered:
.L_overlay_start_0:
0x88: {  	s2 =	sld [smem:$0x3FD9]  }
0x89: {  	s3 =	sld [smem:$0x3FFE];
	_ =	sdelay $0x1  }
0x8a: {  	s1 =	srdreg.scid  }
0x8b: {  	s0 =	sand.u32 $0x1, s1  }
0x8c: {  	s14 =	sshll.u32 s0, $0xA;
	s2 =	sadd.s32 s3, s2  }
0x8d: {  	s2 =	sadd.s32 s2, s14  }
0x8e: {  	[smem:$0x3FBA] =	sst s2  }
0x8f: {  	_ = 	snop  }
0x90: {  	s2 =	sld [smem:$0x3FD0];
	_ =	sdelay $0x2  }
0x91: {  	s15 =	simm.s32 $0xA;
	s4 =	simm.s32 $0x10  }
0x92: {  	[smem:s4], [sflag:s15] =	dma.local [hbm:s2], $0x1  }
0x93: {  	_ =	swait.eq [sflag:s15], $0x1  }
0x94: {  	[sflag:s15] =	ssyncset.done $0x0  }
0x95: {  	[sflag:s15] =	ssyncadd.s32 $0xFFFFFFFF  }
0x96: {  	s16 =	sld [smem:$0x11];
	(tm) =	ssettm $0x1  }
0x97: {  	s17 =	sld [smem:$0x3FFB];
	_ =	sdelay $0x3  }
0x98: {  	_ =	strace s17  }
0x99: {  	s3 =	sld [smem:$0x3FFC];
	_ =	sdelay $0x3  }
0x9a: {  	_ =	strace s3  }
0x9b: {  	s3 =	sld [smem:$0x3FFD];
	_ =	sdelay $0x3  }
0x9c: {  	_ =	strace s3  }
0x9d: {  	_ =	strace $0x8FFFFFFF  }
0x9e: {  	s18 =	sld [smem:$0x3FDB];
	_ =	sdelay $0x1  }
0x9f: {  	s19 =	simm.s32 $_scs_section_size  }
0xa0: {  	s5 =	simm.s32 $_size__tile_overlayer_lowered;
	s6 =	simm.s32 $_tile_overlayer_lowered  }
0xa1: {  	s22 =	simm.s32 $0x1BFF;
	s21 =	sshll.u32 s6, $0x1;
	s3 =	sadd.s32 s19, s18  }
0xa2: {  	s7 =	simm.s32 $0x0;
	s20 =	sshll.u32 s5, $0x1;
	s5 =	sadd.s32 s21, s3  }
0xa3: {  	[timem:s7], [sflag:s22] =	dma.local [hbm:s5], s20  }
0xa4: {  	_ =	swait.ge [sflag:s22], s20  }
0xa5: {  	s4 =	ssub.s32 $0x0, s20;
	[sflag:s22] =	ssyncset.done $0x0  }
0xa6: {  	[sflag:s22] =	ssyncadd.s32 s4;
	_ =	sdelay $0x1  }
0xa7: {  	s23 =	simm.s32 $0x1B8B  }
0xa8: {  	_ =	swait.ge [sflag:s23], $0x1  }
0xa9: {  	[sflag:s23] =	ssyncset.done $0x0  }
0xaa: {  	s25 =	simm.s32 $0x1B8E;
	s24 =	sld [smem:$0x3FFE];
	[sflag:s23] =	ssyncadd.s32 $0xFFFFFFFF  }
0xab: {  	s26 =	simm.s32 $execute0_lowered;
	[smem:$0x3FD2] =	sst s25  }
0xac: {  	s5 =	sshll.u32 s26, $0x1;
	_ =	strace $0x8000004F;
	[dreg:$0x1] =	wrdreg $0xFFFFFFFF  }
0xad: {  	s28 =	simm.s32 $_size_execute0_lowered;
	s3 =	sadd.s32 s3, s5;
	[dreg:$0x0] =	wrdreg $0x0  }
0xae: {  	s5 =	sshll.u32 s28, $0x1;
	[dreg:$0x2] =	wrdreg s3  }
0xaf: {  	[dreg:$0x3] =	wrdreg s5  }
0xb0: {  	[dreg:$0x4] =	wrdreg $0xC0  }
0xb1: {  	_ =	task [dreg:s7], $0x5FFFF  }
0xb2: {  	[dreg:$0x1] =	wrdreg $0xFFFFFFFF  }
0xb3: {  	[dreg:$0x0] =	wrdreg $0x60  }
0xb4: {  	[dreg:$0x2] =	wrdreg s24  }
0xb5: {  	[dreg:$0x3] =	wrdreg s16  }
0xb6: {  	[dreg:$0x4] =	wrdreg $0x0  }
0xb7: {  	[dreg:$0x5] =	wrdreg $0x139000  }
0xb8: {  	[dreg:$0x6] =	wrdreg $0x9  }
0xb9: {  	_ =	task.clear_ibuf [dreg:s7], $0x7FFFF;
	_ =	strace $0x9000004F  }
0xba: {  	s29 =	simm.s32 $0x9;
	_ =	strace $0x80000051  }
0xbb: {  	_ =	swait.ge [sflag:s29], $0x1  }
0xbc: {  	[sflag:s29] =	ssyncadd.s32 $0xFFFFFFFF  }
0xbd: {  	_ =	strace $0x90000051  }
0xbe: {  	_ =	sfence  }
0xbf: {  	s30 =	sld [smem:$0x0];
	_ =	sdelay $0x2  }
0xc0: {  	s31 =	sshll.u32 s1, $0xD;
	s1 =	sshrl.u32 s1, $0x2  }
0xc1: {  	s3 =	sand.u32 $0x4000, s31;
	s1 =	sadd.s32 s1, s30  }
0xc2: {  	s0 =	sor.u32 s3, s0;
	s1 =	sshll.u32 s1, $0x11  }
0xc3: {  	s0 =	sor.u32 s1, s0  }
0xc4: {  	s0 =	sadd.s32 $0x8F2B, s0  }
0xc5: {  	[sflag:s0] =	ssyncadd.remote.s32 $0x1  }
0xc6: {  	_ =	sfence.sel $0xFFFF  }
0xc7: {  	[dreg:$0x0] =	wrdreg $0xFFFFFFFF;
	(pc) =	sbr.abs _section_cstart, $3  }
0xc8: {  	[dreg:$0x1] =	wrdreg $0xFFFFFFFF  }
0xc9: {  	_ =	task.clear_ibuf [dreg:s7], $0x2FFFF;
	_ =	strace $0x9FFFFFFF  }
0xca: {  	(tm) =	ssettm $0x7FFFFFFF  }
0xcb: {  	_ =	shalt  }
tec
execute0_lowered:
.L_overlay_start_1:
0x0: {  	(tag) =	ssettag $0x1  }
0x1: {  	s0 =	rddreg [dreg:$0x0]  }
0x2: {  	s1 =	rddreg [dreg:$0x1]  }
0x3: {  	s2 =	rddreg [dreg:$0x2]  }
0x4: {  	s3 =	rddreg [dreg:$0x3]  }
0x5: {  	s4 =	simm.s32 $0x0;
	s16 =	stileid.u32;
	s7 =	srdreg.scid  }
0x6: {  	s28 =	simm.s32 $0x70;
	s29 =	simm.s32 $0x162C0;
	s30 =	simm.s32 $0x1D2C0  }
0x7: {  	s31 =	simm.s32 $0x16100;
	[smem:$0x7FF] =	sst s4;
	s8 =	smul.u32 $0x13800, s16  }
0x8: {  	s5 =	sadd.s32 $0x25200, s0;
	s6 =	sadd.s32 $0x1A000, s0;
	s10 =	sand.u32 $0x1, s7  }
0x9: {  	s7 =	sadd.s32 $0x6400, s0;
	s12 =	sadd.s32 $0x136E00, s0;
	s13 =	sadd.s32 $0x73600, s0  }
0xa: {  	s15 =	smul.u32 $0x2700, s16;
	s17 =	sadd.s32 $0x124800, s2;
	s22 =	sadd.s32 $0x24900, s3  }
0xb: {  	s23 =	smul.u32 $0x270, s16;
	_ =	strace $0x80000050;
	s11 =	ssub.s32 $0x2, s10  }
0xc: {  	s20 =	sshll.u32 s10, $0x4;
	[dreg:$0x8] =	wrdreg s17;
	s10 =	smul.u32 $0x2710, s10  }
0xd: {  	p0 =	seq.s32 s16, $0xF;
	[dreg:$0xb] =	wrdreg s22;
	s22 =	smul.u32 $0x9C00, s16  }
0xe: {  	s17 =	simm.s32 $0x16250;
	s9 =	sshrl.u32 s8, $0x3;
	s14 =	sshrl.u32 s11, $0x1  }
0xf: {  	s8 =	sadd.s32 s8, s2;
	s9 =	sadd.s32 s9, s0;
	s11 =	ssub.s32 s11, s14  }
0x10: {  	s14 =	sor.u32 s16, s20;
	s0 =	sadd.s32 $0x10D300, s0;
	s18 =	sadd.s32 $0x2490, s10  }
0x11: {  	s20 =	smul.u32 $0x4E000, s16;
	s16 =	simm.s32 $0x4;
	s9 =	sadd.s32 $0xE8A00, s9  }
0x12: {  	[dreg:$0x7] =	wrdreg s9;
	s9 =	sadd.s32 s15, s3;
	s15 =	sshrl.u32 s15, $0x3  }
0x13: {  	[dreg:$0xa] =	wrdreg s0;
	s21 =	smul.u32 $0x4EC0, s14;
	s15 =	sadd.s32 s1, s15  }
0x14: {  	s14 =	simm.s32 $0x6;
	s1 =	sadd.s32 $0x4920, s1;
	[dreg:$0x9] =	wrdreg s15  }
0x15: {  	s24 =	sshrl.u32 s21, $0x3;
	s25 =	sadd.s32 $0x1C0, s21;
	[dreg:$0xc] =	wrdreg s1  }
0x16: {  	s0 =	sadd.s32 $0x2A0, s21;
	s21 =	sshll.u32 s18, $0x4;
	[dreg:$0x5] =	wrdreg s25  }
0x17: {  	s26 =	sadd.s32 s7, s24;
	[dreg:$0x6] =	wrdreg s0;
	s1 =	sadd.s32 s23, s10  }
0x18: {  	s24 =	sshrl.u32 s20, $0x2;
	s25 =	sshrl.u32 s22, $0x2;
	s15 =	simm.s32 $0x9  }
0x19: {  	s20 =	simm.s32 $0x0;
	s19 =	sshll.u32 s1, $0x4;
	[dreg:$0xd] =	wrdreg s26  }
0x1a: {  	s23 =	sadd.s32 $0x1C, s26;
	s0 =	sshll.u32 s1, $0x1;
	s1 =	sshll.u32 s18, $0x1  }
0x1b: {  	s26 =	smax.u32 s11, $0x1;
	s11 =	simm.s32 $0x161E0;
	[dreg:$0x10] =	wrdreg s23  }
0x1c: {  	s10 =	sadd.s32 s12, s19;
	s12 =	sadd.s32 s12, s21;
	[dreg:$0x13] =	wrdreg s26  }
0x1d: {  	s0 =	sadd.s32 s13, s0;
	s1 =	sadd.s32 s13, s1;
	[dreg:$0xe] =	wrdreg s10  }
0x1e: {  	s23 =	simm.s32 $0x16020;
	s13 =	simm.s32 $0x7;
	[dreg:$0xf] =	wrdreg s12  }
0x1f: {  	s12 =	sadd.s32 s24, s2;
	[dreg:$0x11] =	wrdreg s0;
	s0 =	sadd.s32 s25, s3  }
0x20: {  	[dreg:$0x12] =	wrdreg s1;
	s1 =	sshrl.u32 @!p0 s8, $0x3;
	s8 =	simm.s32 $0x1D9C0  }
0x21: {  	s10 =	simm.s32 $0x5;
	[dreg:$0x14] =	wrdreg s1;
	s1 =	sshrl.u32 @!p0 s9, $0x3  }
0x22: {  	s0 =	sshrl.u32 @!p0 s0, $0x3;
	s9 =	simm.s32 $0x3;
	[dreg:$0x15] =	wrdreg s1  }
0x23: {  	s1 =	sshrl.u32 @!p0 s12, $0x3;
	[dreg:$0x17] =	wrdreg s0;
	s0 =	simm.s32 $0x2  }
0x24: {  	s12 =	simm.s32 $0x1;
	[dreg:$0x16] =	wrdreg s1;
	s1 =	simm.s32 $0x19AC0  }
.LBB2_1:
0x25: {  	s18 =	rddreg [dreg:$0x8]  }
0x26: {  	s19 =	rddreg [dreg:$0xa];
	s21 =	sshrl.u32 @p0 s18, $0x3  }
0x27: {  	s18 =	simm.s32 @p0 $0x1FCB;
	[dreg:$0x18] =	wrdreg s21  }
0x28: {  	[spmem:s21], [sflag:s18] =	dma.local @p0 [hbm:s19], $0x2900  }
0x29: {  	s21 =	simm.s32 @p0 $0xB  }
0x2a: {  	_ =	swait.ge @p0 [sflag:s21], $0x2900  }
0x2b: {  	[sflag:s21] =	ssyncset.done @p0 $0x0;
	s19 =	rddreg [dreg:$0xb]  }
0x2c: {  	[sflag:s21] =	ssyncadd.s32 @p0 $0xFFFFD700;
	s24 =	sshrl.u32 @p0 s19, $0x3;
	s19 =	rddreg [dreg:$0xc]  }
0x2d: {  	[spmem:s24], [sflag:s18] =	dma.local @p0 [hbm:s19], $0x520  }
0x2e: {  	s18 =	stileid.u32;
	_ =	swait.ge @p0 [sflag:s21], $0x520  }
0x2f: {  	s18 =	sshll.u32 @!p0 s18, $0x6;
	[sflag:s21] =	ssyncset.done @p0 $0x0;
	s19 =	rddreg [dreg:$0x14]  }
0x30: {  	[sflag:s21] =	ssyncadd.s32 @p0 $0xFFFFFAE0;
	s21 =	sor.u32 @!p0 $0x1C0B, s18;
	s18 =	rddreg [dreg:$0x7]  }
0x31: {  	[spmem:s19], [sflag:s21] =	dma.local @!p0 [hbm:s18], $0x2700  }
0x32: {  	s18 =	simm.s32 @!p0 $0xB  }
0x33: {  	_ =	swait.ge @!p0 [sflag:s18], $0x2700  }
0x34: {  	[sflag:s18] =	ssyncset.done @!p0 $0x0;
	s19 =	rddreg [dreg:$0x9]  }
0x35: {  	s22 =	rddreg [dreg:$0x15];
	[sflag:s18] =	ssyncadd.s32 @!p0 $0xFFFFD900  }
0x36: {  	[spmem:s22], [sflag:s21] =	dma.local @!p0 [hbm:s19], $0x4E0  }
0x37: {  	_ =	swait.ge @!p0 [sflag:s18], $0x4E0  }
0x38: {  	[sflag:s18] =	ssyncset.done @!p0 $0x0  }
0x39: {  	[sflag:s18] =	ssyncadd.s32 @!p0 $0xFFFFFB20  }
0x3a: {  	[bflag:$0x0] =	sbarrier.arrive $0xFFFF  }
0x3b: {  	s25 =	simm.s32 $0xB;
	s22 =	rddreg [dreg:$0xd]  }
0x3c: {  	[tilespmem:s23], [sflag:$0xB] =	stream.linear.gather [hbm4b:s22+s4], $0xE0, $0x38;
	[tilespmem:$0x1E0C0] =	vst v63  }
0x3d: {  	_ =	swait.ge [sflag:s25], $0xE0  }
0x3e: {  	[sflag:s25] =	ssyncset.done $0x0  }
0x3f: {  	[sflag:s25] =	ssyncadd.s32 $0xFFFFFF20  }
0x40: {  	[tilespmem:s29], [sflag:$0x3] =	stream.indirect.gather [hbm4b:s5+s28], $0x80, s23, s28, $0xb8;
	[tilespmem:$0x1E0C0] =	vst v63  }
0x41: {  	_ = 	snop  }
0x42: {  	[tilespmem:s30], [sflag:$0x5] =	stream.indirect.gather [hbm4b:s6+s28], $0x10, s23, s28, $0xb8;
	[tilespmem:$0x1E0C0] =	vst v63  }
0x43: {  	s26 =	rddreg [dreg:$0x10]  }
0x44: {  	[tilespmem:s31], [sflag:$0x2] =	stream.linear.gather [hbm4b:s26+s4], $0xE0, $0x38;
	[tilespmem:$0x1E0C0] =	vst v63  }
0x45: {  	_ =	swait.ge [sflag:s0], $0xE0  }
0x46: {  	p1 =	por $0x1, $0x1;
	[sflag:s0] =	ssyncset.done $0x0  }
0x47: {  	s18 =	simm.s32 @!p1 $0x8;
	[sflag:s0] =	ssyncadd.s32 $0xFFFFFF20  }
0x48: {  	_ =	swait.ge @!p1 [sflag:s18], $0x3800  }
0x49: {  	[sflag:s18] =	ssyncset.done @!p1 $0x0  }
0x4a: {  	[sflag:s18] =	ssyncadd.s32 @!p1 $0xFFFFC800;
	s18 =	simm.s32 @!p1 $0xA  }
0x4b: {  	_ =	swait.ge @!p1 [sflag:s18], $0x700  }
0x4c: {  	[sflag:s18] =	ssyncset.done @!p1 $0x0  }
0x4d: {  	s25 =	simm.s32 $0x0;
	s26 =	simm.s32 $0x2;
	[sflag:s18] =	ssyncadd.s32 @!p1 $0xFFFFF900  }
0x4e: {  	[tilespmem:s1], [sflag:$0x4] =	stream.indirect.gather [hbm4b:s5+s28], $0x80, s31, s28, $0xb8;
	[tilespmem:$0x1E0C0] =	vst v63  }
.LBB2_2:
0x4f: {  	[tilespmem:s8], [sflag:$0x6] =	stream.indirect.gather [hbm4b:s6+s28], $0x10, s31, s28, $0xb8;
	[tilespmem:$0x1E0C0] =	vst v63  }
0x50: {  	_ =	swait.ge [sflag:s9], $0x3800  }
0x51: {  	[sflag:s9] =	ssyncset.done $0x0  }
0x52: {  	[sflag:s9] =	ssyncadd.s32 $0xFFFFC800  }
0x53: {  	_ =	swait.ge [sflag:s10], $0x700  }
0x54: {  	[sflag:s10] =	ssyncset.done $0x0  }
0x55: {  	[sflag:s10] =	ssyncadd.s32 $0xFFFFF900  }
0x56: {  	v0 =	vld [tilespmem:$0x160E0]  }
0x57: {  	v1 =	vld [tilespmem:$0x160C0]  }
0x58: {  	v2 =	vld [tilespmem:$0x16090]  }
0x59: {  	v3 =	vld [tilespmem:$0x160A0]  }
0x5a: {  	v4 =	vld [tilespmem:$0x160F0]  }
0x5b: {  	v5 =	vld [tilespmem:$0x160D0];
	[tilespmem:$0x16230] =	vst v0  }
0x5c: {  	v56 =	vld [tilespmem:$0x160B0];
	[tilespmem:$0x16210] =	vst v1  }
0x5d: {  	[tilespmem:$0x161E0] =	vst v2  }
0x5e: {  	s19 =	smin.u32 s25, $0x57;
	[tilespmem:$0x161F0] =	vst v3  }
0x5f: {  	s19 =	smul.u32 $0xE0, s19;
	[tilespmem:$0x16240] =	vst v4  }
0x60: {  	s22 =	rddreg [dreg:$0x5];
	[tilespmem:$0x16220] =	vst v5  }
0x61: {  	s19 =	sadd.s32 s19, s22;
	[tilespmem:$0x16200] =	vst v56  }
0x62: {  	[spmem:s2] =	stream.indirect.scatter.add.f32 [tilespmem:s29], [sflag:$0x7], $0x80, s11, s28, $0xb8;
	[tilespmem:$0x1E0C0] =	vst v63  }
0x63: {  	s19 =	sshrl.u32 s19, $0x3  }
0x64: {  	[spmem:s3] =	stream.indirect.scatter.add.f32 [tilespmem:s30], [sflag:$0x9], $0x10, s11, s28, $0xb8;
	[tilespmem:$0x1E0C0] =	vst v63  }
0x65: {  	s19 =	sadd.s32 s7, s19  }
0x66: {  	[tilespmem:s23], [sflag:$0x1] =	stream.linear.gather [hbm4b:s19+s4], $0xE0, $0x38;
	[tilespmem:$0x1E0C0] =	vst v63  }
0x67: {  	_ =	swait.ge [sflag:s12], $0xE0  }
0x68: {  	[sflag:s12] =	ssyncset.done $0x0  }
0x69: {  	[sflag:s12] =	ssyncadd.s32 $0xFFFFFF20  }
0x6a: {  	_ =	swait.ge [sflag:s13], $0x3800  }
0x6b: {  	[sflag:s13] =	ssyncset.done $0x0  }
0x6c: {  	[sflag:s13] =	ssyncadd.s32 $0xFFFFC800  }
0x6d: {  	_ =	swait.ge [sflag:s15], $0x700  }
0x6e: {  	[sflag:s15] =	ssyncset.done $0x0  }
0x6f: {  	[sflag:s15] =	ssyncadd.s32 $0xFFFFF900  }
0x70: {  	[tilespmem:s29], [sflag:$0x3] =	stream.indirect.gather [hbm4b:s5+s28], $0x80, s23, s28, $0xb8;
	[tilespmem:$0x1E0C0] =	vst v63  }
0x71: {  	_ = 	snop  }
0x72: {  	[tilespmem:s30], [sflag:$0x5] =	stream.indirect.gather [hbm4b:s6+s28], $0x10, s23, s28, $0xb8;
	[tilespmem:$0x1E0C0] =	vst v63  }
0x73: {  	_ =	swait.ge [sflag:s16], $0x3800  }
0x74: {  	[sflag:s16] =	ssyncset.done $0x0  }
0x75: {  	[sflag:s16] =	ssyncadd.s32 $0xFFFFC800  }
0x76: {  	_ =	swait.ge [sflag:s14], $0x700  }
0x77: {  	[sflag:s14] =	ssyncset.done $0x0  }
0x78: {  	[sflag:s14] =	ssyncadd.s32 $0xFFFFF900  }
0x79: {  	v57 =	vld [tilespmem:$0x16170]  }
0x7a: {  	v58 =	vld [tilespmem:$0x161D0]  }
0x7b: {  	v59 =	vld [tilespmem:$0x161B0]  }
0x7c: {  	v60 =	vld [tilespmem:$0x161A0]  }
0x7d: {  	v61 =	vld [tilespmem:$0x161C0]  }
0x7e: {  	v62 =	vld [tilespmem:$0x16180];
	[tilespmem:$0x16250] =	vst v57  }
0x7f: {  	v63 =	vld [tilespmem:$0x16190];
	[tilespmem:$0x162B0] =	vst v58  }
0x80: {  	[tilespmem:$0x16290] =	vst v59  }
0x81: {  	s25 =	smin.u32 s25, $0x56;
	[tilespmem:$0x16280] =	vst v60  }
0x82: {  	s19 =	smul.u32 $0xE0, s25;
	[tilespmem:$0x162A0] =	vst v61  }
0x83: {  	s22 =	rddreg [dreg:$0x6];
	[tilespmem:$0x16260] =	vst v62  }
0x84: {  	s18 =	smov.u32 s26;
	s22 =	sadd.s32 s19, s22;
	[tilespmem:$0x16270] =	vst v63  }
0x85: {  	[spmem:s2] =	stream.indirect.scatter.add.f32 [tilespmem:s1], [sflag:$0x8], $0x80, s17, s28, $0xb8;
	[tilespmem:$0x1E0C0] =	vst v63  }
0x86: {  	s25 =	smov.u32 s18;
	s18 =	sshrl.u32 s22, $0x3  }
0x87: {  	[spmem:s3] =	stream.indirect.scatter.add.f32 [tilespmem:s8], [sflag:$0xA], $0x10, s17, s28, $0xb8;
	[tilespmem:$0x1E0C0] =	vst v63  }
0x88: {  	s18 =	sadd.s32 s7, s18  }
0x89: {  	[tilespmem:s31], [sflag:$0x2] =	stream.linear.gather [hbm4b:s18+s4], $0xE0, $0x38;
	[tilespmem:$0x1E0C0] =	vst v63  }
0x8a: {  	_ =	swait.ge [sflag:s0], $0xE0  }
0x8b: {  	p2 =	seq.s32 s25, $0x0;
	[sflag:s0] =	ssyncset.done $0x0  }
0x8c: {  	s18 =	simm.s32 @!p2 $0x8;
	[sflag:s0] =	ssyncadd.s32 $0xFFFFFF20  }
0x8d: {  	s26 =	sadd.s32 $0x2, s26;
	_ =	swait.ge @!p2 [sflag:s18], $0x3800  }
0x8e: {  	p1 =	sne.s32 s26, $0x5A;
	[sflag:s18] =	ssyncset.done @!p2 $0x0  }
.Ltmp0:
0x8f: {  	[sflag:s18] =	ssyncadd.s32 @!p2 $0xFFFFC800;
	s18 =	simm.s32 @!p2 $0xA;
	(pc) =	sbr.rel @p1 .LBB2_2-.Ltmp0, $4  }
0x90: {  	_ =	swait.ge @!p2 [sflag:s18], $0x700  }
0x91: {  	[sflag:s18] =	ssyncset.done @!p2 $0x0  }
0x92: {  	[sflag:s18] =	ssyncadd.s32 @!p2 $0xFFFFF900  }
0x93: {  	[tilespmem:s1], [sflag:$0x4] =	stream.indirect.gather [hbm4b:s5+s28], $0x80, s31, s28, $0xb8;
	[tilespmem:$0x1E0C0] =	vst v63  }
0x94: {  	[tilespmem:s8], [sflag:$0x6] =	stream.indirect.gather [hbm4b:s6+s28], $0x10, s31, s28, $0xb8;
	[tilespmem:$0x1E0C0] =	vst v63  }
0x95: {  	_ =	swait.ge [sflag:s9], $0x3800  }
0x96: {  	[sflag:s9] =	ssyncset.done $0x0  }
0x97: {  	[sflag:s9] =	ssyncadd.s32 $0xFFFFC800  }
0x98: {  	_ =	swait.ge [sflag:s10], $0x700  }
0x99: {  	[sflag:s10] =	ssyncset.done $0x0  }
0x9a: {  	[sflag:s10] =	ssyncadd.s32 $0xFFFFF900  }
0x9b: {  	v0 =	vld [tilespmem:$0x160E0]  }
0x9c: {  	v1 =	vld [tilespmem:$0x160C0]  }
0x9d: {  	v2 =	vld [tilespmem:$0x16090]  }
0x9e: {  	v3 =	vld [tilespmem:$0x160A0]  }
0x9f: {  	v4 =	vld [tilespmem:$0x160F0]  }
0xa0: {  	v5 =	vld [tilespmem:$0x160D0];
	[tilespmem:$0x16230] =	vst v0  }
0xa1: {  	v56 =	vld [tilespmem:$0x160B0];
	[tilespmem:$0x16210] =	vst v1  }
0xa2: {  	[tilespmem:$0x161E0] =	vst v2  }
0xa3: {  	s18 =	smin.u32 s25, $0x57;
	[tilespmem:$0x161F0] =	vst v3  }
0xa4: {  	s18 =	smul.u32 $0xE0, s18;
	[tilespmem:$0x16240] =	vst v4  }
0xa5: {  	s19 =	rddreg [dreg:$0x5];
	[tilespmem:$0x16220] =	vst v5  }
0xa6: {  	s18 =	sadd.s32 s18, s19;
	[tilespmem:$0x16200] =	vst v56  }
0xa7: {  	[spmem:s2] =	stream.indirect.scatter.add.f32 [tilespmem:s29], [sflag:$0x7], $0x80, s11, s28, $0xb8;
	[tilespmem:$0x1E0C0] =	vst v63  }
0xa8: {  	s18 =	sshrl.u32 s18, $0x3  }
0xa9: {  	[spmem:s3] =	stream.indirect.scatter.add.f32 [tilespmem:s30], [sflag:$0x9], $0x10, s11, s28, $0xb8;
	[tilespmem:$0x1E0C0] =	vst v63  }
0xaa: {  	s18 =	sadd.s32 s7, s18  }
0xab: {  	[tilespmem:s23], [sflag:$0x1] =	stream.linear.gather [hbm4b:s18+s4], $0xE0, $0x38;
	[tilespmem:$0x1E0C0] =	vst v63  }
0xac: {  	_ =	swait.ge [sflag:s12], $0xE0  }
0xad: {  	[sflag:s12] =	ssyncset.done $0x0  }
0xae: {  	[sflag:s12] =	ssyncadd.s32 $0xFFFFFF20  }
0xaf: {  	_ =	swait.ge [sflag:s13], $0x3800  }
0xb0: {  	[sflag:s13] =	ssyncset.done $0x0  }
0xb1: {  	[sflag:s13] =	ssyncadd.s32 $0xFFFFC800  }
0xb2: {  	_ =	swait.ge [sflag:s15], $0x700  }
0xb3: {  	[sflag:s15] =	ssyncset.done $0x0  }
0xb4: {  	[sflag:s15] =	ssyncadd.s32 $0xFFFFF900  }
0xb5: {  	[tilespmem:s29], [sflag:$0x3] =	stream.indirect.gather [hbm4b:s5+s28], $0x80, s23, s28, $0xb8;
	[tilespmem:$0x1E0C0] =	vst v63  }
0xb6: {  	_ = 	snop  }
0xb7: {  	[tilespmem:s30], [sflag:$0x5] =	stream.indirect.gather [hbm4b:s6+s28], $0x10, s23, s28, $0xb8;
	[tilespmem:$0x1E0C0] =	vst v63  }
0xb8: {  	_ =	swait.ge [sflag:s16], $0x3800  }
0xb9: {  	[sflag:s16] =	ssyncset.done $0x0  }
0xba: {  	[sflag:s16] =	ssyncadd.s32 $0xFFFFC800  }
0xbb: {  	_ =	swait.ge [sflag:s14], $0x700  }
0xbc: {  	[sflag:s14] =	ssyncset.done $0x0  }
0xbd: {  	[sflag:s14] =	ssyncadd.s32 $0xFFFFF900  }
0xbe: {  	v57 =	vld [tilespmem:$0x16170]  }
0xbf: {  	v58 =	vld [tilespmem:$0x161D0]  }
0xc0: {  	v59 =	vld [tilespmem:$0x161B0]  }
0xc1: {  	v60 =	vld [tilespmem:$0x161A0]  }
0xc2: {  	v61 =	vld [tilespmem:$0x161C0]  }
0xc3: {  	v62 =	vld [tilespmem:$0x16180];
	[tilespmem:$0x16250] =	vst v57  }
0xc4: {  	v63 =	vld [tilespmem:$0x16190];
	[tilespmem:$0x162B0] =	vst v58  }
0xc5: {  	[tilespmem:$0x16290] =	vst v59  }
0xc6: {  	s25 =	smin.u32 s25, $0x56;
	[tilespmem:$0x16280] =	vst v60  }
0xc7: {  	s18 =	smul.u32 $0xE0, s25;
	[tilespmem:$0x162A0] =	vst v61  }
0xc8: {  	s26 =	rddreg [dreg:$0x6];
	[tilespmem:$0x16260] =	vst v62  }
0xc9: {  	s18 =	sadd.s32 s18, s26;
	[tilespmem:$0x16270] =	vst v63  }
0xca: {  	[spmem:s2] =	stream.indirect.scatter.add.f32 [tilespmem:s1], [sflag:$0x8], $0x80, s17, s28, $0xb8;
	[tilespmem:$0x1E0C0] =	vst v63  }
0xcb: {  	s18 =	sshrl.u32 s18, $0x3  }
0xcc: {  	[spmem:s3] =	stream.indirect.scatter.add.f32 [tilespmem:s8], [sflag:$0xA], $0x10, s17, s28, $0xb8;
	[tilespmem:$0x1E0C0] =	vst v63  }
0xcd: {  	s18 =	sadd.s32 s7, s18  }
0xce: {  	[tilespmem:s31], [sflag:$0x2] =	stream.linear.gather [hbm4b:s18+s4], $0xE0, $0x38;
	[tilespmem:$0x1E0C0] =	vst v63  }
0xcf: {  	_ =	swait.ge [sflag:s0], $0xE0  }
0xd0: {  	[sflag:s0] =	ssyncset.done $0x0  }
0xd1: {  	[sflag:s0] =	ssyncadd.s32 $0xFFFFFF20  }
0xd2: {  	_ =	swait.ge [sflag:s9], $0x3800  }
0xd3: {  	[sflag:s9] =	ssyncset.done $0x0  }
0xd4: {  	[sflag:s9] =	ssyncadd.s32 $0xFFFFC800  }
0xd5: {  	_ =	swait.ge [sflag:s10], $0x700  }
0xd6: {  	[sflag:s10] =	ssyncset.done $0x0  }
0xd7: {  	s22 =	simm.s32 $0x8;
	[sflag:s10] =	ssyncadd.s32 $0xFFFFF900  }
0xd8: {  	_ =	swait.ge [sflag:s22], $0x3800  }
0xd9: {  	[sflag:s22] =	ssyncset.done $0x0  }
0xda: {  	s25 =	simm.s32 $0xA;
	[sflag:s22] =	ssyncadd.s32 $0xFFFFC800  }
0xdb: {  	_ =	swait.ge [sflag:s25], $0x700  }
0xdc: {  	[sflag:s25] =	ssyncset.done $0x0  }
0xdd: {  	[sflag:s25] =	ssyncadd.s32 $0xFFFFF900  }
0xde: {  	[bflag:$0x0] =	sbarrier.arrive $0xFFFF  }
0xdf: {  	s19 =	rddreg [dreg:$0xf]  }
0xe0: {  	s18 =	simm.s32 @p0 $0x1FCB;
	s22 =	rddreg [dreg:$0x18]  }
0xe1: {  	[hbm:s19], [sflag:s18] =	dma.local @p0 [spmem:s22], $0x2800  }
0xe2: {  	s19 =	simm.s32 @p0 $0xB  }
0xe3: {  	_ =	swait.ge @p0 [sflag:s19], $0x2800  }
0xe4: {  	[sflag:s19] =	ssyncset.done @p0 $0x0  }
0xe5: {  	s22 =	rddreg [dreg:$0x12];
	[sflag:s19] =	ssyncadd.s32 @p0 $0xFFFFD800  }
0xe6: {  	[hbm:s22], [sflag:s18] =	dma.local @p0 [spmem:s24], $0x500  }
0xe7: {  	_ =	swait.ge @p0 [sflag:s19], $0x500  }
0xe8: {  	[sflag:s19] =	ssyncset.done @p0 $0x0;
	s18 =	rddreg [dreg:$0xe]  }
0xe9: {  	[sflag:s19] =	ssyncadd.s32 @p0 $0xFFFFFB00;
	s19 =	rddreg [dreg:$0x16]  }
0xea: {  	[hbm:s18], [sflag:s21] =	dma.local @!p0 [spmem:s19], $0x2700  }
0xeb: {  	s18 =	simm.s32 @!p0 $0xB  }
0xec: {  	_ =	swait.ge @!p0 [sflag:s18], $0x2700  }
0xed: {  	[sflag:s18] =	ssyncset.done @!p0 $0x0;
	s19 =	rddreg [dreg:$0x11]  }
0xee: {  	s22 =	rddreg [dreg:$0x17];
	[sflag:s18] =	ssyncadd.s32 @!p0 $0xFFFFD900  }
0xef: {  	[hbm:s19], [sflag:s21] =	dma.local @!p0 [spmem:s22], $0x4E0  }
0xf0: {  	_ =	swait.ge @!p0 [sflag:s18], $0x4E0  }
0xf1: {  	s20 =	sadd.s32 $0x1, s20;
	s26 =	rddreg [dreg:$0x13]  }
0xf2: {  	p1 =	sne.s32 s20, s26  }
.Ltmp1:
0xf3: {  	_ = 	snop;
	(pc) =	sbr.rel @p1 .LBB2_1-.Ltmp1, $3  }
0xf4: {  	_ =	sdelay $0x1  }
0xf5: {  	[sflag:s18] =	ssyncset.done @!p0 $0x0  }
0xf6: {  	[sflag:s18] =	ssyncadd.s32 @!p0 $0xFFFFFB20  }
0xf7: {  	_ =	sfence.sel $0x180000  }
0xf8: {  	[bflag:$0x0] =	sbarrier.arrive $0xFFFF  }
0xf9: {  	_ =	strace $0x90000050  }
0xfa: {  	s0 =	stileid.u32;
	[bflag:$0x2] =	sbarrier.arrive $0xFFFF  }
0xfb: {  	p0 =	sne.s32 s0, $0x0;
	s0 =	rddreg [dreg:$0x4]  }
0xfc: {  	s0 =	sadd.s32 @!p0 $0x100000, s0  }
0xfd: {  	[sflag:s0] =	ssyncadd.tile.s32 @!p0 $0x1;
	_ =	shalt  }
.Lfunc_end2:
_tile_overlayer_lowered:
.L_overlay_start_2:
0xfe: {  	(tag) =	ssettag $0x2  }
0xff: {  	s0 =	rddreg [dreg:$0x0];
	s2 =	stileid.u32  }
0x100: {  	s1 =	rddreg [dreg:$0x1];
	p0 =	sne.s32 s2, $0x0  }
0x101: {  	s3 =	rddreg [dreg:$0x2];
	[bflag:$0x3] =	sbarrier.arrive $0xFFFF;
	s2 =	simm.s32 @!p0 $0x1C0B  }
0x102: {  	[timem:s3], [sflag:s2] =	dma.local @!p0 [hbm:s0], s1  }
0x103: {  	s0 =	simm.s32 @!p0 $0xB  }
0x104: {  	_ =	swait.ge @!p0 [sflag:s0], s1  }
0x105: {  	s1 =	ssub.s32 @!p0 $0x0, s1;
	[sflag:s0] =	ssyncset.done @!p0 $0x0  }
0x106: {  	[sflag:s0] =	ssyncadd.s32 @!p0 s1  }
0x107: {  	[bflag:$0x3] =	sbarrier.arrive $0xFFFF  }
0x108: {  	_ =	shalt  }

// kernel: kernel.28.cloned.1.call-start
scs
__scs_entry_jumppad:
0x0: {  	(pc) =	sbr.rel $0x88, $3  }
0x1: {  	(tag) =	ssettag $0x0;
	lr =	simm.s32 $0x1  }
0x2: {  	[smem:$0x3F93] =	sst lr;
	_ =	strace $0xD0000000  }
0x3: {  	_ = 	snop  }
0x4: {  	_ = 	snop  }
0x5: {  	_ = 	snop  }
0x6: {  	_ = 	snop  }
0x7: {  	_ = 	snop  }
__scs_overlays_trampoline_lowered:
0x8: {  	[smem:$0x3FA2] =	sst s0  }
0x9: {  	[smem:$0x3FA3] =	sst s1  }
0xa: {  	[smem:$0x3FA4] =	sst s2  }
0xb: {  	[smem:$0x3FA5] =	sst s3  }
0xc: {  	[smem:$0x3FA6] =	sst s4  }
0xd: {  	[smem:$0x3FA7] =	sst s5  }
0xe: {  	[smem:$0x3FA8] =	sst s6  }
0xf: {  	[smem:$0x3FA9] =	sst s7  }
0x10: {  	[smem:$0x3FAA] =	sst s8  }
0x11: {  	[smem:$0x3FAB] =	sst s9;
	s0 =	simm.s32 @!p0 $0x0  }
0x12: {  	s1 =	sld [smem:$0x3F91];
	s0 =	simm.s32 @p0 $0x1  }
0x13: {  	[smem:$0x3FAC] =	sst s0;
	s0 =	simm.s32 @!p1 $0x0  }
0x14: {  	s2 =	sld [smem:$0x3F90];
	s0 =	simm.s32 @p1 $0x1  }
0x15: {  	[smem:$0x3FAD] =	sst s0;
	s0 =	simm.s32 @!p2 $0x0  }
0x16: {  	s3 =	sld [smem:$0x3FDB];
	s0 =	simm.s32 @p2 $0x1  }
0x17: {  	s4 =	simm.s32 $0x1BF5;
	[smem:$0x3FAF] =	sst s0  }
0x18: {  	s0 =	sld [smem:$0x3F92];
	_ =	swait.ge [sflag:s4], $0x0  }
0x19: {  	s7 =	sld [smem:$0x3F93]  }
0x1a: {  	s8 =	sadd.s32 $0xFFFFE003, lr  }
0x1b: {  	s9 =	sadd.s32 $0xFFFFFEF7, lr;
	s5 =	simm.s32 $0xFFFFFFFF;
	p2 =	slt.u32 s8, $0xFFFFF086  }
0x1c: {  	p1 =	slt.u32 s9, $0xF7A;
	s5 =	simm.s32 @!p2 $0x0  }
0x1d: {  	s5 =	simm.s32 @p1 $0x1;
	p0 =	seq.s32 s7, s2  }
0x1e: {  	s7 =	smul.u32 @!p0 $0xF7A, s2;
	p2 =	seq.s32 @!p0 s5, $0x0  }
0x1f: {  	s9 =	smul.u32 $0xF7A, s1;
	s8 =	simm.s32 @!p0 $0x1BF5;
	p2 =	por !p2, p0  }
0x20: {  	[sflag:s8] =	ssyncset.s32 @!p0 $0xFFFFF086;
	s6 =	sadd.s32 @!p0 s3, s7;
	s7 =	simm.s32 @!p0 $0x108  }
0x21: {  	s3 =	sadd.s32 s3, s9;
	s6 =	sadd.s32 @!p0 $0x88, s6;
	s7 =	simm.s32 @p2 $0x1082  }
0x22: {  	[simem:s7], [sflag:s8] =	dma.local @!p0 [hbm:s6], $0xF7A  }
0x23: {  	s9 =	sor.u32 $0xD0000000, s2;
	s6 =	simm.s32 $0x108;
	_ =	swait.ge @!p0 [sflag:s8], $0x0  }
0x24: {  	s3 =	sadd.s32 $0x88, s3;
	s6 =	simm.s32 @!p1 $0x1082;
	[sflag:s4] =	ssyncset.s32 $0xFFFFF086  }
0x25: {  	[simem:s6], [sflag:s4] =	dma.local [hbm:s3], $0xF7A  }
0x26: {  	[smem:$0x3F93] =	sst s1;
	(tag) =	ssettag s2;
	_ =	strace s9  }
0x27: {  	s1 =	sld [smem:$0x3FA3]  }
0x28: {  	s2 =	sld [smem:$0x3FA4]  }
0x29: {  	s4 =	sld [smem:$0x3FA6]  }
0x2a: {  	p0 =	seq.s32 s5, $0x0;
	s5 =	sld [smem:$0x3FA7]  }
0x2b: {  	s6 =	sld [smem:$0x3FA8]  }
0x2c: {  	s7 =	sld [smem:$0x3FA9]  }
0x2d: {  	s3 =	simm.s32 $0x108;
	s8 =	sld [smem:$0x3FAA]  }
0x2e: {  	s3 =	simm.s32 @!p0 $0x1082;
	s9 =	sld [smem:$0x3FAB]  }
0x2f: {  	lr =	sadd.s32 s0, s3;
	s0 =	sld [smem:$0x3FA2]  }
0x30: {  	s3 =	sld [smem:$0x3FA5]  }
0x31: {  	[smem:$0x3FAE] =	sst s10  }
0x32: {  	s10 =	sld [smem:$0x3FAC];
	_ =	sdelay $0x3  }
0x33: {  	p0 =	seq.s32 s10, $0x1;
	s10 =	sld [smem:$0x3FAE];
	_ =	sdelay $0x3  }
0x34: {  	[smem:$0x3FAE] =	sst s10  }
0x35: {  	s10 =	sld [smem:$0x3FAD];
	_ =	sdelay $0x3  }
0x36: {  	p1 =	seq.s32 s10, $0x1;
	s10 =	sld [smem:$0x3FAE];
	_ =	sdelay $0x3  }
0x37: {  	[smem:$0x3FAE] =	sst s10  }
0x38: {  	s10 =	sld [smem:$0x3FAF]  }
0x39: {  	_ = 	snop;
	(pc) =	sbr.ind lr, $3  }
0x3a: {  	_ = 	snop  }
0x3b: {  	_ = 	snop  }
0x3c: {  	p2 =	seq.s32 s10, $0x1;
	s10 =	sld [smem:$0x3FAE]  }
0x3d: {  	_ =	shalt  }
0x3e: {  	_ =	shalt  }
0x3f: {  	_ =	shalt  }
0x40: {  	_ =	shalt  }
0x41: {  	_ =	shalt  }
0x42: {  	_ =	shalt  }
0x43: {  	_ =	shalt  }
0x44: {  	_ =	shalt  }
0x45: {  	_ =	shalt  }
0x46: {  	_ =	shalt  }
0x47: {  	_ =	shalt  }
0x48: {  	_ =	shalt  }
0x49: {  	_ =	shalt  }
0x4a: {  	_ =	shalt  }
0x4b: {  	_ =	shalt  }
0x4c: {  	_ =	shalt  }
0x4d: {  	_ =	shalt  }
0x4e: {  	_ =	shalt  }
0x4f: {  	_ =	shalt  }
0x50: {  	_ =	shalt  }
0x51: {  	_ =	shalt  }
0x52: {  	_ =	shalt  }
0x53: {  	_ =	shalt  }
0x54: {  	_ =	shalt  }
0x55: {  	_ =	shalt  }
0x56: {  	_ =	shalt  }
0x57: {  	_ =	shalt  }
0x58: {  	_ =	shalt  }
0x59: {  	_ =	shalt  }
0x5a: {  	_ =	shalt  }
0x5b: {  	_ =	shalt  }
0x5c: {  	_ =	shalt  }
0x5d: {  	_ =	shalt  }
0x5e: {  	_ =	shalt  }
0x5f: {  	_ =	shalt  }
0x60: {  	_ =	shalt  }
0x61: {  	_ =	shalt  }
0x62: {  	_ =	shalt  }
0x63: {  	_ =	shalt  }
0x64: {  	_ =	shalt  }
0x65: {  	_ =	shalt  }
0x66: {  	_ =	shalt  }
0x67: {  	_ =	shalt  }
0x68: {  	_ =	shalt  }
0x69: {  	_ =	shalt  }
0x6a: {  	_ =	shalt  }
0x6b: {  	_ =	shalt  }
0x6c: {  	_ =	shalt  }
0x6d: {  	_ =	shalt  }
0x6e: {  	_ =	shalt  }
0x6f: {  	_ =	shalt  }
0x70: {  	_ =	shalt  }
0x71: {  	_ =	shalt  }
0x72: {  	_ =	shalt  }
0x73: {  	_ =	shalt  }
0x74: {  	_ =	shalt  }
0x75: {  	_ =	shalt  }
0x76: {  	_ =	shalt  }
0x77: {  	_ =	shalt  }
0x78: {  	_ =	shalt  }
0x79: {  	_ =	shalt  }
0x7a: {  	_ =	shalt  }
0x7b: {  	_ =	shalt  }
0x7c: {  	_ =	shalt  }
0x7d: {  	_ =	shalt  }
0x7e: {  	_ =	shalt  }
0x7f: {  	_ =	shalt  }
0x80: {  	_ =	shalt  }
0x81: {  	_ =	shalt  }
0x82: {  	_ =	shalt  }
0x83: {  	_ =	shalt  }
0x84: {  	_ =	shalt  }
0x85: {  	_ =	shalt  }
0x86: {  	_ =	shalt  }
0x87: {  	_ =	shalt  }
.Lfunc_end0:
.L_simem_size_0:
called_computation.4_lowered:
.L_overlay_start_0:
0x88: {  	s2 =	sld [smem:$0x3FD9]  }
0x89: {  	s3 =	sld [smem:$0x3FFE];
	_ =	sdelay $0x1  }
0x8a: {  	s1 =	srdreg.scid  }
0x8b: {  	s0 =	sand.u32 $0x1, s1  }
0x8c: {  	s14 =	sshll.u32 s0, $0xA;
	s2 =	sadd.s32 s3, s2  }
0x8d: {  	s2 =	sadd.s32 s2, s14  }
0x8e: {  	[smem:$0x3FBA] =	sst s2  }
0x8f: {  	_ = 	snop  }
0x90: {  	s2 =	sld [smem:$0x3FD0];
	_ =	sdelay $0x2  }
0x91: {  	s15 =	simm.s32 $0xA;
	s4 =	simm.s32 $0x10  }
0x92: {  	[smem:s4], [sflag:s15] =	dma.local [hbm:s2], $0x1  }
0x93: {  	_ =	swait.eq [sflag:s15], $0x1  }
0x94: {  	[sflag:s15] =	ssyncset.done $0x0  }
0x95: {  	s16 =	sld [smem:$0x10];
	[sflag:s15] =	ssyncadd.s32 $0xFFFFFFFF  }
0x96: {  	s17 =	sld [smem:$0x11];
	(tm) =	ssettm $0x1  }
0x97: {  	s18 =	sld [smem:$0x3FFB];
	_ =	sdelay $0x3  }
0x98: {  	_ =	strace s18  }
0x99: {  	s4 =	sld [smem:$0x3FFC];
	_ =	sdelay $0x3  }
0x9a: {  	_ =	strace s4  }
0x9b: {  	s4 =	sld [smem:$0x3FFD];
	_ =	sdelay $0x3  }
0x9c: {  	_ =	strace s4  }
0x9d: {  	_ =	strace $0x8FFFFFFF  }
0x9e: {  	s19 =	sld [smem:$0x3FDB];
	_ =	sdelay $0x1  }
0x9f: {  	s5 =	simm.s32 $_scs_section_size  }
0xa0: {  	s6 =	simm.s32 $_size__tile_overlayer_lowered;
	s7 =	simm.s32 $_tile_overlayer_lowered  }
0xa1: {  	s22 =	simm.s32 $0x1BFF;
	s21 =	sshll.u32 s7, $0x1;
	s4 =	sadd.s32 s5, s19  }
0xa2: {  	s8 =	simm.s32 $0x0;
	s20 =	sshll.u32 s6, $0x1;
	s6 =	sadd.s32 s21, s4  }
0xa3: {  	[timem:s8], [sflag:s22] =	dma.local [hbm:s6], s20  }
0xa4: {  	_ =	swait.ge [sflag:s22], s20  }
0xa5: {  	s5 =	ssub.s32 $0x0, s20;
	[sflag:s22] =	ssyncset.done $0x0  }
0xa6: {  	[sflag:s22] =	ssyncadd.s32 s5;
	_ =	sdelay $0x1  }
0xa7: {  	s23 =	simm.s32 $0x1B8B  }
0xa8: {  	_ =	swait.ge [sflag:s23], $0x1  }
0xa9: {  	[sflag:s23] =	ssyncset.done $0x0  }
0xaa: {  	s25 =	simm.s32 $0x1B8E;
	s24 =	sld [smem:$0x3FFE];
	[sflag:s23] =	ssyncadd.s32 $0xFFFFFFFF  }
0xab: {  	s26 =	simm.s32 $execute0_lowered;
	[smem:$0x3FD2] =	sst s25  }
0xac: {  	s6 =	sshll.u32 s26, $0x1;
	_ =	strace $0x80000052;
	[dreg:$0x1] =	wrdreg $0xFFFFFFFF  }
0xad: {  	s28 =	simm.s32 $_size_execute0_lowered;
	s4 =	sadd.s32 s4, s6;
	[dreg:$0x0] =	wrdreg $0x0  }
0xae: {  	s6 =	sshll.u32 s28, $0x1;
	[dreg:$0x2] =	wrdreg s4  }
0xaf: {  	[dreg:$0x3] =	wrdreg s6  }
0xb0: {  	[dreg:$0x4] =	wrdreg $0xC0  }
0xb1: {  	_ =	task [dreg:s8], $0x5FFFF  }
0xb2: {  	[dreg:$0x1] =	wrdreg $0xFFFFFFFF  }
0xb3: {  	[dreg:$0x0] =	wrdreg $0x60  }
0xb4: {  	[dreg:$0x2] =	wrdreg s16  }
0xb5: {  	[dreg:$0x3] =	wrdreg s24  }
0xb6: {  	[dreg:$0x4] =	wrdreg s17  }
0xb7: {  	[dreg:$0x5] =	wrdreg $0x0  }
0xb8: {  	[dreg:$0x6] =	wrdreg $0x139000  }
0xb9: {  	[dreg:$0x7] =	wrdreg $0x9  }
0xba: {  	_ =	task.clear_ibuf [dreg:s8], $0x8FFFF;
	_ =	strace $0x90000052  }
0xbb: {  	s29 =	simm.s32 $0x9;
	_ =	strace $0x80000054  }
0xbc: {  	_ =	swait.ge [sflag:s29], $0x1  }
0xbd: {  	[sflag:s29] =	ssyncadd.s32 $0xFFFFFFFF  }
0xbe: {  	_ =	strace $0x90000054  }
0xbf: {  	_ =	sfence  }
0xc0: {  	s30 =	sld [smem:$0x0];
	_ =	sdelay $0x2  }
0xc1: {  	s31 =	sshll.u32 s1, $0xD;
	s1 =	sshrl.u32 s1, $0x2  }
0xc2: {  	s3 =	sand.u32 $0x4000, s31;
	s1 =	sadd.s32 s1, s30  }
0xc3: {  	s0 =	sor.u32 s3, s0;
	s1 =	sshll.u32 s1, $0x11  }
0xc4: {  	s0 =	sor.u32 s1, s0  }
0xc5: {  	s0 =	sadd.s32 $0x8F2B, s0  }
0xc6: {  	[sflag:s0] =	ssyncadd.remote.s32 $0x1  }
0xc7: {  	_ =	sfence.sel $0xFFFF  }
0xc8: {  	[dreg:$0x0] =	wrdreg $0xFFFFFFFF;
	(pc) =	sbr.abs _section_cstart, $3  }
0xc9: {  	[dreg:$0x1] =	wrdreg $0xFFFFFFFF  }
0xca: {  	_ =	task.clear_ibuf [dreg:s8], $0x2FFFF;
	_ =	strace $0x9FFFFFFF  }
0xcb: {  	(tm) =	ssettm $0x7FFFFFFF  }
tec
execute0_lowered:
.L_overlay_start_1:
0x0: {  	(tag) =	ssettag $0x1  }
0x1: {  	s1 =	rddreg [dreg:$0x0]  }
0x2: {  	s0 =	rddreg [dreg:$0x1]  }
0x3: {  	s2 =	rddreg [dreg:$0x2]  }
0x4: {  	s3 =	rddreg [dreg:$0x3]  }
0x5: {  	s4 =	rddreg [dreg:$0x4];
	s5 =	simm.s32 $0x0;
	s16 =	stileid.u32  }
0x6: {  	s7 =	srdreg.scid;
	s28 =	simm.s32 $0x70;
	s29 =	simm.s32 $0x162C0  }
0x7: {  	s30 =	simm.s32 $0x1D2C0;
	s31 =	simm.s32 $0x16100;
	[smem:$0x7FF] =	sst s5  }
0x8: {  	s8 =	smul.u32 $0x13800, s16;
	s6 =	sadd.s32 $0x1A000, s0;
	s10 =	sand.u32 $0x1, s7  }
0x9: {  	s7 =	sadd.s32 $0x6400, s0;
	s12 =	sadd.s32 $0x136E00, s0;
	s13 =	sadd.s32 $0x73600, s0  }
0xa: {  	s15 =	smul.u32 $0x2700, s16;
	s17 =	sadd.s32 $0x124800, s3;
	s22 =	sadd.s32 $0x24900, s4  }
0xb: {  	s23 =	smul.u32 $0x270, s16;
	_ =	strace $0x80000053;
	s11 =	ssub.s32 $0x2, s10  }
0xc: {  	s20 =	sshll.u32 s10, $0x4;
	[dreg:$0x9] =	wrdreg s17;
	s10 =	smul.u32 $0x2710, s10  }
0xd: {  	p0 =	seq.s32 s16, $0xF;
	[dreg:$0xc] =	wrdreg s22;
	s22 =	smul.u32 $0x9C00, s16  }
0xe: {  	s17 =	simm.s32 $0x16250;
	s9 =	sshrl.u32 s8, $0x3;
	s14 =	sshrl.u32 s11, $0x1  }
0xf: {  	s8 =	sadd.s32 s8, s3;
	s9 =	sadd.s32 s9, s0;
	s11 =	ssub.s32 s11, s14  }
0x10: {  	s14 =	sor.u32 s16, s20;
	s0 =	sadd.s32 $0x10D300, s0;
	s18 =	sadd.s32 $0x2490, s10  }
0x11: {  	s20 =	smul.u32 $0x4E000, s16;
	s16 =	simm.s32 $0x4;
	s9 =	sadd.s32 $0xE8A00, s9  }
0x12: {  	[dreg:$0x8] =	wrdreg s9;
	s9 =	sadd.s32 s15, s4;
	s15 =	sshrl.u32 s15, $0x3  }
0x13: {  	[dreg:$0xb] =	wrdreg s0;
	s21 =	smul.u32 $0x4EC0, s14;
	s15 =	sadd.s32 s2, s15  }
0x14: {  	s14 =	simm.s32 $0x6;
	s2 =	sadd.s32 $0x4920, s2;
	[dreg:$0xa] =	wrdreg s15  }
0x15: {  	s24 =	sshrl.u32 s21, $0x3;
	s25 =	sadd.s32 $0x1C0, s21;
	[dreg:$0xd] =	wrdreg s2  }
0x16: {  	s0 =	sadd.s32 $0x2A0, s21;
	s21 =	sshll.u32 s18, $0x4;
	[dreg:$0x6] =	wrdreg s25  }
0x17: {  	s26 =	sadd.s32 s7, s24;
	[dreg:$0x7] =	wrdreg s0;
	s2 =	sadd.s32 s23, s10  }
0x18: {  	s24 =	sshrl.u32 s20, $0x2;
	s25 =	sshrl.u32 s22, $0x2;
	s15 =	simm.s32 $0x9  }
0x19: {  	s20 =	simm.s32 $0x0;
	s19 =	sshll.u32 s2, $0x4;
	[dreg:$0xe] =	wrdreg s26  }
0x1a: {  	s23 =	sadd.s32 $0x1C, s26;
	s0 =	sshll.u32 s2, $0x1;
	s2 =	sshll.u32 s18, $0x1  }
0x1b: {  	s26 =	smax.u32 s11, $0x1;
	s11 =	simm.s32 $0x161E0;
	[dreg:$0x11] =	wrdreg s23  }
0x1c: {  	s10 =	sadd.s32 s12, s19;
	s12 =	sadd.s32 s12, s21;
	[dreg:$0x14] =	wrdreg s26  }
0x1d: {  	s0 =	sadd.s32 s13, s0;
	s2 =	sadd.s32 s13, s2;
	[dreg:$0xf] =	wrdreg s10  }
0x1e: {  	s23 =	simm.s32 $0x16020;
	s13 =	simm.s32 $0x7;
	[dreg:$0x10] =	wrdreg s12  }
0x1f: {  	s12 =	sadd.s32 s24, s3;
	[dreg:$0x12] =	wrdreg s0;
	s0 =	sadd.s32 s25, s4  }
0x20: {  	[dreg:$0x13] =	wrdreg s2;
	s2 =	sshrl.u32 @!p0 s8, $0x3;
	s8 =	simm.s32 $0x1D9C0  }
0x21: {  	s10 =	simm.s32 $0x5;
	[dreg:$0x15] =	wrdreg s2;
	s2 =	sshrl.u32 @!p0 s9, $0x3  }
0x22: {  	s0 =	sshrl.u32 @!p0 s0, $0x3;
	s9 =	simm.s32 $0x3;
	[dreg:$0x16] =	wrdreg s2  }
0x23: {  	s2 =	sshrl.u32 @!p0 s12, $0x3;
	[dreg:$0x18] =	wrdreg s0;
	s0 =	simm.s32 $0x2  }
0x24: {  	s12 =	simm.s32 $0x1;
	[dreg:$0x17] =	wrdreg s2;
	s2 =	simm.s32 $0x19AC0  }
.LBB2_1:
0x25: {  	s18 =	rddreg [dreg:$0x9]  }
0x26: {  	s19 =	rddreg [dreg:$0xb];
	s21 =	sshrl.u32 @p0 s18, $0x3  }
0x27: {  	s18 =	simm.s32 @p0 $0x1FCB;
	[dreg:$0x19] =	wrdreg s21  }
0x28: {  	[spmem:s21], [sflag:s18] =	dma.local @p0 [hbm:s19], $0x2900  }
0x29: {  	s21 =	simm.s32 @p0 $0xB  }
0x2a: {  	_ =	swait.ge @p0 [sflag:s21], $0x2900  }
0x2b: {  	[sflag:s21] =	ssyncset.done @p0 $0x0;
	s19 =	rddreg [dreg:$0xc]  }
0x2c: {  	[sflag:s21] =	ssyncadd.s32 @p0 $0xFFFFD700;
	s24 =	sshrl.u32 @p0 s19, $0x3;
	s19 =	rddreg [dreg:$0xd]  }
0x2d: {  	[spmem:s24], [sflag:s18] =	dma.local @p0 [hbm:s19], $0x520  }
0x2e: {  	s18 =	stileid.u32;
	_ =	swait.ge @p0 [sflag:s21], $0x520  }
0x2f: {  	s18 =	sshll.u32 @!p0 s18, $0x6;
	[sflag:s21] =	ssyncset.done @p0 $0x0;
	s19 =	rddreg [dreg:$0x15]  }
0x30: {  	[sflag:s21] =	ssyncadd.s32 @p0 $0xFFFFFAE0;
	s21 =	sor.u32 @!p0 $0x1C0B, s18;
	s18 =	rddreg [dreg:$0x8]  }
0x31: {  	[spmem:s19], [sflag:s21] =	dma.local @!p0 [hbm:s18], $0x2700  }
0x32: {  	s18 =	simm.s32 @!p0 $0xB  }
0x33: {  	_ =	swait.ge @!p0 [sflag:s18], $0x2700  }
0x34: {  	[sflag:s18] =	ssyncset.done @!p0 $0x0;
	s19 =	rddreg [dreg:$0xa]  }
0x35: {  	s22 =	rddreg [dreg:$0x16];
	[sflag:s18] =	ssyncadd.s32 @!p0 $0xFFFFD900  }
0x36: {  	[spmem:s22], [sflag:s21] =	dma.local @!p0 [hbm:s19], $0x4E0  }
0x37: {  	_ =	swait.ge @!p0 [sflag:s18], $0x4E0  }
0x38: {  	[sflag:s18] =	ssyncset.done @!p0 $0x0  }
0x39: {  	[sflag:s18] =	ssyncadd.s32 @!p0 $0xFFFFFB20  }
0x3a: {  	[bflag:$0x0] =	sbarrier.arrive $0xFFFF  }
0x3b: {  	s25 =	simm.s32 $0xB;
	s22 =	rddreg [dreg:$0xe]  }
0x3c: {  	[tilespmem:s23], [sflag:$0xB] =	stream.linear.gather [hbm4b:s22+s5], $0xE0, $0x38;
	[tilespmem:$0x1E0C0] =	vst v63  }
0x3d: {  	_ =	swait.ge [sflag:s25], $0xE0  }
0x3e: {  	[sflag:s25] =	ssyncset.done $0x0  }
0x3f: {  	[sflag:s25] =	ssyncadd.s32 $0xFFFFFF20  }
0x40: {  	[tilespmem:s29], [sflag:$0x3] =	stream.indirect.gather [hbm4b:s1+s28], $0x80, s23, s28, $0xb8;
	[tilespmem:$0x1E0C0] =	vst v63  }
0x41: {  	_ = 	snop  }
0x42: {  	[tilespmem:s30], [sflag:$0x5] =	stream.indirect.gather [hbm4b:s6+s28], $0x10, s23, s28, $0xb8;
	[tilespmem:$0x1E0C0] =	vst v63  }
0x43: {  	s26 =	rddreg [dreg:$0x11]  }
0x44: {  	[tilespmem:s31], [sflag:$0x2] =	stream.linear.gather [hbm4b:s26+s5], $0xE0, $0x38;
	[tilespmem:$0x1E0C0] =	vst v63  }
0x45: {  	_ =	swait.ge [sflag:s0], $0xE0  }
0x46: {  	p1 =	por $0x1, $0x1;
	[sflag:s0] =	ssyncset.done $0x0  }
0x47: {  	s18 =	simm.s32 @!p1 $0x8;
	[sflag:s0] =	ssyncadd.s32 $0xFFFFFF20  }
0x48: {  	_ =	swait.ge @!p1 [sflag:s18], $0x3800  }
0x49: {  	[sflag:s18] =	ssyncset.done @!p1 $0x0  }
0x4a: {  	[sflag:s18] =	ssyncadd.s32 @!p1 $0xFFFFC800;
	s18 =	simm.s32 @!p1 $0xA  }
0x4b: {  	_ =	swait.ge @!p1 [sflag:s18], $0x700  }
0x4c: {  	[sflag:s18] =	ssyncset.done @!p1 $0x0  }
0x4d: {  	s25 =	simm.s32 $0x0;
	s26 =	simm.s32 $0x2;
	[sflag:s18] =	ssyncadd.s32 @!p1 $0xFFFFF900  }
0x4e: {  	[tilespmem:s2], [sflag:$0x4] =	stream.indirect.gather [hbm4b:s1+s28], $0x80, s31, s28, $0xb8;
	[tilespmem:$0x1E0C0] =	vst v63  }
.LBB2_2:
0x4f: {  	[tilespmem:s8], [sflag:$0x6] =	stream.indirect.gather [hbm4b:s6+s28], $0x10, s31, s28, $0xb8;
	[tilespmem:$0x1E0C0] =	vst v63  }
0x50: {  	_ =	swait.ge [sflag:s9], $0x3800  }
0x51: {  	[sflag:s9] =	ssyncset.done $0x0  }
0x52: {  	[sflag:s9] =	ssyncadd.s32 $0xFFFFC800  }
0x53: {  	_ =	swait.ge [sflag:s10], $0x700  }
0x54: {  	[sflag:s10] =	ssyncset.done $0x0  }
0x55: {  	[sflag:s10] =	ssyncadd.s32 $0xFFFFF900  }
0x56: {  	v0 =	vld [tilespmem:$0x160E0]  }
0x57: {  	v1 =	vld [tilespmem:$0x160C0]  }
0x58: {  	v2 =	vld [tilespmem:$0x16090]  }
0x59: {  	v3 =	vld [tilespmem:$0x160A0]  }
0x5a: {  	v4 =	vld [tilespmem:$0x160F0]  }
0x5b: {  	v5 =	vld [tilespmem:$0x160D0];
	[tilespmem:$0x16230] =	vst v0  }
0x5c: {  	v56 =	vld [tilespmem:$0x160B0];
	[tilespmem:$0x16210] =	vst v1  }
0x5d: {  	[tilespmem:$0x161E0] =	vst v2  }
0x5e: {  	s19 =	smin.u32 s25, $0x57;
	[tilespmem:$0x161F0] =	vst v3  }
0x5f: {  	s19 =	smul.u32 $0xE0, s19;
	[tilespmem:$0x16240] =	vst v4  }
0x60: {  	s22 =	rddreg [dreg:$0x6];
	[tilespmem:$0x16220] =	vst v5  }
0x61: {  	s19 =	sadd.s32 s19, s22;
	[tilespmem:$0x16200] =	vst v56  }
0x62: {  	[spmem:s3] =	stream.indirect.scatter.add.f32 [tilespmem:s29], [sflag:$0x7], $0x80, s11, s28, $0xb8;
	[tilespmem:$0x1E0C0] =	vst v63  }
0x63: {  	s19 =	sshrl.u32 s19, $0x3  }
0x64: {  	[spmem:s4] =	stream.indirect.scatter.add.f32 [tilespmem:s30], [sflag:$0x9], $0x10, s11, s28, $0xb8;
	[tilespmem:$0x1E0C0] =	vst v63  }
0x65: {  	s19 =	sadd.s32 s7, s19  }
0x66: {  	[tilespmem:s23], [sflag:$0x1] =	stream.linear.gather [hbm4b:s19+s5], $0xE0, $0x38;
	[tilespmem:$0x1E0C0] =	vst v63  }
0x67: {  	_ =	swait.ge [sflag:s12], $0xE0  }
0x68: {  	[sflag:s12] =	ssyncset.done $0x0  }
0x69: {  	[sflag:s12] =	ssyncadd.s32 $0xFFFFFF20  }
0x6a: {  	_ =	swait.ge [sflag:s13], $0x3800  }
0x6b: {  	[sflag:s13] =	ssyncset.done $0x0  }
0x6c: {  	[sflag:s13] =	ssyncadd.s32 $0xFFFFC800  }
0x6d: {  	_ =	swait.ge [sflag:s15], $0x700  }
0x6e: {  	[sflag:s15] =	ssyncset.done $0x0  }
0x6f: {  	[sflag:s15] =	ssyncadd.s32 $0xFFFFF900  }
0x70: {  	[tilespmem:s29], [sflag:$0x3] =	stream.indirect.gather [hbm4b:s1+s28], $0x80, s23, s28, $0xb8;
	[tilespmem:$0x1E0C0] =	vst v63  }
0x71: {  	_ = 	snop  }
0x72: {  	[tilespmem:s30], [sflag:$0x5] =	stream.indirect.gather [hbm4b:s6+s28], $0x10, s23, s28, $0xb8;
	[tilespmem:$0x1E0C0] =	vst v63  }
0x73: {  	_ =	swait.ge [sflag:s16], $0x3800  }
0x74: {  	[sflag:s16] =	ssyncset.done $0x0  }
0x75: {  	[sflag:s16] =	ssyncadd.s32 $0xFFFFC800  }
0x76: {  	_ =	swait.ge [sflag:s14], $0x700  }
0x77: {  	[sflag:s14] =	ssyncset.done $0x0  }
0x78: {  	[sflag:s14] =	ssyncadd.s32 $0xFFFFF900  }
0x79: {  	v57 =	vld [tilespmem:$0x16170]  }
0x7a: {  	v58 =	vld [tilespmem:$0x161D0]  }
0x7b: {  	v59 =	vld [tilespmem:$0x161B0]  }
0x7c: {  	v60 =	vld [tilespmem:$0x161A0]  }
0x7d: {  	v61 =	vld [tilespmem:$0x161C0]  }
0x7e: {  	v62 =	vld [tilespmem:$0x16180];
	[tilespmem:$0x16250] =	vst v57  }
0x7f: {  	v63 =	vld [tilespmem:$0x16190];
	[tilespmem:$0x162B0] =	vst v58  }
0x80: {  	[tilespmem:$0x16290] =	vst v59  }
0x81: {  	s25 =	smin.u32 s25, $0x56;
	[tilespmem:$0x16280] =	vst v60  }
0x82: {  	s19 =	smul.u32 $0xE0, s25;
	[tilespmem:$0x162A0] =	vst v61  }
0x83: {  	s22 =	rddreg [dreg:$0x7];
	[tilespmem:$0x16260] =	vst v62  }
0x84: {  	s18 =	smov.u32 s26;
	s22 =	sadd.s32 s19, s22;
	[tilespmem:$0x16270] =	vst v63  }
0x85: {  	[spmem:s3] =	stream.indirect.scatter.add.f32 [tilespmem:s2], [sflag:$0x8], $0x80, s17, s28, $0xb8;
	[tilespmem:$0x1E0C0] =	vst v63  }
0x86: {  	s25 =	smov.u32 s18;
	s18 =	sshrl.u32 s22, $0x3  }
0x87: {  	[spmem:s4] =	stream.indirect.scatter.add.f32 [tilespmem:s8], [sflag:$0xA], $0x10, s17, s28, $0xb8;
	[tilespmem:$0x1E0C0] =	vst v63  }
0x88: {  	s18 =	sadd.s32 s7, s18  }
0x89: {  	[tilespmem:s31], [sflag:$0x2] =	stream.linear.gather [hbm4b:s18+s5], $0xE0, $0x38;
	[tilespmem:$0x1E0C0] =	vst v63  }
0x8a: {  	_ =	swait.ge [sflag:s0], $0xE0  }
0x8b: {  	p2 =	seq.s32 s25, $0x0;
	[sflag:s0] =	ssyncset.done $0x0  }
0x8c: {  	s18 =	simm.s32 @!p2 $0x8;
	[sflag:s0] =	ssyncadd.s32 $0xFFFFFF20  }
0x8d: {  	s26 =	sadd.s32 $0x2, s26;
	_ =	swait.ge @!p2 [sflag:s18], $0x3800  }
0x8e: {  	p1 =	sne.s32 s26, $0x5A;
	[sflag:s18] =	ssyncset.done @!p2 $0x0  }
.Ltmp0:
0x8f: {  	[sflag:s18] =	ssyncadd.s32 @!p2 $0xFFFFC800;
	s18 =	simm.s32 @!p2 $0xA;
	(pc) =	sbr.rel @p1 .LBB2_2-.Ltmp0, $4  }
0x90: {  	_ =	swait.ge @!p2 [sflag:s18], $0x700  }
0x91: {  	[sflag:s18] =	ssyncset.done @!p2 $0x0  }
0x92: {  	[sflag:s18] =	ssyncadd.s32 @!p2 $0xFFFFF900  }
0x93: {  	[tilespmem:s2], [sflag:$0x4] =	stream.indirect.gather [hbm4b:s1+s28], $0x80, s31, s28, $0xb8;
	[tilespmem:$0x1E0C0] =	vst v63  }
0x94: {  	[tilespmem:s8], [sflag:$0x6] =	stream.indirect.gather [hbm4b:s6+s28], $0x10, s31, s28, $0xb8;
	[tilespmem:$0x1E0C0] =	vst v63  }
0x95: {  	_ =	swait.ge [sflag:s9], $0x3800  }
0x96: {  	[sflag:s9] =	ssyncset.done $0x0  }
0x97: {  	[sflag:s9] =	ssyncadd.s32 $0xFFFFC800  }
0x98: {  	_ =	swait.ge [sflag:s10], $0x700  }
0x99: {  	[sflag:s10] =	ssyncset.done $0x0  }
0x9a: {  	[sflag:s10] =	ssyncadd.s32 $0xFFFFF900  }
0x9b: {  	v0 =	vld [tilespmem:$0x160E0]  }
0x9c: {  	v1 =	vld [tilespmem:$0x160C0]  }
0x9d: {  	v2 =	vld [tilespmem:$0x16090]  }
0x9e: {  	v3 =	vld [tilespmem:$0x160A0]  }
0x9f: {  	v4 =	vld [tilespmem:$0x160F0]  }
0xa0: {  	v5 =	vld [tilespmem:$0x160D0];
	[tilespmem:$0x16230] =	vst v0  }
0xa1: {  	v56 =	vld [tilespmem:$0x160B0];
	[tilespmem:$0x16210] =	vst v1  }
0xa2: {  	[tilespmem:$0x161E0] =	vst v2  }
0xa3: {  	s18 =	smin.u32 s25, $0x57;
	[tilespmem:$0x161F0] =	vst v3  }
0xa4: {  	s18 =	smul.u32 $0xE0, s18;
	[tilespmem:$0x16240] =	vst v4  }
0xa5: {  	s19 =	rddreg [dreg:$0x6];
	[tilespmem:$0x16220] =	vst v5  }
0xa6: {  	s18 =	sadd.s32 s18, s19;
	[tilespmem:$0x16200] =	vst v56  }
0xa7: {  	[spmem:s3] =	stream.indirect.scatter.add.f32 [tilespmem:s29], [sflag:$0x7], $0x80, s11, s28, $0xb8;
	[tilespmem:$0x1E0C0] =	vst v63  }
0xa8: {  	s18 =	sshrl.u32 s18, $0x3  }
0xa9: {  	[spmem:s4] =	stream.indirect.scatter.add.f32 [tilespmem:s30], [sflag:$0x9], $0x10, s11, s28, $0xb8;
	[tilespmem:$0x1E0C0] =	vst v63  }
0xaa: {  	s18 =	sadd.s32 s7, s18  }
0xab: {  	[tilespmem:s23], [sflag:$0x1] =	stream.linear.gather [hbm4b:s18+s5], $0xE0, $0x38;
	[tilespmem:$0x1E0C0] =	vst v63  }
0xac: {  	_ =	swait.ge [sflag:s12], $0xE0  }
0xad: {  	[sflag:s12] =	ssyncset.done $0x0  }
0xae: {  	[sflag:s12] =	ssyncadd.s32 $0xFFFFFF20  }
0xaf: {  	_ =	swait.ge [sflag:s13], $0x3800  }
0xb0: {  	[sflag:s13] =	ssyncset.done $0x0  }
0xb1: {  	[sflag:s13] =	ssyncadd.s32 $0xFFFFC800  }
0xb2: {  	_ =	swait.ge [sflag:s15], $0x700  }
0xb3: {  	[sflag:s15] =	ssyncset.done $0x0  }
0xb4: {  	[sflag:s15] =	ssyncadd.s32 $0xFFFFF900  }
0xb5: {  	[tilespmem:s29], [sflag:$0x3] =	stream.indirect.gather [hbm4b:s1+s28], $0x80, s23, s28, $0xb8;
	[tilespmem:$0x1E0C0] =	vst v63  }
0xb6: {  	_ = 	snop  }
0xb7: {  	[tilespmem:s30], [sflag:$0x5] =	stream.indirect.gather [hbm4b:s6+s28], $0x10, s23, s28, $0xb8;
	[tilespmem:$0x1E0C0] =	vst v63  }
0xb8: {  	_ =	swait.ge [sflag:s16], $0x3800  }
0xb9: {  	[sflag:s16] =	ssyncset.done $0x0  }
0xba: {  	[sflag:s16] =	ssyncadd.s32 $0xFFFFC800  }
0xbb: {  	_ =	swait.ge [sflag:s14], $0x700  }
0xbc: {  	[sflag:s14] =	ssyncset.done $0x0  }
0xbd: {  	[sflag:s14] =	ssyncadd.s32 $0xFFFFF900  }
0xbe: {  	v57 =	vld [tilespmem:$0x16170]  }
0xbf: {  	v58 =	vld [tilespmem:$0x161D0]  }
0xc0: {  	v59 =	vld [tilespmem:$0x161B0]  }
0xc1: {  	v60 =	vld [tilespmem:$0x161A0]  }
0xc2: {  	v61 =	vld [tilespmem:$0x161C0]  }
0xc3: {  	v62 =	vld [tilespmem:$0x16180];
	[tilespmem:$0x16250] =	vst v57  }
0xc4: {  	v63 =	vld [tilespmem:$0x16190];
	[tilespmem:$0x162B0] =	vst v58  }
0xc5: {  	[tilespmem:$0x16290] =	vst v59  }
0xc6: {  	s25 =	smin.u32 s25, $0x56;
	[tilespmem:$0x16280] =	vst v60  }
0xc7: {  	s18 =	smul.u32 $0xE0, s25;
	[tilespmem:$0x162A0] =	vst v61  }
0xc8: {  	s26 =	rddreg [dreg:$0x7];
	[tilespmem:$0x16260] =	vst v62  }
0xc9: {  	s18 =	sadd.s32 s18, s26;
	[tilespmem:$0x16270] =	vst v63  }
0xca: {  	[spmem:s3] =	stream.indirect.scatter.add.f32 [tilespmem:s2], [sflag:$0x8], $0x80, s17, s28, $0xb8;
	[tilespmem:$0x1E0C0] =	vst v63  }
0xcb: {  	s18 =	sshrl.u32 s18, $0x3  }
0xcc: {  	[spmem:s4] =	stream.indirect.scatter.add.f32 [tilespmem:s8], [sflag:$0xA], $0x10, s17, s28, $0xb8;
	[tilespmem:$0x1E0C0] =	vst v63  }
0xcd: {  	s18 =	sadd.s32 s7, s18  }
0xce: {  	[tilespmem:s31], [sflag:$0x2] =	stream.linear.gather [hbm4b:s18+s5], $0xE0, $0x38;
	[tilespmem:$0x1E0C0] =	vst v63  }
0xcf: {  	_ =	swait.ge [sflag:s0], $0xE0  }
0xd0: {  	[sflag:s0] =	ssyncset.done $0x0  }
0xd1: {  	[sflag:s0] =	ssyncadd.s32 $0xFFFFFF20  }
0xd2: {  	_ =	swait.ge [sflag:s9], $0x3800  }
0xd3: {  	[sflag:s9] =	ssyncset.done $0x0  }
0xd4: {  	[sflag:s9] =	ssyncadd.s32 $0xFFFFC800  }
0xd5: {  	_ =	swait.ge [sflag:s10], $0x700  }
0xd6: {  	[sflag:s10] =	ssyncset.done $0x0  }
0xd7: {  	s22 =	simm.s32 $0x8;
	[sflag:s10] =	ssyncadd.s32 $0xFFFFF900  }
0xd8: {  	_ =	swait.ge [sflag:s22], $0x3800  }
0xd9: {  	[sflag:s22] =	ssyncset.done $0x0  }
0xda: {  	s25 =	simm.s32 $0xA;
	[sflag:s22] =	ssyncadd.s32 $0xFFFFC800  }
0xdb: {  	_ =	swait.ge [sflag:s25], $0x700  }
0xdc: {  	[sflag:s25] =	ssyncset.done $0x0  }
0xdd: {  	[sflag:s25] =	ssyncadd.s32 $0xFFFFF900  }
0xde: {  	[bflag:$0x0] =	sbarrier.arrive $0xFFFF  }
0xdf: {  	s19 =	rddreg [dreg:$0x10]  }
0xe0: {  	s18 =	simm.s32 @p0 $0x1FCB;
	s22 =	rddreg [dreg:$0x19]  }
0xe1: {  	[hbm:s19], [sflag:s18] =	dma.local @p0 [spmem:s22], $0x2800  }
0xe2: {  	s19 =	simm.s32 @p0 $0xB  }
0xe3: {  	_ =	swait.ge @p0 [sflag:s19], $0x2800  }
0xe4: {  	[sflag:s19] =	ssyncset.done @p0 $0x0  }
0xe5: {  	s22 =	rddreg [dreg:$0x13];
	[sflag:s19] =	ssyncadd.s32 @p0 $0xFFFFD800  }
0xe6: {  	[hbm:s22], [sflag:s18] =	dma.local @p0 [spmem:s24], $0x500  }
0xe7: {  	_ =	swait.ge @p0 [sflag:s19], $0x500  }
0xe8: {  	[sflag:s19] =	ssyncset.done @p0 $0x0;
	s18 =	rddreg [dreg:$0xf]  }
0xe9: {  	[sflag:s19] =	ssyncadd.s32 @p0 $0xFFFFFB00;
	s19 =	rddreg [dreg:$0x17]  }
0xea: {  	[hbm:s18], [sflag:s21] =	dma.local @!p0 [spmem:s19], $0x2700  }
0xeb: {  	s18 =	simm.s32 @!p0 $0xB  }
0xec: {  	_ =	swait.ge @!p0 [sflag:s18], $0x2700  }
0xed: {  	[sflag:s18] =	ssyncset.done @!p0 $0x0;
	s19 =	rddreg [dreg:$0x12]  }
0xee: {  	s22 =	rddreg [dreg:$0x18];
	[sflag:s18] =	ssyncadd.s32 @!p0 $0xFFFFD900  }
0xef: {  	[hbm:s19], [sflag:s21] =	dma.local @!p0 [spmem:s22], $0x4E0  }
0xf0: {  	_ =	swait.ge @!p0 [sflag:s18], $0x4E0  }
0xf1: {  	s20 =	sadd.s32 $0x1, s20;
	s26 =	rddreg [dreg:$0x14]  }
0xf2: {  	p1 =	sne.s32 s20, s26  }
.Ltmp1:
0xf3: {  	_ = 	snop;
	(pc) =	sbr.rel @p1 .LBB2_1-.Ltmp1, $3  }
0xf4: {  	_ =	sdelay $0x1  }
0xf5: {  	[sflag:s18] =	ssyncset.done @!p0 $0x0  }
0xf6: {  	[sflag:s18] =	ssyncadd.s32 @!p0 $0xFFFFFB20  }
0xf7: {  	_ =	sfence.sel $0x180000  }
0xf8: {  	[bflag:$0x0] =	sbarrier.arrive $0xFFFF  }
0xf9: {  	_ =	strace $0x90000053  }
0xfa: {  	s0 =	stileid.u32;
	[bflag:$0x2] =	sbarrier.arrive $0xFFFF  }
0xfb: {  	p0 =	sne.s32 s0, $0x0;
	s0 =	rddreg [dreg:$0x5]  }
0xfc: {  	s0 =	sadd.s32 @!p0 $0x100000, s0  }
0xfd: {  	[sflag:s0] =	ssyncadd.tile.s32 @!p0 $0x1;
	_ =	shalt  }
.Lfunc_end2:
_tile_overlayer_lowered:
.L_overlay_start_2:
0xfe: {  	(tag) =	ssettag $0x2  }
0xff: {  	s0 =	rddreg [dreg:$0x0];
	s2 =	stileid.u32  }
0x100: {  	s1 =	rddreg [dreg:$0x1];
	p0 =	sne.s32 s2, $0x0  }
0x101: {  	s3 =	rddreg [dreg:$0x2];
	[bflag:$0x3] =	sbarrier.arrive $0xFFFF;
	s2 =	simm.s32 @!p0 $0x1C0B  }
0x102: {  	[timem:s3], [sflag:s2] =	dma.local @!p0 [hbm:s0], s1  }
0x103: {  	s0 =	simm.s32 @!p0 $0xB  }
0x104: {  	_ =	swait.ge @!p0 [sflag:s0], s1  }
0x105: {  	s1 =	ssub.s32 @!p0 $0x0, s1;
	[sflag:s0] =	ssyncset.done @!p0 $0x0  }
0x106: {  	[sflag:s0] =	ssyncadd.s32 @!p0 s1  }
0x107: {  	[bflag:$0x3] =	sbarrier.arrive $0xFFFF  }
0x108: {  	_ =	shalt  }

</sc_bundles>
